<compile_context>
chip_gen: v7x
topology: tpu7x:2x2x1
jax: 0.10.2.dev20260603
libtpu: 0.0.44.dev20260713+nightly
codegen_flags: <defaults>
</compile_context>

<pallas_src>
import functools
import math

import jax
import jax.numpy as jnp
from jax import lax
from jax.experimental import pallas as pl
from jax.experimental.pallas import tpu as pltpu
from jax.experimental.pallas import tpu_sc as plsc

_K = 10
_BLK = 2000
_BIGF = 3.0e38
_NEG = float("-inf")


def _topk_body(n_keys, q_ref, k_ref, idx_ref, w_ref, r_ref, ri_ref, s_ref):
    b = pl.program_id(0)
    nb = pl.num_programs(0)

    @pl.when(b == 0)
    def _init():
        r_ref[...] = jnp.full(r_ref.shape, _NEG, jnp.float32)
        ri_ref[...] = jnp.zeros(ri_ref.shape, jnp.float32)

    q = q_ref[...]
    k = k_ref[...]
    p = lax.dot_general(q + q, k, (((1,), (1,)), ((), ())),
                        preferred_element_type=jnp.float32)
    k2r = lax.dot_general(jnp.ones((1, 16), jnp.float32), k * k,
                          (((1,), (1,)), ((), ())),
                          precision=lax.Precision.HIGHEST,
                          preferred_element_type=jnp.float32)
    rowcol = lax.broadcasted_iota(jnp.int32, (1, _BLK), 1)
    lim = n_keys - b * _BLK
    s = p - (k2r + jnp.where(rowcol < lim, 0.0, _BIGF))

    nq = s.shape[0]
    hq = nq // 2
    colf = lax.broadcasted_iota(jnp.int32, (hq, _BLK), 1).astype(jnp.float32)
    lanef = lax.broadcasted_iota(jnp.int32, (hq, 16), 1).astype(jnp.float32)
    boff = (b * _BLK).astype(jnp.float32)
    s_ref[...] = s

    def _half_step(lo, m, r, ri):
        sh = s_ref[lo:lo + hq, :]
        am = jnp.min(jnp.where(sh == m, colf, _BIGF), axis=1, keepdims=True)
        s2 = jnp.where(colf == am, _NEG, sh)
        s_ref[lo:lo + hq, :] = s2
        m2 = jnp.max(s2, axis=1, keepdims=True)
        pos = jnp.sum(jnp.where(r[:, :_K] >= m, 1.0, 0.0), axis=1,
                      keepdims=True)
        rsh = jnp.concatenate([r[:, :1], r[:, :15]], axis=1)
        rish = jnp.concatenate([ri[:, :1], ri[:, :15]], axis=1)
        r2 = jnp.where(lanef < pos, r,
                       jnp.where(lanef == pos, m, rsh))
        ri2 = jnp.where(lanef < pos, ri,
                        jnp.where(lanef == pos, am + boff, rish))
        return m2, r2, ri2

    def _cond(carry):
        return carry[-1] > 0.0

    def _step(carry):
        ma, ra, ria, mb, rb, rib, _ = carry
        ma2, ra2, ria2 = _half_step(0, ma, ra, ria)
        mb2, rb2, rib2 = _half_step(hq, mb, rb, rib)
        act = jnp.maximum(
            jnp.max(jnp.where(ma2 > ra2[:, 9:10], 1.0, 0.0)),
            jnp.max(jnp.where(mb2 > rb2[:, 9:10], 1.0, 0.0)))
        return ma2, ra2, ria2, mb2, rb2, rib2, act

    m0a = jnp.max(s[:hq], axis=1, keepdims=True)
    m0b = jnp.max(s[hq:], axis=1, keepdims=True)
    carry = (m0a, r_ref[:hq, :], ri_ref[:hq, :],
             m0b, r_ref[hq:, :], ri_ref[hq:, :], jnp.max(m0a))
    carry = _step(carry)
    carry = lax.while_loop(_cond, lambda c: _step(_step(c)), carry)
    _, ra, ria, _, rb, rib, _ = carry
    r = jnp.concatenate([ra, rb], axis=0)
    ri = jnp.concatenate([ria, rib], axis=0)
    r_ref[...] = r
    ri_ref[...] = ri

    @pl.when(b == nb - 1)
    def _finish():
        v = r[:, :_K]
        i = ri[:, :_K].astype(jnp.int32)
        e = jnp.exp(v - v[:, 0:1])
        w = e / jnp.sum(e, axis=1, keepdims=True)
        idx_ref[...] = jnp.concatenate([i] + [i[:, 0:1]] * 6, axis=1)
        w_ref[...] = jnp.concatenate(
            [jnp.broadcast_to(w[:, j:j + 1], (w.shape[0], 16))
             for j in range(_K)], axis=1)


def _tc_topk(queries, keys_padded, n_keys):
    nq = queries.shape[0]
    nb = keys_padded.shape[0] // _BLK
    return pl.pallas_call(
        functools.partial(_topk_body, n_keys),
        grid=(nb,),
        in_specs=[
            pl.BlockSpec((nq, 16), lambda b: (0, 0)),
            pl.BlockSpec((_BLK, 16), lambda b: (b, 0)),
        ],
        out_specs=[
            pl.BlockSpec((nq, 16), lambda b: (0, 0)),
            pl.BlockSpec((nq, 16 * _K), lambda b: (0, 0)),
        ],
        out_shape=[
            jax.ShapeDtypeStruct((nq, 16), jnp.int32),
            jax.ShapeDtypeStruct((nq, 16 * _K), jnp.float32),
        ],
        scratch_shapes=[
            pltpu.VMEM((nq, 16), jnp.float32),
            pltpu.VMEM((nq, 16), jnp.float32),
            pltpu.VMEM((nq, _BLK), jnp.float32),
        ],
        compiler_params=pltpu.CompilerParams(
            dimension_semantics=("arbitrary",)),
    )(queries, keys_padded)


def _sc_aggregate(keys, idx_flat, w_rep):
    nq = w_rep.shape[0]
    info = plsc.get_sparse_core_info()
    nw = info.num_cores * info.num_subcores
    qpw = nq // nw
    mesh = plsc.VectorSubcoreMesh(core_axis_name="c", subcore_axis_name="s")

    @functools.partial(
        pl.kernel,
        mesh=mesh,
        out_type=jax.ShapeDtypeStruct((nq, 16), jnp.float32),
        scratch_types=[
            pltpu.VMEM((qpw * 16,), jnp.int32),
            pltpu.VMEM((qpw * 16, 16), jnp.float32),
            pltpu.VMEM((qpw, 16 * _K), jnp.float32),
            pltpu.VMEM((qpw, 16), jnp.float32),
            pltpu.SemaphoreType.DMA,
        ],
        compiler_params=pltpu.CompilerParams(use_tc_tiling_on_sc=False),
    )
    def body(keys_hbm, idx_hbm, w_hbm, out_hbm, idx_v, rows_v, w_v, out_v,
             sem):
        wid = lax.axis_index("s") * info.num_cores + lax.axis_index("c")
        qbase = wid * qpw
        pltpu.sync_copy(idx_hbm.at[pl.ds(qbase * 16, qpw * 16)], idx_v)
        pltpu.async_copy(keys_hbm.at[idx_v], rows_v, sem).wait()
        pltpu.sync_copy(w_hbm.at[pl.ds(qbase, qpw)], w_v)
        for q in range(qpw):
            acc = rows_v[q * 16] * w_v[q, pl.ds(0, 16)]
            for j in range(1, _K):
                acc = acc + rows_v[q * 16 + j] * w_v[q, pl.ds(j * 16, 16)]
            out_v[q] = acc
        pltpu.sync_copy(out_v, out_hbm.at[pl.ds(qbase, qpw)])

    return body(keys, idx_flat, w_rep)


def kernel(queries, keys):
    n_keys = keys.shape[0]
    nb = math.ceil(n_keys / _BLK)
    keys_padded = jnp.pad(keys, ((0, nb * _BLK - n_keys), (0, 0)))
    idx16, w_rep = _tc_topk(queries, keys_padded, n_keys)
    return _sc_aggregate(keys, idx16.reshape(-1), w_rep)

# --- scband reference (transcript-rebuilt; emitter-appended) ---
"""Pipeline reference for scband-sclm-57956288692802 (READ-ONLY COPY).

The authoritative reference and input builder live on the scoring server;
editing this copy changes nothing except your own understanding.
"""

import jax, jax.numpy as jnp
import numpy as np

K_NEIGHBORS = 10


def setup_inputs(seed: int = 0) -> dict:
    key = jax.random.key(seed)
    kq, kk = jax.random.split(key)
    queries = jax.random.normal(kq, (1024, 16), dtype=jnp.float32)
    keys = jax.random.normal(kk, (100000, 16), dtype=jnp.float32)
    return {"queries": queries, "keys": keys}


def reference(queries, keys):
    # Squared-Euclidean pairwise distance between batch features and the
    # target dictionary (SNT_global_detect-style nearest-neighbor retrieval):
    #   dist[i, j] = ||q_i||^2 + ||k_j||^2 - 2 q_i . k_j
    q2 = jnp.sum(queries * queries, axis=1, keepdims=True)          # [Q, 1]
    k2 = jnp.sum(keys * keys, axis=1)                                # [K]
    dist = q2 + k2[None, :] - 2.0 * (queries @ keys.T)               # [Q, K]
    # top-k nearest neighbors = top-k of negated distance
    neg_vals, idx = jax.lax.top_k(-dist, K_NEIGHBORS)                # [Q, k], [Q, k]
    # similarity-weighted aggregation of retrieved dictionary features
    w = jax.nn.softmax(neg_vals, axis=1)                              # [Q, k]
    neigh = jnp.take(keys, idx, axis=0)                               # [Q, k, d]
    out = jnp.sum(w[..., None] * neigh, axis=1)                       # [Q, d]
    return out

if __name__ == "__main__":
    import jax
    _d = setup_inputs()
    print(jax.jit(kernel)(*tuple(_d.values())))

</pallas_src>

<mosaic_0001>
#map = affine_map<(d0, d1) -> (0, 0)>
#map1 = affine_map<(d0, d1) -> (0)>
module attributes {stable_mosaic.version = 14 : i64} {
  func.func @body(%arg0: i32, %arg1: i32, %arg2: memref<100000x16xf32, #tpu.memory_space<hbm>>, %arg3: memref<16384xi32, #tpu.memory_space<hbm>>, %arg4: memref<1024x160xf32, #tpu.memory_space<hbm>>, %arg5: memref<1024x16xf32, #tpu.memory_space<hbm>>, %arg6: memref<512xi32, #tpu.memory_space<vmem>>, %arg7: memref<512x16xf32, #tpu.memory_space<vmem>>, %arg8: memref<32x160xf32, #tpu.memory_space<vmem>>, %arg9: memref<32x16xf32, #tpu.memory_space<vmem>>, %arg10: memref<!tpu.dma_semaphore, #tpu.memory_space<semaphore_mem>>) attributes {dimension_semantics = [#tpu.dimension_semantics<core_parallel>, #tpu.dimension_semantics<subcore_parallel>], iteration_bounds = array<i64: 2, 16>, scalar_prefetch = 0 : i64, scratch_operands = 5 : i64, tpu.core_type = #tpu.core_type<sc_vector_subcore>, window_params = [{transform_indices = #map}, {transform_indices = #map1}, {transform_indices = #map}, {transform_indices = #map}]} {
    %mul3A = arith.constant 2 : i32
    %mul3A_0 = arith.muli %arg1, %mul3A : i32
    %add3A = arith.addi %mul3A_0, %arg0 : i32
    %mul3A_1 = arith.constant 32 : i32
    %mul3A_2 = arith.muli %add3A, %mul3A_1 : i32
    %mul3A_3 = arith.constant 16 : i32
    %mul3A_4 = arith.muli %mul3A_2, %mul3A_3 : i32
    "tpu.region"() ({
      %run_scoped3A = tpu.sem_alloc : memref<!tpu.dma_semaphore, #tpu.memory_space<semaphore_mem>>
      %dma_start3A_4007 = tpu.memref_slice %arg3[%mul3A_4] : memref<16384xi32, #tpu.memory_space<hbm>> -> memref<512xi32, #tpu.memory_space<hbm>>
      %dma_start3A_4008 = tpu.memref_slice %arg3[%mul3A_4] : memref<16384xi32, #tpu.memory_space<hbm>> -> memref<512xi32, #tpu.memory_space<hbm>>
      tpu.enqueue_dma source(%dma_start3A_4008 : memref<512xi32, #tpu.memory_space<hbm>>) target(%arg6 : memref<512xi32, #tpu.memory_space<vmem>>) target_semaphore(%run_scoped3A : memref<!tpu.dma_semaphore, #tpu.memory_space<semaphore_mem>>)
      %dma_wait3A_4009 = tpu.memref_slice %arg3[%mul3A_4] : memref<16384xi32, #tpu.memory_space<hbm>> -> memref<512xi32, #tpu.memory_space<hbm>>
      %dma_wait3A_4010 = tpu.memref_slice %arg3[%mul3A_4] : memref<16384xi32, #tpu.memory_space<hbm>> -> memref<512xi32, #tpu.memory_space<hbm>>
      tpu.wait_dma2 semaphore(%run_scoped3A : memref<!tpu.dma_semaphore, #tpu.memory_space<semaphore_mem>>) src(%dma_wait3A_4010 : memref<512xi32, #tpu.memory_space<hbm>>) dst(%arg6 : memref<512xi32, #tpu.memory_space<vmem>>)
      tpu.yield
    }) : () -> ()
    %dma_start3A = arith.constant 0 : i32
    %dma_start3A_5 = arith.constant 0 : i32
    %dma_start3A_6 = tpu.memref_slice %arg2[%dma_start3A, %dma_start3A_5] : memref<100000x16xf32, #tpu.memory_space<hbm>> -> memref<100000x16xf32, #tpu.memory_space<hbm>>
    tpu.enqueue_indirect_dma source(%dma_start3A_6 : memref<100000x16xf32, #tpu.memory_space<hbm>>) target(%arg7 : memref<512x16xf32, #tpu.memory_space<vmem>>) offsets(%arg6 : memref<512xi32, #tpu.memory_space<vmem>>) semaphore(%arg10 : memref<!tpu.dma_semaphore, #tpu.memory_space<semaphore_mem>>)
    %dma_wait3A = arith.constant 0 : i32
    %dma_wait3A_7 = arith.constant 0 : i32
    %dma_wait3A_8 = tpu.memref_slice %arg2[%dma_wait3A, %dma_wait3A_7] : memref<100000x16xf32, #tpu.memory_space<hbm>> -> memref<100000x16xf32, #tpu.memory_space<hbm>>
    tpu.wait_indirect_dma semaphore(%arg10 : memref<!tpu.dma_semaphore, #tpu.memory_space<semaphore_mem>>) src(%dma_wait3A_8 : memref<100000x16xf32, #tpu.memory_space<hbm>>) dst(%arg7 : memref<512x16xf32, #tpu.memory_space<vmem>>)
    "tpu.region"() ({
      %run_scoped3A = tpu.sem_alloc : memref<!tpu.dma_semaphore, #tpu.memory_space<semaphore_mem>>
      %dma_start3A_4007 = arith.constant 0 : i32
      %dma_start3A_4008 = tpu.memref_slice %arg4[%mul3A_2, %dma_start3A_4007] : memref<1024x160xf32, #tpu.memory_space<hbm>> -> memref<32x160xf32, #tpu.memory_space<hbm>>
      %dma_start3A_4009 = arith.constant 0 : i32
      %dma_start3A_4010 = tpu.memref_slice %arg4[%mul3A_2, %dma_start3A_4009] : memref<1024x160xf32, #tpu.memory_space<hbm>> -> memref<32x160xf32, #tpu.memory_space<hbm>>
      tpu.enqueue_dma source(%dma_start3A_4010 : memref<32x160xf32, #tpu.memory_space<hbm>>) target(%arg8 : memref<32x160xf32, #tpu.memory_space<vmem>>) target_semaphore(%run_scoped3A : memref<!tpu.dma_semaphore, #tpu.memory_space<semaphore_mem>>)
      %dma_wait3A_4011 = arith.constant 0 : i32
      %dma_wait3A_4012 = tpu.memref_slice %arg4[%mul3A_2, %dma_wait3A_4011] : memref<1024x160xf32, #tpu.memory_space<hbm>> -> memref<32x160xf32, #tpu.memory_space<hbm>>
      %dma_wait3A_4013 = arith.constant 0 : i32
      %dma_wait3A_4014 = tpu.memref_slice %arg4[%mul3A_2, %dma_wait3A_4013] : memref<1024x160xf32, #tpu.memory_space<hbm>> -> memref<32x160xf32, #tpu.memory_space<hbm>>
      tpu.wait_dma2 semaphore(%run_scoped3A : memref<!tpu.dma_semaphore, #tpu.memory_space<semaphore_mem>>) src(%dma_wait3A_4014 : memref<32x160xf32, #tpu.memory_space<hbm>>) dst(%arg8 : memref<32x160xf32, #tpu.memory_space<vmem>>)
      tpu.yield
    }) : () -> ()
    %get3A = arith.constant 0 : i32
    %get3A_9 = arith.index_cast %get3A : i32 to index
    %get3A_10 = arith.constant 0 : index
    %get3A_11 = tpu.vector_load %arg7[%get3A_9, %get3A_10] {strides = array<i32>} : memref<512x16xf32, #tpu.memory_space<vmem>>, vector<1x16xf32>,
    %get3A_12 = vector.shape_cast %get3A_11 : vector<1x16xf32> to vector<16xf32>
    %get3A_13 = arith.constant 0 : i32
    %get3A_14 = arith.index_cast %get3A_13 : i32 to index
    %get3A_15 = arith.constant 0 : index
    %get3A_16 = tpu.vector_load %arg8[%get3A_14, %get3A_15] {strides = array<i32>} : memref<32x160xf32, #tpu.memory_space<vmem>>, vector<1x16xf32>,
    %get3A_17 = vector.shape_cast %get3A_16 : vector<1x16xf32> to vector<16xf32>
    %mul3A_18 = arith.mulf %get3A_12, %get3A_17 : vector<16xf32>
    %get3A_19 = arith.constant 1 : i32
    %get3A_20 = arith.index_cast %get3A_19 : i32 to index
    %get3A_21 = arith.constant 0 : index
    %get3A_22 = tpu.vector_load %arg7[%get3A_20, %get3A_21] {strides = array<i32>} : memref<512x16xf32, #tpu.memory_space<vmem>>, vector<1x16xf32>,
    %get3A_23 = vector.shape_cast %get3A_22 : vector<1x16xf32> to vector<16xf32>
    %get3A_24 = arith.constant 0 : i32
    %get3A_25 = arith.index_cast %get3A_24 : i32 to index
    %get3A_26 = arith.constant 16 : index
    %get3A_27 = tpu.vector_load %arg8[%get3A_25, %get3A_26] {strides = array<i32>} : memref<32x160xf32, #tpu.memory_space<vmem>>, vector<1x16xf32>,
    %get3A_28 = vector.shape_cast %get3A_27 : vector<1x16xf32> to vector<16xf32>
    %mul3A_29 = arith.mulf %get3A_23, %get3A_28 : vector<16xf32>
    %add3A_30 = arith.addf %mul3A_18, %mul3A_29 : vector<16xf32>
    %get3A_31 = arith.constant 2 : i32
    %get3A_32 = arith.index_cast %get3A_31 : i32 to index
    %get3A_33 = arith.constant 0 : index
    %get3A_34 = tpu.vector_load %arg7[%get3A_32, %get3A_33] {strides = array<i32>} : memref<512x16xf32, #tpu.memory_space<vmem>>, vector<1x16xf32>,
    %get3A_35 = vector.shape_cast %get3A_34 : vector<1x16xf32> to vector<16xf32>
    %get3A_36 = arith.constant 0 : i32
    %get3A_37 = arith.index_cast %get3A_36 : i32 to index
    %get3A_38 = arith.constant 32 : index
    %get3A_39 = tpu.vector_load %arg8[%get3A_37, %get3A_38] {strides = array<i32>} : memref<32x160xf32, #tpu.memory_space<vmem>>, vector<1x16xf32>,
    %get3A_40 = vector.shape_cast %get3A_39 : vector<1x16xf32> to vector<16xf32>
    %mul3A_41 = arith.mulf %get3A_35, %get3A_40 : vector<16xf32>
    %add3A_42 = arith.addf %add3A_30, %mul3A_41 : vector<16xf32>
    %get3A_43 = arith.constant 3 : i32
    %get3A_44 = arith.index_cast %get3A_43 : i32 to index
    %get3A_45 = arith.constant 0 : index
    %get3A_46 = tpu.vector_load %arg7[%get3A_44, %get3A_45] {strides = array<i32>} : memref<512x16xf32, #tpu.memory_space<vmem>>, vector<1x16xf32>,
    %get3A_47 = vector.shape_cast %get3A_46 : vector<1x16xf32> to vector<16xf32>
    %get3A_48 = arith.constant 0 : i32
    %get3A_49 = arith.index_cast %get3A_48 : i32 to index
    %get3A_50 = arith.constant 48 : index
    %get3A_51 = tpu.vector_load %arg8[%get3A_49, %get3A_50] {strides = array<i32>} : memref<32x160xf32, #tpu.memory_space<vmem>>, vector<1x16xf32>,
    %get3A_52 = vector.shape_cast %get3A_51 : vector<1x16xf32> to vector<16xf32>
    %mul3A_53 = arith.mulf %get3A_47, %get3A_52 : vector<16xf32>
    %add3A_54 = arith.addf %add3A_42, %mul3A_53 : vector<16xf32>
    %get3A_55 = arith.constant 4 : i32
    %get3A_56 = arith.index_cast %get3A_55 : i32 to index
    %get3A_57 = arith.constant 0 : index
    %get3A_58 = tpu.vector_load %arg7[%get3A_56, %get3A_57] {strides = array<i32>} : memref<512x16xf32, #tpu.memory_space<vmem>>, vector<1x16xf32>,
    %get3A_59 = vector.shape_cast %get3A_58 : vector<1x16xf32> to vector<16xf32>
    %get3A_60 = arith.constant 0 : i32
    %get3A_61 = arith.index_cast %get3A_60 : i32 to index
    %get3A_62 = arith.constant 64 : index
    %get3A_63 = tpu.vector_load %arg8[%get3A_61, %get3A_62] {strides = array<i32>} : memref<32x160xf32, #tpu.memory_space<vmem>>, vector<1x16xf32>,
    %get3A_64 = vector.shape_cast %get3A_63 : vector<1x16xf32> to vector<16xf32>
    %mul3A_65 = arith.mulf %get3A_59, %get3A_64 : vector<16xf32>
    %add3A_66 = arith.addf %add3A_54, %mul3A_65 : vector<16xf32>
    %get3A_67 = arith.constant 5 : i32
    %get3A_68 = arith.index_cast %get3A_67 : i32 to index
    %get3A_69 = arith.constant 0 : index
    %get3A_70 = tpu.vector_load %arg7[%get3A_68, %get3A_69] {strides = array<i32>} : memref<512x16xf32, #tpu.memory_space<vmem>>, vector<1x16xf32>,
    %get3A_71 = vector.shape_cast %get3A_70 : vector<1x16xf32> to vector<16xf32>
    %get3A_72 = arith.constant 0 : i32
    %get3A_73 = arith.index_cast %get3A_72 : i32 to index
    %get3A_74 = arith.constant 80 : index
    %get3A_75 = tpu.vector_load %arg8[%get3A_73, %get3A_74] {strides = array<i32>} : memref<32x160xf32, #tpu.memory_space<vmem>>, vector<1x16xf32>,
    %get3A_76 = vector.shape_cast %get3A_75 : vector<1x16xf32> to vector<16xf32>
    %mul3A_77 = arith.mulf %get3A_71, %get3A_76 : vector<16xf32>
    %add3A_78 = arith.addf %add3A_66, %mul3A_77 : vector<16xf32>
    %get3A_79 = arith.constant 6 : i32
    %get3A_80 = arith.index_cast %get3A_79 : i32 to index
    %get3A_81 = arith.constant 0 : index
    %get3A_82 = tpu.vector_load %arg7[%get3A_80, %get3A_81] {strides = array<i32>} : memref<512x16xf32, #tpu.memory_space<vmem>>, vector<1x16xf32>,
    %get3A_83 = vector.shape_cast %get3A_82 : vector<1x16xf32> to vector<16xf32>
    %get3A_84 = arith.constant 0 : i32
    %get3A_85 = arith.index_cast %get3A_84 : i32 to index
    %get3A_86 = arith.constant 96 : index
    %get3A_87 = tpu.vector_load %arg8[%get3A_85, %get3A_86] {strides = array<i32>} : memref<32x160xf32, #tpu.memory_space<vmem>>, vector<1x16xf32>,
    %get3A_88 = vector.shape_cast %get3A_87 : vector<1x16xf32> to vector<16xf32>
    %mul3A_89 = arith.mulf %get3A_83, %get3A_88 : vector<16xf32>
    %add3A_90 = arith.addf %add3A_78, %mul3A_89 : vector<16xf32>
    %get3A_91 = arith.constant 7 : i32
    %get3A_92 = arith.index_cast %get3A_91 : i32 to index
    %get3A_93 = arith.constant 0 : index
    %get3A_94 = tpu.vector_load %arg7[%get3A_92, %get3A_93] {strides = array<i32>} : memref<512x16xf32, #tpu.memory_space<vmem>>, vector<1x16xf32>,
    %get3A_95 = vector.shape_cast %get3A_94 : vector<1x16xf32> to vector<16xf32>
    %get3A_96 = arith.constant 0 : i32
    %get3A_97 = arith.index_cast %get3A_96 : i32 to index
    %get3A_98 = arith.constant 112 : index
    %get3A_99 = tpu.vector_load %arg8[%get3A_97, %get3A_98] {strides = array<i32>} : memref<32x160xf32, #tpu.memory_space<vmem>>, vector<1x16xf32>,
    %get3A_100 = vector.shape_cast %get3A_99 : vector<1x16xf32> to vector<16xf32>
    %mul3A_101 = arith.mulf %get3A_95, %get3A_100 : vector<16xf32>
    %add3A_102 = arith.addf %add3A_90, %mul3A_101 : vector<16xf32>
    %get3A_103 = arith.constant 8 : i32
    %get3A_104 = arith.index_cast %get3A_103 : i32 to index
    %get3A_105 = arith.constant 0 : index
    %get3A_106 = tpu.vector_load %arg7[%get3A_104, %get3A_105] {strides = array<i32>} : memref<512x16xf32, #tpu.memory_space<vmem>>, vector<1x16xf32>,
    %get3A_107 = vector.shape_cast %get3A_106 : vector<1x16xf32> to vector<16xf32>
    %get3A_108 = arith.constant 0 : i32
    %get3A_109 = arith.index_cast %get3A_108 : i32 to index
    %get3A_110 = arith.constant 128 : index
    %get3A_111 = tpu.vector_load %arg8[%get3A_109, %get3A_110] {strides = array<i32>} : memref<32x160xf32, #tpu.memory_space<vmem>>, vector<1x16xf32>,
    %get3A_112 = vector.shape_cast %get3A_111 : vector<1x16xf32> to vector<16xf32>
    %mul3A_113 = arith.mulf %get3A_107, %get3A_112 : vector<16xf32>
    %add3A_114 = arith.addf %add3A_102, %mul3A_113 : vector<16xf32>
    %get3A_115 = arith.constant 9 : i32
    %get3A_116 = arith.index_cast %get3A_115 : i32 to index
    %get3A_117 = arith.constant 0 : index
    %get3A_118 = tpu.vector_load %arg7[%get3A_116, %get3A_117] {strides = array<i32>} : memref<512x16xf32, #tpu.memory_space<vmem>>, vector<1x16xf32>,
    %get3A_119 = vector.shape_cast %get3A_118 : vector<1x16xf32> to vector<16xf32>
    %get3A_120 = arith.constant 0 : i32
    %get3A_121 = arith.index_cast %get3A_120 : i32 to index
    %get3A_122 = arith.constant 144 : index
    %get3A_123 = tpu.vector_load %arg8[%get3A_121, %get3A_122] {strides = array<i32>} : memref<32x160xf32, #tpu.memory_space<vmem>>, vector<1x16xf32>,
    %get3A_124 = vector.shape_cast %get3A_123 : vector<1x16xf32> to vector<16xf32>
    %mul3A_125 = arith.mulf %get3A_119, %get3A_124 : vector<16xf32>
    %add3A_126 = arith.addf %add3A_114, %mul3A_125 : vector<16xf32>
    %swap3A = arith.constant 0 : i32
    %swap3A_127 = arith.index_cast %swap3A : i32 to index
    %swap3A_128 = arith.constant 0 : index
    %swap3A_129 = tpu.vector_load %arg9[%swap3A_127, %swap3A_128] {strides = array<i32>} : memref<32x16xf32, #tpu.memory_space<vmem>>, vector<1x16xf32>,
    %swap3A_130 = vector.shape_cast %swap3A_129 : vector<1x16xf32> to vector<16xf32>
    %swap3A_131 = vector.shape_cast %add3A_126 : vector<16xf32> to vector<1x16xf32>
    tpu.vector_store %arg9[%swap3A_127, %swap3A_128], %swap3A_131 {strides = array<i32>} : memref<32x16xf32, #tpu.memory_space<vmem>>, vector<1x16xf32>,
    %get3A_132 = arith.constant 16 : i32
    %get3A_133 = arith.index_cast %get3A_132 : i32 to index
    %get3A_134 = arith.constant 0 : index
    %get3A_135 = tpu.vector_load %arg7[%get3A_133, %get3A_134] {strides = array<i32>} : memref<512x16xf32, #tpu.memory_space<vmem>>, vector<1x16xf32>,
    %get3A_136 = vector.shape_cast %get3A_135 : vector<1x16xf32> to vector<16xf32>
    %get3A_137 = arith.constant 1 : i32
    %get3A_138 = arith.index_cast %get3A_137 : i32 to index
    %get3A_139 = arith.constant 0 : index
    %get3A_140 = tpu.vector_load %arg8[%get3A_138, %get3A_139] {strides = array<i32>} : memref<32x160xf32, #tpu.memory_space<vmem>>, vector<1x16xf32>,
    %get3A_141 = vector.shape_cast %get3A_140 : vector<1x16xf32> to vector<16xf32>
    %mul3A_142 = arith.mulf %get3A_136, %get3A_141 : vector<16xf32>
    %get3A_143 = arith.constant 17 : i32
    %get3A_144 = arith.index_cast %get3A_143 : i32 to index
    %get3A_145 = arith.constant 0 : index
    %get3A_146 = tpu.vector_load %arg7[%get3A_144, %get3A_145] {strides = array<i32>} : memref<512x16xf32, #tpu.memory_space<vmem>>, vector<1x16xf32>,
    %get3A_147 = vector.shape_cast %get3A_146 : vector<1x16xf32> to vector<16xf32>
    %get3A_148 = arith.constant 1 : i32
    %get3A_149 = arith.index_cast %get3A_148 : i32 to index
    %get3A_150 = arith.constant 16 : index
    %get3A_151 = tpu.vector_load %arg8[%get3A_149, %get3A_150] {strides = array<i32>} : memref<32x160xf32, #tpu.memory_space<vmem>>, vector<1x16xf32>,
    %get3A_152 = vector.shape_cast %get3A_151 : vector<1x16xf32> to vector<16xf32>
    %mul3A_153 = arith.mulf %get3A_147, %get3A_152 : vector<16xf32>
    %add3A_154 = arith.addf %mul3A_142, %mul3A_153 : vector<16xf32>
    %get3A_155 = arith.constant 18 : i32
    %get3A_156 = arith.index_cast %get3A_155 : i32 to index
    %get3A_157 = arith.constant 0 : index
    %get3A_158 = tpu.vector_load %arg7[%get3A_156, %get3A_157] {strides = array<i32>} : memref<512x16xf32, #tpu.memory_space<vmem>>, vector<1x16xf32>,
    %get3A_159 = vector.shape_cast %get3A_158 : vector<1x16xf32> to vector<16xf32>
    %get3A_160 = arith.constant 1 : i32
    %get3A_161 = arith.index_cast %get3A_160 : i32 to index
    %get3A_162 = arith.constant 32 : index
    %get3A_163 = tpu.vector_load %arg8[%get3A_161, %get3A_162] {strides = array<i32>} : memref<32x160xf32, #tpu.memory_space<vmem>>, vector<1x16xf32>,
    %get3A_164 = vector.shape_cast %get3A_163 : vector<1x16xf32> to vector<16xf32>
    %mul3A_165 = arith.mulf %get3A_159, %get3A_164 : vector<16xf32>
    %add3A_166 = arith.addf %add3A_154, %mul3A_165 : vector<16xf32>
    %get3A_167 = arith.constant 19 : i32
    %get3A_168 = arith.index_cast %get3A_167 : i32 to index
    %get3A_169 = arith.constant 0 : index
    %get3A_170 = tpu.vector_load %arg7[%get3A_168, %get3A_169] {strides = array<i32>} : memref<512x16xf32, #tpu.memory_space<vmem>>, vector<1x16xf32>,
    %get3A_171 = vector.shape_cast %get3A_170 : vector<1x16xf32> to vector<16xf32>
    %get3A_172 = arith.constant 1 : i32
    %get3A_173 = arith.index_cast %get3A_172 : i32 to index
    %get3A_174 = arith.constant 48 : index
    %get3A_175 = tpu.vector_load %arg8[%get3A_173, %get3A_174] {strides = array<i32>} : memref<32x160xf32, #tpu.memory_space<vmem>>, vector<1x16xf32>,
    %get3A_176 = vector.shape_cast %get3A_175 : vector<1x16xf32> to vector<16xf32>
    %mul3A_177 = arith.mulf %get3A_171, %get3A_176 : vector<16xf32>
    %add3A_178 = arith.addf %add3A_166, %mul3A_177 : vector<16xf32>
    %get3A_179 = arith.constant 20 : i32
    %get3A_180 = arith.index_cast %get3A_179 : i32 to index
    %get3A_181 = arith.constant 0 : index
    %get3A_182 = tpu.vector_load %arg7[%get3A_180, %get3A_181] {strides = array<i32>} : memref<512x16xf32, #tpu.memory_space<vmem>>, vector<1x16xf32>,
    %get3A_183 = vector.shape_cast %get3A_182 : vector<1x16xf32> to vector<16xf32>
    %get3A_184 = arith.constant 1 : i32
    %get3A_185 = arith.index_cast %get3A_184 : i32 to index
    %get3A_186 = arith.constant 64 : index
    %get3A_187 = tpu.vector_load %arg8[%get3A_185, %get3A_186] {strides = array<i32>} : memref<32x160xf32, #tpu.memory_space<vmem>>, vector<1x16xf32>,
    %get3A_188 = vector.shape_cast %get3A_187 : vector<1x16xf32> to vector<16xf32>
    %mul3A_189 = arith.mulf %get3A_183, %get3A_188 : vector<16xf32>
    %add3A_190 = arith.addf %add3A_178, %mul3A_189 : vector<16xf32>
    %get3A_191 = arith.constant 21 : i32
    %get3A_192 = arith.index_cast %get3A_191 : i32 to index
    %get3A_193 = arith.constant 0 : index
    %get3A_194 = tpu.vector_load %arg7[%get3A_192, %get3A_193] {strides = array<i32>} : memref<512x16xf32, #tpu.memory_space<vmem>>, vector<1x16xf32>,
    %get3A_195 = vector.shape_cast %get3A_194 : vector<1x16xf32> to vector<16xf32>
    %get3A_196 = arith.constant 1 : i32
    %get3A_197 = arith.index_cast %get3A_196 : i32 to index
    %get3A_198 = arith.constant 80 : index
    %get3A_199 = tpu.vector_load %arg8[%get3A_197, %get3A_198] {strides = array<i32>} : memref<32x160xf32, #tpu.memory_space<vmem>>, vector<1x16xf32>,
    %get3A_200 = vector.shape_cast %get3A_199 : vector<1x16xf32> to vector<16xf32>
    %mul3A_201 = arith.mulf %get3A_195, %get3A_200 : vector<16xf32>
    %add3A_202 = arith.addf %add3A_190, %mul3A_201 : vector<16xf32>
    %get3A_203 = arith.constant 22 : i32
    %get3A_204 = arith.index_cast %get3A_203 : i32 to index
    %get3A_205 = arith.constant 0 : index
    %get3A_206 = tpu.vector_load %arg7[%get3A_204, %get3A_205] {strides = array<i32>} : memref<512x16xf32, #tpu.memory_space<vmem>>, vector<1x16xf32>,
    %get3A_207 = vector.shape_cast %get3A_206 : vector<1x16xf32> to vector<16xf32>
    %get3A_208 = arith.constant 1 : i32
    %get3A_209 = arith.index_cast %get3A_208 : i32 to index
    %get3A_210 = arith.constant 96 : index
    %get3A_211 = tpu.vector_load %arg8[%get3A_209, %get3A_210] {strides = array<i32>} : memref<32x160xf32, #tpu.memory_space<vmem>>, vector<1x16xf32>,
    %get3A_212 = vector.shape_cast %get3A_211 : vector<1x16xf32> to vector<16xf32>
    %mul3A_213 = arith.mulf %get3A_207, %get3A_212 : vector<16xf32>
    %add3A_214 = arith.addf %add3A_202, %mul3A_213 : vector<16xf32>
    %get3A_215 = arith.constant 23 : i32
    %get3A_216 = arith.index_cast %get3A_215 : i32 to index
    %get3A_217 = arith.constant 0 : index
    %get3A_218 = tpu.vector_load %arg7[%get3A_216, %get3A_217] {strides = array<i32>} : memref<512x16xf32, #tpu.memory_space<vmem>>, vector<1x16xf32>,
    %get3A_219 = vector.shape_cast %get3A_218 : vector<1x16xf32> to vector<16xf32>
    %get3A_220 = arith.constant 1 : i32
    %get3A_221 = arith.index_cast %get3A_220 : i32 to index
    %get3A_222 = arith.constant 112 : index
    %get3A_223 = tpu.vector_load %arg8[%get3A_221, %get3A_222] {strides = array<i32>} : memref<32x160xf32, #tpu.memory_space<vmem>>, vector<1x16xf32>,
    %get3A_224 = vector.shape_cast %get3A_223 : vector<1x16xf32> to vector<16xf32>
    %mul3A_225 = arith.mulf %get3A_219, %get3A_224 : vector<16xf32>
    %add3A_226 = arith.addf %add3A_214, %mul3A_225 : vector<16xf32>
    %get3A_227 = arith.constant 24 : i32
    %get3A_228 = arith.index_cast %get3A_227 : i32 to index
    %get3A_229 = arith.constant 0 : index
    %get3A_230 = tpu.vector_load %arg7[%get3A_228, %get3A_229] {strides = array<i32>} : memref<512x16xf32, #tpu.memory_space<vmem>>, vector<1x16xf32>,
    %get3A_231 = vector.shape_cast %get3A_230 : vector<1x16xf32> to vector<16xf32>
    %get3A_232 = arith.constant 1 : i32
    %get3A_233 = arith.index_cast %get3A_232 : i32 to index
    %get3A_234 = arith.constant 128 : index
    %get3A_235 = tpu.vector_load %arg8[%get3A_233, %get3A_234] {strides = array<i32>} : memref<32x160xf32, #tpu.memory_space<vmem>>, vector<1x16xf32>,
    %get3A_236 = vector.shape_cast %get3A_235 : vector<1x16xf32> to vector<16xf32>
    %mul3A_237 = arith.mulf %get3A_231, %get3A_236 : vector<16xf32>
    %add3A_238 = arith.addf %add3A_226, %mul3A_237 : vector<16xf32>
    %get3A_239 = arith.constant 25 : i32
    %get3A_240 = arith.index_cast %get3A_239 : i32 to index
    %get3A_241 = arith.constant 0 : index
    %get3A_242 = tpu.vector_load %arg7[%get3A_240, %get3A_241] {strides = array<i32>} : memref<512x16xf32, #tpu.memory_space<vmem>>, vector<1x16xf32>,
    %get3A_243 = vector.shape_cast %get3A_242 : vector<1x16xf32> to vector<16xf32>
    %get3A_244 = arith.constant 1 : i32
    %get3A_245 = arith.index_cast %get3A_244 : i32 to index
    %get3A_246 = arith.constant 144 : index
    %get3A_247 = tpu.vector_load %arg8[%get3A_245, %get3A_246] {strides = array<i32>} : memref<32x160xf32, #tpu.memory_space<vmem>>, vector<1x16xf32>,
    %get3A_248 = vector.shape_cast %get3A_247 : vector<1x16xf32> to vector<16xf32>
    %mul3A_249 = arith.mulf %get3A_243, %get3A_248 : vector<16xf32>
    %add3A_250 = arith.addf %add3A_238, %mul3A_249 : vector<16xf32>
    %swap3A_251 = arith.constant 1 : i32
    %swap3A_252 = arith.index_cast %swap3A_251 : i32 to index
    %swap3A_253 = arith.constant 0 : index
    %swap3A_254 = tpu.vector_load %arg9[%swap3A_252, %swap3A_253] {strides = array<i32>} : memref<32x16xf32, #tpu.memory_space<vmem>>, vector<1x16xf32>,
    %swap3A_255 = vector.shape_cast %swap3A_254 : vector<1x16xf32> to vector<16xf32>
    %swap3A_256 = vector.shape_cast %add3A_250 : vector<16xf32> to vector<1x16xf32>
    tpu.vector_store %arg9[%swap3A_252, %swap3A_253], %swap3A_256 {strides = array<i32>} : memref<32x16xf32, #tpu.memory_space<vmem>>, vector<1x16xf32>,
    %get3A_257 = arith.constant 32 : i32
    %get3A_258 = arith.index_cast %get3A_257 : i32 to index
    %get3A_259 = arith.constant 0 : index
    %get3A_260 = tpu.vector_load %arg7[%get3A_258, %get3A_259] {strides = array<i32>} : memref<512x16xf32, #tpu.memory_space<vmem>>, vector<1x16xf32>,
    %get3A_261 = vector.shape_cast %get3A_260 : vector<1x16xf32> to vector<16xf32>
    %get3A_262 = arith.constant 2 : i32
    %get3A_263 = arith.index_cast %get3A_262 : i32 to index
    %get3A_264 = arith.constant 0 : index
    %get3A_265 = tpu.vector_load %arg8[%get3A_263, %get3A_264] {strides = array<i32>} : memref<32x160xf32, #tpu.memory_space<vmem>>, vector<1x16xf32>,
    %get3A_266 = vector.shape_cast %get3A_265 : vector<1x16xf32> to vector<16xf32>
    %mul3A_267 = arith.mulf %get3A_261, %get3A_266 : vector<16xf32>
    %get3A_268 = arith.constant 33 : i32
    %get3A_269 = arith.index_cast %get3A_268 : i32 to index
    %get3A_270 = arith.constant 0 : index
    %get3A_271 = tpu.vector_load %arg7[%get3A_269, %get3A_270] {strides = array<i32>} : memref<512x16xf32, #tpu.memory_space<vmem>>, vector<1x16xf32>,
    %get3A_272 = vector.shape_cast %get3A_271 : vector<1x16xf32> to vector<16xf32>
    %get3A_273 = arith.constant 2 : i32
    %get3A_274 = arith.index_cast %get3A_273 : i32 to index
    %get3A_275 = arith.constant 16 : index
    %get3A_276 = tpu.vector_load %arg8[%get3A_274, %get3A_275] {strides = array<i32>} : memref<32x160xf32, #tpu.memory_space<vmem>>, vector<1x16xf32>,
    %get3A_277 = vector.shape_cast %get3A_276 : vector<1x16xf32> to vector<16xf32>
    %mul3A_278 = arith.mulf %get3A_272, %get3A_277 : vector<16xf32>
    %add3A_279 = arith.addf %mul3A_267, %mul3A_278 : vector<16xf32>
    %get3A_280 = arith.constant 34 : i32
    %get3A_281 = arith.index_cast %get3A_280 : i32 to index
    %get3A_282 = arith.constant 0 : index
    %get3A_283 = tpu.vector_load %arg7[%get3A_281, %get3A_282] {strides = array<i32>} : memref<512x16xf32, #tpu.memory_space<vmem>>, vector<1x16xf32>,
    %get3A_284 = vector.shape_cast %get3A_283 : vector<1x16xf32> to vector<16xf32>
    %get3A_285 = arith.constant 2 : i32
    %get3A_286 = arith.index_cast %get3A_285 : i32 to index
    %get3A_287 = arith.constant 32 : index
    %get3A_288 = tpu.vector_load %arg8[%get3A_286, %get3A_287] {strides = array<i32>} : memref<32x160xf32, #tpu.memory_space<vmem>>, vector<1x16xf32>,
    %get3A_289 = vector.shape_cast %get3A_288 : vector<1x16xf32> to vector<16xf32>
    %mul3A_290 = arith.mulf %get3A_284, %get3A_289 : vector<16xf32>
    %add3A_291 = arith.addf %add3A_279, %mul3A_290 : vector<16xf32>
    %get3A_292 = arith.constant 35 : i32
    %get3A_293 = arith.index_cast %get3A_292 : i32 to index
    %get3A_294 = arith.constant 0 : index
    %get3A_295 = tpu.vector_load %arg7[%get3A_293, %get3A_294] {strides = array<i32>} : memref<512x16xf32, #tpu.memory_space<vmem>>, vector<1x16xf32>,
    %get3A_296 = vector.shape_cast %get3A_295 : vector<1x16xf32> to vector<16xf32>
    %get3A_297 = arith.constant 2 : i32
    %get3A_298 = arith.index_cast %get3A_297 : i32 to index
    %get3A_299 = arith.constant 48 : index
    %get3A_300 = tpu.vector_load %arg8[%get3A_298, %get3A_299] {strides = array<i32>} : memref<32x160xf32, #tpu.memory_space<vmem>>, vector<1x16xf32>,
    %get3A_301 = vector.shape_cast %get3A_300 : vector<1x16xf32> to vector<16xf32>
    %mul3A_302 = arith.mulf %get3A_296, %get3A_301 : vector<16xf32>
    %add3A_303 = arith.addf %add3A_291, %mul3A_302 : vector<16xf32>
    %get3A_304 = arith.constant 36 : i32
    %get3A_305 = arith.index_cast %get3A_304 : i32 to index
    %get3A_306 = arith.constant 0 : index
    %get3A_307 = tpu.vector_load %arg7[%get3A_305, %get3A_306] {strides = array<i32>} : memref<512x16xf32, #tpu.memory_space<vmem>>, vector<1x16xf32>,
    %get3A_308 = vector.shape_cast %get3A_307 : vector<1x16xf32> to vector<16xf32>
    %get3A_309 = arith.constant 2 : i32
    %get3A_310 = arith.index_cast %get3A_309 : i32 to index
    %get3A_311 = arith.constant 64 : index
    %get3A_312 = tpu.vector_load %arg8[%get3A_310, %get3A_311] {strides = array<i32>} : memref<32x160xf32, #tpu.memory_space<vmem>>, vector<1x16xf32>,
    %get3A_313 = vector.shape_cast %get3A_312 : vector<1x16xf32> to vector<16xf32>
    %mul3A_314 = arith.mulf %get3A_308, %get3A_313 : vector<16xf32>
    %add3A_315 = arith.addf %add3A_303, %mul3A_314 : vector<16xf32>
    %get3A_316 = arith.constant 37 : i32
    %get3A_317 = arith.index_cast %get3A_316 : i32 to index
    %get3A_318 = arith.constant 0 : index
    %get3A_319 = tpu.vector_load %arg7[%get3A_317, %get3A_318] {strides = array<i32>} : memref<512x16xf32, #tpu.memory_space<vmem>>, vector<1x16xf32>,
    %get3A_320 = vector.shape_cast %get3A_319 : vector<1x16xf32> to vector<16xf32>
    %get3A_321 = arith.constant 2 : i32
    %get3A_322 = arith.index_cast %get3A_321 : i32 to index
    %get3A_323 = arith.constant 80 : index
    %get3A_324 = tpu.vector_load %arg8[%get3A_322, %get3A_323] {strides = array<i32>} : memref<32x160xf32, #tpu.memory_space<vmem>>, vector<1x16xf32>,
    %get3A_325 = vector.shape_cast %get3A_324 : vector<1x16xf32> to vector<16xf32>
    %mul3A_326 = arith.mulf %get3A_320, %get3A_325 : vector<16xf32>
    %add3A_327 = arith.addf %add3A_315, %mul3A_326 : vector<16xf32>
    %get3A_328 = arith.constant 38 : i32
    %get3A_329 = arith.index_cast %get3A_328 : i32 to index
    %get3A_330 = arith.constant 0 : index
    %get3A_331 = tpu.vector_load %arg7[%get3A_329, %get3A_330] {strides = array<i32>} : memref<512x16xf32, #tpu.memory_space<vmem>>, vector<1x16xf32>,
    %get3A_332 = vector.shape_cast %get3A_331 : vector<1x16xf32> to vector<16xf32>
    %get3A_333 = arith.constant 2 : i32
    %get3A_334 = arith.index_cast %get3A_333 : i32 to index
    %get3A_335 = arith.constant 96 : index
    %get3A_336 = tpu.vector_load %arg8[%get3A_334, %get3A_335] {strides = array<i32>} : memref<32x160xf32, #tpu.memory_space<vmem>>, vector<1x16xf32>,
    %get3A_337 = vector.shape_cast %get3A_336 : vector<1x16xf32> to vector<16xf32>
    %mul3A_338 = arith.mulf %get3A_332, %get3A_337 : vector<16xf32>
    %add3A_339 = arith.addf %add3A_327, %mul3A_338 : vector<16xf32>
    %get3A_340 = arith.constant 39 : i32
    %get3A_341 = arith.index_cast %get3A_340 : i32 to index
    %get3A_342 = arith.constant 0 : index
    %get3A_343 = tpu.vector_load %arg7[%get3A_341, %get3A_342] {strides = array<i32>} : memref<512x16xf32, #tpu.memory_space<vmem>>, vector<1x16xf32>,
    %get3A_344 = vector.shape_cast %get3A_343 : vector<1x16xf32> to vector<16xf32>
    %get3A_345 = arith.constant 2 : i32
    %get3A_346 = arith.index_cast %get3A_345 : i32 to index
    %get3A_347 = arith.constant 112 : index
    %get3A_348 = tpu.vector_load %arg8[%get3A_346, %get3A_347] {strides = array<i32>} : memref<32x160xf32, #tpu.memory_space<vmem>>, vector<1x16xf32>,
    %get3A_349 = vector.shape_cast %get3A_348 : vector<1x16xf32> to vector<16xf32>
    %mul3A_350 = arith.mulf %get3A_344, %get3A_349 : vector<16xf32>
    %add3A_351 = arith.addf %add3A_339, %mul3A_350 : vector<16xf32>
    %get3A_352 = arith.constant 40 : i32
    %get3A_353 = arith.index_cast %get3A_352 : i32 to index
    %get3A_354 = arith.constant 0 : index
    %get3A_355 = tpu.vector_load %arg7[%get3A_353, %get3A_354] {strides = array<i32>} : memref<512x16xf32, #tpu.memory_space<vmem>>, vector<1x16xf32>,
    %get3A_356 = vector.shape_cast %get3A_355 : vector<1x16xf32> to vector<16xf32>
    %get3A_357 = arith.constant 2 : i32
    %get3A_358 = arith.index_cast %get3A_357 : i32 to index
    %get3A_359 = arith.constant 128 : index
    %get3A_360 = tpu.vector_load %arg8[%get3A_358, %get3A_359] {strides = array<i32>} : memref<32x160xf32, #tpu.memory_space<vmem>>, vector<1x16xf32>,
    %get3A_361 = vector.shape_cast %get3A_360 : vector<1x16xf32> to vector<16xf32>
    %mul3A_362 = arith.mulf %get3A_356, %get3A_361 : vector<16xf32>
    %add3A_363 = arith.addf %add3A_351, %mul3A_362 : vector<16xf32>
    %get3A_364 = arith.constant 41 : i32
    %get3A_365 = arith.index_cast %get3A_364 : i32 to index
    %get3A_366 = arith.constant 0 : index
    %get3A_367 = tpu.vector_load %arg7[%get3A_365, %get3A_366] {strides = array<i32>} : memref<512x16xf32, #tpu.memory_space<vmem>>, vector<1x16xf32>,
    %get3A_368 = vector.shape_cast %get3A_367 : vector<1x16xf32> to vector<16xf32>
    %get3A_369 = arith.constant 2 : i32
    %get3A_370 = arith.index_cast %get3A_369 : i32 to index
    %get3A_371 = arith.constant 144 : index
    %get3A_372 = tpu.vector_load %arg8[%get3A_370, %get3A_371] {strides = array<i32>} : memref<32x160xf32, #tpu.memory_space<vmem>>, vector<1x16xf32>,
    %get3A_373 = vector.shape_cast %get3A_372 : vector<1x16xf32> to vector<16xf32>
    %mul3A_374 = arith.mulf %get3A_368, %get3A_373 : vector<16xf32>
    %add3A_375 = arith.addf %add3A_363, %mul3A_374 : vector<16xf32>
    %swap3A_376 = arith.constant 2 : i32
    %swap3A_377 = arith.index_cast %swap3A_376 : i32 to index
    %swap3A_378 = arith.constant 0 : index
    %swap3A_379 = tpu.vector_load %arg9[%swap3A_377, %swap3A_378] {strides = array<i32>} : memref<32x16xf32, #tpu.memory_space<vmem>>, vector<1x16xf32>,
    %swap3A_380 = vector.shape_cast %swap3A_379 : vector<1x16xf32> to vector<16xf32>
    %swap3A_381 = vector.shape_cast %add3A_375 : vector<16xf32> to vector<1x16xf32>
    tpu.vector_store %arg9[%swap3A_377, %swap3A_378], %swap3A_381 {strides = array<i32>} : memref<32x16xf32, #tpu.memory_space<vmem>>, vector<1x16xf32>,
    %get3A_382 = arith.constant 48 : i32
    %get3A_383 = arith.index_cast %get3A_382 : i32 to index
    %get3A_384 = arith.constant 0 : index
    %get3A_385 = tpu.vector_load %arg7[%get3A_383, %get3A_384] {strides = array<i32>} : memref<512x16xf32, #tpu.memory_space<vmem>>, vector<1x16xf32>,
    %get3A_386 = vector.shape_cast %get3A_385 : vector<1x16xf32> to vector<16xf32>
    %get3A_387 = arith.constant 3 : i32
    %get3A_388 = arith.index_cast %get3A_387 : i32 to index
    %get3A_389 = arith.constant 0 : index
    %get3A_390 = tpu.vector_load %arg8[%get3A_388, %get3A_389] {strides = array<i32>} : memref<32x160xf32, #tpu.memory_space<vmem>>, vector<1x16xf32>,
    %get3A_391 = vector.shape_cast %get3A_390 : vector<1x16xf32> to vector<16xf32>
    %mul3A_392 = arith.mulf %get3A_386, %get3A_391 : vector<16xf32>
    %get3A_393 = arith.constant 49 : i32
    %get3A_394 = arith.index_cast %get3A_393 : i32 to index
    %get3A_395 = arith.constant 0 : index
    %get3A_396 = tpu.vector_load %arg7[%get3A_394, %get3A_395] {strides = array<i32>} : memref<512x16xf32, #tpu.memory_space<vmem>>, vector<1x16xf32>,
    %get3A_397 = vector.shape_cast %get3A_396 : vector<1x16xf32> to vector<16xf32>
    %get3A_398 = arith.constant 3 : i32
    %get3A_399 = arith.index_cast %get3A_398 : i32 to index
    %get3A_400 = arith.constant 16 : index
    %get3A_401 = tpu.vector_load %arg8[%get3A_399, %get3A_400] {strides = array<i32>} : memref<32x160xf32, #tpu.memory_space<vmem>>, vector<1x16xf32>,
    %get3A_402 = vector.shape_cast %get3A_401 : vector<1x16xf32> to vector<16xf32>
    %mul3A_403 = arith.mulf %get3A_397, %get3A_402 : vector<16xf32>
    %add3A_404 = arith.addf %mul3A_392, %mul3A_403 : vector<16xf32>
    %get3A_405 = arith.constant 50 : i32
    %get3A_406 = arith.index_cast %get3A_405 : i32 to index
    %get3A_407 = arith.constant 0 : index
    %get3A_408 = tpu.vector_load %arg7[%get3A_406, %get3A_407] {strides = array<i32>} : memref<512x16xf32, #tpu.memory_space<vmem>>, vector<1x16xf32>,
    %get3A_409 = vector.shape_cast %get3A_408 : vector<1x16xf32> to vector<16xf32>
    %get3A_410 = arith.constant 3 : i32
    %get3A_411 = arith.index_cast %get3A_410 : i32 to index
    %get3A_412 = arith.constant 32 : index
    %get3A_413 = tpu.vector_load %arg8[%get3A_411, %get3A_412] {strides = array<i32>} : memref<32x160xf32, #tpu.memory_space<vmem>>, vector<1x16xf32>,
    %get3A_414 = vector.shape_cast %get3A_413 : vector<1x16xf32> to vector<16xf32>
    %mul3A_415 = arith.mulf %get3A_409, %get3A_414 : vector<16xf32>
    %add3A_416 = arith.addf %add3A_404, %mul3A_415 : vector<16xf32>
    %get3A_417 = arith.constant 51 : i32
    %get3A_418 = arith.index_cast %get3A_417 : i32 to index
    %get3A_419 = arith.constant 0 : index
    %get3A_420 = tpu.vector_load %arg7[%get3A_418, %get3A_419] {strides = array<i32>} : memref<512x16xf32, #tpu.memory_space<vmem>>, vector<1x16xf32>,
    %get3A_421 = vector.shape_cast %get3A_420 : vector<1x16xf32> to vector<16xf32>
    %get3A_422 = arith.constant 3 : i32
    %get3A_423 = arith.index_cast %get3A_422 : i32 to index
    %get3A_424 = arith.constant 48 : index
    %get3A_425 = tpu.vector_load %arg8[%get3A_423, %get3A_424] {strides = array<i32>} : memref<32x160xf32, #tpu.memory_space<vmem>>, vector<1x16xf32>,
    %get3A_426 = vector.shape_cast %get3A_425 : vector<1x16xf32> to vector<16xf32>
    %mul3A_427 = arith.mulf %get3A_421, %get3A_426 : vector<16xf32>
    %add3A_428 = arith.addf %add3A_416, %mul3A_427 : vector<16xf32>
    %get3A_429 = arith.constant 52 : i32
    %get3A_430 = arith.index_cast %get3A_429 : i32 to index
    %get3A_431 = arith.constant 0 : index
    %get3A_432 = tpu.vector_load %arg7[%get3A_430, %get3A_431] {strides = array<i32>} : memref<512x16xf32, #tpu.memory_space<vmem>>, vector<1x16xf32>,
    %get3A_433 = vector.shape_cast %get3A_432 : vector<1x16xf32> to vector<16xf32>
    %get3A_434 = arith.constant 3 : i32
    %get3A_435 = arith.index_cast %get3A_434 : i32 to index
    %get3A_436 = arith.constant 64 : index
    %get3A_437 = tpu.vector_load %arg8[%get3A_435, %get3A_436] {strides = array<i32>} : memref<32x160xf32, #tpu.memory_space<vmem>>, vector<1x16xf32>,
    %get3A_438 = vector.shape_cast %get3A_437 : vector<1x16xf32> to vector<16xf32>
    %mul3A_439 = arith.mulf %get3A_433, %get3A_438 : vector<16xf32>
    %add3A_440 = arith.addf %add3A_428, %mul3A_439 : vector<16xf32>
    %get3A_441 = arith.constant 53 : i32
    %get3A_442 = arith.index_cast %get3A_441 : i32 to index
    %get3A_443 = arith.constant 0 : index
    %get3A_444 = tpu.vector_load %arg7[%get3A_442, %get3A_443] {strides = array<i32>} : memref<512x16xf32, #tpu.memory_space<vmem>>, vector<1x16xf32>,
    %get3A_445 = vector.shape_cast %get3A_444 : vector<1x16xf32> to vector<16xf32>
    %get3A_446 = arith.constant 3 : i32
    %get3A_447 = arith.index_cast %get3A_446 : i32 to index
    %get3A_448 = arith.constant 80 : index
    %get3A_449 = tpu.vector_load %arg8[%get3A_447, %get3A_448] {strides = array<i32>} : memref<32x160xf32, #tpu.memory_space<vmem>>, vector<1x16xf32>,
    %get3A_450 = vector.shape_cast %get3A_449 : vector<1x16xf32> to vector<16xf32>
    %mul3A_451 = arith.mulf %get3A_445, %get3A_450 : vector<16xf32>
    %add3A_452 = arith.addf %add3A_440, %mul3A_451 : vector<16xf32>
    %get3A_453 = arith.constant 54 : i32
    %get3A_454 = arith.index_cast %get3A_453 : i32 to index
    %get3A_455 = arith.constant 0 : index
    %get3A_456 = tpu.vector_load %arg7[%get3A_454, %get3A_455] {strides = array<i32>} : memref<512x16xf32, #tpu.memory_space<vmem>>, vector<1x16xf32>,
    %get3A_457 = vector.shape_cast %get3A_456 : vector<1x16xf32> to vector<16xf32>
    %get3A_458 = arith.constant 3 : i32
    %get3A_459 = arith.index_cast %get3A_458 : i32 to index
    %get3A_460 = arith.constant 96 : index
    %get3A_461 = tpu.vector_load %arg8[%get3A_459, %get3A_460] {strides = array<i32>} : memref<32x160xf32, #tpu.memory_space<vmem>>, vector<1x16xf32>,
    %get3A_462 = vector.shape_cast %get3A_461 : vector<1x16xf32> to vector<16xf32>
    %mul3A_463 = arith.mulf %get3A_457, %get3A_462 : vector<16xf32>
    %add3A_464 = arith.addf %add3A_452, %mul3A_463 : vector<16xf32>
    %get3A_465 = arith.constant 55 : i32
    %get3A_466 = arith.index_cast %get3A_465 : i32 to index
    %get3A_467 = arith.constant 0 : index
    %get3A_468 = tpu.vector_load %arg7[%get3A_466, %get3A_467] {strides = array<i32>} : memref<512x16xf32, #tpu.memory_space<vmem>>, vector<1x16xf32>,
    %get3A_469 = vector.shape_cast %get3A_468 : vector<1x16xf32> to vector<16xf32>
    %get3A_470 = arith.constant 3 : i32
    %get3A_471 = arith.index_cast %get3A_470 : i32 to index
    %get3A_472 = arith.constant 112 : index
    %get3A_473 = tpu.vector_load %arg8[%get3A_471, %get3A_472] {strides = array<i32>} : memref<32x160xf32, #tpu.memory_space<vmem>>, vector<1x16xf32>,
    %get3A_474 = vector.shape_cast %get3A_473 : vector<1x16xf32> to vector<16xf32>
    %mul3A_475 = arith.mulf %get3A_469, %get3A_474 : vector<16xf32>
    %add3A_476 = arith.addf %add3A_464, %mul3A_475 : vector<16xf32>
    %get3A_477 = arith.constant 56 : i32
    %get3A_478 = arith.index_cast %get3A_477 : i32 to index
    %get3A_479 = arith.constant 0 : index
    %get3A_480 = tpu.vector_load %arg7[%get3A_478, %get3A_479] {strides = array<i32>} : memref<512x16xf32, #tpu.memory_space<vmem>>, vector<1x16xf32>,
    %get3A_481 = vector.shape_cast %get3A_480 : vector<1x16xf32> to vector<16xf32>
    %get3A_482 = arith.constant 3 : i32
    %get3A_483 = arith.index_cast %get3A_482 : i32 to index
    %get3A_484 = arith.constant 128 : index
    %get3A_485 = tpu.vector_load %arg8[%get3A_483, %get3A_484] {strides = array<i32>} : memref<32x160xf32, #tpu.memory_space<vmem>>, vector<1x16xf32>,
    %get3A_486 = vector.shape_cast %get3A_485 : vector<1x16xf32> to vector<16xf32>
    %mul3A_487 = arith.mulf %get3A_481, %get3A_486 : vector<16xf32>
    %add3A_488 = arith.addf %add3A_476, %mul3A_487 : vector<16xf32>
    %get3A_489 = arith.constant 57 : i32
    %get3A_490 = arith.index_cast %get3A_489 : i32 to index
    %get3A_491 = arith.constant 0 : index
    %get3A_492 = tpu.vector_load %arg7[%get3A_490, %get3A_491] {strides = array<i32>} : memref<512x16xf32, #tpu.memory_space<vmem>>, vector<1x16xf32>,
    %get3A_493 = vector.shape_cast %get3A_492 : vector<1x16xf32> to vector<16xf32>
    %get3A_494 = arith.constant 3 : i32
    %get3A_495 = arith.index_cast %get3A_494 : i32 to index
    %get3A_496 = arith.constant 144 : index
    %get3A_497 = tpu.vector_load %arg8[%get3A_495, %get3A_496] {strides = array<i32>} : memref<32x160xf32, #tpu.memory_space<vmem>>, vector<1x16xf32>,
    %get3A_498 = vector.shape_cast %get3A_497 : vector<1x16xf32> to vector<16xf32>
    %mul3A_499 = arith.mulf %get3A_493, %get3A_498 : vector<16xf32>
    %add3A_500 = arith.addf %add3A_488, %mul3A_499 : vector<16xf32>
    %swap3A_501 = arith.constant 3 : i32
    %swap3A_502 = arith.index_cast %swap3A_501 : i32 to index
    %swap3A_503 = arith.constant 0 : index
    %swap3A_504 = tpu.vector_load %arg9[%swap3A_502, %swap3A_503] {strides = array<i32>} : memref<32x16xf32, #tpu.memory_space<vmem>>, vector<1x16xf32>,
    %swap3A_505 = vector.shape_cast %swap3A_504 : vector<1x16xf32> to vector<16xf32>
    %swap3A_506 = vector.shape_cast %add3A_500 : vector<16xf32> to vector<1x16xf32>
    tpu.vector_store %arg9[%swap3A_502, %swap3A_503], %swap3A_506 {strides = array<i32>} : memref<32x16xf32, #tpu.memory_space<vmem>>, vector<1x16xf32>,
    %get3A_507 = arith.constant 64 : i32
    %get3A_508 = arith.index_cast %get3A_507 : i32 to index
    %get3A_509 = arith.constant 0 : index
    %get3A_510 = tpu.vector_load %arg7[%get3A_508, %get3A_509] {strides = array<i32>} : memref<512x16xf32, #tpu.memory_space<vmem>>, vector<1x16xf32>,
    %get3A_511 = vector.shape_cast %get3A_510 : vector<1x16xf32> to vector<16xf32>
    %get3A_512 = arith.constant 4 : i32
    %get3A_513 = arith.index_cast %get3A_512 : i32 to index
    %get3A_514 = arith.constant 0 : index
    %get3A_515 = tpu.vector_load %arg8[%get3A_513, %get3A_514] {strides = array<i32>} : memref<32x160xf32, #tpu.memory_space<vmem>>, vector<1x16xf32>,
    %get3A_516 = vector.shape_cast %get3A_515 : vector<1x16xf32> to vector<16xf32>
    %mul3A_517 = arith.mulf %get3A_511, %get3A_516 : vector<16xf32>
    %get3A_518 = arith.constant 65 : i32
    %get3A_519 = arith.index_cast %get3A_518 : i32 to index
    %get3A_520 = arith.constant 0 : index
    %get3A_521 = tpu.vector_load %arg7[%get3A_519, %get3A_520] {strides = array<i32>} : memref<512x16xf32, #tpu.memory_space<vmem>>, vector<1x16xf32>,
    %get3A_522 = vector.shape_cast %get3A_521 : vector<1x16xf32> to vector<16xf32>
    %get3A_523 = arith.constant 4 : i32
    %get3A_524 = arith.index_cast %get3A_523 : i32 to index
    %get3A_525 = arith.constant 16 : index
    %get3A_526 = tpu.vector_load %arg8[%get3A_524, %get3A_525] {strides = array<i32>} : memref<32x160xf32, #tpu.memory_space<vmem>>, vector<1x16xf32>,
    %get3A_527 = vector.shape_cast %get3A_526 : vector<1x16xf32> to vector<16xf32>
    %mul3A_528 = arith.mulf %get3A_522, %get3A_527 : vector<16xf32>
    %add3A_529 = arith.addf %mul3A_517, %mul3A_528 : vector<16xf32>
    %get3A_530 = arith.constant 66 : i32
    %get3A_531 = arith.index_cast %get3A_530 : i32 to index
    %get3A_532 = arith.constant 0 : index
    %get3A_533 = tpu.vector_load %arg7[%get3A_531, %get3A_532] {strides = array<i32>} : memref<512x16xf32, #tpu.memory_space<vmem>>, vector<1x16xf32>,
    %get3A_534 = vector.shape_cast %get3A_533 : vector<1x16xf32> to vector<16xf32>
    %get3A_535 = arith.constant 4 : i32
    %get3A_536 = arith.index_cast %get3A_535 : i32 to index
    %get3A_537 = arith.constant 32 : index
    %get3A_538 = tpu.vector_load %arg8[%get3A_536, %get3A_537] {strides = array<i32>} : memref<32x160xf32, #tpu.memory_space<vmem>>, vector<1x16xf32>,
    %get3A_539 = vector.shape_cast %get3A_538 : vector<1x16xf32> to vector<16xf32>
    %mul3A_540 = arith.mulf %get3A_534, %get3A_539 : vector<16xf32>
    %add3A_541 = arith.addf %add3A_529, %mul3A_540 : vector<16xf32>
    %get3A_542 = arith.constant 67 : i32
    %get3A_543 = arith.index_cast %get3A_542 : i32 to index
    %get3A_544 = arith.constant 0 : index
    %get3A_545 = tpu.vector_load %arg7[%get3A_543, %get3A_544] {strides = array<i32>} : memref<512x16xf32, #tpu.memory_space<vmem>>, vector<1x16xf32>,
    %get3A_546 = vector.shape_cast %get3A_545 : vector<1x16xf32> to vector<16xf32>
    %get3A_547 = arith.constant 4 : i32
    %get3A_548 = arith.index_cast %get3A_547 : i32 to index
    %get3A_549 = arith.constant 48 : index
    %get3A_550 = tpu.vector_load %arg8[%get3A_548, %get3A_549] {strides = array<i32>} : memref<32x160xf32, #tpu.memory_space<vmem>>, vector<1x16xf32>,
    %get3A_551 = vector.shape_cast %get3A_550 : vector<1x16xf32> to vector<16xf32>
    %mul3A_552 = arith.mulf %get3A_546, %get3A_551 : vector<16xf32>
    %add3A_553 = arith.addf %add3A_541, %mul3A_552 : vector<16xf32>
    %get3A_554 = arith.constant 68 : i32
    %get3A_555 = arith.index_cast %get3A_554 : i32 to index
    %get3A_556 = arith.constant 0 : index
    %get3A_557 = tpu.vector_load %arg7[%get3A_555, %get3A_556] {strides = array<i32>} : memref<512x16xf32, #tpu.memory_space<vmem>>, vector<1x16xf32>,
    %get3A_558 = vector.shape_cast %get3A_557 : vector<1x16xf32> to vector<16xf32>
    %get3A_559 = arith.constant 4 : i32
    %get3A_560 = arith.index_cast %get3A_559 : i32 to index
    %get3A_561 = arith.constant 64 : index
    %get3A_562 = tpu.vector_load %arg8[%get3A_560, %get3A_561] {strides = array<i32>} : memref<32x160xf32, #tpu.memory_space<vmem>>, vector<1x16xf32>,
    %get3A_563 = vector.shape_cast %get3A_562 : vector<1x16xf32> to vector<16xf32>
    %mul3A_564 = arith.mulf %get3A_558, %get3A_563 : vector<16xf32>
    %add3A_565 = arith.addf %add3A_553, %mul3A_564 : vector<16xf32>
    %get3A_566 = arith.constant 69 : i32
    %get3A_567 = arith.index_cast %get3A_566 : i32 to index
    %get3A_568 = arith.constant 0 : index
    %get3A_569 = tpu.vector_load %arg7[%get3A_567, %get3A_568] {strides = array<i32>} : memref<512x16xf32, #tpu.memory_space<vmem>>, vector<1x16xf32>,
    %get3A_570 = vector.shape_cast %get3A_569 : vector<1x16xf32> to vector<16xf32>
    %get3A_571 = arith.constant 4 : i32
    %get3A_572 = arith.index_cast %get3A_571 : i32 to index
    %get3A_573 = arith.constant 80 : index
    %get3A_574 = tpu.vector_load %arg8[%get3A_572, %get3A_573] {strides = array<i32>} : memref<32x160xf32, #tpu.memory_space<vmem>>, vector<1x16xf32>,
    %get3A_575 = vector.shape_cast %get3A_574 : vector<1x16xf32> to vector<16xf32>
    %mul3A_576 = arith.mulf %get3A_570, %get3A_575 : vector<16xf32>
    %add3A_577 = arith.addf %add3A_565, %mul3A_576 : vector<16xf32>
    %get3A_578 = arith.constant 70 : i32
    %get3A_579 = arith.index_cast %get3A_578 : i32 to index
    %get3A_580 = arith.constant 0 : index
    %get3A_581 = tpu.vector_load %arg7[%get3A_579, %get3A_580] {strides = array<i32>} : memref<512x16xf32, #tpu.memory_space<vmem>>, vector<1x16xf32>,
    %get3A_582 = vector.shape_cast %get3A_581 : vector<1x16xf32> to vector<16xf32>
    %get3A_583 = arith.constant 4 : i32
    %get3A_584 = arith.index_cast %get3A_583 : i32 to index
    %get3A_585 = arith.constant 96 : index
    %get3A_586 = tpu.vector_load %arg8[%get3A_584, %get3A_585] {strides = array<i32>} : memref<32x160xf32, #tpu.memory_space<vmem>>, vector<1x16xf32>,
    %get3A_587 = vector.shape_cast %get3A_586 : vector<1x16xf32> to vector<16xf32>
    %mul3A_588 = arith.mulf %get3A_582, %get3A_587 : vector<16xf32>
    %add3A_589 = arith.addf %add3A_577, %mul3A_588 : vector<16xf32>
    %get3A_590 = arith.constant 71 : i32
    %get3A_591 = arith.index_cast %get3A_590 : i32 to index
    %get3A_592 = arith.constant 0 : index
    %get3A_593 = tpu.vector_load %arg7[%get3A_591, %get3A_592] {strides = array<i32>} : memref<512x16xf32, #tpu.memory_space<vmem>>, vector<1x16xf32>,
    %get3A_594 = vector.shape_cast %get3A_593 : vector<1x16xf32> to vector<16xf32>
    %get3A_595 = arith.constant 4 : i32
    %get3A_596 = arith.index_cast %get3A_595 : i32 to index
    %get3A_597 = arith.constant 112 : index
    %get3A_598 = tpu.vector_load %arg8[%get3A_596, %get3A_597] {strides = array<i32>} : memref<32x160xf32, #tpu.memory_space<vmem>>, vector<1x16xf32>,
    %get3A_599 = vector.shape_cast %get3A_598 : vector<1x16xf32> to vector<16xf32>
    %mul3A_600 = arith.mulf %get3A_594, %get3A_599 : vector<16xf32>
    %add3A_601 = arith.addf %add3A_589, %mul3A_600 : vector<16xf32>
    %get3A_602 = arith.constant 72 : i32
    %get3A_603 = arith.index_cast %get3A_602 : i32 to index
    %get3A_604 = arith.constant 0 : index
    %get3A_605 = tpu.vector_load %arg7[%get3A_603, %get3A_604] {strides = array<i32>} : memref<512x16xf32, #tpu.memory_space<vmem>>, vector<1x16xf32>,
    %get3A_606 = vector.shape_cast %get3A_605 : vector<1x16xf32> to vector<16xf32>
    %get3A_607 = arith.constant 4 : i32
    %get3A_608 = arith.index_cast %get3A_607 : i32 to index
    %get3A_609 = arith.constant 128 : index
    %get3A_610 = tpu.vector_load %arg8[%get3A_608, %get3A_609] {strides = array<i32>} : memref<32x160xf32, #tpu.memory_space<vmem>>, vector<1x16xf32>,
    %get3A_611 = vector.shape_cast %get3A_610 : vector<1x16xf32> to vector<16xf32>
    %mul3A_612 = arith.mulf %get3A_606, %get3A_611 : vector<16xf32>
    %add3A_613 = arith.addf %add3A_601, %mul3A_612 : vector<16xf32>
    %get3A_614 = arith.constant 73 : i32
    %get3A_615 = arith.index_cast %get3A_614 : i32 to index
    %get3A_616 = arith.constant 0 : index
    %get3A_617 = tpu.vector_load %arg7[%get3A_615, %get3A_616] {strides = array<i32>} : memref<512x16xf32, #tpu.memory_space<vmem>>, vector<1x16xf32>,
    %get3A_618 = vector.shape_cast %get3A_617 : vector<1x16xf32> to vector<16xf32>
    %get3A_619 = arith.constant 4 : i32
    %get3A_620 = arith.index_cast %get3A_619 : i32 to index
    %get3A_621 = arith.constant 144 : index
    %get3A_622 = tpu.vector_load %arg8[%get3A_620, %get3A_621] {strides = array<i32>} : memref<32x160xf32, #tpu.memory_space<vmem>>, vector<1x16xf32>,
    %get3A_623 = vector.shape_cast %get3A_622 : vector<1x16xf32> to vector<16xf32>
    %mul3A_624 = arith.mulf %get3A_618, %get3A_623 : vector<16xf32>
    %add3A_625 = arith.addf %add3A_613, %mul3A_624 : vector<16xf32>
    %swap3A_626 = arith.constant 4 : i32
    %swap3A_627 = arith.index_cast %swap3A_626 : i32 to index
    %swap3A_628 = arith.constant 0 : index
    %swap3A_629 = tpu.vector_load %arg9[%swap3A_627, %swap3A_628] {strides = array<i32>} : memref<32x16xf32, #tpu.memory_space<vmem>>, vector<1x16xf32>,
    %swap3A_630 = vector.shape_cast %swap3A_629 : vector<1x16xf32> to vector<16xf32>
    %swap3A_631 = vector.shape_cast %add3A_625 : vector<16xf32> to vector<1x16xf32>
    tpu.vector_store %arg9[%swap3A_627, %swap3A_628], %swap3A_631 {strides = array<i32>} : memref<32x16xf32, #tpu.memory_space<vmem>>, vector<1x16xf32>,
    %get3A_632 = arith.constant 80 : i32
    %get3A_633 = arith.index_cast %get3A_632 : i32 to index
    %get3A_634 = arith.constant 0 : index
    %get3A_635 = tpu.vector_load %arg7[%get3A_633, %get3A_634] {strides = array<i32>} : memref<512x16xf32, #tpu.memory_space<vmem>>, vector<1x16xf32>,
    %get3A_636 = vector.shape_cast %get3A_635 : vector<1x16xf32> to vector<16xf32>
    %get3A_637 = arith.constant 5 : i32
    %get3A_638 = arith.index_cast %get3A_637 : i32 to index
    %get3A_639 = arith.constant 0 : index
    %get3A_640 = tpu.vector_load %arg8[%get3A_638, %get3A_639] {strides = array<i32>} : memref<32x160xf32, #tpu.memory_space<vmem>>, vector<1x16xf32>,
    %get3A_641 = vector.shape_cast %get3A_640 : vector<1x16xf32> to vector<16xf32>
    %mul3A_642 = arith.mulf %get3A_636, %get3A_641 : vector<16xf32>
    %get3A_643 = arith.constant 81 : i32
    %get3A_644 = arith.index_cast %get3A_643 : i32 to index
    %get3A_645 = arith.constant 0 : index
    %get3A_646 = tpu.vector_load %arg7[%get3A_644, %get3A_645] {strides = array<i32>} : memref<512x16xf32, #tpu.memory_space<vmem>>, vector<1x16xf32>,
    %get3A_647 = vector.shape_cast %get3A_646 : vector<1x16xf32> to vector<16xf32>
    %get3A_648 = arith.constant 5 : i32
    %get3A_649 = arith.index_cast %get3A_648 : i32 to index
    %get3A_650 = arith.constant 16 : index
    %get3A_651 = tpu.vector_load %arg8[%get3A_649, %get3A_650] {strides = array<i32>} : memref<32x160xf32, #tpu.memory_space<vmem>>, vector<1x16xf32>,
    %get3A_652 = vector.shape_cast %get3A_651 : vector<1x16xf32> to vector<16xf32>
    %mul3A_653 = arith.mulf %get3A_647, %get3A_652 : vector<16xf32>
    %add3A_654 = arith.addf %mul3A_642, %mul3A_653 : vector<16xf32>
    %get3A_655 = arith.constant 82 : i32
    %get3A_656 = arith.index_cast %get3A_655 : i32 to index
    %get3A_657 = arith.constant 0 : index
    %get3A_658 = tpu.vector_load %arg7[%get3A_656, %get3A_657] {strides = array<i32>} : memref<512x16xf32, #tpu.memory_space<vmem>>, vector<1x16xf32>,
    %get3A_659 = vector.shape_cast %get3A_658 : vector<1x16xf32> to vector<16xf32>
    %get3A_660 = arith.constant 5 : i32
    %get3A_661 = arith.index_cast %get3A_660 : i32 to index
    %get3A_662 = arith.constant 32 : index
    %get3A_663 = tpu.vector_load %arg8[%get3A_661, %get3A_662] {strides = array<i32>} : memref<32x160xf32, #tpu.memory_space<vmem>>, vector<1x16xf32>,
    %get3A_664 = vector.shape_cast %get3A_663 : vector<1x16xf32> to vector<16xf32>
    %mul3A_665 = arith.mulf %get3A_659, %get3A_664 : vector<16xf32>
    %add3A_666 = arith.addf %add3A_654, %mul3A_665 : vector<16xf32>
    %get3A_667 = arith.constant 83 : i32
    %get3A_668 = arith.index_cast %get3A_667 : i32 to index
    %get3A_669 = arith.constant 0 : index
    %get3A_670 = tpu.vector_load %arg7[%get3A_668, %get3A_669] {strides = array<i32>} : memref<512x16xf32, #tpu.memory_space<vmem>>, vector<1x16xf32>,
    %get3A_671 = vector.shape_cast %get3A_670 : vector<1x16xf32> to vector<16xf32>
    %get3A_672 = arith.constant 5 : i32
    %get3A_673 = arith.index_cast %get3A_672 : i32 to index
    %get3A_674 = arith.constant 48 : index
    %get3A_675 = tpu.vector_load %arg8[%get3A_673, %get3A_674] {strides = array<i32>} : memref<32x160xf32, #tpu.memory_space<vmem>>, vector<1x16xf32>,
    %get3A_676 = vector.shape_cast %get3A_675 : vector<1x16xf32> to vector<16xf32>
    %mul3A_677 = arith.mulf %get3A_671, %get3A_676 : vector<16xf32>
    %add3A_678 = arith.addf %add3A_666, %mul3A_677 : vector<16xf32>
    %get3A_679 = arith.constant 84 : i32
    %get3A_680 = arith.index_cast %get3A_679 : i32 to index
    %get3A_681 = arith.constant 0 : index
    %get3A_682 = tpu.vector_load %arg7[%get3A_680, %get3A_681] {strides = array<i32>} : memref<512x16xf32, #tpu.memory_space<vmem>>, vector<1x16xf32>,
    %get3A_683 = vector.shape_cast %get3A_682 : vector<1x16xf32> to vector<16xf32>
    %get3A_684 = arith.constant 5 : i32
    %get3A_685 = arith.index_cast %get3A_684 : i32 to index
    %get3A_686 = arith.constant 64 : index
    %get3A_687 = tpu.vector_load %arg8[%get3A_685, %get3A_686] {strides = array<i32>} : memref<32x160xf32, #tpu.memory_space<vmem>>, vector<1x16xf32>,
    %get3A_688 = vector.shape_cast %get3A_687 : vector<1x16xf32> to vector<16xf32>
    %mul3A_689 = arith.mulf %get3A_683, %get3A_688 : vector<16xf32>
    %add3A_690 = arith.addf %add3A_678, %mul3A_689 : vector<16xf32>
    %get3A_691 = arith.constant 85 : i32
    %get3A_692 = arith.index_cast %get3A_691 : i32 to index
    %get3A_693 = arith.constant 0 : index
    %get3A_694 = tpu.vector_load %arg7[%get3A_692, %get3A_693] {strides = array<i32>} : memref<512x16xf32, #tpu.memory_space<vmem>>, vector<1x16xf32>,
    %get3A_695 = vector.shape_cast %get3A_694 : vector<1x16xf32> to vector<16xf32>
    %get3A_696 = arith.constant 5 : i32
    %get3A_697 = arith.index_cast %get3A_696 : i32 to index
    %get3A_698 = arith.constant 80 : index
    %get3A_699 = tpu.vector_load %arg8[%get3A_697, %get3A_698] {strides = array<i32>} : memref<32x160xf32, #tpu.memory_space<vmem>>, vector<1x16xf32>,
    %get3A_700 = vector.shape_cast %get3A_699 : vector<1x16xf32> to vector<16xf32>
    %mul3A_701 = arith.mulf %get3A_695, %get3A_700 : vector<16xf32>
    %add3A_702 = arith.addf %add3A_690, %mul3A_701 : vector<16xf32>
    %get3A_703 = arith.constant 86 : i32
    %get3A_704 = arith.index_cast %get3A_703 : i32 to index
    %get3A_705 = arith.constant 0 : index
    %get3A_706 = tpu.vector_load %arg7[%get3A_704, %get3A_705] {strides = array<i32>} : memref<512x16xf32, #tpu.memory_space<vmem>>, vector<1x16xf32>,
    %get3A_707 = vector.shape_cast %get3A_706 : vector<1x16xf32> to vector<16xf32>
    %get3A_708 = arith.constant 5 : i32
    %get3A_709 = arith.index_cast %get3A_708 : i32 to index
    %get3A_710 = arith.constant 96 : index
    %get3A_711 = tpu.vector_load %arg8[%get3A_709, %get3A_710] {strides = array<i32>} : memref<32x160xf32, #tpu.memory_space<vmem>>, vector<1x16xf32>,
    %get3A_712 = vector.shape_cast %get3A_711 : vector<1x16xf32> to vector<16xf32>
    %mul3A_713 = arith.mulf %get3A_707, %get3A_712 : vector<16xf32>
    %add3A_714 = arith.addf %add3A_702, %mul3A_713 : vector<16xf32>
    %get3A_715 = arith.constant 87 : i32
    %get3A_716 = arith.index_cast %get3A_715 : i32 to index
    %get3A_717 = arith.constant 0 : index
    %get3A_718 = tpu.vector_load %arg7[%get3A_716, %get3A_717] {strides = array<i32>} : memref<512x16xf32, #tpu.memory_space<vmem>>, vector<1x16xf32>,
    %get3A_719 = vector.shape_cast %get3A_718 : vector<1x16xf32> to vector<16xf32>
    %get3A_720 = arith.constant 5 : i32
    %get3A_721 = arith.index_cast %get3A_720 : i32 to index
    %get3A_722 = arith.constant 112 : index
    %get3A_723 = tpu.vector_load %arg8[%get3A_721, %get3A_722] {strides = array<i32>} : memref<32x160xf32, #tpu.memory_space<vmem>>, vector<1x16xf32>,
    %get3A_724 = vector.shape_cast %get3A_723 : vector<1x16xf32> to vector<16xf32>
    %mul3A_725 = arith.mulf %get3A_719, %get3A_724 : vector<16xf32>
    %add3A_726 = arith.addf %add3A_714, %mul3A_725 : vector<16xf32>
    %get3A_727 = arith.constant 88 : i32
    %get3A_728 = arith.index_cast %get3A_727 : i32 to index
    %get3A_729 = arith.constant 0 : index
    %get3A_730 = tpu.vector_load %arg7[%get3A_728, %get3A_729] {strides = array<i32>} : memref<512x16xf32, #tpu.memory_space<vmem>>, vector<1x16xf32>,
    %get3A_731 = vector.shape_cast %get3A_730 : vector<1x16xf32> to vector<16xf32>
    %get3A_732 = arith.constant 5 : i32
    %get3A_733 = arith.index_cast %get3A_732 : i32 to index
    %get3A_734 = arith.constant 128 : index
    %get3A_735 = tpu.vector_load %arg8[%get3A_733, %get3A_734] {strides = array<i32>} : memref<32x160xf32, #tpu.memory_space<vmem>>, vector<1x16xf32>,
    %get3A_736 = vector.shape_cast %get3A_735 : vector<1x16xf32> to vector<16xf32>
    %mul3A_737 = arith.mulf %get3A_731, %get3A_736 : vector<16xf32>
    %add3A_738 = arith.addf %add3A_726, %mul3A_737 : vector<16xf32>
    %get3A_739 = arith.constant 89 : i32
    %get3A_740 = arith.index_cast %get3A_739 : i32 to index
    %get3A_741 = arith.constant 0 : index
    %get3A_742 = tpu.vector_load %arg7[%get3A_740, %get3A_741] {strides = array<i32>} : memref<512x16xf32, #tpu.memory_space<vmem>>, vector<1x16xf32>,
    %get3A_743 = vector.shape_cast %get3A_742 : vector<1x16xf32> to vector<16xf32>
    %get3A_744 = arith.constant 5 : i32
    %get3A_745 = arith.index_cast %get3A_744 : i32 to index
    %get3A_746 = arith.constant 144 : index
    %get3A_747 = tpu.vector_load %arg8[%get3A_745, %get3A_746] {strides = array<i32>} : memref<32x160xf32, #tpu.memory_space<vmem>>, vector<1x16xf32>,
    %get3A_748 = vector.shape_cast %get3A_747 : vector<1x16xf32> to vector<16xf32>
    %mul3A_749 = arith.mulf %get3A_743, %get3A_748 : vector<16xf32>
    %add3A_750 = arith.addf %add3A_738, %mul3A_749 : vector<16xf32>
    %swap3A_751 = arith.constant 5 : i32
    %swap3A_752 = arith.index_cast %swap3A_751 : i32 to index
    %swap3A_753 = arith.constant 0 : index
    %swap3A_754 = tpu.vector_load %arg9[%swap3A_752, %swap3A_753] {strides = array<i32>} : memref<32x16xf32, #tpu.memory_space<vmem>>, vector<1x16xf32>,
    %swap3A_755 = vector.shape_cast %swap3A_754 : vector<1x16xf32> to vector<16xf32>
    %swap3A_756 = vector.shape_cast %add3A_750 : vector<16xf32> to vector<1x16xf32>
    tpu.vector_store %arg9[%swap3A_752, %swap3A_753], %swap3A_756 {strides = array<i32>} : memref<32x16xf32, #tpu.memory_space<vmem>>, vector<1x16xf32>,
    %get3A_757 = arith.constant 96 : i32
    %get3A_758 = arith.index_cast %get3A_757 : i32 to index
    %get3A_759 = arith.constant 0 : index
    %get3A_760 = tpu.vector_load %arg7[%get3A_758, %get3A_759] {strides = array<i32>} : memref<512x16xf32, #tpu.memory_space<vmem>>, vector<1x16xf32>,
    %get3A_761 = vector.shape_cast %get3A_760 : vector<1x16xf32> to vector<16xf32>
    %get3A_762 = arith.constant 6 : i32
    %get3A_763 = arith.index_cast %get3A_762 : i32 to index
    %get3A_764 = arith.constant 0 : index
    %get3A_765 = tpu.vector_load %arg8[%get3A_763, %get3A_764] {strides = array<i32>} : memref<32x160xf32, #tpu.memory_space<vmem>>, vector<1x16xf32>,
    %get3A_766 = vector.shape_cast %get3A_765 : vector<1x16xf32> to vector<16xf32>
    %mul3A_767 = arith.mulf %get3A_761, %get3A_766 : vector<16xf32>
    %get3A_768 = arith.constant 97 : i32
    %get3A_769 = arith.index_cast %get3A_768 : i32 to index
    %get3A_770 = arith.constant 0 : index
    %get3A_771 = tpu.vector_load %arg7[%get3A_769, %get3A_770] {strides = array<i32>} : memref<512x16xf32, #tpu.memory_space<vmem>>, vector<1x16xf32>,
    %get3A_772 = vector.shape_cast %get3A_771 : vector<1x16xf32> to vector<16xf32>
    %get3A_773 = arith.constant 6 : i32
    %get3A_774 = arith.index_cast %get3A_773 : i32 to index
    %get3A_775 = arith.constant 16 : index
    %get3A_776 = tpu.vector_load %arg8[%get3A_774, %get3A_775] {strides = array<i32>} : memref<32x160xf32, #tpu.memory_space<vmem>>, vector<1x16xf32>,
    %get3A_777 = vector.shape_cast %get3A_776 : vector<1x16xf32> to vector<16xf32>
    %mul3A_778 = arith.mulf %get3A_772, %get3A_777 : vector<16xf32>
    %add3A_779 = arith.addf %mul3A_767, %mul3A_778 : vector<16xf32>
    %get3A_780 = arith.constant 98 : i32
    %get3A_781 = arith.index_cast %get3A_780 : i32 to index
    %get3A_782 = arith.constant 0 : index
    %get3A_783 = tpu.vector_load %arg7[%get3A_781, %get3A_782] {strides = array<i32>} : memref<512x16xf32, #tpu.memory_space<vmem>>, vector<1x16xf32>,
    %get3A_784 = vector.shape_cast %get3A_783 : vector<1x16xf32> to vector<16xf32>
    %get3A_785 = arith.constant 6 : i32
    %get3A_786 = arith.index_cast %get3A_785 : i32 to index
    %get3A_787 = arith.constant 32 : index
    %get3A_788 = tpu.vector_load %arg8[%get3A_786, %get3A_787] {strides = array<i32>} : memref<32x160xf32, #tpu.memory_space<vmem>>, vector<1x16xf32>,
    %get3A_789 = vector.shape_cast %get3A_788 : vector<1x16xf32> to vector<16xf32>
    %mul3A_790 = arith.mulf %get3A_784, %get3A_789 : vector<16xf32>
    %add3A_791 = arith.addf %add3A_779, %mul3A_790 : vector<16xf32>
    %get3A_792 = arith.constant 99 : i32
    %get3A_793 = arith.index_cast %get3A_792 : i32 to index
    %get3A_794 = arith.constant 0 : index
    %get3A_795 = tpu.vector_load %arg7[%get3A_793, %get3A_794] {strides = array<i32>} : memref<512x16xf32, #tpu.memory_space<vmem>>, vector<1x16xf32>,
    %get3A_796 = vector.shape_cast %get3A_795 : vector<1x16xf32> to vector<16xf32>
    %get3A_797 = arith.constant 6 : i32
    %get3A_798 = arith.index_cast %get3A_797 : i32 to index
    %get3A_799 = arith.constant 48 : index
    %get3A_800 = tpu.vector_load %arg8[%get3A_798, %get3A_799] {strides = array<i32>} : memref<32x160xf32, #tpu.memory_space<vmem>>, vector<1x16xf32>,
    %get3A_801 = vector.shape_cast %get3A_800 : vector<1x16xf32> to vector<16xf32>
    %mul3A_802 = arith.mulf %get3A_796, %get3A_801 : vector<16xf32>
    %add3A_803 = arith.addf %add3A_791, %mul3A_802 : vector<16xf32>
    %get3A_804 = arith.constant 100 : i32
    %get3A_805 = arith.index_cast %get3A_804 : i32 to index
    %get3A_806 = arith.constant 0 : index
    %get3A_807 = tpu.vector_load %arg7[%get3A_805, %get3A_806] {strides = array<i32>} : memref<512x16xf32, #tpu.memory_space<vmem>>, vector<1x16xf32>,
    %get3A_808 = vector.shape_cast %get3A_807 : vector<1x16xf32> to vector<16xf32>
    %get3A_809 = arith.constant 6 : i32
    %get3A_810 = arith.index_cast %get3A_809 : i32 to index
    %get3A_811 = arith.constant 64 : index
    %get3A_812 = tpu.vector_load %arg8[%get3A_810, %get3A_811] {strides = array<i32>} : memref<32x160xf32, #tpu.memory_space<vmem>>, vector<1x16xf32>,
    %get3A_813 = vector.shape_cast %get3A_812 : vector<1x16xf32> to vector<16xf32>
    %mul3A_814 = arith.mulf %get3A_808, %get3A_813 : vector<16xf32>
    %add3A_815 = arith.addf %add3A_803, %mul3A_814 : vector<16xf32>
    %get3A_816 = arith.constant 101 : i32
    %get3A_817 = arith.index_cast %get3A_816 : i32 to index
    %get3A_818 = arith.constant 0 : index
    %get3A_819 = tpu.vector_load %arg7[%get3A_817, %get3A_818] {strides = array<i32>} : memref<512x16xf32, #tpu.memory_space<vmem>>, vector<1x16xf32>,
    %get3A_820 = vector.shape_cast %get3A_819 : vector<1x16xf32> to vector<16xf32>
    %get3A_821 = arith.constant 6 : i32
    %get3A_822 = arith.index_cast %get3A_821 : i32 to index
    %get3A_823 = arith.constant 80 : index
    %get3A_824 = tpu.vector_load %arg8[%get3A_822, %get3A_823] {strides = array<i32>} : memref<32x160xf32, #tpu.memory_space<vmem>>, vector<1x16xf32>,
    %get3A_825 = vector.shape_cast %get3A_824 : vector<1x16xf32> to vector<16xf32>
    %mul3A_826 = arith.mulf %get3A_820, %get3A_825 : vector<16xf32>
    %add3A_827 = arith.addf %add3A_815, %mul3A_826 : vector<16xf32>
    %get3A_828 = arith.constant 102 : i32
    %get3A_829 = arith.index_cast %get3A_828 : i32 to index
    %get3A_830 = arith.constant 0 : index
    %get3A_831 = tpu.vector_load %arg7[%get3A_829, %get3A_830] {strides = array<i32>} : memref<512x16xf32, #tpu.memory_space<vmem>>, vector<1x16xf32>,
    %get3A_832 = vector.shape_cast %get3A_831 : vector<1x16xf32> to vector<16xf32>
    %get3A_833 = arith.constant 6 : i32
    %get3A_834 = arith.index_cast %get3A_833 : i32 to index
    %get3A_835 = arith.constant 96 : index
    %get3A_836 = tpu.vector_load %arg8[%get3A_834, %get3A_835] {strides = array<i32>} : memref<32x160xf32, #tpu.memory_space<vmem>>, vector<1x16xf32>,
    %get3A_837 = vector.shape_cast %get3A_836 : vector<1x16xf32> to vector<16xf32>
    %mul3A_838 = arith.mulf %get3A_832, %get3A_837 : vector<16xf32>
    %add3A_839 = arith.addf %add3A_827, %mul3A_838 : vector<16xf32>
    %get3A_840 = arith.constant 103 : i32
    %get3A_841 = arith.index_cast %get3A_840 : i32 to index
    %get3A_842 = arith.constant 0 : index
    %get3A_843 = tpu.vector_load %arg7[%get3A_841, %get3A_842] {strides = array<i32>} : memref<512x16xf32, #tpu.memory_space<vmem>>, vector<1x16xf32>,
    %get3A_844 = vector.shape_cast %get3A_843 : vector<1x16xf32> to vector<16xf32>
    %get3A_845 = arith.constant 6 : i32
    %get3A_846 = arith.index_cast %get3A_845 : i32 to index
    %get3A_847 = arith.constant 112 : index
    %get3A_848 = tpu.vector_load %arg8[%get3A_846, %get3A_847] {strides = array<i32>} : memref<32x160xf32, #tpu.memory_space<vmem>>, vector<1x16xf32>,
    %get3A_849 = vector.shape_cast %get3A_848 : vector<1x16xf32> to vector<16xf32>
    %mul3A_850 = arith.mulf %get3A_844, %get3A_849 : vector<16xf32>
    %add3A_851 = arith.addf %add3A_839, %mul3A_850 : vector<16xf32>
    %get3A_852 = arith.constant 104 : i32
    %get3A_853 = arith.index_cast %get3A_852 : i32 to index
    %get3A_854 = arith.constant 0 : index
    %get3A_855 = tpu.vector_load %arg7[%get3A_853, %get3A_854] {strides = array<i32>} : memref<512x16xf32, #tpu.memory_space<vmem>>, vector<1x16xf32>,
    %get3A_856 = vector.shape_cast %get3A_855 : vector<1x16xf32> to vector<16xf32>
    %get3A_857 = arith.constant 6 : i32
    %get3A_858 = arith.index_cast %get3A_857 : i32 to index
    %get3A_859 = arith.constant 128 : index
    %get3A_860 = tpu.vector_load %arg8[%get3A_858, %get3A_859] {strides = array<i32>} : memref<32x160xf32, #tpu.memory_space<vmem>>, vector<1x16xf32>,
    %get3A_861 = vector.shape_cast %get3A_860 : vector<1x16xf32> to vector<16xf32>
    %mul3A_862 = arith.mulf %get3A_856, %get3A_861 : vector<16xf32>
    %add3A_863 = arith.addf %add3A_851, %mul3A_862 : vector<16xf32>
    %get3A_864 = arith.constant 105 : i32
    %get3A_865 = arith.index_cast %get3A_864 : i32 to index
    %get3A_866 = arith.constant 0 : index
    %get3A_867 = tpu.vector_load %arg7[%get3A_865, %get3A_866] {strides = array<i32>} : memref<512x16xf32, #tpu.memory_space<vmem>>, vector<1x16xf32>,
    %get3A_868 = vector.shape_cast %get3A_867 : vector<1x16xf32> to vector<16xf32>
    %get3A_869 = arith.constant 6 : i32
    %get3A_870 = arith.index_cast %get3A_869 : i32 to index
    %get3A_871 = arith.constant 144 : index
    %get3A_872 = tpu.vector_load %arg8[%get3A_870, %get3A_871] {strides = array<i32>} : memref<32x160xf32, #tpu.memory_space<vmem>>, vector<1x16xf32>,
    %get3A_873 = vector.shape_cast %get3A_872 : vector<1x16xf32> to vector<16xf32>
    %mul3A_874 = arith.mulf %get3A_868, %get3A_873 : vector<16xf32>
    %add3A_875 = arith.addf %add3A_863, %mul3A_874 : vector<16xf32>
    %swap3A_876 = arith.constant 6 : i32
    %swap3A_877 = arith.index_cast %swap3A_876 : i32 to index
    %swap3A_878 = arith.constant 0 : index
    %swap3A_879 = tpu.vector_load %arg9[%swap3A_877, %swap3A_878] {strides = array<i32>} : memref<32x16xf32, #tpu.memory_space<vmem>>, vector<1x16xf32>,
    %swap3A_880 = vector.shape_cast %swap3A_879 : vector<1x16xf32> to vector<16xf32>
    %swap3A_881 = vector.shape_cast %add3A_875 : vector<16xf32> to vector<1x16xf32>
    tpu.vector_store %arg9[%swap3A_877, %swap3A_878], %swap3A_881 {strides = array<i32>} : memref<32x16xf32, #tpu.memory_space<vmem>>, vector<1x16xf32>,
    %get3A_882 = arith.constant 112 : i32
    %get3A_883 = arith.index_cast %get3A_882 : i32 to index
    %get3A_884 = arith.constant 0 : index
    %get3A_885 = tpu.vector_load %arg7[%get3A_883, %get3A_884] {strides = array<i32>} : memref<512x16xf32, #tpu.memory_space<vmem>>, vector<1x16xf32>,
    %get3A_886 = vector.shape_cast %get3A_885 : vector<1x16xf32> to vector<16xf32>
    %get3A_887 = arith.constant 7 : i32
    %get3A_888 = arith.index_cast %get3A_887 : i32 to index
    %get3A_889 = arith.constant 0 : index
    %get3A_890 = tpu.vector_load %arg8[%get3A_888, %get3A_889] {strides = array<i32>} : memref<32x160xf32, #tpu.memory_space<vmem>>, vector<1x16xf32>,
    %get3A_891 = vector.shape_cast %get3A_890 : vector<1x16xf32> to vector<16xf32>
    %mul3A_892 = arith.mulf %get3A_886, %get3A_891 : vector<16xf32>
    %get3A_893 = arith.constant 113 : i32
    %get3A_894 = arith.index_cast %get3A_893 : i32 to index
    %get3A_895 = arith.constant 0 : index
    %get3A_896 = tpu.vector_load %arg7[%get3A_894, %get3A_895] {strides = array<i32>} : memref<512x16xf32, #tpu.memory_space<vmem>>, vector<1x16xf32>,
    %get3A_897 = vector.shape_cast %get3A_896 : vector<1x16xf32> to vector<16xf32>
    %get3A_898 = arith.constant 7 : i32
    %get3A_899 = arith.index_cast %get3A_898 : i32 to index
    %get3A_900 = arith.constant 16 : index
    %get3A_901 = tpu.vector_load %arg8[%get3A_899, %get3A_900] {strides = array<i32>} : memref<32x160xf32, #tpu.memory_space<vmem>>, vector<1x16xf32>,
    %get3A_902 = vector.shape_cast %get3A_901 : vector<1x16xf32> to vector<16xf32>
    %mul3A_903 = arith.mulf %get3A_897, %get3A_902 : vector<16xf32>
    %add3A_904 = arith.addf %mul3A_892, %mul3A_903 : vector<16xf32>
    %get3A_905 = arith.constant 114 : i32
    %get3A_906 = arith.index_cast %get3A_905 : i32 to index
    %get3A_907 = arith.constant 0 : index
    %get3A_908 = tpu.vector_load %arg7[%get3A_906, %get3A_907] {strides = array<i32>} : memref<512x16xf32, #tpu.memory_space<vmem>>, vector<1x16xf32>,
    %get3A_909 = vector.shape_cast %get3A_908 : vector<1x16xf32> to vector<16xf32>
    %get3A_910 = arith.constant 7 : i32
    %get3A_911 = arith.index_cast %get3A_910 : i32 to index
    %get3A_912 = arith.constant 32 : index
    %get3A_913 = tpu.vector_load %arg8[%get3A_911, %get3A_912] {strides = array<i32>} : memref<32x160xf32, #tpu.memory_space<vmem>>, vector<1x16xf32>,
    %get3A_914 = vector.shape_cast %get3A_913 : vector<1x16xf32> to vector<16xf32>
    %mul3A_915 = arith.mulf %get3A_909, %get3A_914 : vector<16xf32>
    %add3A_916 = arith.addf %add3A_904, %mul3A_915 : vector<16xf32>
    %get3A_917 = arith.constant 115 : i32
    %get3A_918 = arith.index_cast %get3A_917 : i32 to index
    %get3A_919 = arith.constant 0 : index
    %get3A_920 = tpu.vector_load %arg7[%get3A_918, %get3A_919] {strides = array<i32>} : memref<512x16xf32, #tpu.memory_space<vmem>>, vector<1x16xf32>,
    %get3A_921 = vector.shape_cast %get3A_920 : vector<1x16xf32> to vector<16xf32>
    %get3A_922 = arith.constant 7 : i32
    %get3A_923 = arith.index_cast %get3A_922 : i32 to index
    %get3A_924 = arith.constant 48 : index
    %get3A_925 = tpu.vector_load %arg8[%get3A_923, %get3A_924] {strides = array<i32>} : memref<32x160xf32, #tpu.memory_space<vmem>>, vector<1x16xf32>,
    %get3A_926 = vector.shape_cast %get3A_925 : vector<1x16xf32> to vector<16xf32>
    %mul3A_927 = arith.mulf %get3A_921, %get3A_926 : vector<16xf32>
    %add3A_928 = arith.addf %add3A_916, %mul3A_927 : vector<16xf32>
    %get3A_929 = arith.constant 116 : i32
    %get3A_930 = arith.index_cast %get3A_929 : i32 to index
    %get3A_931 = arith.constant 0 : index
    %get3A_932 = tpu.vector_load %arg7[%get3A_930, %get3A_931] {strides = array<i32>} : memref<512x16xf32, #tpu.memory_space<vmem>>, vector<1x16xf32>,
    %get3A_933 = vector.shape_cast %get3A_932 : vector<1x16xf32> to vector<16xf32>
    %get3A_934 = arith.constant 7 : i32
    %get3A_935 = arith.index_cast %get3A_934 : i32 to index
    %get3A_936 = arith.constant 64 : index
    %get3A_937 = tpu.vector_load %arg8[%get3A_935, %get3A_936] {strides = array<i32>} : memref<32x160xf32, #tpu.memory_space<vmem>>, vector<1x16xf32>,
    %get3A_938 = vector.shape_cast %get3A_937 : vector<1x16xf32> to vector<16xf32>
    %mul3A_939 = arith.mulf %get3A_933, %get3A_938 : vector<16xf32>
    %add3A_940 = arith.addf %add3A_928, %mul3A_939 : vector<16xf32>
    %get3A_941 = arith.constant 117 : i32
    %get3A_942 = arith.index_cast %get3A_941 : i32 to index
    %get3A_943 = arith.constant 0 : index
    %get3A_944 = tpu.vector_load %arg7[%get3A_942, %get3A_943] {strides = array<i32>} : memref<512x16xf32, #tpu.memory_space<vmem>>, vector<1x16xf32>,
    %get3A_945 = vector.shape_cast %get3A_944 : vector<1x16xf32> to vector<16xf32>
    %get3A_946 = arith.constant 7 : i32
    %get3A_947 = arith.index_cast %get3A_946 : i32 to index
    %get3A_948 = arith.constant 80 : index
    %get3A_949 = tpu.vector_load %arg8[%get3A_947, %get3A_948] {strides = array<i32>} : memref<32x160xf32, #tpu.memory_space<vmem>>, vector<1x16xf32>,
    %get3A_950 = vector.shape_cast %get3A_949 : vector<1x16xf32> to vector<16xf32>
    %mul3A_951 = arith.mulf %get3A_945, %get3A_950 : vector<16xf32>
    %add3A_952 = arith.addf %add3A_940, %mul3A_951 : vector<16xf32>
    %get3A_953 = arith.constant 118 : i32
    %get3A_954 = arith.index_cast %get3A_953 : i32 to index
    %get3A_955 = arith.constant 0 : index
    %get3A_956 = tpu.vector_load %arg7[%get3A_954, %get3A_955] {strides = array<i32>} : memref<512x16xf32, #tpu.memory_space<vmem>>, vector<1x16xf32>,
    %get3A_957 = vector.shape_cast %get3A_956 : vector<1x16xf32> to vector<16xf32>
    %get3A_958 = arith.constant 7 : i32
    %get3A_959 = arith.index_cast %get3A_958 : i32 to index
    %get3A_960 = arith.constant 96 : index
    %get3A_961 = tpu.vector_load %arg8[%get3A_959, %get3A_960] {strides = array<i32>} : memref<32x160xf32, #tpu.memory_space<vmem>>, vector<1x16xf32>,
    %get3A_962 = vector.shape_cast %get3A_961 : vector<1x16xf32> to vector<16xf32>
    %mul3A_963 = arith.mulf %get3A_957, %get3A_962 : vector<16xf32>
    %add3A_964 = arith.addf %add3A_952, %mul3A_963 : vector<16xf32>
    %get3A_965 = arith.constant 119 : i32
    %get3A_966 = arith.index_cast %get3A_965 : i32 to index
    %get3A_967 = arith.constant 0 : index
    %get3A_968 = tpu.vector_load %arg7[%get3A_966, %get3A_967] {strides = array<i32>} : memref<512x16xf32, #tpu.memory_space<vmem>>, vector<1x16xf32>,
    %get3A_969 = vector.shape_cast %get3A_968 : vector<1x16xf32> to vector<16xf32>
    %get3A_970 = arith.constant 7 : i32
    %get3A_971 = arith.index_cast %get3A_970 : i32 to index
    %get3A_972 = arith.constant 112 : index
    %get3A_973 = tpu.vector_load %arg8[%get3A_971, %get3A_972] {strides = array<i32>} : memref<32x160xf32, #tpu.memory_space<vmem>>, vector<1x16xf32>,
    %get3A_974 = vector.shape_cast %get3A_973 : vector<1x16xf32> to vector<16xf32>
    %mul3A_975 = arith.mulf %get3A_969, %get3A_974 : vector<16xf32>
    %add3A_976 = arith.addf %add3A_964, %mul3A_975 : vector<16xf32>
    %get3A_977 = arith.constant 120 : i32
    %get3A_978 = arith.index_cast %get3A_977 : i32 to index
    %get3A_979 = arith.constant 0 : index
    %get3A_980 = tpu.vector_load %arg7[%get3A_978, %get3A_979] {strides = array<i32>} : memref<512x16xf32, #tpu.memory_space<vmem>>, vector<1x16xf32>,
    %get3A_981 = vector.shape_cast %get3A_980 : vector<1x16xf32> to vector<16xf32>
    %get3A_982 = arith.constant 7 : i32
    %get3A_983 = arith.index_cast %get3A_982 : i32 to index
    %get3A_984 = arith.constant 128 : index
    %get3A_985 = tpu.vector_load %arg8[%get3A_983, %get3A_984] {strides = array<i32>} : memref<32x160xf32, #tpu.memory_space<vmem>>, vector<1x16xf32>,
    %get3A_986 = vector.shape_cast %get3A_985 : vector<1x16xf32> to vector<16xf32>
    %mul3A_987 = arith.mulf %get3A_981, %get3A_986 : vector<16xf32>
    %add3A_988 = arith.addf %add3A_976, %mul3A_987 : vector<16xf32>
    %get3A_989 = arith.constant 121 : i32
    %get3A_990 = arith.index_cast %get3A_989 : i32 to index
    %get3A_991 = arith.constant 0 : index
    %get3A_992 = tpu.vector_load %arg7[%get3A_990, %get3A_991] {strides = array<i32>} : memref<512x16xf32, #tpu.memory_space<vmem>>, vector<1x16xf32>,
    %get3A_993 = vector.shape_cast %get3A_992 : vector<1x16xf32> to vector<16xf32>
    %get3A_994 = arith.constant 7 : i32
    %get3A_995 = arith.index_cast %get3A_994 : i32 to index
    %get3A_996 = arith.constant 144 : index
    %get3A_997 = tpu.vector_load %arg8[%get3A_995, %get3A_996] {strides = array<i32>} : memref<32x160xf32, #tpu.memory_space<vmem>>, vector<1x16xf32>,
    %get3A_998 = vector.shape_cast %get3A_997 : vector<1x16xf32> to vector<16xf32>
    %mul3A_999 = arith.mulf %get3A_993, %get3A_998 : vector<16xf32>
    %add3A_1000 = arith.addf %add3A_988, %mul3A_999 : vector<16xf32>
    %swap3A_1001 = arith.constant 7 : i32
    %swap3A_1002 = arith.index_cast %swap3A_1001 : i32 to index
    %swap3A_1003 = arith.constant 0 : index
    %swap3A_1004 = tpu.vector_load %arg9[%swap3A_1002, %swap3A_1003] {strides = array<i32>} : memref<32x16xf32, #tpu.memory_space<vmem>>, vector<1x16xf32>,
    %swap3A_1005 = vector.shape_cast %swap3A_1004 : vector<1x16xf32> to vector<16xf32>
    %swap3A_1006 = vector.shape_cast %add3A_1000 : vector<16xf32> to vector<1x16xf32>
    tpu.vector_store %arg9[%swap3A_1002, %swap3A_1003], %swap3A_1006 {strides = array<i32>} : memref<32x16xf32, #tpu.memory_space<vmem>>, vector<1x16xf32>,
    %get3A_1007 = arith.constant 128 : i32
    %get3A_1008 = arith.index_cast %get3A_1007 : i32 to index
    %get3A_1009 = arith.constant 0 : index
    %get3A_1010 = tpu.vector_load %arg7[%get3A_1008, %get3A_1009] {strides = array<i32>} : memref<512x16xf32, #tpu.memory_space<vmem>>, vector<1x16xf32>,
    %get3A_1011 = vector.shape_cast %get3A_1010 : vector<1x16xf32> to vector<16xf32>
    %get3A_1012 = arith.constant 8 : i32
    %get3A_1013 = arith.index_cast %get3A_1012 : i32 to index
    %get3A_1014 = arith.constant 0 : index
    %get3A_1015 = tpu.vector_load %arg8[%get3A_1013, %get3A_1014] {strides = array<i32>} : memref<32x160xf32, #tpu.memory_space<vmem>>, vector<1x16xf32>,
    %get3A_1016 = vector.shape_cast %get3A_1015 : vector<1x16xf32> to vector<16xf32>
    %mul3A_1017 = arith.mulf %get3A_1011, %get3A_1016 : vector<16xf32>
    %get3A_1018 = arith.constant 129 : i32
    %get3A_1019 = arith.index_cast %get3A_1018 : i32 to index
    %get3A_1020 = arith.constant 0 : index
    %get3A_1021 = tpu.vector_load %arg7[%get3A_1019, %get3A_1020] {strides = array<i32>} : memref<512x16xf32, #tpu.memory_space<vmem>>, vector<1x16xf32>,
    %get3A_1022 = vector.shape_cast %get3A_1021 : vector<1x16xf32> to vector<16xf32>
    %get3A_1023 = arith.constant 8 : i32
    %get3A_1024 = arith.index_cast %get3A_1023 : i32 to index
    %get3A_1025 = arith.constant 16 : index
    %get3A_1026 = tpu.vector_load %arg8[%get3A_1024, %get3A_1025] {strides = array<i32>} : memref<32x160xf32, #tpu.memory_space<vmem>>, vector<1x16xf32>,
    %get3A_1027 = vector.shape_cast %get3A_1026 : vector<1x16xf32> to vector<16xf32>
    %mul3A_1028 = arith.mulf %get3A_1022, %get3A_1027 : vector<16xf32>
    %add3A_1029 = arith.addf %mul3A_1017, %mul3A_1028 : vector<16xf32>
    %get3A_1030 = arith.constant 130 : i32
    %get3A_1031 = arith.index_cast %get3A_1030 : i32 to index
    %get3A_1032 = arith.constant 0 : index
    %get3A_1033 = tpu.vector_load %arg7[%get3A_1031, %get3A_1032] {strides = array<i32>} : memref<512x16xf32, #tpu.memory_space<vmem>>, vector<1x16xf32>,
    %get3A_1034 = vector.shape_cast %get3A_1033 : vector<1x16xf32> to vector<16xf32>
    %get3A_1035 = arith.constant 8 : i32
    %get3A_1036 = arith.index_cast %get3A_1035 : i32 to index
    %get3A_1037 = arith.constant 32 : index
    %get3A_1038 = tpu.vector_load %arg8[%get3A_1036, %get3A_1037] {strides = array<i32>} : memref<32x160xf32, #tpu.memory_space<vmem>>, vector<1x16xf32>,
    %get3A_1039 = vector.shape_cast %get3A_1038 : vector<1x16xf32> to vector<16xf32>
    %mul3A_1040 = arith.mulf %get3A_1034, %get3A_1039 : vector<16xf32>
    %add3A_1041 = arith.addf %add3A_1029, %mul3A_1040 : vector<16xf32>
    %get3A_1042 = arith.constant 131 : i32
    %get3A_1043 = arith.index_cast %get3A_1042 : i32 to index
    %get3A_1044 = arith.constant 0 : index
    %get3A_1045 = tpu.vector_load %arg7[%get3A_1043, %get3A_1044] {strides = array<i32>} : memref<512x16xf32, #tpu.memory_space<vmem>>, vector<1x16xf32>,
    %get3A_1046 = vector.shape_cast %get3A_1045 : vector<1x16xf32> to vector<16xf32>
    %get3A_1047 = arith.constant 8 : i32
    %get3A_1048 = arith.index_cast %get3A_1047 : i32 to index
    %get3A_1049 = arith.constant 48 : index
    %get3A_1050 = tpu.vector_load %arg8[%get3A_1048, %get3A_1049] {strides = array<i32>} : memref<32x160xf32, #tpu.memory_space<vmem>>, vector<1x16xf32>,
    %get3A_1051 = vector.shape_cast %get3A_1050 : vector<1x16xf32> to vector<16xf32>
    %mul3A_1052 = arith.mulf %get3A_1046, %get3A_1051 : vector<16xf32>
    %add3A_1053 = arith.addf %add3A_1041, %mul3A_1052 : vector<16xf32>
    %get3A_1054 = arith.constant 132 : i32
    %get3A_1055 = arith.index_cast %get3A_1054 : i32 to index
    %get3A_1056 = arith.constant 0 : index
    %get3A_1057 = tpu.vector_load %arg7[%get3A_1055, %get3A_1056] {strides = array<i32>} : memref<512x16xf32, #tpu.memory_space<vmem>>, vector<1x16xf32>,
    %get3A_1058 = vector.shape_cast %get3A_1057 : vector<1x16xf32> to vector<16xf32>
    %get3A_1059 = arith.constant 8 : i32
    %get3A_1060 = arith.index_cast %get3A_1059 : i32 to index
    %get3A_1061 = arith.constant 64 : index
    %get3A_1062 = tpu.vector_load %arg8[%get3A_1060, %get3A_1061] {strides = array<i32>} : memref<32x160xf32, #tpu.memory_space<vmem>>, vector<1x16xf32>,
    %get3A_1063 = vector.shape_cast %get3A_1062 : vector<1x16xf32> to vector<16xf32>
    %mul3A_1064 = arith.mulf %get3A_1058, %get3A_1063 : vector<16xf32>
    %add3A_1065 = arith.addf %add3A_1053, %mul3A_1064 : vector<16xf32>
    %get3A_1066 = arith.constant 133 : i32
    %get3A_1067 = arith.index_cast %get3A_1066 : i32 to index
    %get3A_1068 = arith.constant 0 : index
    %get3A_1069 = tpu.vector_load %arg7[%get3A_1067, %get3A_1068] {strides = array<i32>} : memref<512x16xf32, #tpu.memory_space<vmem>>, vector<1x16xf32>,
    %get3A_1070 = vector.shape_cast %get3A_1069 : vector<1x16xf32> to vector<16xf32>
    %get3A_1071 = arith.constant 8 : i32
    %get3A_1072 = arith.index_cast %get3A_1071 : i32 to index
    %get3A_1073 = arith.constant 80 : index
    %get3A_1074 = tpu.vector_load %arg8[%get3A_1072, %get3A_1073] {strides = array<i32>} : memref<32x160xf32, #tpu.memory_space<vmem>>, vector<1x16xf32>,
    %get3A_1075 = vector.shape_cast %get3A_1074 : vector<1x16xf32> to vector<16xf32>
    %mul3A_1076 = arith.mulf %get3A_1070, %get3A_1075 : vector<16xf32>
    %add3A_1077 = arith.addf %add3A_1065, %mul3A_1076 : vector<16xf32>
    %get3A_1078 = arith.constant 134 : i32
    %get3A_1079 = arith.index_cast %get3A_1078 : i32 to index
    %get3A_1080 = arith.constant 0 : index
    %get3A_1081 = tpu.vector_load %arg7[%get3A_1079, %get3A_1080] {strides = array<i32>} : memref<512x16xf32, #tpu.memory_space<vmem>>, vector<1x16xf32>,
    %get3A_1082 = vector.shape_cast %get3A_1081 : vector<1x16xf32> to vector<16xf32>
    %get3A_1083 = arith.constant 8 : i32
    %get3A_1084 = arith.index_cast %get3A_1083 : i32 to index
    %get3A_1085 = arith.constant 96 : index
    %get3A_1086 = tpu.vector_load %arg8[%get3A_1084, %get3A_1085] {strides = array<i32>} : memref<32x160xf32, #tpu.memory_space<vmem>>, vector<1x16xf32>,
    %get3A_1087 = vector.shape_cast %get3A_1086 : vector<1x16xf32> to vector<16xf32>
    %mul3A_1088 = arith.mulf %get3A_1082, %get3A_1087 : vector<16xf32>
    %add3A_1089 = arith.addf %add3A_1077, %mul3A_1088 : vector<16xf32>
    %get3A_1090 = arith.constant 135 : i32
    %get3A_1091 = arith.index_cast %get3A_1090 : i32 to index
    %get3A_1092 = arith.constant 0 : index
    %get3A_1093 = tpu.vector_load %arg7[%get3A_1091, %get3A_1092] {strides = array<i32>} : memref<512x16xf32, #tpu.memory_space<vmem>>, vector<1x16xf32>,
    %get3A_1094 = vector.shape_cast %get3A_1093 : vector<1x16xf32> to vector<16xf32>
    %get3A_1095 = arith.constant 8 : i32
    %get3A_1096 = arith.index_cast %get3A_1095 : i32 to index
    %get3A_1097 = arith.constant 112 : index
    %get3A_1098 = tpu.vector_load %arg8[%get3A_1096, %get3A_1097] {strides = array<i32>} : memref<32x160xf32, #tpu.memory_space<vmem>>, vector<1x16xf32>,
    %get3A_1099 = vector.shape_cast %get3A_1098 : vector<1x16xf32> to vector<16xf32>
    %mul3A_1100 = arith.mulf %get3A_1094, %get3A_1099 : vector<16xf32>
    %add3A_1101 = arith.addf %add3A_1089, %mul3A_1100 : vector<16xf32>
    %get3A_1102 = arith.constant 136 : i32
    %get3A_1103 = arith.index_cast %get3A_1102 : i32 to index
    %get3A_1104 = arith.constant 0 : index
    %get3A_1105 = tpu.vector_load %arg7[%get3A_1103, %get3A_1104] {strides = array<i32>} : memref<512x16xf32, #tpu.memory_space<vmem>>, vector<1x16xf32>,
    %get3A_1106 = vector.shape_cast %get3A_1105 : vector<1x16xf32> to vector<16xf32>
    %get3A_1107 = arith.constant 8 : i32
    %get3A_1108 = arith.index_cast %get3A_1107 : i32 to index
    %get3A_1109 = arith.constant 128 : index
    %get3A_1110 = tpu.vector_load %arg8[%get3A_1108, %get3A_1109] {strides = array<i32>} : memref<32x160xf32, #tpu.memory_space<vmem>>, vector<1x16xf32>,
    %get3A_1111 = vector.shape_cast %get3A_1110 : vector<1x16xf32> to vector<16xf32>
    %mul3A_1112 = arith.mulf %get3A_1106, %get3A_1111 : vector<16xf32>
    %add3A_1113 = arith.addf %add3A_1101, %mul3A_1112 : vector<16xf32>
    %get3A_1114 = arith.constant 137 : i32
    %get3A_1115 = arith.index_cast %get3A_1114 : i32 to index
    %get3A_1116 = arith.constant 0 : index
    %get3A_1117 = tpu.vector_load %arg7[%get3A_1115, %get3A_1116] {strides = array<i32>} : memref<512x16xf32, #tpu.memory_space<vmem>>, vector<1x16xf32>,
    %get3A_1118 = vector.shape_cast %get3A_1117 : vector<1x16xf32> to vector<16xf32>
    %get3A_1119 = arith.constant 8 : i32
    %get3A_1120 = arith.index_cast %get3A_1119 : i32 to index
    %get3A_1121 = arith.constant 144 : index
    %get3A_1122 = tpu.vector_load %arg8[%get3A_1120, %get3A_1121] {strides = array<i32>} : memref<32x160xf32, #tpu.memory_space<vmem>>, vector<1x16xf32>,
    %get3A_1123 = vector.shape_cast %get3A_1122 : vector<1x16xf32> to vector<16xf32>
    %mul3A_1124 = arith.mulf %get3A_1118, %get3A_1123 : vector<16xf32>
    %add3A_1125 = arith.addf %add3A_1113, %mul3A_1124 : vector<16xf32>
    %swap3A_1126 = arith.constant 8 : i32
    %swap3A_1127 = arith.index_cast %swap3A_1126 : i32 to index
    %swap3A_1128 = arith.constant 0 : index
    %swap3A_1129 = tpu.vector_load %arg9[%swap3A_1127, %swap3A_1128] {strides = array<i32>} : memref<32x16xf32, #tpu.memory_space<vmem>>, vector<1x16xf32>,
    %swap3A_1130 = vector.shape_cast %swap3A_1129 : vector<1x16xf32> to vector<16xf32>
    %swap3A_1131 = vector.shape_cast %add3A_1125 : vector<16xf32> to vector<1x16xf32>
    tpu.vector_store %arg9[%swap3A_1127, %swap3A_1128], %swap3A_1131 {strides = array<i32>} : memref<32x16xf32, #tpu.memory_space<vmem>>, vector<1x16xf32>,
    %get3A_1132 = arith.constant 144 : i32
    %get3A_1133 = arith.index_cast %get3A_1132 : i32 to index
    %get3A_1134 = arith.constant 0 : index
    %get3A_1135 = tpu.vector_load %arg7[%get3A_1133, %get3A_1134] {strides = array<i32>} : memref<512x16xf32, #tpu.memory_space<vmem>>, vector<1x16xf32>,
    %get3A_1136 = vector.shape_cast %get3A_1135 : vector<1x16xf32> to vector<16xf32>
    %get3A_1137 = arith.constant 9 : i32
    %get3A_1138 = arith.index_cast %get3A_1137 : i32 to index
    %get3A_1139 = arith.constant 0 : index
    %get3A_1140 = tpu.vector_load %arg8[%get3A_1138, %get3A_1139] {strides = array<i32>} : memref<32x160xf32, #tpu.memory_space<vmem>>, vector<1x16xf32>,
    %get3A_1141 = vector.shape_cast %get3A_1140 : vector<1x16xf32> to vector<16xf32>
    %mul3A_1142 = arith.mulf %get3A_1136, %get3A_1141 : vector<16xf32>
    %get3A_1143 = arith.constant 145 : i32
    %get3A_1144 = arith.index_cast %get3A_1143 : i32 to index
    %get3A_1145 = arith.constant 0 : index
    %get3A_1146 = tpu.vector_load %arg7[%get3A_1144, %get3A_1145] {strides = array<i32>} : memref<512x16xf32, #tpu.memory_space<vmem>>, vector<1x16xf32>,
    %get3A_1147 = vector.shape_cast %get3A_1146 : vector<1x16xf32> to vector<16xf32>
    %get3A_1148 = arith.constant 9 : i32
    %get3A_1149 = arith.index_cast %get3A_1148 : i32 to index
    %get3A_1150 = arith.constant 16 : index
    %get3A_1151 = tpu.vector_load %arg8[%get3A_1149, %get3A_1150] {strides = array<i32>} : memref<32x160xf32, #tpu.memory_space<vmem>>, vector<1x16xf32>,
    %get3A_1152 = vector.shape_cast %get3A_1151 : vector<1x16xf32> to vector<16xf32>
    %mul3A_1153 = arith.mulf %get3A_1147, %get3A_1152 : vector<16xf32>
    %add3A_1154 = arith.addf %mul3A_1142, %mul3A_1153 : vector<16xf32>
    %get3A_1155 = arith.constant 146 : i32
    %get3A_1156 = arith.index_cast %get3A_1155 : i32 to index
    %get3A_1157 = arith.constant 0 : index
    %get3A_1158 = tpu.vector_load %arg7[%get3A_1156, %get3A_1157] {strides = array<i32>} : memref<512x16xf32, #tpu.memory_space<vmem>>, vector<1x16xf32>,
    %get3A_1159 = vector.shape_cast %get3A_1158 : vector<1x16xf32> to vector<16xf32>
    %get3A_1160 = arith.constant 9 : i32
    %get3A_1161 = arith.index_cast %get3A_1160 : i32 to index
    %get3A_1162 = arith.constant 32 : index
    %get3A_1163 = tpu.vector_load %arg8[%get3A_1161, %get3A_1162] {strides = array<i32>} : memref<32x160xf32, #tpu.memory_space<vmem>>, vector<1x16xf32>,
    %get3A_1164 = vector.shape_cast %get3A_1163 : vector<1x16xf32> to vector<16xf32>
    %mul3A_1165 = arith.mulf %get3A_1159, %get3A_1164 : vector<16xf32>
    %add3A_1166 = arith.addf %add3A_1154, %mul3A_1165 : vector<16xf32>
    %get3A_1167 = arith.constant 147 : i32
    %get3A_1168 = arith.index_cast %get3A_1167 : i32 to index
    %get3A_1169 = arith.constant 0 : index
    %get3A_1170 = tpu.vector_load %arg7[%get3A_1168, %get3A_1169] {strides = array<i32>} : memref<512x16xf32, #tpu.memory_space<vmem>>, vector<1x16xf32>,
    %get3A_1171 = vector.shape_cast %get3A_1170 : vector<1x16xf32> to vector<16xf32>
    %get3A_1172 = arith.constant 9 : i32
    %get3A_1173 = arith.index_cast %get3A_1172 : i32 to index
    %get3A_1174 = arith.constant 48 : index
    %get3A_1175 = tpu.vector_load %arg8[%get3A_1173, %get3A_1174] {strides = array<i32>} : memref<32x160xf32, #tpu.memory_space<vmem>>, vector<1x16xf32>,
    %get3A_1176 = vector.shape_cast %get3A_1175 : vector<1x16xf32> to vector<16xf32>
    %mul3A_1177 = arith.mulf %get3A_1171, %get3A_1176 : vector<16xf32>
    %add3A_1178 = arith.addf %add3A_1166, %mul3A_1177 : vector<16xf32>
    %get3A_1179 = arith.constant 148 : i32
    %get3A_1180 = arith.index_cast %get3A_1179 : i32 to index
    %get3A_1181 = arith.constant 0 : index
    %get3A_1182 = tpu.vector_load %arg7[%get3A_1180, %get3A_1181] {strides = array<i32>} : memref<512x16xf32, #tpu.memory_space<vmem>>, vector<1x16xf32>,
    %get3A_1183 = vector.shape_cast %get3A_1182 : vector<1x16xf32> to vector<16xf32>
    %get3A_1184 = arith.constant 9 : i32
    %get3A_1185 = arith.index_cast %get3A_1184 : i32 to index
    %get3A_1186 = arith.constant 64 : index
    %get3A_1187 = tpu.vector_load %arg8[%get3A_1185, %get3A_1186] {strides = array<i32>} : memref<32x160xf32, #tpu.memory_space<vmem>>, vector<1x16xf32>,
    %get3A_1188 = vector.shape_cast %get3A_1187 : vector<1x16xf32> to vector<16xf32>
    %mul3A_1189 = arith.mulf %get3A_1183, %get3A_1188 : vector<16xf32>
    %add3A_1190 = arith.addf %add3A_1178, %mul3A_1189 : vector<16xf32>
    %get3A_1191 = arith.constant 149 : i32
    %get3A_1192 = arith.index_cast %get3A_1191 : i32 to index
    %get3A_1193 = arith.constant 0 : index
    %get3A_1194 = tpu.vector_load %arg7[%get3A_1192, %get3A_1193] {strides = array<i32>} : memref<512x16xf32, #tpu.memory_space<vmem>>, vector<1x16xf32>,
    %get3A_1195 = vector.shape_cast %get3A_1194 : vector<1x16xf32> to vector<16xf32>
    %get3A_1196 = arith.constant 9 : i32
    %get3A_1197 = arith.index_cast %get3A_1196 : i32 to index
    %get3A_1198 = arith.constant 80 : index
    %get3A_1199 = tpu.vector_load %arg8[%get3A_1197, %get3A_1198] {strides = array<i32>} : memref<32x160xf32, #tpu.memory_space<vmem>>, vector<1x16xf32>,
    %get3A_1200 = vector.shape_cast %get3A_1199 : vector<1x16xf32> to vector<16xf32>
    %mul3A_1201 = arith.mulf %get3A_1195, %get3A_1200 : vector<16xf32>
    %add3A_1202 = arith.addf %add3A_1190, %mul3A_1201 : vector<16xf32>
    %get3A_1203 = arith.constant 150 : i32
    %get3A_1204 = arith.index_cast %get3A_1203 : i32 to index
    %get3A_1205 = arith.constant 0 : index
    %get3A_1206 = tpu.vector_load %arg7[%get3A_1204, %get3A_1205] {strides = array<i32>} : memref<512x16xf32, #tpu.memory_space<vmem>>, vector<1x16xf32>,
    %get3A_1207 = vector.shape_cast %get3A_1206 : vector<1x16xf32> to vector<16xf32>
    %get3A_1208 = arith.constant 9 : i32
    %get3A_1209 = arith.index_cast %get3A_1208 : i32 to index
    %get3A_1210 = arith.constant 96 : index
    %get3A_1211 = tpu.vector_load %arg8[%get3A_1209, %get3A_1210] {strides = array<i32>} : memref<32x160xf32, #tpu.memory_space<vmem>>, vector<1x16xf32>,
    %get3A_1212 = vector.shape_cast %get3A_1211 : vector<1x16xf32> to vector<16xf32>
    %mul3A_1213 = arith.mulf %get3A_1207, %get3A_1212 : vector<16xf32>
    %add3A_1214 = arith.addf %add3A_1202, %mul3A_1213 : vector<16xf32>
    %get3A_1215 = arith.constant 151 : i32
    %get3A_1216 = arith.index_cast %get3A_1215 : i32 to index
    %get3A_1217 = arith.constant 0 : index
    %get3A_1218 = tpu.vector_load %arg7[%get3A_1216, %get3A_1217] {strides = array<i32>} : memref<512x16xf32, #tpu.memory_space<vmem>>, vector<1x16xf32>,
    %get3A_1219 = vector.shape_cast %get3A_1218 : vector<1x16xf32> to vector<16xf32>
    %get3A_1220 = arith.constant 9 : i32
    %get3A_1221 = arith.index_cast %get3A_1220 : i32 to index
    %get3A_1222 = arith.constant 112 : index
    %get3A_1223 = tpu.vector_load %arg8[%get3A_1221, %get3A_1222] {strides = array<i32>} : memref<32x160xf32, #tpu.memory_space<vmem>>, vector<1x16xf32>,
    %get3A_1224 = vector.shape_cast %get3A_1223 : vector<1x16xf32> to vector<16xf32>
    %mul3A_1225 = arith.mulf %get3A_1219, %get3A_1224 : vector<16xf32>
    %add3A_1226 = arith.addf %add3A_1214, %mul3A_1225 : vector<16xf32>
    %get3A_1227 = arith.constant 152 : i32
    %get3A_1228 = arith.index_cast %get3A_1227 : i32 to index
    %get3A_1229 = arith.constant 0 : index
    %get3A_1230 = tpu.vector_load %arg7[%get3A_1228, %get3A_1229] {strides = array<i32>} : memref<512x16xf32, #tpu.memory_space<vmem>>, vector<1x16xf32>,
    %get3A_1231 = vector.shape_cast %get3A_1230 : vector<1x16xf32> to vector<16xf32>
    %get3A_1232 = arith.constant 9 : i32
    %get3A_1233 = arith.index_cast %get3A_1232 : i32 to index
    %get3A_1234 = arith.constant 128 : index
    %get3A_1235 = tpu.vector_load %arg8[%get3A_1233, %get3A_1234] {strides = array<i32>} : memref<32x160xf32, #tpu.memory_space<vmem>>, vector<1x16xf32>,
    %get3A_1236 = vector.shape_cast %get3A_1235 : vector<1x16xf32> to vector<16xf32>
    %mul3A_1237 = arith.mulf %get3A_1231, %get3A_1236 : vector<16xf32>
    %add3A_1238 = arith.addf %add3A_1226, %mul3A_1237 : vector<16xf32>
    %get3A_1239 = arith.constant 153 : i32
    %get3A_1240 = arith.index_cast %get3A_1239 : i32 to index
    %get3A_1241 = arith.constant 0 : index
    %get3A_1242 = tpu.vector_load %arg7[%get3A_1240, %get3A_1241] {strides = array<i32>} : memref<512x16xf32, #tpu.memory_space<vmem>>, vector<1x16xf32>,
    %get3A_1243 = vector.shape_cast %get3A_1242 : vector<1x16xf32> to vector<16xf32>
    %get3A_1244 = arith.constant 9 : i32
    %get3A_1245 = arith.index_cast %get3A_1244 : i32 to index
    %get3A_1246 = arith.constant 144 : index
    %get3A_1247 = tpu.vector_load %arg8[%get3A_1245, %get3A_1246] {strides = array<i32>} : memref<32x160xf32, #tpu.memory_space<vmem>>, vector<1x16xf32>,
    %get3A_1248 = vector.shape_cast %get3A_1247 : vector<1x16xf32> to vector<16xf32>
    %mul3A_1249 = arith.mulf %get3A_1243, %get3A_1248 : vector<16xf32>
    %add3A_1250 = arith.addf %add3A_1238, %mul3A_1249 : vector<16xf32>
    %swap3A_1251 = arith.constant 9 : i32
    %swap3A_1252 = arith.index_cast %swap3A_1251 : i32 to index
    %swap3A_1253 = arith.constant 0 : index
    %swap3A_1254 = tpu.vector_load %arg9[%swap3A_1252, %swap3A_1253] {strides = array<i32>} : memref<32x16xf32, #tpu.memory_space<vmem>>, vector<1x16xf32>,
    %swap3A_1255 = vector.shape_cast %swap3A_1254 : vector<1x16xf32> to vector<16xf32>
    %swap3A_1256 = vector.shape_cast %add3A_1250 : vector<16xf32> to vector<1x16xf32>
    tpu.vector_store %arg9[%swap3A_1252, %swap3A_1253], %swap3A_1256 {strides = array<i32>} : memref<32x16xf32, #tpu.memory_space<vmem>>, vector<1x16xf32>,
    %get3A_1257 = arith.constant 160 : i32
    %get3A_1258 = arith.index_cast %get3A_1257 : i32 to index
    %get3A_1259 = arith.constant 0 : index
    %get3A_1260 = tpu.vector_load %arg7[%get3A_1258, %get3A_1259] {strides = array<i32>} : memref<512x16xf32, #tpu.memory_space<vmem>>, vector<1x16xf32>,
    %get3A_1261 = vector.shape_cast %get3A_1260 : vector<1x16xf32> to vector<16xf32>
    %get3A_1262 = arith.constant 10 : i32
    %get3A_1263 = arith.index_cast %get3A_1262 : i32 to index
    %get3A_1264 = arith.constant 0 : index
    %get3A_1265 = tpu.vector_load %arg8[%get3A_1263, %get3A_1264] {strides = array<i32>} : memref<32x160xf32, #tpu.memory_space<vmem>>, vector<1x16xf32>,
    %get3A_1266 = vector.shape_cast %get3A_1265 : vector<1x16xf32> to vector<16xf32>
    %mul3A_1267 = arith.mulf %get3A_1261, %get3A_1266 : vector<16xf32>
    %get3A_1268 = arith.constant 161 : i32
    %get3A_1269 = arith.index_cast %get3A_1268 : i32 to index
    %get3A_1270 = arith.constant 0 : index
    %get3A_1271 = tpu.vector_load %arg7[%get3A_1269, %get3A_1270] {strides = array<i32>} : memref<512x16xf32, #tpu.memory_space<vmem>>, vector<1x16xf32>,
    %get3A_1272 = vector.shape_cast %get3A_1271 : vector<1x16xf32> to vector<16xf32>
    %get3A_1273 = arith.constant 10 : i32
    %get3A_1274 = arith.index_cast %get3A_1273 : i32 to index
    %get3A_1275 = arith.constant 16 : index
    %get3A_1276 = tpu.vector_load %arg8[%get3A_1274, %get3A_1275] {strides = array<i32>} : memref<32x160xf32, #tpu.memory_space<vmem>>, vector<1x16xf32>,
    %get3A_1277 = vector.shape_cast %get3A_1276 : vector<1x16xf32> to vector<16xf32>
    %mul3A_1278 = arith.mulf %get3A_1272, %get3A_1277 : vector<16xf32>
    %add3A_1279 = arith.addf %mul3A_1267, %mul3A_1278 : vector<16xf32>
    %get3A_1280 = arith.constant 162 : i32
    %get3A_1281 = arith.index_cast %get3A_1280 : i32 to index
    %get3A_1282 = arith.constant 0 : index
    %get3A_1283 = tpu.vector_load %arg7[%get3A_1281, %get3A_1282] {strides = array<i32>} : memref<512x16xf32, #tpu.memory_space<vmem>>, vector<1x16xf32>,
    %get3A_1284 = vector.shape_cast %get3A_1283 : vector<1x16xf32> to vector<16xf32>
    %get3A_1285 = arith.constant 10 : i32
    %get3A_1286 = arith.index_cast %get3A_1285 : i32 to index
    %get3A_1287 = arith.constant 32 : index
    %get3A_1288 = tpu.vector_load %arg8[%get3A_1286, %get3A_1287] {strides = array<i32>} : memref<32x160xf32, #tpu.memory_space<vmem>>, vector<1x16xf32>,
    %get3A_1289 = vector.shape_cast %get3A_1288 : vector<1x16xf32> to vector<16xf32>
    %mul3A_1290 = arith.mulf %get3A_1284, %get3A_1289 : vector<16xf32>
    %add3A_1291 = arith.addf %add3A_1279, %mul3A_1290 : vector<16xf32>
    %get3A_1292 = arith.constant 163 : i32
    %get3A_1293 = arith.index_cast %get3A_1292 : i32 to index
    %get3A_1294 = arith.constant 0 : index
    %get3A_1295 = tpu.vector_load %arg7[%get3A_1293, %get3A_1294] {strides = array<i32>} : memref<512x16xf32, #tpu.memory_space<vmem>>, vector<1x16xf32>,
    %get3A_1296 = vector.shape_cast %get3A_1295 : vector<1x16xf32> to vector<16xf32>
    %get3A_1297 = arith.constant 10 : i32
    %get3A_1298 = arith.index_cast %get3A_1297 : i32 to index
    %get3A_1299 = arith.constant 48 : index
    %get3A_1300 = tpu.vector_load %arg8[%get3A_1298, %get3A_1299] {strides = array<i32>} : memref<32x160xf32, #tpu.memory_space<vmem>>, vector<1x16xf32>,
    %get3A_1301 = vector.shape_cast %get3A_1300 : vector<1x16xf32> to vector<16xf32>
    %mul3A_1302 = arith.mulf %get3A_1296, %get3A_1301 : vector<16xf32>
    %add3A_1303 = arith.addf %add3A_1291, %mul3A_1302 : vector<16xf32>
    %get3A_1304 = arith.constant 164 : i32
    %get3A_1305 = arith.index_cast %get3A_1304 : i32 to index
    %get3A_1306 = arith.constant 0 : index
    %get3A_1307 = tpu.vector_load %arg7[%get3A_1305, %get3A_1306] {strides = array<i32>} : memref<512x16xf32, #tpu.memory_space<vmem>>, vector<1x16xf32>,
    %get3A_1308 = vector.shape_cast %get3A_1307 : vector<1x16xf32> to vector<16xf32>
    %get3A_1309 = arith.constant 10 : i32
    %get3A_1310 = arith.index_cast %get3A_1309 : i32 to index
    %get3A_1311 = arith.constant 64 : index
    %get3A_1312 = tpu.vector_load %arg8[%get3A_1310, %get3A_1311] {strides = array<i32>} : memref<32x160xf32, #tpu.memory_space<vmem>>, vector<1x16xf32>,
    %get3A_1313 = vector.shape_cast %get3A_1312 : vector<1x16xf32> to vector<16xf32>
    %mul3A_1314 = arith.mulf %get3A_1308, %get3A_1313 : vector<16xf32>
    %add3A_1315 = arith.addf %add3A_1303, %mul3A_1314 : vector<16xf32>
    %get3A_1316 = arith.constant 165 : i32
    %get3A_1317 = arith.index_cast %get3A_1316 : i32 to index
    %get3A_1318 = arith.constant 0 : index
    %get3A_1319 = tpu.vector_load %arg7[%get3A_1317, %get3A_1318] {strides = array<i32>} : memref<512x16xf32, #tpu.memory_space<vmem>>, vector<1x16xf32>,
    %get3A_1320 = vector.shape_cast %get3A_1319 : vector<1x16xf32> to vector<16xf32>
    %get3A_1321 = arith.constant 10 : i32
    %get3A_1322 = arith.index_cast %get3A_1321 : i32 to index
    %get3A_1323 = arith.constant 80 : index
    %get3A_1324 = tpu.vector_load %arg8[%get3A_1322, %get3A_1323] {strides = array<i32>} : memref<32x160xf32, #tpu.memory_space<vmem>>, vector<1x16xf32>,
    %get3A_1325 = vector.shape_cast %get3A_1324 : vector<1x16xf32> to vector<16xf32>
    %mul3A_1326 = arith.mulf %get3A_1320, %get3A_1325 : vector<16xf32>
    %add3A_1327 = arith.addf %add3A_1315, %mul3A_1326 : vector<16xf32>
    %get3A_1328 = arith.constant 166 : i32
    %get3A_1329 = arith.index_cast %get3A_1328 : i32 to index
    %get3A_1330 = arith.constant 0 : index
    %get3A_1331 = tpu.vector_load %arg7[%get3A_1329, %get3A_1330] {strides = array<i32>} : memref<512x16xf32, #tpu.memory_space<vmem>>, vector<1x16xf32>,
    %get3A_1332 = vector.shape_cast %get3A_1331 : vector<1x16xf32> to vector<16xf32>
    %get3A_1333 = arith.constant 10 : i32
    %get3A_1334 = arith.index_cast %get3A_1333 : i32 to index
    %get3A_1335 = arith.constant 96 : index
    %get3A_1336 = tpu.vector_load %arg8[%get3A_1334, %get3A_1335] {strides = array<i32>} : memref<32x160xf32, #tpu.memory_space<vmem>>, vector<1x16xf32>,
    %get3A_1337 = vector.shape_cast %get3A_1336 : vector<1x16xf32> to vector<16xf32>
    %mul3A_1338 = arith.mulf %get3A_1332, %get3A_1337 : vector<16xf32>
    %add3A_1339 = arith.addf %add3A_1327, %mul3A_1338 : vector<16xf32>
    %get3A_1340 = arith.constant 167 : i32
    %get3A_1341 = arith.index_cast %get3A_1340 : i32 to index
    %get3A_1342 = arith.constant 0 : index
    %get3A_1343 = tpu.vector_load %arg7[%get3A_1341, %get3A_1342] {strides = array<i32>} : memref<512x16xf32, #tpu.memory_space<vmem>>, vector<1x16xf32>,
    %get3A_1344 = vector.shape_cast %get3A_1343 : vector<1x16xf32> to vector<16xf32>
    %get3A_1345 = arith.constant 10 : i32
    %get3A_1346 = arith.index_cast %get3A_1345 : i32 to index
    %get3A_1347 = arith.constant 112 : index
    %get3A_1348 = tpu.vector_load %arg8[%get3A_1346, %get3A_1347] {strides = array<i32>} : memref<32x160xf32, #tpu.memory_space<vmem>>, vector<1x16xf32>,
    %get3A_1349 = vector.shape_cast %get3A_1348 : vector<1x16xf32> to vector<16xf32>
    %mul3A_1350 = arith.mulf %get3A_1344, %get3A_1349 : vector<16xf32>
    %add3A_1351 = arith.addf %add3A_1339, %mul3A_1350 : vector<16xf32>
    %get3A_1352 = arith.constant 168 : i32
    %get3A_1353 = arith.index_cast %get3A_1352 : i32 to index
    %get3A_1354 = arith.constant 0 : index
    %get3A_1355 = tpu.vector_load %arg7[%get3A_1353, %get3A_1354] {strides = array<i32>} : memref<512x16xf32, #tpu.memory_space<vmem>>, vector<1x16xf32>,
    %get3A_1356 = vector.shape_cast %get3A_1355 : vector<1x16xf32> to vector<16xf32>
    %get3A_1357 = arith.constant 10 : i32
    %get3A_1358 = arith.index_cast %get3A_1357 : i32 to index
    %get3A_1359 = arith.constant 128 : index
    %get3A_1360 = tpu.vector_load %arg8[%get3A_1358, %get3A_1359] {strides = array<i32>} : memref<32x160xf32, #tpu.memory_space<vmem>>, vector<1x16xf32>,
    %get3A_1361 = vector.shape_cast %get3A_1360 : vector<1x16xf32> to vector<16xf32>
    %mul3A_1362 = arith.mulf %get3A_1356, %get3A_1361 : vector<16xf32>
    %add3A_1363 = arith.addf %add3A_1351, %mul3A_1362 : vector<16xf32>
    %get3A_1364 = arith.constant 169 : i32
    %get3A_1365 = arith.index_cast %get3A_1364 : i32 to index
    %get3A_1366 = arith.constant 0 : index
    %get3A_1367 = tpu.vector_load %arg7[%get3A_1365, %get3A_1366] {strides = array<i32>} : memref<512x16xf32, #tpu.memory_space<vmem>>, vector<1x16xf32>,
    %get3A_1368 = vector.shape_cast %get3A_1367 : vector<1x16xf32> to vector<16xf32>
    %get3A_1369 = arith.constant 10 : i32
    %get3A_1370 = arith.index_cast %get3A_1369 : i32 to index
    %get3A_1371 = arith.constant 144 : index
    %get3A_1372 = tpu.vector_load %arg8[%get3A_1370, %get3A_1371] {strides = array<i32>} : memref<32x160xf32, #tpu.memory_space<vmem>>, vector<1x16xf32>,
    %get3A_1373 = vector.shape_cast %get3A_1372 : vector<1x16xf32> to vector<16xf32>
    %mul3A_1374 = arith.mulf %get3A_1368, %get3A_1373 : vector<16xf32>
    %add3A_1375 = arith.addf %add3A_1363, %mul3A_1374 : vector<16xf32>
    %swap3A_1376 = arith.constant 10 : i32
    %swap3A_1377 = arith.index_cast %swap3A_1376 : i32 to index
    %swap3A_1378 = arith.constant 0 : index
    %swap3A_1379 = tpu.vector_load %arg9[%swap3A_1377, %swap3A_1378] {strides = array<i32>} : memref<32x16xf32, #tpu.memory_space<vmem>>, vector<1x16xf32>,
    %swap3A_1380 = vector.shape_cast %swap3A_1379 : vector<1x16xf32> to vector<16xf32>
    %swap3A_1381 = vector.shape_cast %add3A_1375 : vector<16xf32> to vector<1x16xf32>
    tpu.vector_store %arg9[%swap3A_1377, %swap3A_1378], %swap3A_1381 {strides = array<i32>} : memref<32x16xf32, #tpu.memory_space<vmem>>, vector<1x16xf32>,
    %get3A_1382 = arith.constant 176 : i32
    %get3A_1383 = arith.index_cast %get3A_1382 : i32 to index
    %get3A_1384 = arith.constant 0 : index
    %get3A_1385 = tpu.vector_load %arg7[%get3A_1383, %get3A_1384] {strides = array<i32>} : memref<512x16xf32, #tpu.memory_space<vmem>>, vector<1x16xf32>,
    %get3A_1386 = vector.shape_cast %get3A_1385 : vector<1x16xf32> to vector<16xf32>
    %get3A_1387 = arith.constant 11 : i32
    %get3A_1388 = arith.index_cast %get3A_1387 : i32 to index
    %get3A_1389 = arith.constant 0 : index
    %get3A_1390 = tpu.vector_load %arg8[%get3A_1388, %get3A_1389] {strides = array<i32>} : memref<32x160xf32, #tpu.memory_space<vmem>>, vector<1x16xf32>,
    %get3A_1391 = vector.shape_cast %get3A_1390 : vector<1x16xf32> to vector<16xf32>
    %mul3A_1392 = arith.mulf %get3A_1386, %get3A_1391 : vector<16xf32>
    %get3A_1393 = arith.constant 177 : i32
    %get3A_1394 = arith.index_cast %get3A_1393 : i32 to index
    %get3A_1395 = arith.constant 0 : index
    %get3A_1396 = tpu.vector_load %arg7[%get3A_1394, %get3A_1395] {strides = array<i32>} : memref<512x16xf32, #tpu.memory_space<vmem>>, vector<1x16xf32>,
    %get3A_1397 = vector.shape_cast %get3A_1396 : vector<1x16xf32> to vector<16xf32>
    %get3A_1398 = arith.constant 11 : i32
    %get3A_1399 = arith.index_cast %get3A_1398 : i32 to index
    %get3A_1400 = arith.constant 16 : index
    %get3A_1401 = tpu.vector_load %arg8[%get3A_1399, %get3A_1400] {strides = array<i32>} : memref<32x160xf32, #tpu.memory_space<vmem>>, vector<1x16xf32>,
    %get3A_1402 = vector.shape_cast %get3A_1401 : vector<1x16xf32> to vector<16xf32>
    %mul3A_1403 = arith.mulf %get3A_1397, %get3A_1402 : vector<16xf32>
    %add3A_1404 = arith.addf %mul3A_1392, %mul3A_1403 : vector<16xf32>
    %get3A_1405 = arith.constant 178 : i32
    %get3A_1406 = arith.index_cast %get3A_1405 : i32 to index
    %get3A_1407 = arith.constant 0 : index
    %get3A_1408 = tpu.vector_load %arg7[%get3A_1406, %get3A_1407] {strides = array<i32>} : memref<512x16xf32, #tpu.memory_space<vmem>>, vector<1x16xf32>,
    %get3A_1409 = vector.shape_cast %get3A_1408 : vector<1x16xf32> to vector<16xf32>
    %get3A_1410 = arith.constant 11 : i32
    %get3A_1411 = arith.index_cast %get3A_1410 : i32 to index
    %get3A_1412 = arith.constant 32 : index
    %get3A_1413 = tpu.vector_load %arg8[%get3A_1411, %get3A_1412] {strides = array<i32>} : memref<32x160xf32, #tpu.memory_space<vmem>>, vector<1x16xf32>,
    %get3A_1414 = vector.shape_cast %get3A_1413 : vector<1x16xf32> to vector<16xf32>
    %mul3A_1415 = arith.mulf %get3A_1409, %get3A_1414 : vector<16xf32>
    %add3A_1416 = arith.addf %add3A_1404, %mul3A_1415 : vector<16xf32>
    %get3A_1417 = arith.constant 179 : i32
    %get3A_1418 = arith.index_cast %get3A_1417 : i32 to index
    %get3A_1419 = arith.constant 0 : index
    %get3A_1420 = tpu.vector_load %arg7[%get3A_1418, %get3A_1419] {strides = array<i32>} : memref<512x16xf32, #tpu.memory_space<vmem>>, vector<1x16xf32>,
    %get3A_1421 = vector.shape_cast %get3A_1420 : vector<1x16xf32> to vector<16xf32>
    %get3A_1422 = arith.constant 11 : i32
    %get3A_1423 = arith.index_cast %get3A_1422 : i32 to index
    %get3A_1424 = arith.constant 48 : index
    %get3A_1425 = tpu.vector_load %arg8[%get3A_1423, %get3A_1424] {strides = array<i32>} : memref<32x160xf32, #tpu.memory_space<vmem>>, vector<1x16xf32>,
    %get3A_1426 = vector.shape_cast %get3A_1425 : vector<1x16xf32> to vector<16xf32>
    %mul3A_1427 = arith.mulf %get3A_1421, %get3A_1426 : vector<16xf32>
    %add3A_1428 = arith.addf %add3A_1416, %mul3A_1427 : vector<16xf32>
    %get3A_1429 = arith.constant 180 : i32
    %get3A_1430 = arith.index_cast %get3A_1429 : i32 to index
    %get3A_1431 = arith.constant 0 : index
    %get3A_1432 = tpu.vector_load %arg7[%get3A_1430, %get3A_1431] {strides = array<i32>} : memref<512x16xf32, #tpu.memory_space<vmem>>, vector<1x16xf32>,
    %get3A_1433 = vector.shape_cast %get3A_1432 : vector<1x16xf32> to vector<16xf32>
    %get3A_1434 = arith.constant 11 : i32
    %get3A_1435 = arith.index_cast %get3A_1434 : i32 to index
    %get3A_1436 = arith.constant 64 : index
    %get3A_1437 = tpu.vector_load %arg8[%get3A_1435, %get3A_1436] {strides = array<i32>} : memref<32x160xf32, #tpu.memory_space<vmem>>, vector<1x16xf32>,
    %get3A_1438 = vector.shape_cast %get3A_1437 : vector<1x16xf32> to vector<16xf32>
    %mul3A_1439 = arith.mulf %get3A_1433, %get3A_1438 : vector<16xf32>
    %add3A_1440 = arith.addf %add3A_1428, %mul3A_1439 : vector<16xf32>
    %get3A_1441 = arith.constant 181 : i32
    %get3A_1442 = arith.index_cast %get3A_1441 : i32 to index
    %get3A_1443 = arith.constant 0 : index
    %get3A_1444 = tpu.vector_load %arg7[%get3A_1442, %get3A_1443] {strides = array<i32>} : memref<512x16xf32, #tpu.memory_space<vmem>>, vector<1x16xf32>,
    %get3A_1445 = vector.shape_cast %get3A_1444 : vector<1x16xf32> to vector<16xf32>
    %get3A_1446 = arith.constant 11 : i32
    %get3A_1447 = arith.index_cast %get3A_1446 : i32 to index
    %get3A_1448 = arith.constant 80 : index
    %get3A_1449 = tpu.vector_load %arg8[%get3A_1447, %get3A_1448] {strides = array<i32>} : memref<32x160xf32, #tpu.memory_space<vmem>>, vector<1x16xf32>,
    %get3A_1450 = vector.shape_cast %get3A_1449 : vector<1x16xf32> to vector<16xf32>
    %mul3A_1451 = arith.mulf %get3A_1445, %get3A_1450 : vector<16xf32>
    %add3A_1452 = arith.addf %add3A_1440, %mul3A_1451 : vector<16xf32>
    %get3A_1453 = arith.constant 182 : i32
    %get3A_1454 = arith.index_cast %get3A_1453 : i32 to index
    %get3A_1455 = arith.constant 0 : index
    %get3A_1456 = tpu.vector_load %arg7[%get3A_1454, %get3A_1455] {strides = array<i32>} : memref<512x16xf32, #tpu.memory_space<vmem>>, vector<1x16xf32>,
    %get3A_1457 = vector.shape_cast %get3A_1456 : vector<1x16xf32> to vector<16xf32>
    %get3A_1458 = arith.constant 11 : i32
    %get3A_1459 = arith.index_cast %get3A_1458 : i32 to index
    %get3A_1460 = arith.constant 96 : index
    %get3A_1461 = tpu.vector_load %arg8[%get3A_1459, %get3A_1460] {strides = array<i32>} : memref<32x160xf32, #tpu.memory_space<vmem>>, vector<1x16xf32>,
    %get3A_1462 = vector.shape_cast %get3A_1461 : vector<1x16xf32> to vector<16xf32>
    %mul3A_1463 = arith.mulf %get3A_1457, %get3A_1462 : vector<16xf32>
    %add3A_1464 = arith.addf %add3A_1452, %mul3A_1463 : vector<16xf32>
    %get3A_1465 = arith.constant 183 : i32
    %get3A_1466 = arith.index_cast %get3A_1465 : i32 to index
    %get3A_1467 = arith.constant 0 : index
    %get3A_1468 = tpu.vector_load %arg7[%get3A_1466, %get3A_1467] {strides = array<i32>} : memref<512x16xf32, #tpu.memory_space<vmem>>, vector<1x16xf32>,
    %get3A_1469 = vector.shape_cast %get3A_1468 : vector<1x16xf32> to vector<16xf32>
    %get3A_1470 = arith.constant 11 : i32
    %get3A_1471 = arith.index_cast %get3A_1470 : i32 to index
    %get3A_1472 = arith.constant 112 : index
    %get3A_1473 = tpu.vector_load %arg8[%get3A_1471, %get3A_1472] {strides = array<i32>} : memref<32x160xf32, #tpu.memory_space<vmem>>, vector<1x16xf32>,
    %get3A_1474 = vector.shape_cast %get3A_1473 : vector<1x16xf32> to vector<16xf32>
    %mul3A_1475 = arith.mulf %get3A_1469, %get3A_1474 : vector<16xf32>
    %add3A_1476 = arith.addf %add3A_1464, %mul3A_1475 : vector<16xf32>
    %get3A_1477 = arith.constant 184 : i32
    %get3A_1478 = arith.index_cast %get3A_1477 : i32 to index
    %get3A_1479 = arith.constant 0 : index
    %get3A_1480 = tpu.vector_load %arg7[%get3A_1478, %get3A_1479] {strides = array<i32>} : memref<512x16xf32, #tpu.memory_space<vmem>>, vector<1x16xf32>,
    %get3A_1481 = vector.shape_cast %get3A_1480 : vector<1x16xf32> to vector<16xf32>
    %get3A_1482 = arith.constant 11 : i32
    %get3A_1483 = arith.index_cast %get3A_1482 : i32 to index
    %get3A_1484 = arith.constant 128 : index
    %get3A_1485 = tpu.vector_load %arg8[%get3A_1483, %get3A_1484] {strides = array<i32>} : memref<32x160xf32, #tpu.memory_space<vmem>>, vector<1x16xf32>,
    %get3A_1486 = vector.shape_cast %get3A_1485 : vector<1x16xf32> to vector<16xf32>
    %mul3A_1487 = arith.mulf %get3A_1481, %get3A_1486 : vector<16xf32>
    %add3A_1488 = arith.addf %add3A_1476, %mul3A_1487 : vector<16xf32>
    %get3A_1489 = arith.constant 185 : i32
    %get3A_1490 = arith.index_cast %get3A_1489 : i32 to index
    %get3A_1491 = arith.constant 0 : index
    %get3A_1492 = tpu.vector_load %arg7[%get3A_1490, %get3A_1491] {strides = array<i32>} : memref<512x16xf32, #tpu.memory_space<vmem>>, vector<1x16xf32>,
    %get3A_1493 = vector.shape_cast %get3A_1492 : vector<1x16xf32> to vector<16xf32>
    %get3A_1494 = arith.constant 11 : i32
    %get3A_1495 = arith.index_cast %get3A_1494 : i32 to index
    %get3A_1496 = arith.constant 144 : index
    %get3A_1497 = tpu.vector_load %arg8[%get3A_1495, %get3A_1496] {strides = array<i32>} : memref<32x160xf32, #tpu.memory_space<vmem>>, vector<1x16xf32>,
    %get3A_1498 = vector.shape_cast %get3A_1497 : vector<1x16xf32> to vector<16xf32>
    %mul3A_1499 = arith.mulf %get3A_1493, %get3A_1498 : vector<16xf32>
    %add3A_1500 = arith.addf %add3A_1488, %mul3A_1499 : vector<16xf32>
    %swap3A_1501 = arith.constant 11 : i32
    %swap3A_1502 = arith.index_cast %swap3A_1501 : i32 to index
    %swap3A_1503 = arith.constant 0 : index
    %swap3A_1504 = tpu.vector_load %arg9[%swap3A_1502, %swap3A_1503] {strides = array<i32>} : memref<32x16xf32, #tpu.memory_space<vmem>>, vector<1x16xf32>,
    %swap3A_1505 = vector.shape_cast %swap3A_1504 : vector<1x16xf32> to vector<16xf32>
    %swap3A_1506 = vector.shape_cast %add3A_1500 : vector<16xf32> to vector<1x16xf32>
    tpu.vector_store %arg9[%swap3A_1502, %swap3A_1503], %swap3A_1506 {strides = array<i32>} : memref<32x16xf32, #tpu.memory_space<vmem>>, vector<1x16xf32>,
    %get3A_1507 = arith.constant 192 : i32
    %get3A_1508 = arith.index_cast %get3A_1507 : i32 to index
    %get3A_1509 = arith.constant 0 : index
    %get3A_1510 = tpu.vector_load %arg7[%get3A_1508, %get3A_1509] {strides = array<i32>} : memref<512x16xf32, #tpu.memory_space<vmem>>, vector<1x16xf32>,
    %get3A_1511 = vector.shape_cast %get3A_1510 : vector<1x16xf32> to vector<16xf32>
    %get3A_1512 = arith.constant 12 : i32
    %get3A_1513 = arith.index_cast %get3A_1512 : i32 to index
    %get3A_1514 = arith.constant 0 : index
    %get3A_1515 = tpu.vector_load %arg8[%get3A_1513, %get3A_1514] {strides = array<i32>} : memref<32x160xf32, #tpu.memory_space<vmem>>, vector<1x16xf32>,
    %get3A_1516 = vector.shape_cast %get3A_1515 : vector<1x16xf32> to vector<16xf32>
    %mul3A_1517 = arith.mulf %get3A_1511, %get3A_1516 : vector<16xf32>
    %get3A_1518 = arith.constant 193 : i32
    %get3A_1519 = arith.index_cast %get3A_1518 : i32 to index
    %get3A_1520 = arith.constant 0 : index
    %get3A_1521 = tpu.vector_load %arg7[%get3A_1519, %get3A_1520] {strides = array<i32>} : memref<512x16xf32, #tpu.memory_space<vmem>>, vector<1x16xf32>,
    %get3A_1522 = vector.shape_cast %get3A_1521 : vector<1x16xf32> to vector<16xf32>
    %get3A_1523 = arith.constant 12 : i32
    %get3A_1524 = arith.index_cast %get3A_1523 : i32 to index
    %get3A_1525 = arith.constant 16 : index
    %get3A_1526 = tpu.vector_load %arg8[%get3A_1524, %get3A_1525] {strides = array<i32>} : memref<32x160xf32, #tpu.memory_space<vmem>>, vector<1x16xf32>,
    %get3A_1527 = vector.shape_cast %get3A_1526 : vector<1x16xf32> to vector<16xf32>
    %mul3A_1528 = arith.mulf %get3A_1522, %get3A_1527 : vector<16xf32>
    %add3A_1529 = arith.addf %mul3A_1517, %mul3A_1528 : vector<16xf32>
    %get3A_1530 = arith.constant 194 : i32
    %get3A_1531 = arith.index_cast %get3A_1530 : i32 to index
    %get3A_1532 = arith.constant 0 : index
    %get3A_1533 = tpu.vector_load %arg7[%get3A_1531, %get3A_1532] {strides = array<i32>} : memref<512x16xf32, #tpu.memory_space<vmem>>, vector<1x16xf32>,
    %get3A_1534 = vector.shape_cast %get3A_1533 : vector<1x16xf32> to vector<16xf32>
    %get3A_1535 = arith.constant 12 : i32
    %get3A_1536 = arith.index_cast %get3A_1535 : i32 to index
    %get3A_1537 = arith.constant 32 : index
    %get3A_1538 = tpu.vector_load %arg8[%get3A_1536, %get3A_1537] {strides = array<i32>} : memref<32x160xf32, #tpu.memory_space<vmem>>, vector<1x16xf32>,
    %get3A_1539 = vector.shape_cast %get3A_1538 : vector<1x16xf32> to vector<16xf32>
    %mul3A_1540 = arith.mulf %get3A_1534, %get3A_1539 : vector<16xf32>
    %add3A_1541 = arith.addf %add3A_1529, %mul3A_1540 : vector<16xf32>
    %get3A_1542 = arith.constant 195 : i32
    %get3A_1543 = arith.index_cast %get3A_1542 : i32 to index
    %get3A_1544 = arith.constant 0 : index
    %get3A_1545 = tpu.vector_load %arg7[%get3A_1543, %get3A_1544] {strides = array<i32>} : memref<512x16xf32, #tpu.memory_space<vmem>>, vector<1x16xf32>,
    %get3A_1546 = vector.shape_cast %get3A_1545 : vector<1x16xf32> to vector<16xf32>
    %get3A_1547 = arith.constant 12 : i32
    %get3A_1548 = arith.index_cast %get3A_1547 : i32 to index
    %get3A_1549 = arith.constant 48 : index
    %get3A_1550 = tpu.vector_load %arg8[%get3A_1548, %get3A_1549] {strides = array<i32>} : memref<32x160xf32, #tpu.memory_space<vmem>>, vector<1x16xf32>,
    %get3A_1551 = vector.shape_cast %get3A_1550 : vector<1x16xf32> to vector<16xf32>
    %mul3A_1552 = arith.mulf %get3A_1546, %get3A_1551 : vector<16xf32>
    %add3A_1553 = arith.addf %add3A_1541, %mul3A_1552 : vector<16xf32>
    %get3A_1554 = arith.constant 196 : i32
    %get3A_1555 = arith.index_cast %get3A_1554 : i32 to index
    %get3A_1556 = arith.constant 0 : index
    %get3A_1557 = tpu.vector_load %arg7[%get3A_1555, %get3A_1556] {strides = array<i32>} : memref<512x16xf32, #tpu.memory_space<vmem>>, vector<1x16xf32>,
    %get3A_1558 = vector.shape_cast %get3A_1557 : vector<1x16xf32> to vector<16xf32>
    %get3A_1559 = arith.constant 12 : i32
    %get3A_1560 = arith.index_cast %get3A_1559 : i32 to index
    %get3A_1561 = arith.constant 64 : index
    %get3A_1562 = tpu.vector_load %arg8[%get3A_1560, %get3A_1561] {strides = array<i32>} : memref<32x160xf32, #tpu.memory_space<vmem>>, vector<1x16xf32>,
    %get3A_1563 = vector.shape_cast %get3A_1562 : vector<1x16xf32> to vector<16xf32>
    %mul3A_1564 = arith.mulf %get3A_1558, %get3A_1563 : vector<16xf32>
    %add3A_1565 = arith.addf %add3A_1553, %mul3A_1564 : vector<16xf32>
    %get3A_1566 = arith.constant 197 : i32
    %get3A_1567 = arith.index_cast %get3A_1566 : i32 to index
    %get3A_1568 = arith.constant 0 : index
    %get3A_1569 = tpu.vector_load %arg7[%get3A_1567, %get3A_1568] {strides = array<i32>} : memref<512x16xf32, #tpu.memory_space<vmem>>, vector<1x16xf32>,
    %get3A_1570 = vector.shape_cast %get3A_1569 : vector<1x16xf32> to vector<16xf32>
    %get3A_1571 = arith.constant 12 : i32
    %get3A_1572 = arith.index_cast %get3A_1571 : i32 to index
    %get3A_1573 = arith.constant 80 : index
    %get3A_1574 = tpu.vector_load %arg8[%get3A_1572, %get3A_1573] {strides = array<i32>} : memref<32x160xf32, #tpu.memory_space<vmem>>, vector<1x16xf32>,
    %get3A_1575 = vector.shape_cast %get3A_1574 : vector<1x16xf32> to vector<16xf32>
    %mul3A_1576 = arith.mulf %get3A_1570, %get3A_1575 : vector<16xf32>
    %add3A_1577 = arith.addf %add3A_1565, %mul3A_1576 : vector<16xf32>
    %get3A_1578 = arith.constant 198 : i32
    %get3A_1579 = arith.index_cast %get3A_1578 : i32 to index
    %get3A_1580 = arith.constant 0 : index
    %get3A_1581 = tpu.vector_load %arg7[%get3A_1579, %get3A_1580] {strides = array<i32>} : memref<512x16xf32, #tpu.memory_space<vmem>>, vector<1x16xf32>,
    %get3A_1582 = vector.shape_cast %get3A_1581 : vector<1x16xf32> to vector<16xf32>
    %get3A_1583 = arith.constant 12 : i32
    %get3A_1584 = arith.index_cast %get3A_1583 : i32 to index
    %get3A_1585 = arith.constant 96 : index
    %get3A_1586 = tpu.vector_load %arg8[%get3A_1584, %get3A_1585] {strides = array<i32>} : memref<32x160xf32, #tpu.memory_space<vmem>>, vector<1x16xf32>,
    %get3A_1587 = vector.shape_cast %get3A_1586 : vector<1x16xf32> to vector<16xf32>
    %mul3A_1588 = arith.mulf %get3A_1582, %get3A_1587 : vector<16xf32>
    %add3A_1589 = arith.addf %add3A_1577, %mul3A_1588 : vector<16xf32>
    %get3A_1590 = arith.constant 199 : i32
    %get3A_1591 = arith.index_cast %get3A_1590 : i32 to index
    %get3A_1592 = arith.constant 0 : index
    %get3A_1593 = tpu.vector_load %arg7[%get3A_1591, %get3A_1592] {strides = array<i32>} : memref<512x16xf32, #tpu.memory_space<vmem>>, vector<1x16xf32>,
    %get3A_1594 = vector.shape_cast %get3A_1593 : vector<1x16xf32> to vector<16xf32>
    %get3A_1595 = arith.constant 12 : i32
    %get3A_1596 = arith.index_cast %get3A_1595 : i32 to index
    %get3A_1597 = arith.constant 112 : index
    %get3A_1598 = tpu.vector_load %arg8[%get3A_1596, %get3A_1597] {strides = array<i32>} : memref<32x160xf32, #tpu.memory_space<vmem>>, vector<1x16xf32>,
    %get3A_1599 = vector.shape_cast %get3A_1598 : vector<1x16xf32> to vector<16xf32>
    %mul3A_1600 = arith.mulf %get3A_1594, %get3A_1599 : vector<16xf32>
    %add3A_1601 = arith.addf %add3A_1589, %mul3A_1600 : vector<16xf32>
    %get3A_1602 = arith.constant 200 : i32
    %get3A_1603 = arith.index_cast %get3A_1602 : i32 to index
    %get3A_1604 = arith.constant 0 : index
    %get3A_1605 = tpu.vector_load %arg7[%get3A_1603, %get3A_1604] {strides = array<i32>} : memref<512x16xf32, #tpu.memory_space<vmem>>, vector<1x16xf32>,
    %get3A_1606 = vector.shape_cast %get3A_1605 : vector<1x16xf32> to vector<16xf32>
    %get3A_1607 = arith.constant 12 : i32
    %get3A_1608 = arith.index_cast %get3A_1607 : i32 to index
    %get3A_1609 = arith.constant 128 : index
    %get3A_1610 = tpu.vector_load %arg8[%get3A_1608, %get3A_1609] {strides = array<i32>} : memref<32x160xf32, #tpu.memory_space<vmem>>, vector<1x16xf32>,
    %get3A_1611 = vector.shape_cast %get3A_1610 : vector<1x16xf32> to vector<16xf32>
    %mul3A_1612 = arith.mulf %get3A_1606, %get3A_1611 : vector<16xf32>
    %add3A_1613 = arith.addf %add3A_1601, %mul3A_1612 : vector<16xf32>
    %get3A_1614 = arith.constant 201 : i32
    %get3A_1615 = arith.index_cast %get3A_1614 : i32 to index
    %get3A_1616 = arith.constant 0 : index
    %get3A_1617 = tpu.vector_load %arg7[%get3A_1615, %get3A_1616] {strides = array<i32>} : memref<512x16xf32, #tpu.memory_space<vmem>>, vector<1x16xf32>,
    %get3A_1618 = vector.shape_cast %get3A_1617 : vector<1x16xf32> to vector<16xf32>
    %get3A_1619 = arith.constant 12 : i32
    %get3A_1620 = arith.index_cast %get3A_1619 : i32 to index
    %get3A_1621 = arith.constant 144 : index
    %get3A_1622 = tpu.vector_load %arg8[%get3A_1620, %get3A_1621] {strides = array<i32>} : memref<32x160xf32, #tpu.memory_space<vmem>>, vector<1x16xf32>,
    %get3A_1623 = vector.shape_cast %get3A_1622 : vector<1x16xf32> to vector<16xf32>
    %mul3A_1624 = arith.mulf %get3A_1618, %get3A_1623 : vector<16xf32>
    %add3A_1625 = arith.addf %add3A_1613, %mul3A_1624 : vector<16xf32>
    %swap3A_1626 = arith.constant 12 : i32
    %swap3A_1627 = arith.index_cast %swap3A_1626 : i32 to index
    %swap3A_1628 = arith.constant 0 : index
    %swap3A_1629 = tpu.vector_load %arg9[%swap3A_1627, %swap3A_1628] {strides = array<i32>} : memref<32x16xf32, #tpu.memory_space<vmem>>, vector<1x16xf32>,
    %swap3A_1630 = vector.shape_cast %swap3A_1629 : vector<1x16xf32> to vector<16xf32>
    %swap3A_1631 = vector.shape_cast %add3A_1625 : vector<16xf32> to vector<1x16xf32>
    tpu.vector_store %arg9[%swap3A_1627, %swap3A_1628], %swap3A_1631 {strides = array<i32>} : memref<32x16xf32, #tpu.memory_space<vmem>>, vector<1x16xf32>,
    %get3A_1632 = arith.constant 208 : i32
    %get3A_1633 = arith.index_cast %get3A_1632 : i32 to index
    %get3A_1634 = arith.constant 0 : index
    %get3A_1635 = tpu.vector_load %arg7[%get3A_1633, %get3A_1634] {strides = array<i32>} : memref<512x16xf32, #tpu.memory_space<vmem>>, vector<1x16xf32>,
    %get3A_1636 = vector.shape_cast %get3A_1635 : vector<1x16xf32> to vector<16xf32>
    %get3A_1637 = arith.constant 13 : i32
    %get3A_1638 = arith.index_cast %get3A_1637 : i32 to index
    %get3A_1639 = arith.constant 0 : index
    %get3A_1640 = tpu.vector_load %arg8[%get3A_1638, %get3A_1639] {strides = array<i32>} : memref<32x160xf32, #tpu.memory_space<vmem>>, vector<1x16xf32>,
    %get3A_1641 = vector.shape_cast %get3A_1640 : vector<1x16xf32> to vector<16xf32>
    %mul3A_1642 = arith.mulf %get3A_1636, %get3A_1641 : vector<16xf32>
    %get3A_1643 = arith.constant 209 : i32
    %get3A_1644 = arith.index_cast %get3A_1643 : i32 to index
    %get3A_1645 = arith.constant 0 : index
    %get3A_1646 = tpu.vector_load %arg7[%get3A_1644, %get3A_1645] {strides = array<i32>} : memref<512x16xf32, #tpu.memory_space<vmem>>, vector<1x16xf32>,
    %get3A_1647 = vector.shape_cast %get3A_1646 : vector<1x16xf32> to vector<16xf32>
    %get3A_1648 = arith.constant 13 : i32
    %get3A_1649 = arith.index_cast %get3A_1648 : i32 to index
    %get3A_1650 = arith.constant 16 : index
    %get3A_1651 = tpu.vector_load %arg8[%get3A_1649, %get3A_1650] {strides = array<i32>} : memref<32x160xf32, #tpu.memory_space<vmem>>, vector<1x16xf32>,
    %get3A_1652 = vector.shape_cast %get3A_1651 : vector<1x16xf32> to vector<16xf32>
    %mul3A_1653 = arith.mulf %get3A_1647, %get3A_1652 : vector<16xf32>
    %add3A_1654 = arith.addf %mul3A_1642, %mul3A_1653 : vector<16xf32>
    %get3A_1655 = arith.constant 210 : i32
    %get3A_1656 = arith.index_cast %get3A_1655 : i32 to index
    %get3A_1657 = arith.constant 0 : index
    %get3A_1658 = tpu.vector_load %arg7[%get3A_1656, %get3A_1657] {strides = array<i32>} : memref<512x16xf32, #tpu.memory_space<vmem>>, vector<1x16xf32>,
    %get3A_1659 = vector.shape_cast %get3A_1658 : vector<1x16xf32> to vector<16xf32>
    %get3A_1660 = arith.constant 13 : i32
    %get3A_1661 = arith.index_cast %get3A_1660 : i32 to index
    %get3A_1662 = arith.constant 32 : index
    %get3A_1663 = tpu.vector_load %arg8[%get3A_1661, %get3A_1662] {strides = array<i32>} : memref<32x160xf32, #tpu.memory_space<vmem>>, vector<1x16xf32>,
    %get3A_1664 = vector.shape_cast %get3A_1663 : vector<1x16xf32> to vector<16xf32>
    %mul3A_1665 = arith.mulf %get3A_1659, %get3A_1664 : vector<16xf32>
    %add3A_1666 = arith.addf %add3A_1654, %mul3A_1665 : vector<16xf32>
    %get3A_1667 = arith.constant 211 : i32
    %get3A_1668 = arith.index_cast %get3A_1667 : i32 to index
    %get3A_1669 = arith.constant 0 : index
    %get3A_1670 = tpu.vector_load %arg7[%get3A_1668, %get3A_1669] {strides = array<i32>} : memref<512x16xf32, #tpu.memory_space<vmem>>, vector<1x16xf32>,
    %get3A_1671 = vector.shape_cast %get3A_1670 : vector<1x16xf32> to vector<16xf32>
    %get3A_1672 = arith.constant 13 : i32
    %get3A_1673 = arith.index_cast %get3A_1672 : i32 to index
    %get3A_1674 = arith.constant 48 : index
    %get3A_1675 = tpu.vector_load %arg8[%get3A_1673, %get3A_1674] {strides = array<i32>} : memref<32x160xf32, #tpu.memory_space<vmem>>, vector<1x16xf32>,
    %get3A_1676 = vector.shape_cast %get3A_1675 : vector<1x16xf32> to vector<16xf32>
    %mul3A_1677 = arith.mulf %get3A_1671, %get3A_1676 : vector<16xf32>
    %add3A_1678 = arith.addf %add3A_1666, %mul3A_1677 : vector<16xf32>
    %get3A_1679 = arith.constant 212 : i32
    %get3A_1680 = arith.index_cast %get3A_1679 : i32 to index
    %get3A_1681 = arith.constant 0 : index
    %get3A_1682 = tpu.vector_load %arg7[%get3A_1680, %get3A_1681] {strides = array<i32>} : memref<512x16xf32, #tpu.memory_space<vmem>>, vector<1x16xf32>,
    %get3A_1683 = vector.shape_cast %get3A_1682 : vector<1x16xf32> to vector<16xf32>
    %get3A_1684 = arith.constant 13 : i32
    %get3A_1685 = arith.index_cast %get3A_1684 : i32 to index
    %get3A_1686 = arith.constant 64 : index
    %get3A_1687 = tpu.vector_load %arg8[%get3A_1685, %get3A_1686] {strides = array<i32>} : memref<32x160xf32, #tpu.memory_space<vmem>>, vector<1x16xf32>,
    %get3A_1688 = vector.shape_cast %get3A_1687 : vector<1x16xf32> to vector<16xf32>
    %mul3A_1689 = arith.mulf %get3A_1683, %get3A_1688 : vector<16xf32>
    %add3A_1690 = arith.addf %add3A_1678, %mul3A_1689 : vector<16xf32>
    %get3A_1691 = arith.constant 213 : i32
    %get3A_1692 = arith.index_cast %get3A_1691 : i32 to index
    %get3A_1693 = arith.constant 0 : index
    %get3A_1694 = tpu.vector_load %arg7[%get3A_1692, %get3A_1693] {strides = array<i32>} : memref<512x16xf32, #tpu.memory_space<vmem>>, vector<1x16xf32>,
    %get3A_1695 = vector.shape_cast %get3A_1694 : vector<1x16xf32> to vector<16xf32>
    %get3A_1696 = arith.constant 13 : i32
    %get3A_1697 = arith.index_cast %get3A_1696 : i32 to index
    %get3A_1698 = arith.constant 80 : index
    %get3A_1699 = tpu.vector_load %arg8[%get3A_1697, %get3A_1698] {strides = array<i32>} : memref<32x160xf32, #tpu.memory_space<vmem>>, vector<1x16xf32>,
    %get3A_1700 = vector.shape_cast %get3A_1699 : vector<1x16xf32> to vector<16xf32>
    %mul3A_1701 = arith.mulf %get3A_1695, %get3A_1700 : vector<16xf32>
    %add3A_1702 = arith.addf %add3A_1690, %mul3A_1701 : vector<16xf32>
    %get3A_1703 = arith.constant 214 : i32
    %get3A_1704 = arith.index_cast %get3A_1703 : i32 to index
    %get3A_1705 = arith.constant 0 : index
    %get3A_1706 = tpu.vector_load %arg7[%get3A_1704, %get3A_1705] {strides = array<i32>} : memref<512x16xf32, #tpu.memory_space<vmem>>, vector<1x16xf32>,
    %get3A_1707 = vector.shape_cast %get3A_1706 : vector<1x16xf32> to vector<16xf32>
    %get3A_1708 = arith.constant 13 : i32
    %get3A_1709 = arith.index_cast %get3A_1708 : i32 to index
    %get3A_1710 = arith.constant 96 : index
    %get3A_1711 = tpu.vector_load %arg8[%get3A_1709, %get3A_1710] {strides = array<i32>} : memref<32x160xf32, #tpu.memory_space<vmem>>, vector<1x16xf32>,
    %get3A_1712 = vector.shape_cast %get3A_1711 : vector<1x16xf32> to vector<16xf32>
    %mul3A_1713 = arith.mulf %get3A_1707, %get3A_1712 : vector<16xf32>
    %add3A_1714 = arith.addf %add3A_1702, %mul3A_1713 : vector<16xf32>
    %get3A_1715 = arith.constant 215 : i32
    %get3A_1716 = arith.index_cast %get3A_1715 : i32 to index
    %get3A_1717 = arith.constant 0 : index
    %get3A_1718 = tpu.vector_load %arg7[%get3A_1716, %get3A_1717] {strides = array<i32>} : memref<512x16xf32, #tpu.memory_space<vmem>>, vector<1x16xf32>,
    %get3A_1719 = vector.shape_cast %get3A_1718 : vector<1x16xf32> to vector<16xf32>
    %get3A_1720 = arith.constant 13 : i32
    %get3A_1721 = arith.index_cast %get3A_1720 : i32 to index
    %get3A_1722 = arith.constant 112 : index
    %get3A_1723 = tpu.vector_load %arg8[%get3A_1721, %get3A_1722] {strides = array<i32>} : memref<32x160xf32, #tpu.memory_space<vmem>>, vector<1x16xf32>,
    %get3A_1724 = vector.shape_cast %get3A_1723 : vector<1x16xf32> to vector<16xf32>
    %mul3A_1725 = arith.mulf %get3A_1719, %get3A_1724 : vector<16xf32>
    %add3A_1726 = arith.addf %add3A_1714, %mul3A_1725 : vector<16xf32>
    %get3A_1727 = arith.constant 216 : i32
    %get3A_1728 = arith.index_cast %get3A_1727 : i32 to index
    %get3A_1729 = arith.constant 0 : index
    %get3A_1730 = tpu.vector_load %arg7[%get3A_1728, %get3A_1729] {strides = array<i32>} : memref<512x16xf32, #tpu.memory_space<vmem>>, vector<1x16xf32>,
    %get3A_1731 = vector.shape_cast %get3A_1730 : vector<1x16xf32> to vector<16xf32>
    %get3A_1732 = arith.constant 13 : i32
    %get3A_1733 = arith.index_cast %get3A_1732 : i32 to index
    %get3A_1734 = arith.constant 128 : index
    %get3A_1735 = tpu.vector_load %arg8[%get3A_1733, %get3A_1734] {strides = array<i32>} : memref<32x160xf32, #tpu.memory_space<vmem>>, vector<1x16xf32>,
    %get3A_1736 = vector.shape_cast %get3A_1735 : vector<1x16xf32> to vector<16xf32>
    %mul3A_1737 = arith.mulf %get3A_1731, %get3A_1736 : vector<16xf32>
    %add3A_1738 = arith.addf %add3A_1726, %mul3A_1737 : vector<16xf32>
    %get3A_1739 = arith.constant 217 : i32
    %get3A_1740 = arith.index_cast %get3A_1739 : i32 to index
    %get3A_1741 = arith.constant 0 : index
    %get3A_1742 = tpu.vector_load %arg7[%get3A_1740, %get3A_1741] {strides = array<i32>} : memref<512x16xf32, #tpu.memory_space<vmem>>, vector<1x16xf32>,
    %get3A_1743 = vector.shape_cast %get3A_1742 : vector<1x16xf32> to vector<16xf32>
    %get3A_1744 = arith.constant 13 : i32
    %get3A_1745 = arith.index_cast %get3A_1744 : i32 to index
    %get3A_1746 = arith.constant 144 : index
    %get3A_1747 = tpu.vector_load %arg8[%get3A_1745, %get3A_1746] {strides = array<i32>} : memref<32x160xf32, #tpu.memory_space<vmem>>, vector<1x16xf32>,
    %get3A_1748 = vector.shape_cast %get3A_1747 : vector<1x16xf32> to vector<16xf32>
    %mul3A_1749 = arith.mulf %get3A_1743, %get3A_1748 : vector<16xf32>
    %add3A_1750 = arith.addf %add3A_1738, %mul3A_1749 : vector<16xf32>
    %swap3A_1751 = arith.constant 13 : i32
    %swap3A_1752 = arith.index_cast %swap3A_1751 : i32 to index
    %swap3A_1753 = arith.constant 0 : index
    %swap3A_1754 = tpu.vector_load %arg9[%swap3A_1752, %swap3A_1753] {strides = array<i32>} : memref<32x16xf32, #tpu.memory_space<vmem>>, vector<1x16xf32>,
    %swap3A_1755 = vector.shape_cast %swap3A_1754 : vector<1x16xf32> to vector<16xf32>
    %swap3A_1756 = vector.shape_cast %add3A_1750 : vector<16xf32> to vector<1x16xf32>
    tpu.vector_store %arg9[%swap3A_1752, %swap3A_1753], %swap3A_1756 {strides = array<i32>} : memref<32x16xf32, #tpu.memory_space<vmem>>, vector<1x16xf32>,
    %get3A_1757 = arith.constant 224 : i32
    %get3A_1758 = arith.index_cast %get3A_1757 : i32 to index
    %get3A_1759 = arith.constant 0 : index
    %get3A_1760 = tpu.vector_load %arg7[%get3A_1758, %get3A_1759] {strides = array<i32>} : memref<512x16xf32, #tpu.memory_space<vmem>>, vector<1x16xf32>,
    %get3A_1761 = vector.shape_cast %get3A_1760 : vector<1x16xf32> to vector<16xf32>
    %get3A_1762 = arith.constant 14 : i32
    %get3A_1763 = arith.index_cast %get3A_1762 : i32 to index
    %get3A_1764 = arith.constant 0 : index
    %get3A_1765 = tpu.vector_load %arg8[%get3A_1763, %get3A_1764] {strides = array<i32>} : memref<32x160xf32, #tpu.memory_space<vmem>>, vector<1x16xf32>,
    %get3A_1766 = vector.shape_cast %get3A_1765 : vector<1x16xf32> to vector<16xf32>
    %mul3A_1767 = arith.mulf %get3A_1761, %get3A_1766 : vector<16xf32>
    %get3A_1768 = arith.constant 225 : i32
    %get3A_1769 = arith.index_cast %get3A_1768 : i32 to index
    %get3A_1770 = arith.constant 0 : index
    %get3A_1771 = tpu.vector_load %arg7[%get3A_1769, %get3A_1770] {strides = array<i32>} : memref<512x16xf32, #tpu.memory_space<vmem>>, vector<1x16xf32>,
    %get3A_1772 = vector.shape_cast %get3A_1771 : vector<1x16xf32> to vector<16xf32>
    %get3A_1773 = arith.constant 14 : i32
    %get3A_1774 = arith.index_cast %get3A_1773 : i32 to index
    %get3A_1775 = arith.constant 16 : index
    %get3A_1776 = tpu.vector_load %arg8[%get3A_1774, %get3A_1775] {strides = array<i32>} : memref<32x160xf32, #tpu.memory_space<vmem>>, vector<1x16xf32>,
    %get3A_1777 = vector.shape_cast %get3A_1776 : vector<1x16xf32> to vector<16xf32>
    %mul3A_1778 = arith.mulf %get3A_1772, %get3A_1777 : vector<16xf32>
    %add3A_1779 = arith.addf %mul3A_1767, %mul3A_1778 : vector<16xf32>
    %get3A_1780 = arith.constant 226 : i32
    %get3A_1781 = arith.index_cast %get3A_1780 : i32 to index
    %get3A_1782 = arith.constant 0 : index
    %get3A_1783 = tpu.vector_load %arg7[%get3A_1781, %get3A_1782] {strides = array<i32>} : memref<512x16xf32, #tpu.memory_space<vmem>>, vector<1x16xf32>,
    %get3A_1784 = vector.shape_cast %get3A_1783 : vector<1x16xf32> to vector<16xf32>
    %get3A_1785 = arith.constant 14 : i32
    %get3A_1786 = arith.index_cast %get3A_1785 : i32 to index
    %get3A_1787 = arith.constant 32 : index
    %get3A_1788 = tpu.vector_load %arg8[%get3A_1786, %get3A_1787] {strides = array<i32>} : memref<32x160xf32, #tpu.memory_space<vmem>>, vector<1x16xf32>,
    %get3A_1789 = vector.shape_cast %get3A_1788 : vector<1x16xf32> to vector<16xf32>
    %mul3A_1790 = arith.mulf %get3A_1784, %get3A_1789 : vector<16xf32>
    %add3A_1791 = arith.addf %add3A_1779, %mul3A_1790 : vector<16xf32>
    %get3A_1792 = arith.constant 227 : i32
    %get3A_1793 = arith.index_cast %get3A_1792 : i32 to index
    %get3A_1794 = arith.constant 0 : index
    %get3A_1795 = tpu.vector_load %arg7[%get3A_1793, %get3A_1794] {strides = array<i32>} : memref<512x16xf32, #tpu.memory_space<vmem>>, vector<1x16xf32>,
    %get3A_1796 = vector.shape_cast %get3A_1795 : vector<1x16xf32> to vector<16xf32>
    %get3A_1797 = arith.constant 14 : i32
    %get3A_1798 = arith.index_cast %get3A_1797 : i32 to index
    %get3A_1799 = arith.constant 48 : index
    %get3A_1800 = tpu.vector_load %arg8[%get3A_1798, %get3A_1799] {strides = array<i32>} : memref<32x160xf32, #tpu.memory_space<vmem>>, vector<1x16xf32>,
    %get3A_1801 = vector.shape_cast %get3A_1800 : vector<1x16xf32> to vector<16xf32>
    %mul3A_1802 = arith.mulf %get3A_1796, %get3A_1801 : vector<16xf32>
    %add3A_1803 = arith.addf %add3A_1791, %mul3A_1802 : vector<16xf32>
    %get3A_1804 = arith.constant 228 : i32
    %get3A_1805 = arith.index_cast %get3A_1804 : i32 to index
    %get3A_1806 = arith.constant 0 : index
    %get3A_1807 = tpu.vector_load %arg7[%get3A_1805, %get3A_1806] {strides = array<i32>} : memref<512x16xf32, #tpu.memory_space<vmem>>, vector<1x16xf32>,
    %get3A_1808 = vector.shape_cast %get3A_1807 : vector<1x16xf32> to vector<16xf32>
    %get3A_1809 = arith.constant 14 : i32
    %get3A_1810 = arith.index_cast %get3A_1809 : i32 to index
    %get3A_1811 = arith.constant 64 : index
    %get3A_1812 = tpu.vector_load %arg8[%get3A_1810, %get3A_1811] {strides = array<i32>} : memref<32x160xf32, #tpu.memory_space<vmem>>, vector<1x16xf32>,
    %get3A_1813 = vector.shape_cast %get3A_1812 : vector<1x16xf32> to vector<16xf32>
    %mul3A_1814 = arith.mulf %get3A_1808, %get3A_1813 : vector<16xf32>
    %add3A_1815 = arith.addf %add3A_1803, %mul3A_1814 : vector<16xf32>
    %get3A_1816 = arith.constant 229 : i32
    %get3A_1817 = arith.index_cast %get3A_1816 : i32 to index
    %get3A_1818 = arith.constant 0 : index
    %get3A_1819 = tpu.vector_load %arg7[%get3A_1817, %get3A_1818] {strides = array<i32>} : memref<512x16xf32, #tpu.memory_space<vmem>>, vector<1x16xf32>,
    %get3A_1820 = vector.shape_cast %get3A_1819 : vector<1x16xf32> to vector<16xf32>
    %get3A_1821 = arith.constant 14 : i32
    %get3A_1822 = arith.index_cast %get3A_1821 : i32 to index
    %get3A_1823 = arith.constant 80 : index
    %get3A_1824 = tpu.vector_load %arg8[%get3A_1822, %get3A_1823] {strides = array<i32>} : memref<32x160xf32, #tpu.memory_space<vmem>>, vector<1x16xf32>,
    %get3A_1825 = vector.shape_cast %get3A_1824 : vector<1x16xf32> to vector<16xf32>
    %mul3A_1826 = arith.mulf %get3A_1820, %get3A_1825 : vector<16xf32>
    %add3A_1827 = arith.addf %add3A_1815, %mul3A_1826 : vector<16xf32>
    %get3A_1828 = arith.constant 230 : i32
    %get3A_1829 = arith.index_cast %get3A_1828 : i32 to index
    %get3A_1830 = arith.constant 0 : index
    %get3A_1831 = tpu.vector_load %arg7[%get3A_1829, %get3A_1830] {strides = array<i32>} : memref<512x16xf32, #tpu.memory_space<vmem>>, vector<1x16xf32>,
    %get3A_1832 = vector.shape_cast %get3A_1831 : vector<1x16xf32> to vector<16xf32>
    %get3A_1833 = arith.constant 14 : i32
    %get3A_1834 = arith.index_cast %get3A_1833 : i32 to index
    %get3A_1835 = arith.constant 96 : index
    %get3A_1836 = tpu.vector_load %arg8[%get3A_1834, %get3A_1835] {strides = array<i32>} : memref<32x160xf32, #tpu.memory_space<vmem>>, vector<1x16xf32>,
    %get3A_1837 = vector.shape_cast %get3A_1836 : vector<1x16xf32> to vector<16xf32>
    %mul3A_1838 = arith.mulf %get3A_1832, %get3A_1837 : vector<16xf32>
    %add3A_1839 = arith.addf %add3A_1827, %mul3A_1838 : vector<16xf32>
    %get3A_1840 = arith.constant 231 : i32
    %get3A_1841 = arith.index_cast %get3A_1840 : i32 to index
    %get3A_1842 = arith.constant 0 : index
    %get3A_1843 = tpu.vector_load %arg7[%get3A_1841, %get3A_1842] {strides = array<i32>} : memref<512x16xf32, #tpu.memory_space<vmem>>, vector<1x16xf32>,
    %get3A_1844 = vector.shape_cast %get3A_1843 : vector<1x16xf32> to vector<16xf32>
    %get3A_1845 = arith.constant 14 : i32
    %get3A_1846 = arith.index_cast %get3A_1845 : i32 to index
    %get3A_1847 = arith.constant 112 : index
    %get3A_1848 = tpu.vector_load %arg8[%get3A_1846, %get3A_1847] {strides = array<i32>} : memref<32x160xf32, #tpu.memory_space<vmem>>, vector<1x16xf32>,
    %get3A_1849 = vector.shape_cast %get3A_1848 : vector<1x16xf32> to vector<16xf32>
    %mul3A_1850 = arith.mulf %get3A_1844, %get3A_1849 : vector<16xf32>
    %add3A_1851 = arith.addf %add3A_1839, %mul3A_1850 : vector<16xf32>
    %get3A_1852 = arith.constant 232 : i32
    %get3A_1853 = arith.index_cast %get3A_1852 : i32 to index
    %get3A_1854 = arith.constant 0 : index
    %get3A_1855 = tpu.vector_load %arg7[%get3A_1853, %get3A_1854] {strides = array<i32>} : memref<512x16xf32, #tpu.memory_space<vmem>>, vector<1x16xf32>,
    %get3A_1856 = vector.shape_cast %get3A_1855 : vector<1x16xf32> to vector<16xf32>
    %get3A_1857 = arith.constant 14 : i32
    %get3A_1858 = arith.index_cast %get3A_1857 : i32 to index
    %get3A_1859 = arith.constant 128 : index
    %get3A_1860 = tpu.vector_load %arg8[%get3A_1858, %get3A_1859] {strides = array<i32>} : memref<32x160xf32, #tpu.memory_space<vmem>>, vector<1x16xf32>,
    %get3A_1861 = vector.shape_cast %get3A_1860 : vector<1x16xf32> to vector<16xf32>
    %mul3A_1862 = arith.mulf %get3A_1856, %get3A_1861 : vector<16xf32>
    %add3A_1863 = arith.addf %add3A_1851, %mul3A_1862 : vector<16xf32>
    %get3A_1864 = arith.constant 233 : i32
    %get3A_1865 = arith.index_cast %get3A_1864 : i32 to index
    %get3A_1866 = arith.constant 0 : index
    %get3A_1867 = tpu.vector_load %arg7[%get3A_1865, %get3A_1866] {strides = array<i32>} : memref<512x16xf32, #tpu.memory_space<vmem>>, vector<1x16xf32>,
    %get3A_1868 = vector.shape_cast %get3A_1867 : vector<1x16xf32> to vector<16xf32>
    %get3A_1869 = arith.constant 14 : i32
    %get3A_1870 = arith.index_cast %get3A_1869 : i32 to index
    %get3A_1871 = arith.constant 144 : index
    %get3A_1872 = tpu.vector_load %arg8[%get3A_1870, %get3A_1871] {strides = array<i32>} : memref<32x160xf32, #tpu.memory_space<vmem>>, vector<1x16xf32>,
    %get3A_1873 = vector.shape_cast %get3A_1872 : vector<1x16xf32> to vector<16xf32>
    %mul3A_1874 = arith.mulf %get3A_1868, %get3A_1873 : vector<16xf32>
    %add3A_1875 = arith.addf %add3A_1863, %mul3A_1874 : vector<16xf32>
    %swap3A_1876 = arith.constant 14 : i32
    %swap3A_1877 = arith.index_cast %swap3A_1876 : i32 to index
    %swap3A_1878 = arith.constant 0 : index
    %swap3A_1879 = tpu.vector_load %arg9[%swap3A_1877, %swap3A_1878] {strides = array<i32>} : memref<32x16xf32, #tpu.memory_space<vmem>>, vector<1x16xf32>,
    %swap3A_1880 = vector.shape_cast %swap3A_1879 : vector<1x16xf32> to vector<16xf32>
    %swap3A_1881 = vector.shape_cast %add3A_1875 : vector<16xf32> to vector<1x16xf32>
    tpu.vector_store %arg9[%swap3A_1877, %swap3A_1878], %swap3A_1881 {strides = array<i32>} : memref<32x16xf32, #tpu.memory_space<vmem>>, vector<1x16xf32>,
    %get3A_1882 = arith.constant 240 : i32
    %get3A_1883 = arith.index_cast %get3A_1882 : i32 to index
    %get3A_1884 = arith.constant 0 : index
    %get3A_1885 = tpu.vector_load %arg7[%get3A_1883, %get3A_1884] {strides = array<i32>} : memref<512x16xf32, #tpu.memory_space<vmem>>, vector<1x16xf32>,
    %get3A_1886 = vector.shape_cast %get3A_1885 : vector<1x16xf32> to vector<16xf32>
    %get3A_1887 = arith.constant 15 : i32
    %get3A_1888 = arith.index_cast %get3A_1887 : i32 to index
    %get3A_1889 = arith.constant 0 : index
    %get3A_1890 = tpu.vector_load %arg8[%get3A_1888, %get3A_1889] {strides = array<i32>} : memref<32x160xf32, #tpu.memory_space<vmem>>, vector<1x16xf32>,
    %get3A_1891 = vector.shape_cast %get3A_1890 : vector<1x16xf32> to vector<16xf32>
    %mul3A_1892 = arith.mulf %get3A_1886, %get3A_1891 : vector<16xf32>
    %get3A_1893 = arith.constant 241 : i32
    %get3A_1894 = arith.index_cast %get3A_1893 : i32 to index
    %get3A_1895 = arith.constant 0 : index
    %get3A_1896 = tpu.vector_load %arg7[%get3A_1894, %get3A_1895] {strides = array<i32>} : memref<512x16xf32, #tpu.memory_space<vmem>>, vector<1x16xf32>,
    %get3A_1897 = vector.shape_cast %get3A_1896 : vector<1x16xf32> to vector<16xf32>
    %get3A_1898 = arith.constant 15 : i32
    %get3A_1899 = arith.index_cast %get3A_1898 : i32 to index
    %get3A_1900 = arith.constant 16 : index
    %get3A_1901 = tpu.vector_load %arg8[%get3A_1899, %get3A_1900] {strides = array<i32>} : memref<32x160xf32, #tpu.memory_space<vmem>>, vector<1x16xf32>,
    %get3A_1902 = vector.shape_cast %get3A_1901 : vector<1x16xf32> to vector<16xf32>
    %mul3A_1903 = arith.mulf %get3A_1897, %get3A_1902 : vector<16xf32>
    %add3A_1904 = arith.addf %mul3A_1892, %mul3A_1903 : vector<16xf32>
    %get3A_1905 = arith.constant 242 : i32
    %get3A_1906 = arith.index_cast %get3A_1905 : i32 to index
    %get3A_1907 = arith.constant 0 : index
    %get3A_1908 = tpu.vector_load %arg7[%get3A_1906, %get3A_1907] {strides = array<i32>} : memref<512x16xf32, #tpu.memory_space<vmem>>, vector<1x16xf32>,
    %get3A_1909 = vector.shape_cast %get3A_1908 : vector<1x16xf32> to vector<16xf32>
    %get3A_1910 = arith.constant 15 : i32
    %get3A_1911 = arith.index_cast %get3A_1910 : i32 to index
    %get3A_1912 = arith.constant 32 : index
    %get3A_1913 = tpu.vector_load %arg8[%get3A_1911, %get3A_1912] {strides = array<i32>} : memref<32x160xf32, #tpu.memory_space<vmem>>, vector<1x16xf32>,
    %get3A_1914 = vector.shape_cast %get3A_1913 : vector<1x16xf32> to vector<16xf32>
    %mul3A_1915 = arith.mulf %get3A_1909, %get3A_1914 : vector<16xf32>
    %add3A_1916 = arith.addf %add3A_1904, %mul3A_1915 : vector<16xf32>
    %get3A_1917 = arith.constant 243 : i32
    %get3A_1918 = arith.index_cast %get3A_1917 : i32 to index
    %get3A_1919 = arith.constant 0 : index
    %get3A_1920 = tpu.vector_load %arg7[%get3A_1918, %get3A_1919] {strides = array<i32>} : memref<512x16xf32, #tpu.memory_space<vmem>>, vector<1x16xf32>,
    %get3A_1921 = vector.shape_cast %get3A_1920 : vector<1x16xf32> to vector<16xf32>
    %get3A_1922 = arith.constant 15 : i32
    %get3A_1923 = arith.index_cast %get3A_1922 : i32 to index
    %get3A_1924 = arith.constant 48 : index
    %get3A_1925 = tpu.vector_load %arg8[%get3A_1923, %get3A_1924] {strides = array<i32>} : memref<32x160xf32, #tpu.memory_space<vmem>>, vector<1x16xf32>,
    %get3A_1926 = vector.shape_cast %get3A_1925 : vector<1x16xf32> to vector<16xf32>
    %mul3A_1927 = arith.mulf %get3A_1921, %get3A_1926 : vector<16xf32>
    %add3A_1928 = arith.addf %add3A_1916, %mul3A_1927 : vector<16xf32>
    %get3A_1929 = arith.constant 244 : i32
    %get3A_1930 = arith.index_cast %get3A_1929 : i32 to index
    %get3A_1931 = arith.constant 0 : index
    %get3A_1932 = tpu.vector_load %arg7[%get3A_1930, %get3A_1931] {strides = array<i32>} : memref<512x16xf32, #tpu.memory_space<vmem>>, vector<1x16xf32>,
    %get3A_1933 = vector.shape_cast %get3A_1932 : vector<1x16xf32> to vector<16xf32>
    %get3A_1934 = arith.constant 15 : i32
    %get3A_1935 = arith.index_cast %get3A_1934 : i32 to index
    %get3A_1936 = arith.constant 64 : index
    %get3A_1937 = tpu.vector_load %arg8[%get3A_1935, %get3A_1936] {strides = array<i32>} : memref<32x160xf32, #tpu.memory_space<vmem>>, vector<1x16xf32>,
    %get3A_1938 = vector.shape_cast %get3A_1937 : vector<1x16xf32> to vector<16xf32>
    %mul3A_1939 = arith.mulf %get3A_1933, %get3A_1938 : vector<16xf32>
    %add3A_1940 = arith.addf %add3A_1928, %mul3A_1939 : vector<16xf32>
    %get3A_1941 = arith.constant 245 : i32
    %get3A_1942 = arith.index_cast %get3A_1941 : i32 to index
    %get3A_1943 = arith.constant 0 : index
    %get3A_1944 = tpu.vector_load %arg7[%get3A_1942, %get3A_1943] {strides = array<i32>} : memref<512x16xf32, #tpu.memory_space<vmem>>, vector<1x16xf32>,
    %get3A_1945 = vector.shape_cast %get3A_1944 : vector<1x16xf32> to vector<16xf32>
    %get3A_1946 = arith.constant 15 : i32
    %get3A_1947 = arith.index_cast %get3A_1946 : i32 to index
    %get3A_1948 = arith.constant 80 : index
    %get3A_1949 = tpu.vector_load %arg8[%get3A_1947, %get3A_1948] {strides = array<i32>} : memref<32x160xf32, #tpu.memory_space<vmem>>, vector<1x16xf32>,
    %get3A_1950 = vector.shape_cast %get3A_1949 : vector<1x16xf32> to vector<16xf32>
    %mul3A_1951 = arith.mulf %get3A_1945, %get3A_1950 : vector<16xf32>
    %add3A_1952 = arith.addf %add3A_1940, %mul3A_1951 : vector<16xf32>
    %get3A_1953 = arith.constant 246 : i32
    %get3A_1954 = arith.index_cast %get3A_1953 : i32 to index
    %get3A_1955 = arith.constant 0 : index
    %get3A_1956 = tpu.vector_load %arg7[%get3A_1954, %get3A_1955] {strides = array<i32>} : memref<512x16xf32, #tpu.memory_space<vmem>>, vector<1x16xf32>,
    %get3A_1957 = vector.shape_cast %get3A_1956 : vector<1x16xf32> to vector<16xf32>
    %get3A_1958 = arith.constant 15 : i32
    %get3A_1959 = arith.index_cast %get3A_1958 : i32 to index
    %get3A_1960 = arith.constant 96 : index
    %get3A_1961 = tpu.vector_load %arg8[%get3A_1959, %get3A_1960] {strides = array<i32>} : memref<32x160xf32, #tpu.memory_space<vmem>>, vector<1x16xf32>,
    %get3A_1962 = vector.shape_cast %get3A_1961 : vector<1x16xf32> to vector<16xf32>
    %mul3A_1963 = arith.mulf %get3A_1957, %get3A_1962 : vector<16xf32>
    %add3A_1964 = arith.addf %add3A_1952, %mul3A_1963 : vector<16xf32>
    %get3A_1965 = arith.constant 247 : i32
    %get3A_1966 = arith.index_cast %get3A_1965 : i32 to index
    %get3A_1967 = arith.constant 0 : index
    %get3A_1968 = tpu.vector_load %arg7[%get3A_1966, %get3A_1967] {strides = array<i32>} : memref<512x16xf32, #tpu.memory_space<vmem>>, vector<1x16xf32>,
    %get3A_1969 = vector.shape_cast %get3A_1968 : vector<1x16xf32> to vector<16xf32>
    %get3A_1970 = arith.constant 15 : i32
    %get3A_1971 = arith.index_cast %get3A_1970 : i32 to index
    %get3A_1972 = arith.constant 112 : index
    %get3A_1973 = tpu.vector_load %arg8[%get3A_1971, %get3A_1972] {strides = array<i32>} : memref<32x160xf32, #tpu.memory_space<vmem>>, vector<1x16xf32>,
    %get3A_1974 = vector.shape_cast %get3A_1973 : vector<1x16xf32> to vector<16xf32>
    %mul3A_1975 = arith.mulf %get3A_1969, %get3A_1974 : vector<16xf32>
    %add3A_1976 = arith.addf %add3A_1964, %mul3A_1975 : vector<16xf32>
    %get3A_1977 = arith.constant 248 : i32
    %get3A_1978 = arith.index_cast %get3A_1977 : i32 to index
    %get3A_1979 = arith.constant 0 : index
    %get3A_1980 = tpu.vector_load %arg7[%get3A_1978, %get3A_1979] {strides = array<i32>} : memref<512x16xf32, #tpu.memory_space<vmem>>, vector<1x16xf32>,
    %get3A_1981 = vector.shape_cast %get3A_1980 : vector<1x16xf32> to vector<16xf32>
    %get3A_1982 = arith.constant 15 : i32
    %get3A_1983 = arith.index_cast %get3A_1982 : i32 to index
    %get3A_1984 = arith.constant 128 : index
    %get3A_1985 = tpu.vector_load %arg8[%get3A_1983, %get3A_1984] {strides = array<i32>} : memref<32x160xf32, #tpu.memory_space<vmem>>, vector<1x16xf32>,
    %get3A_1986 = vector.shape_cast %get3A_1985 : vector<1x16xf32> to vector<16xf32>
    %mul3A_1987 = arith.mulf %get3A_1981, %get3A_1986 : vector<16xf32>
    %add3A_1988 = arith.addf %add3A_1976, %mul3A_1987 : vector<16xf32>
    %get3A_1989 = arith.constant 249 : i32
    %get3A_1990 = arith.index_cast %get3A_1989 : i32 to index
    %get3A_1991 = arith.constant 0 : index
    %get3A_1992 = tpu.vector_load %arg7[%get3A_1990, %get3A_1991] {strides = array<i32>} : memref<512x16xf32, #tpu.memory_space<vmem>>, vector<1x16xf32>,
    %get3A_1993 = vector.shape_cast %get3A_1992 : vector<1x16xf32> to vector<16xf32>
    %get3A_1994 = arith.constant 15 : i32
    %get3A_1995 = arith.index_cast %get3A_1994 : i32 to index
    %get3A_1996 = arith.constant 144 : index
    %get3A_1997 = tpu.vector_load %arg8[%get3A_1995, %get3A_1996] {strides = array<i32>} : memref<32x160xf32, #tpu.memory_space<vmem>>, vector<1x16xf32>,
    %get3A_1998 = vector.shape_cast %get3A_1997 : vector<1x16xf32> to vector<16xf32>
    %mul3A_1999 = arith.mulf %get3A_1993, %get3A_1998 : vector<16xf32>
    %add3A_2000 = arith.addf %add3A_1988, %mul3A_1999 : vector<16xf32>
    %swap3A_2001 = arith.constant 15 : i32
    %swap3A_2002 = arith.index_cast %swap3A_2001 : i32 to index
    %swap3A_2003 = arith.constant 0 : index
    %swap3A_2004 = tpu.vector_load %arg9[%swap3A_2002, %swap3A_2003] {strides = array<i32>} : memref<32x16xf32, #tpu.memory_space<vmem>>, vector<1x16xf32>,
    %swap3A_2005 = vector.shape_cast %swap3A_2004 : vector<1x16xf32> to vector<16xf32>
    %swap3A_2006 = vector.shape_cast %add3A_2000 : vector<16xf32> to vector<1x16xf32>
    tpu.vector_store %arg9[%swap3A_2002, %swap3A_2003], %swap3A_2006 {strides = array<i32>} : memref<32x16xf32, #tpu.memory_space<vmem>>, vector<1x16xf32>,
    %get3A_2007 = arith.constant 256 : i32
    %get3A_2008 = arith.index_cast %get3A_2007 : i32 to index
    %get3A_2009 = arith.constant 0 : index
    %get3A_2010 = tpu.vector_load %arg7[%get3A_2008, %get3A_2009] {strides = array<i32>} : memref<512x16xf32, #tpu.memory_space<vmem>>, vector<1x16xf32>,
    %get3A_2011 = vector.shape_cast %get3A_2010 : vector<1x16xf32> to vector<16xf32>
    %get3A_2012 = arith.constant 16 : i32
    %get3A_2013 = arith.index_cast %get3A_2012 : i32 to index
    %get3A_2014 = arith.constant 0 : index
    %get3A_2015 = tpu.vector_load %arg8[%get3A_2013, %get3A_2014] {strides = array<i32>} : memref<32x160xf32, #tpu.memory_space<vmem>>, vector<1x16xf32>,
    %get3A_2016 = vector.shape_cast %get3A_2015 : vector<1x16xf32> to vector<16xf32>
    %mul3A_2017 = arith.mulf %get3A_2011, %get3A_2016 : vector<16xf32>
    %get3A_2018 = arith.constant 257 : i32
    %get3A_2019 = arith.index_cast %get3A_2018 : i32 to index
    %get3A_2020 = arith.constant 0 : index
    %get3A_2021 = tpu.vector_load %arg7[%get3A_2019, %get3A_2020] {strides = array<i32>} : memref<512x16xf32, #tpu.memory_space<vmem>>, vector<1x16xf32>,
    %get3A_2022 = vector.shape_cast %get3A_2021 : vector<1x16xf32> to vector<16xf32>
    %get3A_2023 = arith.constant 16 : i32
    %get3A_2024 = arith.index_cast %get3A_2023 : i32 to index
    %get3A_2025 = arith.constant 16 : index
    %get3A_2026 = tpu.vector_load %arg8[%get3A_2024, %get3A_2025] {strides = array<i32>} : memref<32x160xf32, #tpu.memory_space<vmem>>, vector<1x16xf32>,
    %get3A_2027 = vector.shape_cast %get3A_2026 : vector<1x16xf32> to vector<16xf32>
    %mul3A_2028 = arith.mulf %get3A_2022, %get3A_2027 : vector<16xf32>
    %add3A_2029 = arith.addf %mul3A_2017, %mul3A_2028 : vector<16xf32>
    %get3A_2030 = arith.constant 258 : i32
    %get3A_2031 = arith.index_cast %get3A_2030 : i32 to index
    %get3A_2032 = arith.constant 0 : index
    %get3A_2033 = tpu.vector_load %arg7[%get3A_2031, %get3A_2032] {strides = array<i32>} : memref<512x16xf32, #tpu.memory_space<vmem>>, vector<1x16xf32>,
    %get3A_2034 = vector.shape_cast %get3A_2033 : vector<1x16xf32> to vector<16xf32>
    %get3A_2035 = arith.constant 16 : i32
    %get3A_2036 = arith.index_cast %get3A_2035 : i32 to index
    %get3A_2037 = arith.constant 32 : index
    %get3A_2038 = tpu.vector_load %arg8[%get3A_2036, %get3A_2037] {strides = array<i32>} : memref<32x160xf32, #tpu.memory_space<vmem>>, vector<1x16xf32>,
    %get3A_2039 = vector.shape_cast %get3A_2038 : vector<1x16xf32> to vector<16xf32>
    %mul3A_2040 = arith.mulf %get3A_2034, %get3A_2039 : vector<16xf32>
    %add3A_2041 = arith.addf %add3A_2029, %mul3A_2040 : vector<16xf32>
    %get3A_2042 = arith.constant 259 : i32
    %get3A_2043 = arith.index_cast %get3A_2042 : i32 to index
    %get3A_2044 = arith.constant 0 : index
    %get3A_2045 = tpu.vector_load %arg7[%get3A_2043, %get3A_2044] {strides = array<i32>} : memref<512x16xf32, #tpu.memory_space<vmem>>, vector<1x16xf32>,
    %get3A_2046 = vector.shape_cast %get3A_2045 : vector<1x16xf32> to vector<16xf32>
    %get3A_2047 = arith.constant 16 : i32
    %get3A_2048 = arith.index_cast %get3A_2047 : i32 to index
    %get3A_2049 = arith.constant 48 : index
    %get3A_2050 = tpu.vector_load %arg8[%get3A_2048, %get3A_2049] {strides = array<i32>} : memref<32x160xf32, #tpu.memory_space<vmem>>, vector<1x16xf32>,
    %get3A_2051 = vector.shape_cast %get3A_2050 : vector<1x16xf32> to vector<16xf32>
    %mul3A_2052 = arith.mulf %get3A_2046, %get3A_2051 : vector<16xf32>
    %add3A_2053 = arith.addf %add3A_2041, %mul3A_2052 : vector<16xf32>
    %get3A_2054 = arith.constant 260 : i32
    %get3A_2055 = arith.index_cast %get3A_2054 : i32 to index
    %get3A_2056 = arith.constant 0 : index
    %get3A_2057 = tpu.vector_load %arg7[%get3A_2055, %get3A_2056] {strides = array<i32>} : memref<512x16xf32, #tpu.memory_space<vmem>>, vector<1x16xf32>,
    %get3A_2058 = vector.shape_cast %get3A_2057 : vector<1x16xf32> to vector<16xf32>
    %get3A_2059 = arith.constant 16 : i32
    %get3A_2060 = arith.index_cast %get3A_2059 : i32 to index
    %get3A_2061 = arith.constant 64 : index
    %get3A_2062 = tpu.vector_load %arg8[%get3A_2060, %get3A_2061] {strides = array<i32>} : memref<32x160xf32, #tpu.memory_space<vmem>>, vector<1x16xf32>,
    %get3A_2063 = vector.shape_cast %get3A_2062 : vector<1x16xf32> to vector<16xf32>
    %mul3A_2064 = arith.mulf %get3A_2058, %get3A_2063 : vector<16xf32>
    %add3A_2065 = arith.addf %add3A_2053, %mul3A_2064 : vector<16xf32>
    %get3A_2066 = arith.constant 261 : i32
    %get3A_2067 = arith.index_cast %get3A_2066 : i32 to index
    %get3A_2068 = arith.constant 0 : index
    %get3A_2069 = tpu.vector_load %arg7[%get3A_2067, %get3A_2068] {strides = array<i32>} : memref<512x16xf32, #tpu.memory_space<vmem>>, vector<1x16xf32>,
    %get3A_2070 = vector.shape_cast %get3A_2069 : vector<1x16xf32> to vector<16xf32>
    %get3A_2071 = arith.constant 16 : i32
    %get3A_2072 = arith.index_cast %get3A_2071 : i32 to index
    %get3A_2073 = arith.constant 80 : index
    %get3A_2074 = tpu.vector_load %arg8[%get3A_2072, %get3A_2073] {strides = array<i32>} : memref<32x160xf32, #tpu.memory_space<vmem>>, vector<1x16xf32>,
    %get3A_2075 = vector.shape_cast %get3A_2074 : vector<1x16xf32> to vector<16xf32>
    %mul3A_2076 = arith.mulf %get3A_2070, %get3A_2075 : vector<16xf32>
    %add3A_2077 = arith.addf %add3A_2065, %mul3A_2076 : vector<16xf32>
    %get3A_2078 = arith.constant 262 : i32
    %get3A_2079 = arith.index_cast %get3A_2078 : i32 to index
    %get3A_2080 = arith.constant 0 : index
    %get3A_2081 = tpu.vector_load %arg7[%get3A_2079, %get3A_2080] {strides = array<i32>} : memref<512x16xf32, #tpu.memory_space<vmem>>, vector<1x16xf32>,
    %get3A_2082 = vector.shape_cast %get3A_2081 : vector<1x16xf32> to vector<16xf32>
    %get3A_2083 = arith.constant 16 : i32
    %get3A_2084 = arith.index_cast %get3A_2083 : i32 to index
    %get3A_2085 = arith.constant 96 : index
    %get3A_2086 = tpu.vector_load %arg8[%get3A_2084, %get3A_2085] {strides = array<i32>} : memref<32x160xf32, #tpu.memory_space<vmem>>, vector<1x16xf32>,
    %get3A_2087 = vector.shape_cast %get3A_2086 : vector<1x16xf32> to vector<16xf32>
    %mul3A_2088 = arith.mulf %get3A_2082, %get3A_2087 : vector<16xf32>
    %add3A_2089 = arith.addf %add3A_2077, %mul3A_2088 : vector<16xf32>
    %get3A_2090 = arith.constant 263 : i32
    %get3A_2091 = arith.index_cast %get3A_2090 : i32 to index
    %get3A_2092 = arith.constant 0 : index
    %get3A_2093 = tpu.vector_load %arg7[%get3A_2091, %get3A_2092] {strides = array<i32>} : memref<512x16xf32, #tpu.memory_space<vmem>>, vector<1x16xf32>,
    %get3A_2094 = vector.shape_cast %get3A_2093 : vector<1x16xf32> to vector<16xf32>
    %get3A_2095 = arith.constant 16 : i32
    %get3A_2096 = arith.index_cast %get3A_2095 : i32 to index
    %get3A_2097 = arith.constant 112 : index
    %get3A_2098 = tpu.vector_load %arg8[%get3A_2096, %get3A_2097] {strides = array<i32>} : memref<32x160xf32, #tpu.memory_space<vmem>>, vector<1x16xf32>,
    %get3A_2099 = vector.shape_cast %get3A_2098 : vector<1x16xf32> to vector<16xf32>
    %mul3A_2100 = arith.mulf %get3A_2094, %get3A_2099 : vector<16xf32>
    %add3A_2101 = arith.addf %add3A_2089, %mul3A_2100 : vector<16xf32>
    %get3A_2102 = arith.constant 264 : i32
    %get3A_2103 = arith.index_cast %get3A_2102 : i32 to index
    %get3A_2104 = arith.constant 0 : index
    %get3A_2105 = tpu.vector_load %arg7[%get3A_2103, %get3A_2104] {strides = array<i32>} : memref<512x16xf32, #tpu.memory_space<vmem>>, vector<1x16xf32>,
    %get3A_2106 = vector.shape_cast %get3A_2105 : vector<1x16xf32> to vector<16xf32>
    %get3A_2107 = arith.constant 16 : i32
    %get3A_2108 = arith.index_cast %get3A_2107 : i32 to index
    %get3A_2109 = arith.constant 128 : index
    %get3A_2110 = tpu.vector_load %arg8[%get3A_2108, %get3A_2109] {strides = array<i32>} : memref<32x160xf32, #tpu.memory_space<vmem>>, vector<1x16xf32>,
    %get3A_2111 = vector.shape_cast %get3A_2110 : vector<1x16xf32> to vector<16xf32>
    %mul3A_2112 = arith.mulf %get3A_2106, %get3A_2111 : vector<16xf32>
    %add3A_2113 = arith.addf %add3A_2101, %mul3A_2112 : vector<16xf32>
    %get3A_2114 = arith.constant 265 : i32
    %get3A_2115 = arith.index_cast %get3A_2114 : i32 to index
    %get3A_2116 = arith.constant 0 : index
    %get3A_2117 = tpu.vector_load %arg7[%get3A_2115, %get3A_2116] {strides = array<i32>} : memref<512x16xf32, #tpu.memory_space<vmem>>, vector<1x16xf32>,
    %get3A_2118 = vector.shape_cast %get3A_2117 : vector<1x16xf32> to vector<16xf32>
    %get3A_2119 = arith.constant 16 : i32
    %get3A_2120 = arith.index_cast %get3A_2119 : i32 to index
    %get3A_2121 = arith.constant 144 : index
    %get3A_2122 = tpu.vector_load %arg8[%get3A_2120, %get3A_2121] {strides = array<i32>} : memref<32x160xf32, #tpu.memory_space<vmem>>, vector<1x16xf32>,
    %get3A_2123 = vector.shape_cast %get3A_2122 : vector<1x16xf32> to vector<16xf32>
    %mul3A_2124 = arith.mulf %get3A_2118, %get3A_2123 : vector<16xf32>
    %add3A_2125 = arith.addf %add3A_2113, %mul3A_2124 : vector<16xf32>
    %swap3A_2126 = arith.constant 16 : i32
    %swap3A_2127 = arith.index_cast %swap3A_2126 : i32 to index
    %swap3A_2128 = arith.constant 0 : index
    %swap3A_2129 = tpu.vector_load %arg9[%swap3A_2127, %swap3A_2128] {strides = array<i32>} : memref<32x16xf32, #tpu.memory_space<vmem>>, vector<1x16xf32>,
    %swap3A_2130 = vector.shape_cast %swap3A_2129 : vector<1x16xf32> to vector<16xf32>
    %swap3A_2131 = vector.shape_cast %add3A_2125 : vector<16xf32> to vector<1x16xf32>
    tpu.vector_store %arg9[%swap3A_2127, %swap3A_2128], %swap3A_2131 {strides = array<i32>} : memref<32x16xf32, #tpu.memory_space<vmem>>, vector<1x16xf32>,
    %get3A_2132 = arith.constant 272 : i32
    %get3A_2133 = arith.index_cast %get3A_2132 : i32 to index
    %get3A_2134 = arith.constant 0 : index
    %get3A_2135 = tpu.vector_load %arg7[%get3A_2133, %get3A_2134] {strides = array<i32>} : memref<512x16xf32, #tpu.memory_space<vmem>>, vector<1x16xf32>,
    %get3A_2136 = vector.shape_cast %get3A_2135 : vector<1x16xf32> to vector<16xf32>
    %get3A_2137 = arith.constant 17 : i32
    %get3A_2138 = arith.index_cast %get3A_2137 : i32 to index
    %get3A_2139 = arith.constant 0 : index
    %get3A_2140 = tpu.vector_load %arg8[%get3A_2138, %get3A_2139] {strides = array<i32>} : memref<32x160xf32, #tpu.memory_space<vmem>>, vector<1x16xf32>,
    %get3A_2141 = vector.shape_cast %get3A_2140 : vector<1x16xf32> to vector<16xf32>
    %mul3A_2142 = arith.mulf %get3A_2136, %get3A_2141 : vector<16xf32>
    %get3A_2143 = arith.constant 273 : i32
    %get3A_2144 = arith.index_cast %get3A_2143 : i32 to index
    %get3A_2145 = arith.constant 0 : index
    %get3A_2146 = tpu.vector_load %arg7[%get3A_2144, %get3A_2145] {strides = array<i32>} : memref<512x16xf32, #tpu.memory_space<vmem>>, vector<1x16xf32>,
    %get3A_2147 = vector.shape_cast %get3A_2146 : vector<1x16xf32> to vector<16xf32>
    %get3A_2148 = arith.constant 17 : i32
    %get3A_2149 = arith.index_cast %get3A_2148 : i32 to index
    %get3A_2150 = arith.constant 16 : index
    %get3A_2151 = tpu.vector_load %arg8[%get3A_2149, %get3A_2150] {strides = array<i32>} : memref<32x160xf32, #tpu.memory_space<vmem>>, vector<1x16xf32>,
    %get3A_2152 = vector.shape_cast %get3A_2151 : vector<1x16xf32> to vector<16xf32>
    %mul3A_2153 = arith.mulf %get3A_2147, %get3A_2152 : vector<16xf32>
    %add3A_2154 = arith.addf %mul3A_2142, %mul3A_2153 : vector<16xf32>
    %get3A_2155 = arith.constant 274 : i32
    %get3A_2156 = arith.index_cast %get3A_2155 : i32 to index
    %get3A_2157 = arith.constant 0 : index
    %get3A_2158 = tpu.vector_load %arg7[%get3A_2156, %get3A_2157] {strides = array<i32>} : memref<512x16xf32, #tpu.memory_space<vmem>>, vector<1x16xf32>,
    %get3A_2159 = vector.shape_cast %get3A_2158 : vector<1x16xf32> to vector<16xf32>
    %get3A_2160 = arith.constant 17 : i32
    %get3A_2161 = arith.index_cast %get3A_2160 : i32 to index
    %get3A_2162 = arith.constant 32 : index
    %get3A_2163 = tpu.vector_load %arg8[%get3A_2161, %get3A_2162] {strides = array<i32>} : memref<32x160xf32, #tpu.memory_space<vmem>>, vector<1x16xf32>,
    %get3A_2164 = vector.shape_cast %get3A_2163 : vector<1x16xf32> to vector<16xf32>
    %mul3A_2165 = arith.mulf %get3A_2159, %get3A_2164 : vector<16xf32>
    %add3A_2166 = arith.addf %add3A_2154, %mul3A_2165 : vector<16xf32>
    %get3A_2167 = arith.constant 275 : i32
    %get3A_2168 = arith.index_cast %get3A_2167 : i32 to index
    %get3A_2169 = arith.constant 0 : index
    %get3A_2170 = tpu.vector_load %arg7[%get3A_2168, %get3A_2169] {strides = array<i32>} : memref<512x16xf32, #tpu.memory_space<vmem>>, vector<1x16xf32>,
    %get3A_2171 = vector.shape_cast %get3A_2170 : vector<1x16xf32> to vector<16xf32>
    %get3A_2172 = arith.constant 17 : i32
    %get3A_2173 = arith.index_cast %get3A_2172 : i32 to index
    %get3A_2174 = arith.constant 48 : index
    %get3A_2175 = tpu.vector_load %arg8[%get3A_2173, %get3A_2174] {strides = array<i32>} : memref<32x160xf32, #tpu.memory_space<vmem>>, vector<1x16xf32>,
    %get3A_2176 = vector.shape_cast %get3A_2175 : vector<1x16xf32> to vector<16xf32>
    %mul3A_2177 = arith.mulf %get3A_2171, %get3A_2176 : vector<16xf32>
    %add3A_2178 = arith.addf %add3A_2166, %mul3A_2177 : vector<16xf32>
    %get3A_2179 = arith.constant 276 : i32
    %get3A_2180 = arith.index_cast %get3A_2179 : i32 to index
    %get3A_2181 = arith.constant 0 : index
    %get3A_2182 = tpu.vector_load %arg7[%get3A_2180, %get3A_2181] {strides = array<i32>} : memref<512x16xf32, #tpu.memory_space<vmem>>, vector<1x16xf32>,
    %get3A_2183 = vector.shape_cast %get3A_2182 : vector<1x16xf32> to vector<16xf32>
    %get3A_2184 = arith.constant 17 : i32
    %get3A_2185 = arith.index_cast %get3A_2184 : i32 to index
    %get3A_2186 = arith.constant 64 : index
    %get3A_2187 = tpu.vector_load %arg8[%get3A_2185, %get3A_2186] {strides = array<i32>} : memref<32x160xf32, #tpu.memory_space<vmem>>, vector<1x16xf32>,
    %get3A_2188 = vector.shape_cast %get3A_2187 : vector<1x16xf32> to vector<16xf32>
    %mul3A_2189 = arith.mulf %get3A_2183, %get3A_2188 : vector<16xf32>
    %add3A_2190 = arith.addf %add3A_2178, %mul3A_2189 : vector<16xf32>
    %get3A_2191 = arith.constant 277 : i32
    %get3A_2192 = arith.index_cast %get3A_2191 : i32 to index
    %get3A_2193 = arith.constant 0 : index
    %get3A_2194 = tpu.vector_load %arg7[%get3A_2192, %get3A_2193] {strides = array<i32>} : memref<512x16xf32, #tpu.memory_space<vmem>>, vector<1x16xf32>,
    %get3A_2195 = vector.shape_cast %get3A_2194 : vector<1x16xf32> to vector<16xf32>
    %get3A_2196 = arith.constant 17 : i32
    %get3A_2197 = arith.index_cast %get3A_2196 : i32 to index
    %get3A_2198 = arith.constant 80 : index
    %get3A_2199 = tpu.vector_load %arg8[%get3A_2197, %get3A_2198] {strides = array<i32>} : memref<32x160xf32, #tpu.memory_space<vmem>>, vector<1x16xf32>,
    %get3A_2200 = vector.shape_cast %get3A_2199 : vector<1x16xf32> to vector<16xf32>
    %mul3A_2201 = arith.mulf %get3A_2195, %get3A_2200 : vector<16xf32>
    %add3A_2202 = arith.addf %add3A_2190, %mul3A_2201 : vector<16xf32>
    %get3A_2203 = arith.constant 278 : i32
    %get3A_2204 = arith.index_cast %get3A_2203 : i32 to index
    %get3A_2205 = arith.constant 0 : index
    %get3A_2206 = tpu.vector_load %arg7[%get3A_2204, %get3A_2205] {strides = array<i32>} : memref<512x16xf32, #tpu.memory_space<vmem>>, vector<1x16xf32>,
    %get3A_2207 = vector.shape_cast %get3A_2206 : vector<1x16xf32> to vector<16xf32>
    %get3A_2208 = arith.constant 17 : i32
    %get3A_2209 = arith.index_cast %get3A_2208 : i32 to index
    %get3A_2210 = arith.constant 96 : index
    %get3A_2211 = tpu.vector_load %arg8[%get3A_2209, %get3A_2210] {strides = array<i32>} : memref<32x160xf32, #tpu.memory_space<vmem>>, vector<1x16xf32>,
    %get3A_2212 = vector.shape_cast %get3A_2211 : vector<1x16xf32> to vector<16xf32>
    %mul3A_2213 = arith.mulf %get3A_2207, %get3A_2212 : vector<16xf32>
    %add3A_2214 = arith.addf %add3A_2202, %mul3A_2213 : vector<16xf32>
    %get3A_2215 = arith.constant 279 : i32
    %get3A_2216 = arith.index_cast %get3A_2215 : i32 to index
    %get3A_2217 = arith.constant 0 : index
    %get3A_2218 = tpu.vector_load %arg7[%get3A_2216, %get3A_2217] {strides = array<i32>} : memref<512x16xf32, #tpu.memory_space<vmem>>, vector<1x16xf32>,
    %get3A_2219 = vector.shape_cast %get3A_2218 : vector<1x16xf32> to vector<16xf32>
    %get3A_2220 = arith.constant 17 : i32
    %get3A_2221 = arith.index_cast %get3A_2220 : i32 to index
    %get3A_2222 = arith.constant 112 : index
    %get3A_2223 = tpu.vector_load %arg8[%get3A_2221, %get3A_2222] {strides = array<i32>} : memref<32x160xf32, #tpu.memory_space<vmem>>, vector<1x16xf32>,
    %get3A_2224 = vector.shape_cast %get3A_2223 : vector<1x16xf32> to vector<16xf32>
    %mul3A_2225 = arith.mulf %get3A_2219, %get3A_2224 : vector<16xf32>
    %add3A_2226 = arith.addf %add3A_2214, %mul3A_2225 : vector<16xf32>
    %get3A_2227 = arith.constant 280 : i32
    %get3A_2228 = arith.index_cast %get3A_2227 : i32 to index
    %get3A_2229 = arith.constant 0 : index
    %get3A_2230 = tpu.vector_load %arg7[%get3A_2228, %get3A_2229] {strides = array<i32>} : memref<512x16xf32, #tpu.memory_space<vmem>>, vector<1x16xf32>,
    %get3A_2231 = vector.shape_cast %get3A_2230 : vector<1x16xf32> to vector<16xf32>
    %get3A_2232 = arith.constant 17 : i32
    %get3A_2233 = arith.index_cast %get3A_2232 : i32 to index
    %get3A_2234 = arith.constant 128 : index
    %get3A_2235 = tpu.vector_load %arg8[%get3A_2233, %get3A_2234] {strides = array<i32>} : memref<32x160xf32, #tpu.memory_space<vmem>>, vector<1x16xf32>,
    %get3A_2236 = vector.shape_cast %get3A_2235 : vector<1x16xf32> to vector<16xf32>
    %mul3A_2237 = arith.mulf %get3A_2231, %get3A_2236 : vector<16xf32>
    %add3A_2238 = arith.addf %add3A_2226, %mul3A_2237 : vector<16xf32>
    %get3A_2239 = arith.constant 281 : i32
    %get3A_2240 = arith.index_cast %get3A_2239 : i32 to index
    %get3A_2241 = arith.constant 0 : index
    %get3A_2242 = tpu.vector_load %arg7[%get3A_2240, %get3A_2241] {strides = array<i32>} : memref<512x16xf32, #tpu.memory_space<vmem>>, vector<1x16xf32>,
    %get3A_2243 = vector.shape_cast %get3A_2242 : vector<1x16xf32> to vector<16xf32>
    %get3A_2244 = arith.constant 17 : i32
    %get3A_2245 = arith.index_cast %get3A_2244 : i32 to index
    %get3A_2246 = arith.constant 144 : index
    %get3A_2247 = tpu.vector_load %arg8[%get3A_2245, %get3A_2246] {strides = array<i32>} : memref<32x160xf32, #tpu.memory_space<vmem>>, vector<1x16xf32>,
    %get3A_2248 = vector.shape_cast %get3A_2247 : vector<1x16xf32> to vector<16xf32>
    %mul3A_2249 = arith.mulf %get3A_2243, %get3A_2248 : vector<16xf32>
    %add3A_2250 = arith.addf %add3A_2238, %mul3A_2249 : vector<16xf32>
    %swap3A_2251 = arith.constant 17 : i32
    %swap3A_2252 = arith.index_cast %swap3A_2251 : i32 to index
    %swap3A_2253 = arith.constant 0 : index
    %swap3A_2254 = tpu.vector_load %arg9[%swap3A_2252, %swap3A_2253] {strides = array<i32>} : memref<32x16xf32, #tpu.memory_space<vmem>>, vector<1x16xf32>,
    %swap3A_2255 = vector.shape_cast %swap3A_2254 : vector<1x16xf32> to vector<16xf32>
    %swap3A_2256 = vector.shape_cast %add3A_2250 : vector<16xf32> to vector<1x16xf32>
    tpu.vector_store %arg9[%swap3A_2252, %swap3A_2253], %swap3A_2256 {strides = array<i32>} : memref<32x16xf32, #tpu.memory_space<vmem>>, vector<1x16xf32>,
    %get3A_2257 = arith.constant 288 : i32
    %get3A_2258 = arith.index_cast %get3A_2257 : i32 to index
    %get3A_2259 = arith.constant 0 : index
    %get3A_2260 = tpu.vector_load %arg7[%get3A_2258, %get3A_2259] {strides = array<i32>} : memref<512x16xf32, #tpu.memory_space<vmem>>, vector<1x16xf32>,
    %get3A_2261 = vector.shape_cast %get3A_2260 : vector<1x16xf32> to vector<16xf32>
    %get3A_2262 = arith.constant 18 : i32
    %get3A_2263 = arith.index_cast %get3A_2262 : i32 to index
    %get3A_2264 = arith.constant 0 : index
    %get3A_2265 = tpu.vector_load %arg8[%get3A_2263, %get3A_2264] {strides = array<i32>} : memref<32x160xf32, #tpu.memory_space<vmem>>, vector<1x16xf32>,
    %get3A_2266 = vector.shape_cast %get3A_2265 : vector<1x16xf32> to vector<16xf32>
    %mul3A_2267 = arith.mulf %get3A_2261, %get3A_2266 : vector<16xf32>
    %get3A_2268 = arith.constant 289 : i32
    %get3A_2269 = arith.index_cast %get3A_2268 : i32 to index
    %get3A_2270 = arith.constant 0 : index
    %get3A_2271 = tpu.vector_load %arg7[%get3A_2269, %get3A_2270] {strides = array<i32>} : memref<512x16xf32, #tpu.memory_space<vmem>>, vector<1x16xf32>,
    %get3A_2272 = vector.shape_cast %get3A_2271 : vector<1x16xf32> to vector<16xf32>
    %get3A_2273 = arith.constant 18 : i32
    %get3A_2274 = arith.index_cast %get3A_2273 : i32 to index
    %get3A_2275 = arith.constant 16 : index
    %get3A_2276 = tpu.vector_load %arg8[%get3A_2274, %get3A_2275] {strides = array<i32>} : memref<32x160xf32, #tpu.memory_space<vmem>>, vector<1x16xf32>,
    %get3A_2277 = vector.shape_cast %get3A_2276 : vector<1x16xf32> to vector<16xf32>
    %mul3A_2278 = arith.mulf %get3A_2272, %get3A_2277 : vector<16xf32>
    %add3A_2279 = arith.addf %mul3A_2267, %mul3A_2278 : vector<16xf32>
    %get3A_2280 = arith.constant 290 : i32
    %get3A_2281 = arith.index_cast %get3A_2280 : i32 to index
    %get3A_2282 = arith.constant 0 : index
    %get3A_2283 = tpu.vector_load %arg7[%get3A_2281, %get3A_2282] {strides = array<i32>} : memref<512x16xf32, #tpu.memory_space<vmem>>, vector<1x16xf32>,
    %get3A_2284 = vector.shape_cast %get3A_2283 : vector<1x16xf32> to vector<16xf32>
    %get3A_2285 = arith.constant 18 : i32
    %get3A_2286 = arith.index_cast %get3A_2285 : i32 to index
    %get3A_2287 = arith.constant 32 : index
    %get3A_2288 = tpu.vector_load %arg8[%get3A_2286, %get3A_2287] {strides = array<i32>} : memref<32x160xf32, #tpu.memory_space<vmem>>, vector<1x16xf32>,
    %get3A_2289 = vector.shape_cast %get3A_2288 : vector<1x16xf32> to vector<16xf32>
    %mul3A_2290 = arith.mulf %get3A_2284, %get3A_2289 : vector<16xf32>
    %add3A_2291 = arith.addf %add3A_2279, %mul3A_2290 : vector<16xf32>
    %get3A_2292 = arith.constant 291 : i32
    %get3A_2293 = arith.index_cast %get3A_2292 : i32 to index
    %get3A_2294 = arith.constant 0 : index
    %get3A_2295 = tpu.vector_load %arg7[%get3A_2293, %get3A_2294] {strides = array<i32>} : memref<512x16xf32, #tpu.memory_space<vmem>>, vector<1x16xf32>,
    %get3A_2296 = vector.shape_cast %get3A_2295 : vector<1x16xf32> to vector<16xf32>
    %get3A_2297 = arith.constant 18 : i32
    %get3A_2298 = arith.index_cast %get3A_2297 : i32 to index
    %get3A_2299 = arith.constant 48 : index
    %get3A_2300 = tpu.vector_load %arg8[%get3A_2298, %get3A_2299] {strides = array<i32>} : memref<32x160xf32, #tpu.memory_space<vmem>>, vector<1x16xf32>,
    %get3A_2301 = vector.shape_cast %get3A_2300 : vector<1x16xf32> to vector<16xf32>
    %mul3A_2302 = arith.mulf %get3A_2296, %get3A_2301 : vector<16xf32>
    %add3A_2303 = arith.addf %add3A_2291, %mul3A_2302 : vector<16xf32>
    %get3A_2304 = arith.constant 292 : i32
    %get3A_2305 = arith.index_cast %get3A_2304 : i32 to index
    %get3A_2306 = arith.constant 0 : index
    %get3A_2307 = tpu.vector_load %arg7[%get3A_2305, %get3A_2306] {strides = array<i32>} : memref<512x16xf32, #tpu.memory_space<vmem>>, vector<1x16xf32>,
    %get3A_2308 = vector.shape_cast %get3A_2307 : vector<1x16xf32> to vector<16xf32>
    %get3A_2309 = arith.constant 18 : i32
    %get3A_2310 = arith.index_cast %get3A_2309 : i32 to index
    %get3A_2311 = arith.constant 64 : index
    %get3A_2312 = tpu.vector_load %arg8[%get3A_2310, %get3A_2311] {strides = array<i32>} : memref<32x160xf32, #tpu.memory_space<vmem>>, vector<1x16xf32>,
    %get3A_2313 = vector.shape_cast %get3A_2312 : vector<1x16xf32> to vector<16xf32>
    %mul3A_2314 = arith.mulf %get3A_2308, %get3A_2313 : vector<16xf32>
    %add3A_2315 = arith.addf %add3A_2303, %mul3A_2314 : vector<16xf32>
    %get3A_2316 = arith.constant 293 : i32
    %get3A_2317 = arith.index_cast %get3A_2316 : i32 to index
    %get3A_2318 = arith.constant 0 : index
    %get3A_2319 = tpu.vector_load %arg7[%get3A_2317, %get3A_2318] {strides = array<i32>} : memref<512x16xf32, #tpu.memory_space<vmem>>, vector<1x16xf32>,
    %get3A_2320 = vector.shape_cast %get3A_2319 : vector<1x16xf32> to vector<16xf32>
    %get3A_2321 = arith.constant 18 : i32
    %get3A_2322 = arith.index_cast %get3A_2321 : i32 to index
    %get3A_2323 = arith.constant 80 : index
    %get3A_2324 = tpu.vector_load %arg8[%get3A_2322, %get3A_2323] {strides = array<i32>} : memref<32x160xf32, #tpu.memory_space<vmem>>, vector<1x16xf32>,
    %get3A_2325 = vector.shape_cast %get3A_2324 : vector<1x16xf32> to vector<16xf32>
    %mul3A_2326 = arith.mulf %get3A_2320, %get3A_2325 : vector<16xf32>
    %add3A_2327 = arith.addf %add3A_2315, %mul3A_2326 : vector<16xf32>
    %get3A_2328 = arith.constant 294 : i32
    %get3A_2329 = arith.index_cast %get3A_2328 : i32 to index
    %get3A_2330 = arith.constant 0 : index
    %get3A_2331 = tpu.vector_load %arg7[%get3A_2329, %get3A_2330] {strides = array<i32>} : memref<512x16xf32, #tpu.memory_space<vmem>>, vector<1x16xf32>,
    %get3A_2332 = vector.shape_cast %get3A_2331 : vector<1x16xf32> to vector<16xf32>
    %get3A_2333 = arith.constant 18 : i32
    %get3A_2334 = arith.index_cast %get3A_2333 : i32 to index
    %get3A_2335 = arith.constant 96 : index
    %get3A_2336 = tpu.vector_load %arg8[%get3A_2334, %get3A_2335] {strides = array<i32>} : memref<32x160xf32, #tpu.memory_space<vmem>>, vector<1x16xf32>,
    %get3A_2337 = vector.shape_cast %get3A_2336 : vector<1x16xf32> to vector<16xf32>
    %mul3A_2338 = arith.mulf %get3A_2332, %get3A_2337 : vector<16xf32>
    %add3A_2339 = arith.addf %add3A_2327, %mul3A_2338 : vector<16xf32>
    %get3A_2340 = arith.constant 295 : i32
    %get3A_2341 = arith.index_cast %get3A_2340 : i32 to index
    %get3A_2342 = arith.constant 0 : index
    %get3A_2343 = tpu.vector_load %arg7[%get3A_2341, %get3A_2342] {strides = array<i32>} : memref<512x16xf32, #tpu.memory_space<vmem>>, vector<1x16xf32>,
    %get3A_2344 = vector.shape_cast %get3A_2343 : vector<1x16xf32> to vector<16xf32>
    %get3A_2345 = arith.constant 18 : i32
    %get3A_2346 = arith.index_cast %get3A_2345 : i32 to index
    %get3A_2347 = arith.constant 112 : index
    %get3A_2348 = tpu.vector_load %arg8[%get3A_2346, %get3A_2347] {strides = array<i32>} : memref<32x160xf32, #tpu.memory_space<vmem>>, vector<1x16xf32>,
    %get3A_2349 = vector.shape_cast %get3A_2348 : vector<1x16xf32> to vector<16xf32>
    %mul3A_2350 = arith.mulf %get3A_2344, %get3A_2349 : vector<16xf32>
    %add3A_2351 = arith.addf %add3A_2339, %mul3A_2350 : vector<16xf32>
    %get3A_2352 = arith.constant 296 : i32
    %get3A_2353 = arith.index_cast %get3A_2352 : i32 to index
    %get3A_2354 = arith.constant 0 : index
    %get3A_2355 = tpu.vector_load %arg7[%get3A_2353, %get3A_2354] {strides = array<i32>} : memref<512x16xf32, #tpu.memory_space<vmem>>, vector<1x16xf32>,
    %get3A_2356 = vector.shape_cast %get3A_2355 : vector<1x16xf32> to vector<16xf32>
    %get3A_2357 = arith.constant 18 : i32
    %get3A_2358 = arith.index_cast %get3A_2357 : i32 to index
    %get3A_2359 = arith.constant 128 : index
    %get3A_2360 = tpu.vector_load %arg8[%get3A_2358, %get3A_2359] {strides = array<i32>} : memref<32x160xf32, #tpu.memory_space<vmem>>, vector<1x16xf32>,
    %get3A_2361 = vector.shape_cast %get3A_2360 : vector<1x16xf32> to vector<16xf32>
    %mul3A_2362 = arith.mulf %get3A_2356, %get3A_2361 : vector<16xf32>
    %add3A_2363 = arith.addf %add3A_2351, %mul3A_2362 : vector<16xf32>
    %get3A_2364 = arith.constant 297 : i32
    %get3A_2365 = arith.index_cast %get3A_2364 : i32 to index
    %get3A_2366 = arith.constant 0 : index
    %get3A_2367 = tpu.vector_load %arg7[%get3A_2365, %get3A_2366] {strides = array<i32>} : memref<512x16xf32, #tpu.memory_space<vmem>>, vector<1x16xf32>,
    %get3A_2368 = vector.shape_cast %get3A_2367 : vector<1x16xf32> to vector<16xf32>
    %get3A_2369 = arith.constant 18 : i32
    %get3A_2370 = arith.index_cast %get3A_2369 : i32 to index
    %get3A_2371 = arith.constant 144 : index
    %get3A_2372 = tpu.vector_load %arg8[%get3A_2370, %get3A_2371] {strides = array<i32>} : memref<32x160xf32, #tpu.memory_space<vmem>>, vector<1x16xf32>,
    %get3A_2373 = vector.shape_cast %get3A_2372 : vector<1x16xf32> to vector<16xf32>
    %mul3A_2374 = arith.mulf %get3A_2368, %get3A_2373 : vector<16xf32>
    %add3A_2375 = arith.addf %add3A_2363, %mul3A_2374 : vector<16xf32>
    %swap3A_2376 = arith.constant 18 : i32
    %swap3A_2377 = arith.index_cast %swap3A_2376 : i32 to index
    %swap3A_2378 = arith.constant 0 : index
    %swap3A_2379 = tpu.vector_load %arg9[%swap3A_2377, %swap3A_2378] {strides = array<i32>} : memref<32x16xf32, #tpu.memory_space<vmem>>, vector<1x16xf32>,
    %swap3A_2380 = vector.shape_cast %swap3A_2379 : vector<1x16xf32> to vector<16xf32>
    %swap3A_2381 = vector.shape_cast %add3A_2375 : vector<16xf32> to vector<1x16xf32>
    tpu.vector_store %arg9[%swap3A_2377, %swap3A_2378], %swap3A_2381 {strides = array<i32>} : memref<32x16xf32, #tpu.memory_space<vmem>>, vector<1x16xf32>,
    %get3A_2382 = arith.constant 304 : i32
    %get3A_2383 = arith.index_cast %get3A_2382 : i32 to index
    %get3A_2384 = arith.constant 0 : index
    %get3A_2385 = tpu.vector_load %arg7[%get3A_2383, %get3A_2384] {strides = array<i32>} : memref<512x16xf32, #tpu.memory_space<vmem>>, vector<1x16xf32>,
    %get3A_2386 = vector.shape_cast %get3A_2385 : vector<1x16xf32> to vector<16xf32>
    %get3A_2387 = arith.constant 19 : i32
    %get3A_2388 = arith.index_cast %get3A_2387 : i32 to index
    %get3A_2389 = arith.constant 0 : index
    %get3A_2390 = tpu.vector_load %arg8[%get3A_2388, %get3A_2389] {strides = array<i32>} : memref<32x160xf32, #tpu.memory_space<vmem>>, vector<1x16xf32>,
    %get3A_2391 = vector.shape_cast %get3A_2390 : vector<1x16xf32> to vector<16xf32>
    %mul3A_2392 = arith.mulf %get3A_2386, %get3A_2391 : vector<16xf32>
    %get3A_2393 = arith.constant 305 : i32
    %get3A_2394 = arith.index_cast %get3A_2393 : i32 to index
    %get3A_2395 = arith.constant 0 : index
    %get3A_2396 = tpu.vector_load %arg7[%get3A_2394, %get3A_2395] {strides = array<i32>} : memref<512x16xf32, #tpu.memory_space<vmem>>, vector<1x16xf32>,
    %get3A_2397 = vector.shape_cast %get3A_2396 : vector<1x16xf32> to vector<16xf32>
    %get3A_2398 = arith.constant 19 : i32
    %get3A_2399 = arith.index_cast %get3A_2398 : i32 to index
    %get3A_2400 = arith.constant 16 : index
    %get3A_2401 = tpu.vector_load %arg8[%get3A_2399, %get3A_2400] {strides = array<i32>} : memref<32x160xf32, #tpu.memory_space<vmem>>, vector<1x16xf32>,
    %get3A_2402 = vector.shape_cast %get3A_2401 : vector<1x16xf32> to vector<16xf32>
    %mul3A_2403 = arith.mulf %get3A_2397, %get3A_2402 : vector<16xf32>
    %add3A_2404 = arith.addf %mul3A_2392, %mul3A_2403 : vector<16xf32>
    %get3A_2405 = arith.constant 306 : i32
    %get3A_2406 = arith.index_cast %get3A_2405 : i32 to index
    %get3A_2407 = arith.constant 0 : index
    %get3A_2408 = tpu.vector_load %arg7[%get3A_2406, %get3A_2407] {strides = array<i32>} : memref<512x16xf32, #tpu.memory_space<vmem>>, vector<1x16xf32>,
    %get3A_2409 = vector.shape_cast %get3A_2408 : vector<1x16xf32> to vector<16xf32>
    %get3A_2410 = arith.constant 19 : i32
    %get3A_2411 = arith.index_cast %get3A_2410 : i32 to index
    %get3A_2412 = arith.constant 32 : index
    %get3A_2413 = tpu.vector_load %arg8[%get3A_2411, %get3A_2412] {strides = array<i32>} : memref<32x160xf32, #tpu.memory_space<vmem>>, vector<1x16xf32>,
    %get3A_2414 = vector.shape_cast %get3A_2413 : vector<1x16xf32> to vector<16xf32>
    %mul3A_2415 = arith.mulf %get3A_2409, %get3A_2414 : vector<16xf32>
    %add3A_2416 = arith.addf %add3A_2404, %mul3A_2415 : vector<16xf32>
    %get3A_2417 = arith.constant 307 : i32
    %get3A_2418 = arith.index_cast %get3A_2417 : i32 to index
    %get3A_2419 = arith.constant 0 : index
    %get3A_2420 = tpu.vector_load %arg7[%get3A_2418, %get3A_2419] {strides = array<i32>} : memref<512x16xf32, #tpu.memory_space<vmem>>, vector<1x16xf32>,
    %get3A_2421 = vector.shape_cast %get3A_2420 : vector<1x16xf32> to vector<16xf32>
    %get3A_2422 = arith.constant 19 : i32
    %get3A_2423 = arith.index_cast %get3A_2422 : i32 to index
    %get3A_2424 = arith.constant 48 : index
    %get3A_2425 = tpu.vector_load %arg8[%get3A_2423, %get3A_2424] {strides = array<i32>} : memref<32x160xf32, #tpu.memory_space<vmem>>, vector<1x16xf32>,
    %get3A_2426 = vector.shape_cast %get3A_2425 : vector<1x16xf32> to vector<16xf32>
    %mul3A_2427 = arith.mulf %get3A_2421, %get3A_2426 : vector<16xf32>
    %add3A_2428 = arith.addf %add3A_2416, %mul3A_2427 : vector<16xf32>
    %get3A_2429 = arith.constant 308 : i32
    %get3A_2430 = arith.index_cast %get3A_2429 : i32 to index
    %get3A_2431 = arith.constant 0 : index
    %get3A_2432 = tpu.vector_load %arg7[%get3A_2430, %get3A_2431] {strides = array<i32>} : memref<512x16xf32, #tpu.memory_space<vmem>>, vector<1x16xf32>,
    %get3A_2433 = vector.shape_cast %get3A_2432 : vector<1x16xf32> to vector<16xf32>
    %get3A_2434 = arith.constant 19 : i32
    %get3A_2435 = arith.index_cast %get3A_2434 : i32 to index
    %get3A_2436 = arith.constant 64 : index
    %get3A_2437 = tpu.vector_load %arg8[%get3A_2435, %get3A_2436] {strides = array<i32>} : memref<32x160xf32, #tpu.memory_space<vmem>>, vector<1x16xf32>,
    %get3A_2438 = vector.shape_cast %get3A_2437 : vector<1x16xf32> to vector<16xf32>
    %mul3A_2439 = arith.mulf %get3A_2433, %get3A_2438 : vector<16xf32>
    %add3A_2440 = arith.addf %add3A_2428, %mul3A_2439 : vector<16xf32>
    %get3A_2441 = arith.constant 309 : i32
    %get3A_2442 = arith.index_cast %get3A_2441 : i32 to index
    %get3A_2443 = arith.constant 0 : index
    %get3A_2444 = tpu.vector_load %arg7[%get3A_2442, %get3A_2443] {strides = array<i32>} : memref<512x16xf32, #tpu.memory_space<vmem>>, vector<1x16xf32>,
    %get3A_2445 = vector.shape_cast %get3A_2444 : vector<1x16xf32> to vector<16xf32>
    %get3A_2446 = arith.constant 19 : i32
    %get3A_2447 = arith.index_cast %get3A_2446 : i32 to index
    %get3A_2448 = arith.constant 80 : index
    %get3A_2449 = tpu.vector_load %arg8[%get3A_2447, %get3A_2448] {strides = array<i32>} : memref<32x160xf32, #tpu.memory_space<vmem>>, vector<1x16xf32>,
    %get3A_2450 = vector.shape_cast %get3A_2449 : vector<1x16xf32> to vector<16xf32>
    %mul3A_2451 = arith.mulf %get3A_2445, %get3A_2450 : vector<16xf32>
    %add3A_2452 = arith.addf %add3A_2440, %mul3A_2451 : vector<16xf32>
    %get3A_2453 = arith.constant 310 : i32
    %get3A_2454 = arith.index_cast %get3A_2453 : i32 to index
    %get3A_2455 = arith.constant 0 : index
    %get3A_2456 = tpu.vector_load %arg7[%get3A_2454, %get3A_2455] {strides = array<i32>} : memref<512x16xf32, #tpu.memory_space<vmem>>, vector<1x16xf32>,
    %get3A_2457 = vector.shape_cast %get3A_2456 : vector<1x16xf32> to vector<16xf32>
    %get3A_2458 = arith.constant 19 : i32
    %get3A_2459 = arith.index_cast %get3A_2458 : i32 to index
    %get3A_2460 = arith.constant 96 : index
    %get3A_2461 = tpu.vector_load %arg8[%get3A_2459, %get3A_2460] {strides = array<i32>} : memref<32x160xf32, #tpu.memory_space<vmem>>, vector<1x16xf32>,
    %get3A_2462 = vector.shape_cast %get3A_2461 : vector<1x16xf32> to vector<16xf32>
    %mul3A_2463 = arith.mulf %get3A_2457, %get3A_2462 : vector<16xf32>
    %add3A_2464 = arith.addf %add3A_2452, %mul3A_2463 : vector<16xf32>
    %get3A_2465 = arith.constant 311 : i32
    %get3A_2466 = arith.index_cast %get3A_2465 : i32 to index
    %get3A_2467 = arith.constant 0 : index
    %get3A_2468 = tpu.vector_load %arg7[%get3A_2466, %get3A_2467] {strides = array<i32>} : memref<512x16xf32, #tpu.memory_space<vmem>>, vector<1x16xf32>,
    %get3A_2469 = vector.shape_cast %get3A_2468 : vector<1x16xf32> to vector<16xf32>
    %get3A_2470 = arith.constant 19 : i32
    %get3A_2471 = arith.index_cast %get3A_2470 : i32 to index
    %get3A_2472 = arith.constant 112 : index
    %get3A_2473 = tpu.vector_load %arg8[%get3A_2471, %get3A_2472] {strides = array<i32>} : memref<32x160xf32, #tpu.memory_space<vmem>>, vector<1x16xf32>,
    %get3A_2474 = vector.shape_cast %get3A_2473 : vector<1x16xf32> to vector<16xf32>
    %mul3A_2475 = arith.mulf %get3A_2469, %get3A_2474 : vector<16xf32>
    %add3A_2476 = arith.addf %add3A_2464, %mul3A_2475 : vector<16xf32>
    %get3A_2477 = arith.constant 312 : i32
    %get3A_2478 = arith.index_cast %get3A_2477 : i32 to index
    %get3A_2479 = arith.constant 0 : index
    %get3A_2480 = tpu.vector_load %arg7[%get3A_2478, %get3A_2479] {strides = array<i32>} : memref<512x16xf32, #tpu.memory_space<vmem>>, vector<1x16xf32>,
    %get3A_2481 = vector.shape_cast %get3A_2480 : vector<1x16xf32> to vector<16xf32>
    %get3A_2482 = arith.constant 19 : i32
    %get3A_2483 = arith.index_cast %get3A_2482 : i32 to index
    %get3A_2484 = arith.constant 128 : index
    %get3A_2485 = tpu.vector_load %arg8[%get3A_2483, %get3A_2484] {strides = array<i32>} : memref<32x160xf32, #tpu.memory_space<vmem>>, vector<1x16xf32>,
    %get3A_2486 = vector.shape_cast %get3A_2485 : vector<1x16xf32> to vector<16xf32>
    %mul3A_2487 = arith.mulf %get3A_2481, %get3A_2486 : vector<16xf32>
    %add3A_2488 = arith.addf %add3A_2476, %mul3A_2487 : vector<16xf32>
    %get3A_2489 = arith.constant 313 : i32
    %get3A_2490 = arith.index_cast %get3A_2489 : i32 to index
    %get3A_2491 = arith.constant 0 : index
    %get3A_2492 = tpu.vector_load %arg7[%get3A_2490, %get3A_2491] {strides = array<i32>} : memref<512x16xf32, #tpu.memory_space<vmem>>, vector<1x16xf32>,
    %get3A_2493 = vector.shape_cast %get3A_2492 : vector<1x16xf32> to vector<16xf32>
    %get3A_2494 = arith.constant 19 : i32
    %get3A_2495 = arith.index_cast %get3A_2494 : i32 to index
    %get3A_2496 = arith.constant 144 : index
    %get3A_2497 = tpu.vector_load %arg8[%get3A_2495, %get3A_2496] {strides = array<i32>} : memref<32x160xf32, #tpu.memory_space<vmem>>, vector<1x16xf32>,
    %get3A_2498 = vector.shape_cast %get3A_2497 : vector<1x16xf32> to vector<16xf32>
    %mul3A_2499 = arith.mulf %get3A_2493, %get3A_2498 : vector<16xf32>
    %add3A_2500 = arith.addf %add3A_2488, %mul3A_2499 : vector<16xf32>
    %swap3A_2501 = arith.constant 19 : i32
    %swap3A_2502 = arith.index_cast %swap3A_2501 : i32 to index
    %swap3A_2503 = arith.constant 0 : index
    %swap3A_2504 = tpu.vector_load %arg9[%swap3A_2502, %swap3A_2503] {strides = array<i32>} : memref<32x16xf32, #tpu.memory_space<vmem>>, vector<1x16xf32>,
    %swap3A_2505 = vector.shape_cast %swap3A_2504 : vector<1x16xf32> to vector<16xf32>
    %swap3A_2506 = vector.shape_cast %add3A_2500 : vector<16xf32> to vector<1x16xf32>
    tpu.vector_store %arg9[%swap3A_2502, %swap3A_2503], %swap3A_2506 {strides = array<i32>} : memref<32x16xf32, #tpu.memory_space<vmem>>, vector<1x16xf32>,
    %get3A_2507 = arith.constant 320 : i32
    %get3A_2508 = arith.index_cast %get3A_2507 : i32 to index
    %get3A_2509 = arith.constant 0 : index
    %get3A_2510 = tpu.vector_load %arg7[%get3A_2508, %get3A_2509] {strides = array<i32>} : memref<512x16xf32, #tpu.memory_space<vmem>>, vector<1x16xf32>,
    %get3A_2511 = vector.shape_cast %get3A_2510 : vector<1x16xf32> to vector<16xf32>
    %get3A_2512 = arith.constant 20 : i32
    %get3A_2513 = arith.index_cast %get3A_2512 : i32 to index
    %get3A_2514 = arith.constant 0 : index
    %get3A_2515 = tpu.vector_load %arg8[%get3A_2513, %get3A_2514] {strides = array<i32>} : memref<32x160xf32, #tpu.memory_space<vmem>>, vector<1x16xf32>,
    %get3A_2516 = vector.shape_cast %get3A_2515 : vector<1x16xf32> to vector<16xf32>
    %mul3A_2517 = arith.mulf %get3A_2511, %get3A_2516 : vector<16xf32>
    %get3A_2518 = arith.constant 321 : i32
    %get3A_2519 = arith.index_cast %get3A_2518 : i32 to index
    %get3A_2520 = arith.constant 0 : index
    %get3A_2521 = tpu.vector_load %arg7[%get3A_2519, %get3A_2520] {strides = array<i32>} : memref<512x16xf32, #tpu.memory_space<vmem>>, vector<1x16xf32>,
    %get3A_2522 = vector.shape_cast %get3A_2521 : vector<1x16xf32> to vector<16xf32>
    %get3A_2523 = arith.constant 20 : i32
    %get3A_2524 = arith.index_cast %get3A_2523 : i32 to index
    %get3A_2525 = arith.constant 16 : index
    %get3A_2526 = tpu.vector_load %arg8[%get3A_2524, %get3A_2525] {strides = array<i32>} : memref<32x160xf32, #tpu.memory_space<vmem>>, vector<1x16xf32>,
    %get3A_2527 = vector.shape_cast %get3A_2526 : vector<1x16xf32> to vector<16xf32>
    %mul3A_2528 = arith.mulf %get3A_2522, %get3A_2527 : vector<16xf32>
    %add3A_2529 = arith.addf %mul3A_2517, %mul3A_2528 : vector<16xf32>
    %get3A_2530 = arith.constant 322 : i32
    %get3A_2531 = arith.index_cast %get3A_2530 : i32 to index
    %get3A_2532 = arith.constant 0 : index
    %get3A_2533 = tpu.vector_load %arg7[%get3A_2531, %get3A_2532] {strides = array<i32>} : memref<512x16xf32, #tpu.memory_space<vmem>>, vector<1x16xf32>,
    %get3A_2534 = vector.shape_cast %get3A_2533 : vector<1x16xf32> to vector<16xf32>
    %get3A_2535 = arith.constant 20 : i32
    %get3A_2536 = arith.index_cast %get3A_2535 : i32 to index
    %get3A_2537 = arith.constant 32 : index
    %get3A_2538 = tpu.vector_load %arg8[%get3A_2536, %get3A_2537] {strides = array<i32>} : memref<32x160xf32, #tpu.memory_space<vmem>>, vector<1x16xf32>,
    %get3A_2539 = vector.shape_cast %get3A_2538 : vector<1x16xf32> to vector<16xf32>
    %mul3A_2540 = arith.mulf %get3A_2534, %get3A_2539 : vector<16xf32>
    %add3A_2541 = arith.addf %add3A_2529, %mul3A_2540 : vector<16xf32>
    %get3A_2542 = arith.constant 323 : i32
    %get3A_2543 = arith.index_cast %get3A_2542 : i32 to index
    %get3A_2544 = arith.constant 0 : index
    %get3A_2545 = tpu.vector_load %arg7[%get3A_2543, %get3A_2544] {strides = array<i32>} : memref<512x16xf32, #tpu.memory_space<vmem>>, vector<1x16xf32>,
    %get3A_2546 = vector.shape_cast %get3A_2545 : vector<1x16xf32> to vector<16xf32>
    %get3A_2547 = arith.constant 20 : i32
    %get3A_2548 = arith.index_cast %get3A_2547 : i32 to index
    %get3A_2549 = arith.constant 48 : index
    %get3A_2550 = tpu.vector_load %arg8[%get3A_2548, %get3A_2549] {strides = array<i32>} : memref<32x160xf32, #tpu.memory_space<vmem>>, vector<1x16xf32>,
    %get3A_2551 = vector.shape_cast %get3A_2550 : vector<1x16xf32> to vector<16xf32>
    %mul3A_2552 = arith.mulf %get3A_2546, %get3A_2551 : vector<16xf32>
    %add3A_2553 = arith.addf %add3A_2541, %mul3A_2552 : vector<16xf32>
    %get3A_2554 = arith.constant 324 : i32
    %get3A_2555 = arith.index_cast %get3A_2554 : i32 to index
    %get3A_2556 = arith.constant 0 : index
    %get3A_2557 = tpu.vector_load %arg7[%get3A_2555, %get3A_2556] {strides = array<i32>} : memref<512x16xf32, #tpu.memory_space<vmem>>, vector<1x16xf32>,
    %get3A_2558 = vector.shape_cast %get3A_2557 : vector<1x16xf32> to vector<16xf32>
    %get3A_2559 = arith.constant 20 : i32
    %get3A_2560 = arith.index_cast %get3A_2559 : i32 to index
    %get3A_2561 = arith.constant 64 : index
    %get3A_2562 = tpu.vector_load %arg8[%get3A_2560, %get3A_2561] {strides = array<i32>} : memref<32x160xf32, #tpu.memory_space<vmem>>, vector<1x16xf32>,
    %get3A_2563 = vector.shape_cast %get3A_2562 : vector<1x16xf32> to vector<16xf32>
    %mul3A_2564 = arith.mulf %get3A_2558, %get3A_2563 : vector<16xf32>
    %add3A_2565 = arith.addf %add3A_2553, %mul3A_2564 : vector<16xf32>
    %get3A_2566 = arith.constant 325 : i32
    %get3A_2567 = arith.index_cast %get3A_2566 : i32 to index
    %get3A_2568 = arith.constant 0 : index
    %get3A_2569 = tpu.vector_load %arg7[%get3A_2567, %get3A_2568] {strides = array<i32>} : memref<512x16xf32, #tpu.memory_space<vmem>>, vector<1x16xf32>,
    %get3A_2570 = vector.shape_cast %get3A_2569 : vector<1x16xf32> to vector<16xf32>
    %get3A_2571 = arith.constant 20 : i32
    %get3A_2572 = arith.index_cast %get3A_2571 : i32 to index
    %get3A_2573 = arith.constant 80 : index
    %get3A_2574 = tpu.vector_load %arg8[%get3A_2572, %get3A_2573] {strides = array<i32>} : memref<32x160xf32, #tpu.memory_space<vmem>>, vector<1x16xf32>,
    %get3A_2575 = vector.shape_cast %get3A_2574 : vector<1x16xf32> to vector<16xf32>
    %mul3A_2576 = arith.mulf %get3A_2570, %get3A_2575 : vector<16xf32>
    %add3A_2577 = arith.addf %add3A_2565, %mul3A_2576 : vector<16xf32>
    %get3A_2578 = arith.constant 326 : i32
    %get3A_2579 = arith.index_cast %get3A_2578 : i32 to index
    %get3A_2580 = arith.constant 0 : index
    %get3A_2581 = tpu.vector_load %arg7[%get3A_2579, %get3A_2580] {strides = array<i32>} : memref<512x16xf32, #tpu.memory_space<vmem>>, vector<1x16xf32>,
    %get3A_2582 = vector.shape_cast %get3A_2581 : vector<1x16xf32> to vector<16xf32>
    %get3A_2583 = arith.constant 20 : i32
    %get3A_2584 = arith.index_cast %get3A_2583 : i32 to index
    %get3A_2585 = arith.constant 96 : index
    %get3A_2586 = tpu.vector_load %arg8[%get3A_2584, %get3A_2585] {strides = array<i32>} : memref<32x160xf32, #tpu.memory_space<vmem>>, vector<1x16xf32>,
    %get3A_2587 = vector.shape_cast %get3A_2586 : vector<1x16xf32> to vector<16xf32>
    %mul3A_2588 = arith.mulf %get3A_2582, %get3A_2587 : vector<16xf32>
    %add3A_2589 = arith.addf %add3A_2577, %mul3A_2588 : vector<16xf32>
    %get3A_2590 = arith.constant 327 : i32
    %get3A_2591 = arith.index_cast %get3A_2590 : i32 to index
    %get3A_2592 = arith.constant 0 : index
    %get3A_2593 = tpu.vector_load %arg7[%get3A_2591, %get3A_2592] {strides = array<i32>} : memref<512x16xf32, #tpu.memory_space<vmem>>, vector<1x16xf32>,
    %get3A_2594 = vector.shape_cast %get3A_2593 : vector<1x16xf32> to vector<16xf32>
    %get3A_2595 = arith.constant 20 : i32
    %get3A_2596 = arith.index_cast %get3A_2595 : i32 to index
    %get3A_2597 = arith.constant 112 : index
    %get3A_2598 = tpu.vector_load %arg8[%get3A_2596, %get3A_2597] {strides = array<i32>} : memref<32x160xf32, #tpu.memory_space<vmem>>, vector<1x16xf32>,
    %get3A_2599 = vector.shape_cast %get3A_2598 : vector<1x16xf32> to vector<16xf32>
    %mul3A_2600 = arith.mulf %get3A_2594, %get3A_2599 : vector<16xf32>
    %add3A_2601 = arith.addf %add3A_2589, %mul3A_2600 : vector<16xf32>
    %get3A_2602 = arith.constant 328 : i32
    %get3A_2603 = arith.index_cast %get3A_2602 : i32 to index
    %get3A_2604 = arith.constant 0 : index
    %get3A_2605 = tpu.vector_load %arg7[%get3A_2603, %get3A_2604] {strides = array<i32>} : memref<512x16xf32, #tpu.memory_space<vmem>>, vector<1x16xf32>,
    %get3A_2606 = vector.shape_cast %get3A_2605 : vector<1x16xf32> to vector<16xf32>
    %get3A_2607 = arith.constant 20 : i32
    %get3A_2608 = arith.index_cast %get3A_2607 : i32 to index
    %get3A_2609 = arith.constant 128 : index
    %get3A_2610 = tpu.vector_load %arg8[%get3A_2608, %get3A_2609] {strides = array<i32>} : memref<32x160xf32, #tpu.memory_space<vmem>>, vector<1x16xf32>,
    %get3A_2611 = vector.shape_cast %get3A_2610 : vector<1x16xf32> to vector<16xf32>
    %mul3A_2612 = arith.mulf %get3A_2606, %get3A_2611 : vector<16xf32>
    %add3A_2613 = arith.addf %add3A_2601, %mul3A_2612 : vector<16xf32>
    %get3A_2614 = arith.constant 329 : i32
    %get3A_2615 = arith.index_cast %get3A_2614 : i32 to index
    %get3A_2616 = arith.constant 0 : index
    %get3A_2617 = tpu.vector_load %arg7[%get3A_2615, %get3A_2616] {strides = array<i32>} : memref<512x16xf32, #tpu.memory_space<vmem>>, vector<1x16xf32>,
    %get3A_2618 = vector.shape_cast %get3A_2617 : vector<1x16xf32> to vector<16xf32>
    %get3A_2619 = arith.constant 20 : i32
    %get3A_2620 = arith.index_cast %get3A_2619 : i32 to index
    %get3A_2621 = arith.constant 144 : index
    %get3A_2622 = tpu.vector_load %arg8[%get3A_2620, %get3A_2621] {strides = array<i32>} : memref<32x160xf32, #tpu.memory_space<vmem>>, vector<1x16xf32>,
    %get3A_2623 = vector.shape_cast %get3A_2622 : vector<1x16xf32> to vector<16xf32>
    %mul3A_2624 = arith.mulf %get3A_2618, %get3A_2623 : vector<16xf32>
    %add3A_2625 = arith.addf %add3A_2613, %mul3A_2624 : vector<16xf32>
    %swap3A_2626 = arith.constant 20 : i32
    %swap3A_2627 = arith.index_cast %swap3A_2626 : i32 to index
    %swap3A_2628 = arith.constant 0 : index
    %swap3A_2629 = tpu.vector_load %arg9[%swap3A_2627, %swap3A_2628] {strides = array<i32>} : memref<32x16xf32, #tpu.memory_space<vmem>>, vector<1x16xf32>,
    %swap3A_2630 = vector.shape_cast %swap3A_2629 : vector<1x16xf32> to vector<16xf32>
    %swap3A_2631 = vector.shape_cast %add3A_2625 : vector<16xf32> to vector<1x16xf32>
    tpu.vector_store %arg9[%swap3A_2627, %swap3A_2628], %swap3A_2631 {strides = array<i32>} : memref<32x16xf32, #tpu.memory_space<vmem>>, vector<1x16xf32>,
    %get3A_2632 = arith.constant 336 : i32
    %get3A_2633 = arith.index_cast %get3A_2632 : i32 to index
    %get3A_2634 = arith.constant 0 : index
    %get3A_2635 = tpu.vector_load %arg7[%get3A_2633, %get3A_2634] {strides = array<i32>} : memref<512x16xf32, #tpu.memory_space<vmem>>, vector<1x16xf32>,
    %get3A_2636 = vector.shape_cast %get3A_2635 : vector<1x16xf32> to vector<16xf32>
    %get3A_2637 = arith.constant 21 : i32
    %get3A_2638 = arith.index_cast %get3A_2637 : i32 to index
    %get3A_2639 = arith.constant 0 : index
    %get3A_2640 = tpu.vector_load %arg8[%get3A_2638, %get3A_2639] {strides = array<i32>} : memref<32x160xf32, #tpu.memory_space<vmem>>, vector<1x16xf32>,
    %get3A_2641 = vector.shape_cast %get3A_2640 : vector<1x16xf32> to vector<16xf32>
    %mul3A_2642 = arith.mulf %get3A_2636, %get3A_2641 : vector<16xf32>
    %get3A_2643 = arith.constant 337 : i32
    %get3A_2644 = arith.index_cast %get3A_2643 : i32 to index
    %get3A_2645 = arith.constant 0 : index
    %get3A_2646 = tpu.vector_load %arg7[%get3A_2644, %get3A_2645] {strides = array<i32>} : memref<512x16xf32, #tpu.memory_space<vmem>>, vector<1x16xf32>,
    %get3A_2647 = vector.shape_cast %get3A_2646 : vector<1x16xf32> to vector<16xf32>
    %get3A_2648 = arith.constant 21 : i32
    %get3A_2649 = arith.index_cast %get3A_2648 : i32 to index
    %get3A_2650 = arith.constant 16 : index
    %get3A_2651 = tpu.vector_load %arg8[%get3A_2649, %get3A_2650] {strides = array<i32>} : memref<32x160xf32, #tpu.memory_space<vmem>>, vector<1x16xf32>,
    %get3A_2652 = vector.shape_cast %get3A_2651 : vector<1x16xf32> to vector<16xf32>
    %mul3A_2653 = arith.mulf %get3A_2647, %get3A_2652 : vector<16xf32>
    %add3A_2654 = arith.addf %mul3A_2642, %mul3A_2653 : vector<16xf32>
    %get3A_2655 = arith.constant 338 : i32
    %get3A_2656 = arith.index_cast %get3A_2655 : i32 to index
    %get3A_2657 = arith.constant 0 : index
    %get3A_2658 = tpu.vector_load %arg7[%get3A_2656, %get3A_2657] {strides = array<i32>} : memref<512x16xf32, #tpu.memory_space<vmem>>, vector<1x16xf32>,
    %get3A_2659 = vector.shape_cast %get3A_2658 : vector<1x16xf32> to vector<16xf32>
    %get3A_2660 = arith.constant 21 : i32
    %get3A_2661 = arith.index_cast %get3A_2660 : i32 to index
    %get3A_2662 = arith.constant 32 : index
    %get3A_2663 = tpu.vector_load %arg8[%get3A_2661, %get3A_2662] {strides = array<i32>} : memref<32x160xf32, #tpu.memory_space<vmem>>, vector<1x16xf32>,
    %get3A_2664 = vector.shape_cast %get3A_2663 : vector<1x16xf32> to vector<16xf32>
    %mul3A_2665 = arith.mulf %get3A_2659, %get3A_2664 : vector<16xf32>
    %add3A_2666 = arith.addf %add3A_2654, %mul3A_2665 : vector<16xf32>
    %get3A_2667 = arith.constant 339 : i32
    %get3A_2668 = arith.index_cast %get3A_2667 : i32 to index
    %get3A_2669 = arith.constant 0 : index
    %get3A_2670 = tpu.vector_load %arg7[%get3A_2668, %get3A_2669] {strides = array<i32>} : memref<512x16xf32, #tpu.memory_space<vmem>>, vector<1x16xf32>,
    %get3A_2671 = vector.shape_cast %get3A_2670 : vector<1x16xf32> to vector<16xf32>
    %get3A_2672 = arith.constant 21 : i32
    %get3A_2673 = arith.index_cast %get3A_2672 : i32 to index
    %get3A_2674 = arith.constant 48 : index
    %get3A_2675 = tpu.vector_load %arg8[%get3A_2673, %get3A_2674] {strides = array<i32>} : memref<32x160xf32, #tpu.memory_space<vmem>>, vector<1x16xf32>,
    %get3A_2676 = vector.shape_cast %get3A_2675 : vector<1x16xf32> to vector<16xf32>
    %mul3A_2677 = arith.mulf %get3A_2671, %get3A_2676 : vector<16xf32>
    %add3A_2678 = arith.addf %add3A_2666, %mul3A_2677 : vector<16xf32>
    %get3A_2679 = arith.constant 340 : i32
    %get3A_2680 = arith.index_cast %get3A_2679 : i32 to index
    %get3A_2681 = arith.constant 0 : index
    %get3A_2682 = tpu.vector_load %arg7[%get3A_2680, %get3A_2681] {strides = array<i32>} : memref<512x16xf32, #tpu.memory_space<vmem>>, vector<1x16xf32>,
    %get3A_2683 = vector.shape_cast %get3A_2682 : vector<1x16xf32> to vector<16xf32>
    %get3A_2684 = arith.constant 21 : i32
    %get3A_2685 = arith.index_cast %get3A_2684 : i32 to index
    %get3A_2686 = arith.constant 64 : index
    %get3A_2687 = tpu.vector_load %arg8[%get3A_2685, %get3A_2686] {strides = array<i32>} : memref<32x160xf32, #tpu.memory_space<vmem>>, vector<1x16xf32>,
    %get3A_2688 = vector.shape_cast %get3A_2687 : vector<1x16xf32> to vector<16xf32>
    %mul3A_2689 = arith.mulf %get3A_2683, %get3A_2688 : vector<16xf32>
    %add3A_2690 = arith.addf %add3A_2678, %mul3A_2689 : vector<16xf32>
    %get3A_2691 = arith.constant 341 : i32
    %get3A_2692 = arith.index_cast %get3A_2691 : i32 to index
    %get3A_2693 = arith.constant 0 : index
    %get3A_2694 = tpu.vector_load %arg7[%get3A_2692, %get3A_2693] {strides = array<i32>} : memref<512x16xf32, #tpu.memory_space<vmem>>, vector<1x16xf32>,
    %get3A_2695 = vector.shape_cast %get3A_2694 : vector<1x16xf32> to vector<16xf32>
    %get3A_2696 = arith.constant 21 : i32
    %get3A_2697 = arith.index_cast %get3A_2696 : i32 to index
    %get3A_2698 = arith.constant 80 : index
    %get3A_2699 = tpu.vector_load %arg8[%get3A_2697, %get3A_2698] {strides = array<i32>} : memref<32x160xf32, #tpu.memory_space<vmem>>, vector<1x16xf32>,
    %get3A_2700 = vector.shape_cast %get3A_2699 : vector<1x16xf32> to vector<16xf32>
    %mul3A_2701 = arith.mulf %get3A_2695, %get3A_2700 : vector<16xf32>
    %add3A_2702 = arith.addf %add3A_2690, %mul3A_2701 : vector<16xf32>
    %get3A_2703 = arith.constant 342 : i32
    %get3A_2704 = arith.index_cast %get3A_2703 : i32 to index
    %get3A_2705 = arith.constant 0 : index
    %get3A_2706 = tpu.vector_load %arg7[%get3A_2704, %get3A_2705] {strides = array<i32>} : memref<512x16xf32, #tpu.memory_space<vmem>>, vector<1x16xf32>,
    %get3A_2707 = vector.shape_cast %get3A_2706 : vector<1x16xf32> to vector<16xf32>
    %get3A_2708 = arith.constant 21 : i32
    %get3A_2709 = arith.index_cast %get3A_2708 : i32 to index
    %get3A_2710 = arith.constant 96 : index
    %get3A_2711 = tpu.vector_load %arg8[%get3A_2709, %get3A_2710] {strides = array<i32>} : memref<32x160xf32, #tpu.memory_space<vmem>>, vector<1x16xf32>,
    %get3A_2712 = vector.shape_cast %get3A_2711 : vector<1x16xf32> to vector<16xf32>
    %mul3A_2713 = arith.mulf %get3A_2707, %get3A_2712 : vector<16xf32>
    %add3A_2714 = arith.addf %add3A_2702, %mul3A_2713 : vector<16xf32>
    %get3A_2715 = arith.constant 343 : i32
    %get3A_2716 = arith.index_cast %get3A_2715 : i32 to index
    %get3A_2717 = arith.constant 0 : index
    %get3A_2718 = tpu.vector_load %arg7[%get3A_2716, %get3A_2717] {strides = array<i32>} : memref<512x16xf32, #tpu.memory_space<vmem>>, vector<1x16xf32>,
    %get3A_2719 = vector.shape_cast %get3A_2718 : vector<1x16xf32> to vector<16xf32>
    %get3A_2720 = arith.constant 21 : i32
    %get3A_2721 = arith.index_cast %get3A_2720 : i32 to index
    %get3A_2722 = arith.constant 112 : index
    %get3A_2723 = tpu.vector_load %arg8[%get3A_2721, %get3A_2722] {strides = array<i32>} : memref<32x160xf32, #tpu.memory_space<vmem>>, vector<1x16xf32>,
    %get3A_2724 = vector.shape_cast %get3A_2723 : vector<1x16xf32> to vector<16xf32>
    %mul3A_2725 = arith.mulf %get3A_2719, %get3A_2724 : vector<16xf32>
    %add3A_2726 = arith.addf %add3A_2714, %mul3A_2725 : vector<16xf32>
    %get3A_2727 = arith.constant 344 : i32
    %get3A_2728 = arith.index_cast %get3A_2727 : i32 to index
    %get3A_2729 = arith.constant 0 : index
    %get3A_2730 = tpu.vector_load %arg7[%get3A_2728, %get3A_2729] {strides = array<i32>} : memref<512x16xf32, #tpu.memory_space<vmem>>, vector<1x16xf32>,
    %get3A_2731 = vector.shape_cast %get3A_2730 : vector<1x16xf32> to vector<16xf32>
    %get3A_2732 = arith.constant 21 : i32
    %get3A_2733 = arith.index_cast %get3A_2732 : i32 to index
    %get3A_2734 = arith.constant 128 : index
    %get3A_2735 = tpu.vector_load %arg8[%get3A_2733, %get3A_2734] {strides = array<i32>} : memref<32x160xf32, #tpu.memory_space<vmem>>, vector<1x16xf32>,
    %get3A_2736 = vector.shape_cast %get3A_2735 : vector<1x16xf32> to vector<16xf32>
    %mul3A_2737 = arith.mulf %get3A_2731, %get3A_2736 : vector<16xf32>
    %add3A_2738 = arith.addf %add3A_2726, %mul3A_2737 : vector<16xf32>
    %get3A_2739 = arith.constant 345 : i32
    %get3A_2740 = arith.index_cast %get3A_2739 : i32 to index
    %get3A_2741 = arith.constant 0 : index
    %get3A_2742 = tpu.vector_load %arg7[%get3A_2740, %get3A_2741] {strides = array<i32>} : memref<512x16xf32, #tpu.memory_space<vmem>>, vector<1x16xf32>,
    %get3A_2743 = vector.shape_cast %get3A_2742 : vector<1x16xf32> to vector<16xf32>
    %get3A_2744 = arith.constant 21 : i32
    %get3A_2745 = arith.index_cast %get3A_2744 : i32 to index
    %get3A_2746 = arith.constant 144 : index
    %get3A_2747 = tpu.vector_load %arg8[%get3A_2745, %get3A_2746] {strides = array<i32>} : memref<32x160xf32, #tpu.memory_space<vmem>>, vector<1x16xf32>,
    %get3A_2748 = vector.shape_cast %get3A_2747 : vector<1x16xf32> to vector<16xf32>
    %mul3A_2749 = arith.mulf %get3A_2743, %get3A_2748 : vector<16xf32>
    %add3A_2750 = arith.addf %add3A_2738, %mul3A_2749 : vector<16xf32>
    %swap3A_2751 = arith.constant 21 : i32
    %swap3A_2752 = arith.index_cast %swap3A_2751 : i32 to index
    %swap3A_2753 = arith.constant 0 : index
    %swap3A_2754 = tpu.vector_load %arg9[%swap3A_2752, %swap3A_2753] {strides = array<i32>} : memref<32x16xf32, #tpu.memory_space<vmem>>, vector<1x16xf32>,
    %swap3A_2755 = vector.shape_cast %swap3A_2754 : vector<1x16xf32> to vector<16xf32>
    %swap3A_2756 = vector.shape_cast %add3A_2750 : vector<16xf32> to vector<1x16xf32>
    tpu.vector_store %arg9[%swap3A_2752, %swap3A_2753], %swap3A_2756 {strides = array<i32>} : memref<32x16xf32, #tpu.memory_space<vmem>>, vector<1x16xf32>,
    %get3A_2757 = arith.constant 352 : i32
    %get3A_2758 = arith.index_cast %get3A_2757 : i32 to index
    %get3A_2759 = arith.constant 0 : index
    %get3A_2760 = tpu.vector_load %arg7[%get3A_2758, %get3A_2759] {strides = array<i32>} : memref<512x16xf32, #tpu.memory_space<vmem>>, vector<1x16xf32>,
    %get3A_2761 = vector.shape_cast %get3A_2760 : vector<1x16xf32> to vector<16xf32>
    %get3A_2762 = arith.constant 22 : i32
    %get3A_2763 = arith.index_cast %get3A_2762 : i32 to index
    %get3A_2764 = arith.constant 0 : index
    %get3A_2765 = tpu.vector_load %arg8[%get3A_2763, %get3A_2764] {strides = array<i32>} : memref<32x160xf32, #tpu.memory_space<vmem>>, vector<1x16xf32>,
    %get3A_2766 = vector.shape_cast %get3A_2765 : vector<1x16xf32> to vector<16xf32>
    %mul3A_2767 = arith.mulf %get3A_2761, %get3A_2766 : vector<16xf32>
    %get3A_2768 = arith.constant 353 : i32
    %get3A_2769 = arith.index_cast %get3A_2768 : i32 to index
    %get3A_2770 = arith.constant 0 : index
    %get3A_2771 = tpu.vector_load %arg7[%get3A_2769, %get3A_2770] {strides = array<i32>} : memref<512x16xf32, #tpu.memory_space<vmem>>, vector<1x16xf32>,
    %get3A_2772 = vector.shape_cast %get3A_2771 : vector<1x16xf32> to vector<16xf32>
    %get3A_2773 = arith.constant 22 : i32
    %get3A_2774 = arith.index_cast %get3A_2773 : i32 to index
    %get3A_2775 = arith.constant 16 : index
    %get3A_2776 = tpu.vector_load %arg8[%get3A_2774, %get3A_2775] {strides = array<i32>} : memref<32x160xf32, #tpu.memory_space<vmem>>, vector<1x16xf32>,
    %get3A_2777 = vector.shape_cast %get3A_2776 : vector<1x16xf32> to vector<16xf32>
    %mul3A_2778 = arith.mulf %get3A_2772, %get3A_2777 : vector<16xf32>
    %add3A_2779 = arith.addf %mul3A_2767, %mul3A_2778 : vector<16xf32>
    %get3A_2780 = arith.constant 354 : i32
    %get3A_2781 = arith.index_cast %get3A_2780 : i32 to index
    %get3A_2782 = arith.constant 0 : index
    %get3A_2783 = tpu.vector_load %arg7[%get3A_2781, %get3A_2782] {strides = array<i32>} : memref<512x16xf32, #tpu.memory_space<vmem>>, vector<1x16xf32>,
    %get3A_2784 = vector.shape_cast %get3A_2783 : vector<1x16xf32> to vector<16xf32>
    %get3A_2785 = arith.constant 22 : i32
    %get3A_2786 = arith.index_cast %get3A_2785 : i32 to index
    %get3A_2787 = arith.constant 32 : index
    %get3A_2788 = tpu.vector_load %arg8[%get3A_2786, %get3A_2787] {strides = array<i32>} : memref<32x160xf32, #tpu.memory_space<vmem>>, vector<1x16xf32>,
    %get3A_2789 = vector.shape_cast %get3A_2788 : vector<1x16xf32> to vector<16xf32>
    %mul3A_2790 = arith.mulf %get3A_2784, %get3A_2789 : vector<16xf32>
    %add3A_2791 = arith.addf %add3A_2779, %mul3A_2790 : vector<16xf32>
    %get3A_2792 = arith.constant 355 : i32
    %get3A_2793 = arith.index_cast %get3A_2792 : i32 to index
    %get3A_2794 = arith.constant 0 : index
    %get3A_2795 = tpu.vector_load %arg7[%get3A_2793, %get3A_2794] {strides = array<i32>} : memref<512x16xf32, #tpu.memory_space<vmem>>, vector<1x16xf32>,
    %get3A_2796 = vector.shape_cast %get3A_2795 : vector<1x16xf32> to vector<16xf32>
    %get3A_2797 = arith.constant 22 : i32
    %get3A_2798 = arith.index_cast %get3A_2797 : i32 to index
    %get3A_2799 = arith.constant 48 : index
    %get3A_2800 = tpu.vector_load %arg8[%get3A_2798, %get3A_2799] {strides = array<i32>} : memref<32x160xf32, #tpu.memory_space<vmem>>, vector<1x16xf32>,
    %get3A_2801 = vector.shape_cast %get3A_2800 : vector<1x16xf32> to vector<16xf32>
    %mul3A_2802 = arith.mulf %get3A_2796, %get3A_2801 : vector<16xf32>
    %add3A_2803 = arith.addf %add3A_2791, %mul3A_2802 : vector<16xf32>
    %get3A_2804 = arith.constant 356 : i32
    %get3A_2805 = arith.index_cast %get3A_2804 : i32 to index
    %get3A_2806 = arith.constant 0 : index
    %get3A_2807 = tpu.vector_load %arg7[%get3A_2805, %get3A_2806] {strides = array<i32>} : memref<512x16xf32, #tpu.memory_space<vmem>>, vector<1x16xf32>,
    %get3A_2808 = vector.shape_cast %get3A_2807 : vector<1x16xf32> to vector<16xf32>
    %get3A_2809 = arith.constant 22 : i32
    %get3A_2810 = arith.index_cast %get3A_2809 : i32 to index
    %get3A_2811 = arith.constant 64 : index
    %get3A_2812 = tpu.vector_load %arg8[%get3A_2810, %get3A_2811] {strides = array<i32>} : memref<32x160xf32, #tpu.memory_space<vmem>>, vector<1x16xf32>,
    %get3A_2813 = vector.shape_cast %get3A_2812 : vector<1x16xf32> to vector<16xf32>
    %mul3A_2814 = arith.mulf %get3A_2808, %get3A_2813 : vector<16xf32>
    %add3A_2815 = arith.addf %add3A_2803, %mul3A_2814 : vector<16xf32>
    %get3A_2816 = arith.constant 357 : i32
    %get3A_2817 = arith.index_cast %get3A_2816 : i32 to index
    %get3A_2818 = arith.constant 0 : index
    %get3A_2819 = tpu.vector_load %arg7[%get3A_2817, %get3A_2818] {strides = array<i32>} : memref<512x16xf32, #tpu.memory_space<vmem>>, vector<1x16xf32>,
    %get3A_2820 = vector.shape_cast %get3A_2819 : vector<1x16xf32> to vector<16xf32>
    %get3A_2821 = arith.constant 22 : i32
    %get3A_2822 = arith.index_cast %get3A_2821 : i32 to index
    %get3A_2823 = arith.constant 80 : index
    %get3A_2824 = tpu.vector_load %arg8[%get3A_2822, %get3A_2823] {strides = array<i32>} : memref<32x160xf32, #tpu.memory_space<vmem>>, vector<1x16xf32>,
    %get3A_2825 = vector.shape_cast %get3A_2824 : vector<1x16xf32> to vector<16xf32>
    %mul3A_2826 = arith.mulf %get3A_2820, %get3A_2825 : vector<16xf32>
    %add3A_2827 = arith.addf %add3A_2815, %mul3A_2826 : vector<16xf32>
    %get3A_2828 = arith.constant 358 : i32
    %get3A_2829 = arith.index_cast %get3A_2828 : i32 to index
    %get3A_2830 = arith.constant 0 : index
    %get3A_2831 = tpu.vector_load %arg7[%get3A_2829, %get3A_2830] {strides = array<i32>} : memref<512x16xf32, #tpu.memory_space<vmem>>, vector<1x16xf32>,
    %get3A_2832 = vector.shape_cast %get3A_2831 : vector<1x16xf32> to vector<16xf32>
    %get3A_2833 = arith.constant 22 : i32
    %get3A_2834 = arith.index_cast %get3A_2833 : i32 to index
    %get3A_2835 = arith.constant 96 : index
    %get3A_2836 = tpu.vector_load %arg8[%get3A_2834, %get3A_2835] {strides = array<i32>} : memref<32x160xf32, #tpu.memory_space<vmem>>, vector<1x16xf32>,
    %get3A_2837 = vector.shape_cast %get3A_2836 : vector<1x16xf32> to vector<16xf32>
    %mul3A_2838 = arith.mulf %get3A_2832, %get3A_2837 : vector<16xf32>
    %add3A_2839 = arith.addf %add3A_2827, %mul3A_2838 : vector<16xf32>
    %get3A_2840 = arith.constant 359 : i32
    %get3A_2841 = arith.index_cast %get3A_2840 : i32 to index
    %get3A_2842 = arith.constant 0 : index
    %get3A_2843 = tpu.vector_load %arg7[%get3A_2841, %get3A_2842] {strides = array<i32>} : memref<512x16xf32, #tpu.memory_space<vmem>>, vector<1x16xf32>,
    %get3A_2844 = vector.shape_cast %get3A_2843 : vector<1x16xf32> to vector<16xf32>
    %get3A_2845 = arith.constant 22 : i32
    %get3A_2846 = arith.index_cast %get3A_2845 : i32 to index
    %get3A_2847 = arith.constant 112 : index
    %get3A_2848 = tpu.vector_load %arg8[%get3A_2846, %get3A_2847] {strides = array<i32>} : memref<32x160xf32, #tpu.memory_space<vmem>>, vector<1x16xf32>,
    %get3A_2849 = vector.shape_cast %get3A_2848 : vector<1x16xf32> to vector<16xf32>
    %mul3A_2850 = arith.mulf %get3A_2844, %get3A_2849 : vector<16xf32>
    %add3A_2851 = arith.addf %add3A_2839, %mul3A_2850 : vector<16xf32>
    %get3A_2852 = arith.constant 360 : i32
    %get3A_2853 = arith.index_cast %get3A_2852 : i32 to index
    %get3A_2854 = arith.constant 0 : index
    %get3A_2855 = tpu.vector_load %arg7[%get3A_2853, %get3A_2854] {strides = array<i32>} : memref<512x16xf32, #tpu.memory_space<vmem>>, vector<1x16xf32>,
    %get3A_2856 = vector.shape_cast %get3A_2855 : vector<1x16xf32> to vector<16xf32>
    %get3A_2857 = arith.constant 22 : i32
    %get3A_2858 = arith.index_cast %get3A_2857 : i32 to index
    %get3A_2859 = arith.constant 128 : index
    %get3A_2860 = tpu.vector_load %arg8[%get3A_2858, %get3A_2859] {strides = array<i32>} : memref<32x160xf32, #tpu.memory_space<vmem>>, vector<1x16xf32>,
    %get3A_2861 = vector.shape_cast %get3A_2860 : vector<1x16xf32> to vector<16xf32>
    %mul3A_2862 = arith.mulf %get3A_2856, %get3A_2861 : vector<16xf32>
    %add3A_2863 = arith.addf %add3A_2851, %mul3A_2862 : vector<16xf32>
    %get3A_2864 = arith.constant 361 : i32
    %get3A_2865 = arith.index_cast %get3A_2864 : i32 to index
    %get3A_2866 = arith.constant 0 : index
    %get3A_2867 = tpu.vector_load %arg7[%get3A_2865, %get3A_2866] {strides = array<i32>} : memref<512x16xf32, #tpu.memory_space<vmem>>, vector<1x16xf32>,
    %get3A_2868 = vector.shape_cast %get3A_2867 : vector<1x16xf32> to vector<16xf32>
    %get3A_2869 = arith.constant 22 : i32
    %get3A_2870 = arith.index_cast %get3A_2869 : i32 to index
    %get3A_2871 = arith.constant 144 : index
    %get3A_2872 = tpu.vector_load %arg8[%get3A_2870, %get3A_2871] {strides = array<i32>} : memref<32x160xf32, #tpu.memory_space<vmem>>, vector<1x16xf32>,
    %get3A_2873 = vector.shape_cast %get3A_2872 : vector<1x16xf32> to vector<16xf32>
    %mul3A_2874 = arith.mulf %get3A_2868, %get3A_2873 : vector<16xf32>
    %add3A_2875 = arith.addf %add3A_2863, %mul3A_2874 : vector<16xf32>
    %swap3A_2876 = arith.constant 22 : i32
    %swap3A_2877 = arith.index_cast %swap3A_2876 : i32 to index
    %swap3A_2878 = arith.constant 0 : index
    %swap3A_2879 = tpu.vector_load %arg9[%swap3A_2877, %swap3A_2878] {strides = array<i32>} : memref<32x16xf32, #tpu.memory_space<vmem>>, vector<1x16xf32>,
    %swap3A_2880 = vector.shape_cast %swap3A_2879 : vector<1x16xf32> to vector<16xf32>
    %swap3A_2881 = vector.shape_cast %add3A_2875 : vector<16xf32> to vector<1x16xf32>
    tpu.vector_store %arg9[%swap3A_2877, %swap3A_2878], %swap3A_2881 {strides = array<i32>} : memref<32x16xf32, #tpu.memory_space<vmem>>, vector<1x16xf32>,
    %get3A_2882 = arith.constant 368 : i32
    %get3A_2883 = arith.index_cast %get3A_2882 : i32 to index
    %get3A_2884 = arith.constant 0 : index
    %get3A_2885 = tpu.vector_load %arg7[%get3A_2883, %get3A_2884] {strides = array<i32>} : memref<512x16xf32, #tpu.memory_space<vmem>>, vector<1x16xf32>,
    %get3A_2886 = vector.shape_cast %get3A_2885 : vector<1x16xf32> to vector<16xf32>
    %get3A_2887 = arith.constant 23 : i32
    %get3A_2888 = arith.index_cast %get3A_2887 : i32 to index
    %get3A_2889 = arith.constant 0 : index
    %get3A_2890 = tpu.vector_load %arg8[%get3A_2888, %get3A_2889] {strides = array<i32>} : memref<32x160xf32, #tpu.memory_space<vmem>>, vector<1x16xf32>,
    %get3A_2891 = vector.shape_cast %get3A_2890 : vector<1x16xf32> to vector<16xf32>
    %mul3A_2892 = arith.mulf %get3A_2886, %get3A_2891 : vector<16xf32>
    %get3A_2893 = arith.constant 369 : i32
    %get3A_2894 = arith.index_cast %get3A_2893 : i32 to index
    %get3A_2895 = arith.constant 0 : index
    %get3A_2896 = tpu.vector_load %arg7[%get3A_2894, %get3A_2895] {strides = array<i32>} : memref<512x16xf32, #tpu.memory_space<vmem>>, vector<1x16xf32>,
    %get3A_2897 = vector.shape_cast %get3A_2896 : vector<1x16xf32> to vector<16xf32>
    %get3A_2898 = arith.constant 23 : i32
    %get3A_2899 = arith.index_cast %get3A_2898 : i32 to index
    %get3A_2900 = arith.constant 16 : index
    %get3A_2901 = tpu.vector_load %arg8[%get3A_2899, %get3A_2900] {strides = array<i32>} : memref<32x160xf32, #tpu.memory_space<vmem>>, vector<1x16xf32>,
    %get3A_2902 = vector.shape_cast %get3A_2901 : vector<1x16xf32> to vector<16xf32>
    %mul3A_2903 = arith.mulf %get3A_2897, %get3A_2902 : vector<16xf32>
    %add3A_2904 = arith.addf %mul3A_2892, %mul3A_2903 : vector<16xf32>
    %get3A_2905 = arith.constant 370 : i32
    %get3A_2906 = arith.index_cast %get3A_2905 : i32 to index
    %get3A_2907 = arith.constant 0 : index
    %get3A_2908 = tpu.vector_load %arg7[%get3A_2906, %get3A_2907] {strides = array<i32>} : memref<512x16xf32, #tpu.memory_space<vmem>>, vector<1x16xf32>,
    %get3A_2909 = vector.shape_cast %get3A_2908 : vector<1x16xf32> to vector<16xf32>
    %get3A_2910 = arith.constant 23 : i32
    %get3A_2911 = arith.index_cast %get3A_2910 : i32 to index
    %get3A_2912 = arith.constant 32 : index
    %get3A_2913 = tpu.vector_load %arg8[%get3A_2911, %get3A_2912] {strides = array<i32>} : memref<32x160xf32, #tpu.memory_space<vmem>>, vector<1x16xf32>,
    %get3A_2914 = vector.shape_cast %get3A_2913 : vector<1x16xf32> to vector<16xf32>
    %mul3A_2915 = arith.mulf %get3A_2909, %get3A_2914 : vector<16xf32>
    %add3A_2916 = arith.addf %add3A_2904, %mul3A_2915 : vector<16xf32>
    %get3A_2917 = arith.constant 371 : i32
    %get3A_2918 = arith.index_cast %get3A_2917 : i32 to index
    %get3A_2919 = arith.constant 0 : index
    %get3A_2920 = tpu.vector_load %arg7[%get3A_2918, %get3A_2919] {strides = array<i32>} : memref<512x16xf32, #tpu.memory_space<vmem>>, vector<1x16xf32>,
    %get3A_2921 = vector.shape_cast %get3A_2920 : vector<1x16xf32> to vector<16xf32>
    %get3A_2922 = arith.constant 23 : i32
    %get3A_2923 = arith.index_cast %get3A_2922 : i32 to index
    %get3A_2924 = arith.constant 48 : index
    %get3A_2925 = tpu.vector_load %arg8[%get3A_2923, %get3A_2924] {strides = array<i32>} : memref<32x160xf32, #tpu.memory_space<vmem>>, vector<1x16xf32>,
    %get3A_2926 = vector.shape_cast %get3A_2925 : vector<1x16xf32> to vector<16xf32>
    %mul3A_2927 = arith.mulf %get3A_2921, %get3A_2926 : vector<16xf32>
    %add3A_2928 = arith.addf %add3A_2916, %mul3A_2927 : vector<16xf32>
    %get3A_2929 = arith.constant 372 : i32
    %get3A_2930 = arith.index_cast %get3A_2929 : i32 to index
    %get3A_2931 = arith.constant 0 : index
    %get3A_2932 = tpu.vector_load %arg7[%get3A_2930, %get3A_2931] {strides = array<i32>} : memref<512x16xf32, #tpu.memory_space<vmem>>, vector<1x16xf32>,
    %get3A_2933 = vector.shape_cast %get3A_2932 : vector<1x16xf32> to vector<16xf32>
    %get3A_2934 = arith.constant 23 : i32
    %get3A_2935 = arith.index_cast %get3A_2934 : i32 to index
    %get3A_2936 = arith.constant 64 : index
    %get3A_2937 = tpu.vector_load %arg8[%get3A_2935, %get3A_2936] {strides = array<i32>} : memref<32x160xf32, #tpu.memory_space<vmem>>, vector<1x16xf32>,
    %get3A_2938 = vector.shape_cast %get3A_2937 : vector<1x16xf32> to vector<16xf32>
    %mul3A_2939 = arith.mulf %get3A_2933, %get3A_2938 : vector<16xf32>
    %add3A_2940 = arith.addf %add3A_2928, %mul3A_2939 : vector<16xf32>
    %get3A_2941 = arith.constant 373 : i32
    %get3A_2942 = arith.index_cast %get3A_2941 : i32 to index
    %get3A_2943 = arith.constant 0 : index
    %get3A_2944 = tpu.vector_load %arg7[%get3A_2942, %get3A_2943] {strides = array<i32>} : memref<512x16xf32, #tpu.memory_space<vmem>>, vector<1x16xf32>,
    %get3A_2945 = vector.shape_cast %get3A_2944 : vector<1x16xf32> to vector<16xf32>
    %get3A_2946 = arith.constant 23 : i32
    %get3A_2947 = arith.index_cast %get3A_2946 : i32 to index
    %get3A_2948 = arith.constant 80 : index
    %get3A_2949 = tpu.vector_load %arg8[%get3A_2947, %get3A_2948] {strides = array<i32>} : memref<32x160xf32, #tpu.memory_space<vmem>>, vector<1x16xf32>,
    %get3A_2950 = vector.shape_cast %get3A_2949 : vector<1x16xf32> to vector<16xf32>
    %mul3A_2951 = arith.mulf %get3A_2945, %get3A_2950 : vector<16xf32>
    %add3A_2952 = arith.addf %add3A_2940, %mul3A_2951 : vector<16xf32>
    %get3A_2953 = arith.constant 374 : i32
    %get3A_2954 = arith.index_cast %get3A_2953 : i32 to index
    %get3A_2955 = arith.constant 0 : index
    %get3A_2956 = tpu.vector_load %arg7[%get3A_2954, %get3A_2955] {strides = array<i32>} : memref<512x16xf32, #tpu.memory_space<vmem>>, vector<1x16xf32>,
    %get3A_2957 = vector.shape_cast %get3A_2956 : vector<1x16xf32> to vector<16xf32>
    %get3A_2958 = arith.constant 23 : i32
    %get3A_2959 = arith.index_cast %get3A_2958 : i32 to index
    %get3A_2960 = arith.constant 96 : index
    %get3A_2961 = tpu.vector_load %arg8[%get3A_2959, %get3A_2960] {strides = array<i32>} : memref<32x160xf32, #tpu.memory_space<vmem>>, vector<1x16xf32>,
    %get3A_2962 = vector.shape_cast %get3A_2961 : vector<1x16xf32> to vector<16xf32>
    %mul3A_2963 = arith.mulf %get3A_2957, %get3A_2962 : vector<16xf32>
    %add3A_2964 = arith.addf %add3A_2952, %mul3A_2963 : vector<16xf32>
    %get3A_2965 = arith.constant 375 : i32
    %get3A_2966 = arith.index_cast %get3A_2965 : i32 to index
    %get3A_2967 = arith.constant 0 : index
    %get3A_2968 = tpu.vector_load %arg7[%get3A_2966, %get3A_2967] {strides = array<i32>} : memref<512x16xf32, #tpu.memory_space<vmem>>, vector<1x16xf32>,
    %get3A_2969 = vector.shape_cast %get3A_2968 : vector<1x16xf32> to vector<16xf32>
    %get3A_2970 = arith.constant 23 : i32
    %get3A_2971 = arith.index_cast %get3A_2970 : i32 to index
    %get3A_2972 = arith.constant 112 : index
    %get3A_2973 = tpu.vector_load %arg8[%get3A_2971, %get3A_2972] {strides = array<i32>} : memref<32x160xf32, #tpu.memory_space<vmem>>, vector<1x16xf32>,
    %get3A_2974 = vector.shape_cast %get3A_2973 : vector<1x16xf32> to vector<16xf32>
    %mul3A_2975 = arith.mulf %get3A_2969, %get3A_2974 : vector<16xf32>
    %add3A_2976 = arith.addf %add3A_2964, %mul3A_2975 : vector<16xf32>
    %get3A_2977 = arith.constant 376 : i32
    %get3A_2978 = arith.index_cast %get3A_2977 : i32 to index
    %get3A_2979 = arith.constant 0 : index
    %get3A_2980 = tpu.vector_load %arg7[%get3A_2978, %get3A_2979] {strides = array<i32>} : memref<512x16xf32, #tpu.memory_space<vmem>>, vector<1x16xf32>,
    %get3A_2981 = vector.shape_cast %get3A_2980 : vector<1x16xf32> to vector<16xf32>
    %get3A_2982 = arith.constant 23 : i32
    %get3A_2983 = arith.index_cast %get3A_2982 : i32 to index
    %get3A_2984 = arith.constant 128 : index
    %get3A_2985 = tpu.vector_load %arg8[%get3A_2983, %get3A_2984] {strides = array<i32>} : memref<32x160xf32, #tpu.memory_space<vmem>>, vector<1x16xf32>,
    %get3A_2986 = vector.shape_cast %get3A_2985 : vector<1x16xf32> to vector<16xf32>
    %mul3A_2987 = arith.mulf %get3A_2981, %get3A_2986 : vector<16xf32>
    %add3A_2988 = arith.addf %add3A_2976, %mul3A_2987 : vector<16xf32>
    %get3A_2989 = arith.constant 377 : i32
    %get3A_2990 = arith.index_cast %get3A_2989 : i32 to index
    %get3A_2991 = arith.constant 0 : index
    %get3A_2992 = tpu.vector_load %arg7[%get3A_2990, %get3A_2991] {strides = array<i32>} : memref<512x16xf32, #tpu.memory_space<vmem>>, vector<1x16xf32>,
    %get3A_2993 = vector.shape_cast %get3A_2992 : vector<1x16xf32> to vector<16xf32>
    %get3A_2994 = arith.constant 23 : i32
    %get3A_2995 = arith.index_cast %get3A_2994 : i32 to index
    %get3A_2996 = arith.constant 144 : index
    %get3A_2997 = tpu.vector_load %arg8[%get3A_2995, %get3A_2996] {strides = array<i32>} : memref<32x160xf32, #tpu.memory_space<vmem>>, vector<1x16xf32>,
    %get3A_2998 = vector.shape_cast %get3A_2997 : vector<1x16xf32> to vector<16xf32>
    %mul3A_2999 = arith.mulf %get3A_2993, %get3A_2998 : vector<16xf32>
    %add3A_3000 = arith.addf %add3A_2988, %mul3A_2999 : vector<16xf32>
    %swap3A_3001 = arith.constant 23 : i32
    %swap3A_3002 = arith.index_cast %swap3A_3001 : i32 to index
    %swap3A_3003 = arith.constant 0 : index
    %swap3A_3004 = tpu.vector_load %arg9[%swap3A_3002, %swap3A_3003] {strides = array<i32>} : memref<32x16xf32, #tpu.memory_space<vmem>>, vector<1x16xf32>,
    %swap3A_3005 = vector.shape_cast %swap3A_3004 : vector<1x16xf32> to vector<16xf32>
    %swap3A_3006 = vector.shape_cast %add3A_3000 : vector<16xf32> to vector<1x16xf32>
    tpu.vector_store %arg9[%swap3A_3002, %swap3A_3003], %swap3A_3006 {strides = array<i32>} : memref<32x16xf32, #tpu.memory_space<vmem>>, vector<1x16xf32>,
    %get3A_3007 = arith.constant 384 : i32
    %get3A_3008 = arith.index_cast %get3A_3007 : i32 to index
    %get3A_3009 = arith.constant 0 : index
    %get3A_3010 = tpu.vector_load %arg7[%get3A_3008, %get3A_3009] {strides = array<i32>} : memref<512x16xf32, #tpu.memory_space<vmem>>, vector<1x16xf32>,
    %get3A_3011 = vector.shape_cast %get3A_3010 : vector<1x16xf32> to vector<16xf32>
    %get3A_3012 = arith.constant 24 : i32
    %get3A_3013 = arith.index_cast %get3A_3012 : i32 to index
    %get3A_3014 = arith.constant 0 : index
    %get3A_3015 = tpu.vector_load %arg8[%get3A_3013, %get3A_3014] {strides = array<i32>} : memref<32x160xf32, #tpu.memory_space<vmem>>, vector<1x16xf32>,
    %get3A_3016 = vector.shape_cast %get3A_3015 : vector<1x16xf32> to vector<16xf32>
    %mul3A_3017 = arith.mulf %get3A_3011, %get3A_3016 : vector<16xf32>
    %get3A_3018 = arith.constant 385 : i32
    %get3A_3019 = arith.index_cast %get3A_3018 : i32 to index
    %get3A_3020 = arith.constant 0 : index
    %get3A_3021 = tpu.vector_load %arg7[%get3A_3019, %get3A_3020] {strides = array<i32>} : memref<512x16xf32, #tpu.memory_space<vmem>>, vector<1x16xf32>,
    %get3A_3022 = vector.shape_cast %get3A_3021 : vector<1x16xf32> to vector<16xf32>
    %get3A_3023 = arith.constant 24 : i32
    %get3A_3024 = arith.index_cast %get3A_3023 : i32 to index
    %get3A_3025 = arith.constant 16 : index
    %get3A_3026 = tpu.vector_load %arg8[%get3A_3024, %get3A_3025] {strides = array<i32>} : memref<32x160xf32, #tpu.memory_space<vmem>>, vector<1x16xf32>,
    %get3A_3027 = vector.shape_cast %get3A_3026 : vector<1x16xf32> to vector<16xf32>
    %mul3A_3028 = arith.mulf %get3A_3022, %get3A_3027 : vector<16xf32>
    %add3A_3029 = arith.addf %mul3A_3017, %mul3A_3028 : vector<16xf32>
    %get3A_3030 = arith.constant 386 : i32
    %get3A_3031 = arith.index_cast %get3A_3030 : i32 to index
    %get3A_3032 = arith.constant 0 : index
    %get3A_3033 = tpu.vector_load %arg7[%get3A_3031, %get3A_3032] {strides = array<i32>} : memref<512x16xf32, #tpu.memory_space<vmem>>, vector<1x16xf32>,
    %get3A_3034 = vector.shape_cast %get3A_3033 : vector<1x16xf32> to vector<16xf32>
    %get3A_3035 = arith.constant 24 : i32
    %get3A_3036 = arith.index_cast %get3A_3035 : i32 to index
    %get3A_3037 = arith.constant 32 : index
    %get3A_3038 = tpu.vector_load %arg8[%get3A_3036, %get3A_3037] {strides = array<i32>} : memref<32x160xf32, #tpu.memory_space<vmem>>, vector<1x16xf32>,
    %get3A_3039 = vector.shape_cast %get3A_3038 : vector<1x16xf32> to vector<16xf32>
    %mul3A_3040 = arith.mulf %get3A_3034, %get3A_3039 : vector<16xf32>
    %add3A_3041 = arith.addf %add3A_3029, %mul3A_3040 : vector<16xf32>
    %get3A_3042 = arith.constant 387 : i32
    %get3A_3043 = arith.index_cast %get3A_3042 : i32 to index
    %get3A_3044 = arith.constant 0 : index
    %get3A_3045 = tpu.vector_load %arg7[%get3A_3043, %get3A_3044] {strides = array<i32>} : memref<512x16xf32, #tpu.memory_space<vmem>>, vector<1x16xf32>,
    %get3A_3046 = vector.shape_cast %get3A_3045 : vector<1x16xf32> to vector<16xf32>
    %get3A_3047 = arith.constant 24 : i32
    %get3A_3048 = arith.index_cast %get3A_3047 : i32 to index
    %get3A_3049 = arith.constant 48 : index
    %get3A_3050 = tpu.vector_load %arg8[%get3A_3048, %get3A_3049] {strides = array<i32>} : memref<32x160xf32, #tpu.memory_space<vmem>>, vector<1x16xf32>,
    %get3A_3051 = vector.shape_cast %get3A_3050 : vector<1x16xf32> to vector<16xf32>
    %mul3A_3052 = arith.mulf %get3A_3046, %get3A_3051 : vector<16xf32>
    %add3A_3053 = arith.addf %add3A_3041, %mul3A_3052 : vector<16xf32>
    %get3A_3054 = arith.constant 388 : i32
    %get3A_3055 = arith.index_cast %get3A_3054 : i32 to index
    %get3A_3056 = arith.constant 0 : index
    %get3A_3057 = tpu.vector_load %arg7[%get3A_3055, %get3A_3056] {strides = array<i32>} : memref<512x16xf32, #tpu.memory_space<vmem>>, vector<1x16xf32>,
    %get3A_3058 = vector.shape_cast %get3A_3057 : vector<1x16xf32> to vector<16xf32>
    %get3A_3059 = arith.constant 24 : i32
    %get3A_3060 = arith.index_cast %get3A_3059 : i32 to index
    %get3A_3061 = arith.constant 64 : index
    %get3A_3062 = tpu.vector_load %arg8[%get3A_3060, %get3A_3061] {strides = array<i32>} : memref<32x160xf32, #tpu.memory_space<vmem>>, vector<1x16xf32>,
    %get3A_3063 = vector.shape_cast %get3A_3062 : vector<1x16xf32> to vector<16xf32>
    %mul3A_3064 = arith.mulf %get3A_3058, %get3A_3063 : vector<16xf32>
    %add3A_3065 = arith.addf %add3A_3053, %mul3A_3064 : vector<16xf32>
    %get3A_3066 = arith.constant 389 : i32
    %get3A_3067 = arith.index_cast %get3A_3066 : i32 to index
    %get3A_3068 = arith.constant 0 : index
    %get3A_3069 = tpu.vector_load %arg7[%get3A_3067, %get3A_3068] {strides = array<i32>} : memref<512x16xf32, #tpu.memory_space<vmem>>, vector<1x16xf32>,
    %get3A_3070 = vector.shape_cast %get3A_3069 : vector<1x16xf32> to vector<16xf32>
    %get3A_3071 = arith.constant 24 : i32
    %get3A_3072 = arith.index_cast %get3A_3071 : i32 to index
    %get3A_3073 = arith.constant 80 : index
    %get3A_3074 = tpu.vector_load %arg8[%get3A_3072, %get3A_3073] {strides = array<i32>} : memref<32x160xf32, #tpu.memory_space<vmem>>, vector<1x16xf32>,
    %get3A_3075 = vector.shape_cast %get3A_3074 : vector<1x16xf32> to vector<16xf32>
    %mul3A_3076 = arith.mulf %get3A_3070, %get3A_3075 : vector<16xf32>
    %add3A_3077 = arith.addf %add3A_3065, %mul3A_3076 : vector<16xf32>
    %get3A_3078 = arith.constant 390 : i32
    %get3A_3079 = arith.index_cast %get3A_3078 : i32 to index
    %get3A_3080 = arith.constant 0 : index
    %get3A_3081 = tpu.vector_load %arg7[%get3A_3079, %get3A_3080] {strides = array<i32>} : memref<512x16xf32, #tpu.memory_space<vmem>>, vector<1x16xf32>,
    %get3A_3082 = vector.shape_cast %get3A_3081 : vector<1x16xf32> to vector<16xf32>
    %get3A_3083 = arith.constant 24 : i32
    %get3A_3084 = arith.index_cast %get3A_3083 : i32 to index
    %get3A_3085 = arith.constant 96 : index
    %get3A_3086 = tpu.vector_load %arg8[%get3A_3084, %get3A_3085] {strides = array<i32>} : memref<32x160xf32, #tpu.memory_space<vmem>>, vector<1x16xf32>,
    %get3A_3087 = vector.shape_cast %get3A_3086 : vector<1x16xf32> to vector<16xf32>
    %mul3A_3088 = arith.mulf %get3A_3082, %get3A_3087 : vector<16xf32>
    %add3A_3089 = arith.addf %add3A_3077, %mul3A_3088 : vector<16xf32>
    %get3A_3090 = arith.constant 391 : i32
    %get3A_3091 = arith.index_cast %get3A_3090 : i32 to index
    %get3A_3092 = arith.constant 0 : index
    %get3A_3093 = tpu.vector_load %arg7[%get3A_3091, %get3A_3092] {strides = array<i32>} : memref<512x16xf32, #tpu.memory_space<vmem>>, vector<1x16xf32>,
    %get3A_3094 = vector.shape_cast %get3A_3093 : vector<1x16xf32> to vector<16xf32>
    %get3A_3095 = arith.constant 24 : i32
    %get3A_3096 = arith.index_cast %get3A_3095 : i32 to index
    %get3A_3097 = arith.constant 112 : index
    %get3A_3098 = tpu.vector_load %arg8[%get3A_3096, %get3A_3097] {strides = array<i32>} : memref<32x160xf32, #tpu.memory_space<vmem>>, vector<1x16xf32>,
    %get3A_3099 = vector.shape_cast %get3A_3098 : vector<1x16xf32> to vector<16xf32>
    %mul3A_3100 = arith.mulf %get3A_3094, %get3A_3099 : vector<16xf32>
    %add3A_3101 = arith.addf %add3A_3089, %mul3A_3100 : vector<16xf32>
    %get3A_3102 = arith.constant 392 : i32
    %get3A_3103 = arith.index_cast %get3A_3102 : i32 to index
    %get3A_3104 = arith.constant 0 : index
    %get3A_3105 = tpu.vector_load %arg7[%get3A_3103, %get3A_3104] {strides = array<i32>} : memref<512x16xf32, #tpu.memory_space<vmem>>, vector<1x16xf32>,
    %get3A_3106 = vector.shape_cast %get3A_3105 : vector<1x16xf32> to vector<16xf32>
    %get3A_3107 = arith.constant 24 : i32
    %get3A_3108 = arith.index_cast %get3A_3107 : i32 to index
    %get3A_3109 = arith.constant 128 : index
    %get3A_3110 = tpu.vector_load %arg8[%get3A_3108, %get3A_3109] {strides = array<i32>} : memref<32x160xf32, #tpu.memory_space<vmem>>, vector<1x16xf32>,
    %get3A_3111 = vector.shape_cast %get3A_3110 : vector<1x16xf32> to vector<16xf32>
    %mul3A_3112 = arith.mulf %get3A_3106, %get3A_3111 : vector<16xf32>
    %add3A_3113 = arith.addf %add3A_3101, %mul3A_3112 : vector<16xf32>
    %get3A_3114 = arith.constant 393 : i32
    %get3A_3115 = arith.index_cast %get3A_3114 : i32 to index
    %get3A_3116 = arith.constant 0 : index
    %get3A_3117 = tpu.vector_load %arg7[%get3A_3115, %get3A_3116] {strides = array<i32>} : memref<512x16xf32, #tpu.memory_space<vmem>>, vector<1x16xf32>,
    %get3A_3118 = vector.shape_cast %get3A_3117 : vector<1x16xf32> to vector<16xf32>
    %get3A_3119 = arith.constant 24 : i32
    %get3A_3120 = arith.index_cast %get3A_3119 : i32 to index
    %get3A_3121 = arith.constant 144 : index
    %get3A_3122 = tpu.vector_load %arg8[%get3A_3120, %get3A_3121] {strides = array<i32>} : memref<32x160xf32, #tpu.memory_space<vmem>>, vector<1x16xf32>,
    %get3A_3123 = vector.shape_cast %get3A_3122 : vector<1x16xf32> to vector<16xf32>
    %mul3A_3124 = arith.mulf %get3A_3118, %get3A_3123 : vector<16xf32>
    %add3A_3125 = arith.addf %add3A_3113, %mul3A_3124 : vector<16xf32>
    %swap3A_3126 = arith.constant 24 : i32
    %swap3A_3127 = arith.index_cast %swap3A_3126 : i32 to index
    %swap3A_3128 = arith.constant 0 : index
    %swap3A_3129 = tpu.vector_load %arg9[%swap3A_3127, %swap3A_3128] {strides = array<i32>} : memref<32x16xf32, #tpu.memory_space<vmem>>, vector<1x16xf32>,
    %swap3A_3130 = vector.shape_cast %swap3A_3129 : vector<1x16xf32> to vector<16xf32>
    %swap3A_3131 = vector.shape_cast %add3A_3125 : vector<16xf32> to vector<1x16xf32>
    tpu.vector_store %arg9[%swap3A_3127, %swap3A_3128], %swap3A_3131 {strides = array<i32>} : memref<32x16xf32, #tpu.memory_space<vmem>>, vector<1x16xf32>,
    %get3A_3132 = arith.constant 400 : i32
    %get3A_3133 = arith.index_cast %get3A_3132 : i32 to index
    %get3A_3134 = arith.constant 0 : index
    %get3A_3135 = tpu.vector_load %arg7[%get3A_3133, %get3A_3134] {strides = array<i32>} : memref<512x16xf32, #tpu.memory_space<vmem>>, vector<1x16xf32>,
    %get3A_3136 = vector.shape_cast %get3A_3135 : vector<1x16xf32> to vector<16xf32>
    %get3A_3137 = arith.constant 25 : i32
    %get3A_3138 = arith.index_cast %get3A_3137 : i32 to index
    %get3A_3139 = arith.constant 0 : index
    %get3A_3140 = tpu.vector_load %arg8[%get3A_3138, %get3A_3139] {strides = array<i32>} : memref<32x160xf32, #tpu.memory_space<vmem>>, vector<1x16xf32>,
    %get3A_3141 = vector.shape_cast %get3A_3140 : vector<1x16xf32> to vector<16xf32>
    %mul3A_3142 = arith.mulf %get3A_3136, %get3A_3141 : vector<16xf32>
    %get3A_3143 = arith.constant 401 : i32
    %get3A_3144 = arith.index_cast %get3A_3143 : i32 to index
    %get3A_3145 = arith.constant 0 : index
    %get3A_3146 = tpu.vector_load %arg7[%get3A_3144, %get3A_3145] {strides = array<i32>} : memref<512x16xf32, #tpu.memory_space<vmem>>, vector<1x16xf32>,
    %get3A_3147 = vector.shape_cast %get3A_3146 : vector<1x16xf32> to vector<16xf32>
    %get3A_3148 = arith.constant 25 : i32
    %get3A_3149 = arith.index_cast %get3A_3148 : i32 to index
    %get3A_3150 = arith.constant 16 : index
    %get3A_3151 = tpu.vector_load %arg8[%get3A_3149, %get3A_3150] {strides = array<i32>} : memref<32x160xf32, #tpu.memory_space<vmem>>, vector<1x16xf32>,
    %get3A_3152 = vector.shape_cast %get3A_3151 : vector<1x16xf32> to vector<16xf32>
    %mul3A_3153 = arith.mulf %get3A_3147, %get3A_3152 : vector<16xf32>
    %add3A_3154 = arith.addf %mul3A_3142, %mul3A_3153 : vector<16xf32>
    %get3A_3155 = arith.constant 402 : i32
    %get3A_3156 = arith.index_cast %get3A_3155 : i32 to index
    %get3A_3157 = arith.constant 0 : index
    %get3A_3158 = tpu.vector_load %arg7[%get3A_3156, %get3A_3157] {strides = array<i32>} : memref<512x16xf32, #tpu.memory_space<vmem>>, vector<1x16xf32>,
    %get3A_3159 = vector.shape_cast %get3A_3158 : vector<1x16xf32> to vector<16xf32>
    %get3A_3160 = arith.constant 25 : i32
    %get3A_3161 = arith.index_cast %get3A_3160 : i32 to index
    %get3A_3162 = arith.constant 32 : index
    %get3A_3163 = tpu.vector_load %arg8[%get3A_3161, %get3A_3162] {strides = array<i32>} : memref<32x160xf32, #tpu.memory_space<vmem>>, vector<1x16xf32>,
    %get3A_3164 = vector.shape_cast %get3A_3163 : vector<1x16xf32> to vector<16xf32>
    %mul3A_3165 = arith.mulf %get3A_3159, %get3A_3164 : vector<16xf32>
    %add3A_3166 = arith.addf %add3A_3154, %mul3A_3165 : vector<16xf32>
    %get3A_3167 = arith.constant 403 : i32
    %get3A_3168 = arith.index_cast %get3A_3167 : i32 to index
    %get3A_3169 = arith.constant 0 : index
    %get3A_3170 = tpu.vector_load %arg7[%get3A_3168, %get3A_3169] {strides = array<i32>} : memref<512x16xf32, #tpu.memory_space<vmem>>, vector<1x16xf32>,
    %get3A_3171 = vector.shape_cast %get3A_3170 : vector<1x16xf32> to vector<16xf32>
    %get3A_3172 = arith.constant 25 : i32
    %get3A_3173 = arith.index_cast %get3A_3172 : i32 to index
    %get3A_3174 = arith.constant 48 : index
    %get3A_3175 = tpu.vector_load %arg8[%get3A_3173, %get3A_3174] {strides = array<i32>} : memref<32x160xf32, #tpu.memory_space<vmem>>, vector<1x16xf32>,
    %get3A_3176 = vector.shape_cast %get3A_3175 : vector<1x16xf32> to vector<16xf32>
    %mul3A_3177 = arith.mulf %get3A_3171, %get3A_3176 : vector<16xf32>
    %add3A_3178 = arith.addf %add3A_3166, %mul3A_3177 : vector<16xf32>
    %get3A_3179 = arith.constant 404 : i32
    %get3A_3180 = arith.index_cast %get3A_3179 : i32 to index
    %get3A_3181 = arith.constant 0 : index
    %get3A_3182 = tpu.vector_load %arg7[%get3A_3180, %get3A_3181] {strides = array<i32>} : memref<512x16xf32, #tpu.memory_space<vmem>>, vector<1x16xf32>,
    %get3A_3183 = vector.shape_cast %get3A_3182 : vector<1x16xf32> to vector<16xf32>
    %get3A_3184 = arith.constant 25 : i32
    %get3A_3185 = arith.index_cast %get3A_3184 : i32 to index
    %get3A_3186 = arith.constant 64 : index
    %get3A_3187 = tpu.vector_load %arg8[%get3A_3185, %get3A_3186] {strides = array<i32>} : memref<32x160xf32, #tpu.memory_space<vmem>>, vector<1x16xf32>,
    %get3A_3188 = vector.shape_cast %get3A_3187 : vector<1x16xf32> to vector<16xf32>
    %mul3A_3189 = arith.mulf %get3A_3183, %get3A_3188 : vector<16xf32>
    %add3A_3190 = arith.addf %add3A_3178, %mul3A_3189 : vector<16xf32>
    %get3A_3191 = arith.constant 405 : i32
    %get3A_3192 = arith.index_cast %get3A_3191 : i32 to index
    %get3A_3193 = arith.constant 0 : index
    %get3A_3194 = tpu.vector_load %arg7[%get3A_3192, %get3A_3193] {strides = array<i32>} : memref<512x16xf32, #tpu.memory_space<vmem>>, vector<1x16xf32>,
    %get3A_3195 = vector.shape_cast %get3A_3194 : vector<1x16xf32> to vector<16xf32>
    %get3A_3196 = arith.constant 25 : i32
    %get3A_3197 = arith.index_cast %get3A_3196 : i32 to index
    %get3A_3198 = arith.constant 80 : index
    %get3A_3199 = tpu.vector_load %arg8[%get3A_3197, %get3A_3198] {strides = array<i32>} : memref<32x160xf32, #tpu.memory_space<vmem>>, vector<1x16xf32>,
    %get3A_3200 = vector.shape_cast %get3A_3199 : vector<1x16xf32> to vector<16xf32>
    %mul3A_3201 = arith.mulf %get3A_3195, %get3A_3200 : vector<16xf32>
    %add3A_3202 = arith.addf %add3A_3190, %mul3A_3201 : vector<16xf32>
    %get3A_3203 = arith.constant 406 : i32
    %get3A_3204 = arith.index_cast %get3A_3203 : i32 to index
    %get3A_3205 = arith.constant 0 : index
    %get3A_3206 = tpu.vector_load %arg7[%get3A_3204, %get3A_3205] {strides = array<i32>} : memref<512x16xf32, #tpu.memory_space<vmem>>, vector<1x16xf32>,
    %get3A_3207 = vector.shape_cast %get3A_3206 : vector<1x16xf32> to vector<16xf32>
    %get3A_3208 = arith.constant 25 : i32
    %get3A_3209 = arith.index_cast %get3A_3208 : i32 to index
    %get3A_3210 = arith.constant 96 : index
    %get3A_3211 = tpu.vector_load %arg8[%get3A_3209, %get3A_3210] {strides = array<i32>} : memref<32x160xf32, #tpu.memory_space<vmem>>, vector<1x16xf32>,
    %get3A_3212 = vector.shape_cast %get3A_3211 : vector<1x16xf32> to vector<16xf32>
    %mul3A_3213 = arith.mulf %get3A_3207, %get3A_3212 : vector<16xf32>
    %add3A_3214 = arith.addf %add3A_3202, %mul3A_3213 : vector<16xf32>
    %get3A_3215 = arith.constant 407 : i32
    %get3A_3216 = arith.index_cast %get3A_3215 : i32 to index
    %get3A_3217 = arith.constant 0 : index
    %get3A_3218 = tpu.vector_load %arg7[%get3A_3216, %get3A_3217] {strides = array<i32>} : memref<512x16xf32, #tpu.memory_space<vmem>>, vector<1x16xf32>,
    %get3A_3219 = vector.shape_cast %get3A_3218 : vector<1x16xf32> to vector<16xf32>
    %get3A_3220 = arith.constant 25 : i32
    %get3A_3221 = arith.index_cast %get3A_3220 : i32 to index
    %get3A_3222 = arith.constant 112 : index
    %get3A_3223 = tpu.vector_load %arg8[%get3A_3221, %get3A_3222] {strides = array<i32>} : memref<32x160xf32, #tpu.memory_space<vmem>>, vector<1x16xf32>,
    %get3A_3224 = vector.shape_cast %get3A_3223 : vector<1x16xf32> to vector<16xf32>
    %mul3A_3225 = arith.mulf %get3A_3219, %get3A_3224 : vector<16xf32>
    %add3A_3226 = arith.addf %add3A_3214, %mul3A_3225 : vector<16xf32>
    %get3A_3227 = arith.constant 408 : i32
    %get3A_3228 = arith.index_cast %get3A_3227 : i32 to index
    %get3A_3229 = arith.constant 0 : index
    %get3A_3230 = tpu.vector_load %arg7[%get3A_3228, %get3A_3229] {strides = array<i32>} : memref<512x16xf32, #tpu.memory_space<vmem>>, vector<1x16xf32>,
    %get3A_3231 = vector.shape_cast %get3A_3230 : vector<1x16xf32> to vector<16xf32>
    %get3A_3232 = arith.constant 25 : i32
    %get3A_3233 = arith.index_cast %get3A_3232 : i32 to index
    %get3A_3234 = arith.constant 128 : index
    %get3A_3235 = tpu.vector_load %arg8[%get3A_3233, %get3A_3234] {strides = array<i32>} : memref<32x160xf32, #tpu.memory_space<vmem>>, vector<1x16xf32>,
    %get3A_3236 = vector.shape_cast %get3A_3235 : vector<1x16xf32> to vector<16xf32>
    %mul3A_3237 = arith.mulf %get3A_3231, %get3A_3236 : vector<16xf32>
    %add3A_3238 = arith.addf %add3A_3226, %mul3A_3237 : vector<16xf32>
    %get3A_3239 = arith.constant 409 : i32
    %get3A_3240 = arith.index_cast %get3A_3239 : i32 to index
    %get3A_3241 = arith.constant 0 : index
    %get3A_3242 = tpu.vector_load %arg7[%get3A_3240, %get3A_3241] {strides = array<i32>} : memref<512x16xf32, #tpu.memory_space<vmem>>, vector<1x16xf32>,
    %get3A_3243 = vector.shape_cast %get3A_3242 : vector<1x16xf32> to vector<16xf32>
    %get3A_3244 = arith.constant 25 : i32
    %get3A_3245 = arith.index_cast %get3A_3244 : i32 to index
    %get3A_3246 = arith.constant 144 : index
    %get3A_3247 = tpu.vector_load %arg8[%get3A_3245, %get3A_3246] {strides = array<i32>} : memref<32x160xf32, #tpu.memory_space<vmem>>, vector<1x16xf32>,
    %get3A_3248 = vector.shape_cast %get3A_3247 : vector<1x16xf32> to vector<16xf32>
    %mul3A_3249 = arith.mulf %get3A_3243, %get3A_3248 : vector<16xf32>
    %add3A_3250 = arith.addf %add3A_3238, %mul3A_3249 : vector<16xf32>
    %swap3A_3251 = arith.constant 25 : i32
    %swap3A_3252 = arith.index_cast %swap3A_3251 : i32 to index
    %swap3A_3253 = arith.constant 0 : index
    %swap3A_3254 = tpu.vector_load %arg9[%swap3A_3252, %swap3A_3253] {strides = array<i32>} : memref<32x16xf32, #tpu.memory_space<vmem>>, vector<1x16xf32>,
    %swap3A_3255 = vector.shape_cast %swap3A_3254 : vector<1x16xf32> to vector<16xf32>
    %swap3A_3256 = vector.shape_cast %add3A_3250 : vector<16xf32> to vector<1x16xf32>
    tpu.vector_store %arg9[%swap3A_3252, %swap3A_3253], %swap3A_3256 {strides = array<i32>} : memref<32x16xf32, #tpu.memory_space<vmem>>, vector<1x16xf32>,
    %get3A_3257 = arith.constant 416 : i32
    %get3A_3258 = arith.index_cast %get3A_3257 : i32 to index
    %get3A_3259 = arith.constant 0 : index
    %get3A_3260 = tpu.vector_load %arg7[%get3A_3258, %get3A_3259] {strides = array<i32>} : memref<512x16xf32, #tpu.memory_space<vmem>>, vector<1x16xf32>,
    %get3A_3261 = vector.shape_cast %get3A_3260 : vector<1x16xf32> to vector<16xf32>
    %get3A_3262 = arith.constant 26 : i32
    %get3A_3263 = arith.index_cast %get3A_3262 : i32 to index
    %get3A_3264 = arith.constant 0 : index
    %get3A_3265 = tpu.vector_load %arg8[%get3A_3263, %get3A_3264] {strides = array<i32>} : memref<32x160xf32, #tpu.memory_space<vmem>>, vector<1x16xf32>,
    %get3A_3266 = vector.shape_cast %get3A_3265 : vector<1x16xf32> to vector<16xf32>
    %mul3A_3267 = arith.mulf %get3A_3261, %get3A_3266 : vector<16xf32>
    %get3A_3268 = arith.constant 417 : i32
    %get3A_3269 = arith.index_cast %get3A_3268 : i32 to index
    %get3A_3270 = arith.constant 0 : index
    %get3A_3271 = tpu.vector_load %arg7[%get3A_3269, %get3A_3270] {strides = array<i32>} : memref<512x16xf32, #tpu.memory_space<vmem>>, vector<1x16xf32>,
    %get3A_3272 = vector.shape_cast %get3A_3271 : vector<1x16xf32> to vector<16xf32>
    %get3A_3273 = arith.constant 26 : i32
    %get3A_3274 = arith.index_cast %get3A_3273 : i32 to index
    %get3A_3275 = arith.constant 16 : index
    %get3A_3276 = tpu.vector_load %arg8[%get3A_3274, %get3A_3275] {strides = array<i32>} : memref<32x160xf32, #tpu.memory_space<vmem>>, vector<1x16xf32>,
    %get3A_3277 = vector.shape_cast %get3A_3276 : vector<1x16xf32> to vector<16xf32>
    %mul3A_3278 = arith.mulf %get3A_3272, %get3A_3277 : vector<16xf32>
    %add3A_3279 = arith.addf %mul3A_3267, %mul3A_3278 : vector<16xf32>
    %get3A_3280 = arith.constant 418 : i32
    %get3A_3281 = arith.index_cast %get3A_3280 : i32 to index
    %get3A_3282 = arith.constant 0 : index
    %get3A_3283 = tpu.vector_load %arg7[%get3A_3281, %get3A_3282] {strides = array<i32>} : memref<512x16xf32, #tpu.memory_space<vmem>>, vector<1x16xf32>,
    %get3A_3284 = vector.shape_cast %get3A_3283 : vector<1x16xf32> to vector<16xf32>
    %get3A_3285 = arith.constant 26 : i32
    %get3A_3286 = arith.index_cast %get3A_3285 : i32 to index
    %get3A_3287 = arith.constant 32 : index
    %get3A_3288 = tpu.vector_load %arg8[%get3A_3286, %get3A_3287] {strides = array<i32>} : memref<32x160xf32, #tpu.memory_space<vmem>>, vector<1x16xf32>,
    %get3A_3289 = vector.shape_cast %get3A_3288 : vector<1x16xf32> to vector<16xf32>
    %mul3A_3290 = arith.mulf %get3A_3284, %get3A_3289 : vector<16xf32>
    %add3A_3291 = arith.addf %add3A_3279, %mul3A_3290 : vector<16xf32>
    %get3A_3292 = arith.constant 419 : i32
    %get3A_3293 = arith.index_cast %get3A_3292 : i32 to index
    %get3A_3294 = arith.constant 0 : index
    %get3A_3295 = tpu.vector_load %arg7[%get3A_3293, %get3A_3294] {strides = array<i32>} : memref<512x16xf32, #tpu.memory_space<vmem>>, vector<1x16xf32>,
    %get3A_3296 = vector.shape_cast %get3A_3295 : vector<1x16xf32> to vector<16xf32>
    %get3A_3297 = arith.constant 26 : i32
    %get3A_3298 = arith.index_cast %get3A_3297 : i32 to index
    %get3A_3299 = arith.constant 48 : index
    %get3A_3300 = tpu.vector_load %arg8[%get3A_3298, %get3A_3299] {strides = array<i32>} : memref<32x160xf32, #tpu.memory_space<vmem>>, vector<1x16xf32>,
    %get3A_3301 = vector.shape_cast %get3A_3300 : vector<1x16xf32> to vector<16xf32>
    %mul3A_3302 = arith.mulf %get3A_3296, %get3A_3301 : vector<16xf32>
    %add3A_3303 = arith.addf %add3A_3291, %mul3A_3302 : vector<16xf32>
    %get3A_3304 = arith.constant 420 : i32
    %get3A_3305 = arith.index_cast %get3A_3304 : i32 to index
    %get3A_3306 = arith.constant 0 : index
    %get3A_3307 = tpu.vector_load %arg7[%get3A_3305, %get3A_3306] {strides = array<i32>} : memref<512x16xf32, #tpu.memory_space<vmem>>, vector<1x16xf32>,
    %get3A_3308 = vector.shape_cast %get3A_3307 : vector<1x16xf32> to vector<16xf32>
    %get3A_3309 = arith.constant 26 : i32
    %get3A_3310 = arith.index_cast %get3A_3309 : i32 to index
    %get3A_3311 = arith.constant 64 : index
    %get3A_3312 = tpu.vector_load %arg8[%get3A_3310, %get3A_3311] {strides = array<i32>} : memref<32x160xf32, #tpu.memory_space<vmem>>, vector<1x16xf32>,
    %get3A_3313 = vector.shape_cast %get3A_3312 : vector<1x16xf32> to vector<16xf32>
    %mul3A_3314 = arith.mulf %get3A_3308, %get3A_3313 : vector<16xf32>
    %add3A_3315 = arith.addf %add3A_3303, %mul3A_3314 : vector<16xf32>
    %get3A_3316 = arith.constant 421 : i32
    %get3A_3317 = arith.index_cast %get3A_3316 : i32 to index
    %get3A_3318 = arith.constant 0 : index
    %get3A_3319 = tpu.vector_load %arg7[%get3A_3317, %get3A_3318] {strides = array<i32>} : memref<512x16xf32, #tpu.memory_space<vmem>>, vector<1x16xf32>,
    %get3A_3320 = vector.shape_cast %get3A_3319 : vector<1x16xf32> to vector<16xf32>
    %get3A_3321 = arith.constant 26 : i32
    %get3A_3322 = arith.index_cast %get3A_3321 : i32 to index
    %get3A_3323 = arith.constant 80 : index
    %get3A_3324 = tpu.vector_load %arg8[%get3A_3322, %get3A_3323] {strides = array<i32>} : memref<32x160xf32, #tpu.memory_space<vmem>>, vector<1x16xf32>,
    %get3A_3325 = vector.shape_cast %get3A_3324 : vector<1x16xf32> to vector<16xf32>
    %mul3A_3326 = arith.mulf %get3A_3320, %get3A_3325 : vector<16xf32>
    %add3A_3327 = arith.addf %add3A_3315, %mul3A_3326 : vector<16xf32>
    %get3A_3328 = arith.constant 422 : i32
    %get3A_3329 = arith.index_cast %get3A_3328 : i32 to index
    %get3A_3330 = arith.constant 0 : index
    %get3A_3331 = tpu.vector_load %arg7[%get3A_3329, %get3A_3330] {strides = array<i32>} : memref<512x16xf32, #tpu.memory_space<vmem>>, vector<1x16xf32>,
    %get3A_3332 = vector.shape_cast %get3A_3331 : vector<1x16xf32> to vector<16xf32>
    %get3A_3333 = arith.constant 26 : i32
    %get3A_3334 = arith.index_cast %get3A_3333 : i32 to index
    %get3A_3335 = arith.constant 96 : index
    %get3A_3336 = tpu.vector_load %arg8[%get3A_3334, %get3A_3335] {strides = array<i32>} : memref<32x160xf32, #tpu.memory_space<vmem>>, vector<1x16xf32>,
    %get3A_3337 = vector.shape_cast %get3A_3336 : vector<1x16xf32> to vector<16xf32>
    %mul3A_3338 = arith.mulf %get3A_3332, %get3A_3337 : vector<16xf32>
    %add3A_3339 = arith.addf %add3A_3327, %mul3A_3338 : vector<16xf32>
    %get3A_3340 = arith.constant 423 : i32
    %get3A_3341 = arith.index_cast %get3A_3340 : i32 to index
    %get3A_3342 = arith.constant 0 : index
    %get3A_3343 = tpu.vector_load %arg7[%get3A_3341, %get3A_3342] {strides = array<i32>} : memref<512x16xf32, #tpu.memory_space<vmem>>, vector<1x16xf32>,
    %get3A_3344 = vector.shape_cast %get3A_3343 : vector<1x16xf32> to vector<16xf32>
    %get3A_3345 = arith.constant 26 : i32
    %get3A_3346 = arith.index_cast %get3A_3345 : i32 to index
    %get3A_3347 = arith.constant 112 : index
    %get3A_3348 = tpu.vector_load %arg8[%get3A_3346, %get3A_3347] {strides = array<i32>} : memref<32x160xf32, #tpu.memory_space<vmem>>, vector<1x16xf32>,
    %get3A_3349 = vector.shape_cast %get3A_3348 : vector<1x16xf32> to vector<16xf32>
    %mul3A_3350 = arith.mulf %get3A_3344, %get3A_3349 : vector<16xf32>
    %add3A_3351 = arith.addf %add3A_3339, %mul3A_3350 : vector<16xf32>
    %get3A_3352 = arith.constant 424 : i32
    %get3A_3353 = arith.index_cast %get3A_3352 : i32 to index
    %get3A_3354 = arith.constant 0 : index
    %get3A_3355 = tpu.vector_load %arg7[%get3A_3353, %get3A_3354] {strides = array<i32>} : memref<512x16xf32, #tpu.memory_space<vmem>>, vector<1x16xf32>,
    %get3A_3356 = vector.shape_cast %get3A_3355 : vector<1x16xf32> to vector<16xf32>
    %get3A_3357 = arith.constant 26 : i32
    %get3A_3358 = arith.index_cast %get3A_3357 : i32 to index
    %get3A_3359 = arith.constant 128 : index
    %get3A_3360 = tpu.vector_load %arg8[%get3A_3358, %get3A_3359] {strides = array<i32>} : memref<32x160xf32, #tpu.memory_space<vmem>>, vector<1x16xf32>,
    %get3A_3361 = vector.shape_cast %get3A_3360 : vector<1x16xf32> to vector<16xf32>
    %mul3A_3362 = arith.mulf %get3A_3356, %get3A_3361 : vector<16xf32>
    %add3A_3363 = arith.addf %add3A_3351, %mul3A_3362 : vector<16xf32>
    %get3A_3364 = arith.constant 425 : i32
    %get3A_3365 = arith.index_cast %get3A_3364 : i32 to index
    %get3A_3366 = arith.constant 0 : index
    %get3A_3367 = tpu.vector_load %arg7[%get3A_3365, %get3A_3366] {strides = array<i32>} : memref<512x16xf32, #tpu.memory_space<vmem>>, vector<1x16xf32>,
    %get3A_3368 = vector.shape_cast %get3A_3367 : vector<1x16xf32> to vector<16xf32>
    %get3A_3369 = arith.constant 26 : i32
    %get3A_3370 = arith.index_cast %get3A_3369 : i32 to index
    %get3A_3371 = arith.constant 144 : index
    %get3A_3372 = tpu.vector_load %arg8[%get3A_3370, %get3A_3371] {strides = array<i32>} : memref<32x160xf32, #tpu.memory_space<vmem>>, vector<1x16xf32>,
    %get3A_3373 = vector.shape_cast %get3A_3372 : vector<1x16xf32> to vector<16xf32>
    %mul3A_3374 = arith.mulf %get3A_3368, %get3A_3373 : vector<16xf32>
    %add3A_3375 = arith.addf %add3A_3363, %mul3A_3374 : vector<16xf32>
    %swap3A_3376 = arith.constant 26 : i32
    %swap3A_3377 = arith.index_cast %swap3A_3376 : i32 to index
    %swap3A_3378 = arith.constant 0 : index
    %swap3A_3379 = tpu.vector_load %arg9[%swap3A_3377, %swap3A_3378] {strides = array<i32>} : memref<32x16xf32, #tpu.memory_space<vmem>>, vector<1x16xf32>,
    %swap3A_3380 = vector.shape_cast %swap3A_3379 : vector<1x16xf32> to vector<16xf32>
    %swap3A_3381 = vector.shape_cast %add3A_3375 : vector<16xf32> to vector<1x16xf32>
    tpu.vector_store %arg9[%swap3A_3377, %swap3A_3378], %swap3A_3381 {strides = array<i32>} : memref<32x16xf32, #tpu.memory_space<vmem>>, vector<1x16xf32>,
    %get3A_3382 = arith.constant 432 : i32
    %get3A_3383 = arith.index_cast %get3A_3382 : i32 to index
    %get3A_3384 = arith.constant 0 : index
    %get3A_3385 = tpu.vector_load %arg7[%get3A_3383, %get3A_3384] {strides = array<i32>} : memref<512x16xf32, #tpu.memory_space<vmem>>, vector<1x16xf32>,
    %get3A_3386 = vector.shape_cast %get3A_3385 : vector<1x16xf32> to vector<16xf32>
    %get3A_3387 = arith.constant 27 : i32
    %get3A_3388 = arith.index_cast %get3A_3387 : i32 to index
    %get3A_3389 = arith.constant 0 : index
    %get3A_3390 = tpu.vector_load %arg8[%get3A_3388, %get3A_3389] {strides = array<i32>} : memref<32x160xf32, #tpu.memory_space<vmem>>, vector<1x16xf32>,
    %get3A_3391 = vector.shape_cast %get3A_3390 : vector<1x16xf32> to vector<16xf32>
    %mul3A_3392 = arith.mulf %get3A_3386, %get3A_3391 : vector<16xf32>
    %get3A_3393 = arith.constant 433 : i32
    %get3A_3394 = arith.index_cast %get3A_3393 : i32 to index
    %get3A_3395 = arith.constant 0 : index
    %get3A_3396 = tpu.vector_load %arg7[%get3A_3394, %get3A_3395] {strides = array<i32>} : memref<512x16xf32, #tpu.memory_space<vmem>>, vector<1x16xf32>,
    %get3A_3397 = vector.shape_cast %get3A_3396 : vector<1x16xf32> to vector<16xf32>
    %get3A_3398 = arith.constant 27 : i32
    %get3A_3399 = arith.index_cast %get3A_3398 : i32 to index
    %get3A_3400 = arith.constant 16 : index
    %get3A_3401 = tpu.vector_load %arg8[%get3A_3399, %get3A_3400] {strides = array<i32>} : memref<32x160xf32, #tpu.memory_space<vmem>>, vector<1x16xf32>,
    %get3A_3402 = vector.shape_cast %get3A_3401 : vector<1x16xf32> to vector<16xf32>
    %mul3A_3403 = arith.mulf %get3A_3397, %get3A_3402 : vector<16xf32>
    %add3A_3404 = arith.addf %mul3A_3392, %mul3A_3403 : vector<16xf32>
    %get3A_3405 = arith.constant 434 : i32
    %get3A_3406 = arith.index_cast %get3A_3405 : i32 to index
    %get3A_3407 = arith.constant 0 : index
    %get3A_3408 = tpu.vector_load %arg7[%get3A_3406, %get3A_3407] {strides = array<i32>} : memref<512x16xf32, #tpu.memory_space<vmem>>, vector<1x16xf32>,
    %get3A_3409 = vector.shape_cast %get3A_3408 : vector<1x16xf32> to vector<16xf32>
    %get3A_3410 = arith.constant 27 : i32
    %get3A_3411 = arith.index_cast %get3A_3410 : i32 to index
    %get3A_3412 = arith.constant 32 : index
    %get3A_3413 = tpu.vector_load %arg8[%get3A_3411, %get3A_3412] {strides = array<i32>} : memref<32x160xf32, #tpu.memory_space<vmem>>, vector<1x16xf32>,
    %get3A_3414 = vector.shape_cast %get3A_3413 : vector<1x16xf32> to vector<16xf32>
    %mul3A_3415 = arith.mulf %get3A_3409, %get3A_3414 : vector<16xf32>
    %add3A_3416 = arith.addf %add3A_3404, %mul3A_3415 : vector<16xf32>
    %get3A_3417 = arith.constant 435 : i32
    %get3A_3418 = arith.index_cast %get3A_3417 : i32 to index
    %get3A_3419 = arith.constant 0 : index
    %get3A_3420 = tpu.vector_load %arg7[%get3A_3418, %get3A_3419] {strides = array<i32>} : memref<512x16xf32, #tpu.memory_space<vmem>>, vector<1x16xf32>,
    %get3A_3421 = vector.shape_cast %get3A_3420 : vector<1x16xf32> to vector<16xf32>
    %get3A_3422 = arith.constant 27 : i32
    %get3A_3423 = arith.index_cast %get3A_3422 : i32 to index
    %get3A_3424 = arith.constant 48 : index
    %get3A_3425 = tpu.vector_load %arg8[%get3A_3423, %get3A_3424] {strides = array<i32>} : memref<32x160xf32, #tpu.memory_space<vmem>>, vector<1x16xf32>,
    %get3A_3426 = vector.shape_cast %get3A_3425 : vector<1x16xf32> to vector<16xf32>
    %mul3A_3427 = arith.mulf %get3A_3421, %get3A_3426 : vector<16xf32>
    %add3A_3428 = arith.addf %add3A_3416, %mul3A_3427 : vector<16xf32>
    %get3A_3429 = arith.constant 436 : i32
    %get3A_3430 = arith.index_cast %get3A_3429 : i32 to index
    %get3A_3431 = arith.constant 0 : index
    %get3A_3432 = tpu.vector_load %arg7[%get3A_3430, %get3A_3431] {strides = array<i32>} : memref<512x16xf32, #tpu.memory_space<vmem>>, vector<1x16xf32>,
    %get3A_3433 = vector.shape_cast %get3A_3432 : vector<1x16xf32> to vector<16xf32>
    %get3A_3434 = arith.constant 27 : i32
    %get3A_3435 = arith.index_cast %get3A_3434 : i32 to index
    %get3A_3436 = arith.constant 64 : index
    %get3A_3437 = tpu.vector_load %arg8[%get3A_3435, %get3A_3436] {strides = array<i32>} : memref<32x160xf32, #tpu.memory_space<vmem>>, vector<1x16xf32>,
    %get3A_3438 = vector.shape_cast %get3A_3437 : vector<1x16xf32> to vector<16xf32>
    %mul3A_3439 = arith.mulf %get3A_3433, %get3A_3438 : vector<16xf32>
    %add3A_3440 = arith.addf %add3A_3428, %mul3A_3439 : vector<16xf32>
    %get3A_3441 = arith.constant 437 : i32
    %get3A_3442 = arith.index_cast %get3A_3441 : i32 to index
    %get3A_3443 = arith.constant 0 : index
    %get3A_3444 = tpu.vector_load %arg7[%get3A_3442, %get3A_3443] {strides = array<i32>} : memref<512x16xf32, #tpu.memory_space<vmem>>, vector<1x16xf32>,
    %get3A_3445 = vector.shape_cast %get3A_3444 : vector<1x16xf32> to vector<16xf32>
    %get3A_3446 = arith.constant 27 : i32
    %get3A_3447 = arith.index_cast %get3A_3446 : i32 to index
    %get3A_3448 = arith.constant 80 : index
    %get3A_3449 = tpu.vector_load %arg8[%get3A_3447, %get3A_3448] {strides = array<i32>} : memref<32x160xf32, #tpu.memory_space<vmem>>, vector<1x16xf32>,
    %get3A_3450 = vector.shape_cast %get3A_3449 : vector<1x16xf32> to vector<16xf32>
    %mul3A_3451 = arith.mulf %get3A_3445, %get3A_3450 : vector<16xf32>
    %add3A_3452 = arith.addf %add3A_3440, %mul3A_3451 : vector<16xf32>
    %get3A_3453 = arith.constant 438 : i32
    %get3A_3454 = arith.index_cast %get3A_3453 : i32 to index
    %get3A_3455 = arith.constant 0 : index
    %get3A_3456 = tpu.vector_load %arg7[%get3A_3454, %get3A_3455] {strides = array<i32>} : memref<512x16xf32, #tpu.memory_space<vmem>>, vector<1x16xf32>,
    %get3A_3457 = vector.shape_cast %get3A_3456 : vector<1x16xf32> to vector<16xf32>
    %get3A_3458 = arith.constant 27 : i32
    %get3A_3459 = arith.index_cast %get3A_3458 : i32 to index
    %get3A_3460 = arith.constant 96 : index
    %get3A_3461 = tpu.vector_load %arg8[%get3A_3459, %get3A_3460] {strides = array<i32>} : memref<32x160xf32, #tpu.memory_space<vmem>>, vector<1x16xf32>,
    %get3A_3462 = vector.shape_cast %get3A_3461 : vector<1x16xf32> to vector<16xf32>
    %mul3A_3463 = arith.mulf %get3A_3457, %get3A_3462 : vector<16xf32>
    %add3A_3464 = arith.addf %add3A_3452, %mul3A_3463 : vector<16xf32>
    %get3A_3465 = arith.constant 439 : i32
    %get3A_3466 = arith.index_cast %get3A_3465 : i32 to index
    %get3A_3467 = arith.constant 0 : index
    %get3A_3468 = tpu.vector_load %arg7[%get3A_3466, %get3A_3467] {strides = array<i32>} : memref<512x16xf32, #tpu.memory_space<vmem>>, vector<1x16xf32>,
    %get3A_3469 = vector.shape_cast %get3A_3468 : vector<1x16xf32> to vector<16xf32>
    %get3A_3470 = arith.constant 27 : i32
    %get3A_3471 = arith.index_cast %get3A_3470 : i32 to index
    %get3A_3472 = arith.constant 112 : index
    %get3A_3473 = tpu.vector_load %arg8[%get3A_3471, %get3A_3472] {strides = array<i32>} : memref<32x160xf32, #tpu.memory_space<vmem>>, vector<1x16xf32>,
    %get3A_3474 = vector.shape_cast %get3A_3473 : vector<1x16xf32> to vector<16xf32>
    %mul3A_3475 = arith.mulf %get3A_3469, %get3A_3474 : vector<16xf32>
    %add3A_3476 = arith.addf %add3A_3464, %mul3A_3475 : vector<16xf32>
    %get3A_3477 = arith.constant 440 : i32
    %get3A_3478 = arith.index_cast %get3A_3477 : i32 to index
    %get3A_3479 = arith.constant 0 : index
    %get3A_3480 = tpu.vector_load %arg7[%get3A_3478, %get3A_3479] {strides = array<i32>} : memref<512x16xf32, #tpu.memory_space<vmem>>, vector<1x16xf32>,
    %get3A_3481 = vector.shape_cast %get3A_3480 : vector<1x16xf32> to vector<16xf32>
    %get3A_3482 = arith.constant 27 : i32
    %get3A_3483 = arith.index_cast %get3A_3482 : i32 to index
    %get3A_3484 = arith.constant 128 : index
    %get3A_3485 = tpu.vector_load %arg8[%get3A_3483, %get3A_3484] {strides = array<i32>} : memref<32x160xf32, #tpu.memory_space<vmem>>, vector<1x16xf32>,
    %get3A_3486 = vector.shape_cast %get3A_3485 : vector<1x16xf32> to vector<16xf32>
    %mul3A_3487 = arith.mulf %get3A_3481, %get3A_3486 : vector<16xf32>
    %add3A_3488 = arith.addf %add3A_3476, %mul3A_3487 : vector<16xf32>
    %get3A_3489 = arith.constant 441 : i32
    %get3A_3490 = arith.index_cast %get3A_3489 : i32 to index
    %get3A_3491 = arith.constant 0 : index
    %get3A_3492 = tpu.vector_load %arg7[%get3A_3490, %get3A_3491] {strides = array<i32>} : memref<512x16xf32, #tpu.memory_space<vmem>>, vector<1x16xf32>,
    %get3A_3493 = vector.shape_cast %get3A_3492 : vector<1x16xf32> to vector<16xf32>
    %get3A_3494 = arith.constant 27 : i32
    %get3A_3495 = arith.index_cast %get3A_3494 : i32 to index
    %get3A_3496 = arith.constant 144 : index
    %get3A_3497 = tpu.vector_load %arg8[%get3A_3495, %get3A_3496] {strides = array<i32>} : memref<32x160xf32, #tpu.memory_space<vmem>>, vector<1x16xf32>,
    %get3A_3498 = vector.shape_cast %get3A_3497 : vector<1x16xf32> to vector<16xf32>
    %mul3A_3499 = arith.mulf %get3A_3493, %get3A_3498 : vector<16xf32>
    %add3A_3500 = arith.addf %add3A_3488, %mul3A_3499 : vector<16xf32>
    %swap3A_3501 = arith.constant 27 : i32
    %swap3A_3502 = arith.index_cast %swap3A_3501 : i32 to index
    %swap3A_3503 = arith.constant 0 : index
    %swap3A_3504 = tpu.vector_load %arg9[%swap3A_3502, %swap3A_3503] {strides = array<i32>} : memref<32x16xf32, #tpu.memory_space<vmem>>, vector<1x16xf32>,
    %swap3A_3505 = vector.shape_cast %swap3A_3504 : vector<1x16xf32> to vector<16xf32>
    %swap3A_3506 = vector.shape_cast %add3A_3500 : vector<16xf32> to vector<1x16xf32>
    tpu.vector_store %arg9[%swap3A_3502, %swap3A_3503], %swap3A_3506 {strides = array<i32>} : memref<32x16xf32, #tpu.memory_space<vmem>>, vector<1x16xf32>,
    %get3A_3507 = arith.constant 448 : i32
    %get3A_3508 = arith.index_cast %get3A_3507 : i32 to index
    %get3A_3509 = arith.constant 0 : index
    %get3A_3510 = tpu.vector_load %arg7[%get3A_3508, %get3A_3509] {strides = array<i32>} : memref<512x16xf32, #tpu.memory_space<vmem>>, vector<1x16xf32>,
    %get3A_3511 = vector.shape_cast %get3A_3510 : vector<1x16xf32> to vector<16xf32>
    %get3A_3512 = arith.constant 28 : i32
    %get3A_3513 = arith.index_cast %get3A_3512 : i32 to index
    %get3A_3514 = arith.constant 0 : index
    %get3A_3515 = tpu.vector_load %arg8[%get3A_3513, %get3A_3514] {strides = array<i32>} : memref<32x160xf32, #tpu.memory_space<vmem>>, vector<1x16xf32>,
    %get3A_3516 = vector.shape_cast %get3A_3515 : vector<1x16xf32> to vector<16xf32>
    %mul3A_3517 = arith.mulf %get3A_3511, %get3A_3516 : vector<16xf32>
    %get3A_3518 = arith.constant 449 : i32
    %get3A_3519 = arith.index_cast %get3A_3518 : i32 to index
    %get3A_3520 = arith.constant 0 : index
    %get3A_3521 = tpu.vector_load %arg7[%get3A_3519, %get3A_3520] {strides = array<i32>} : memref<512x16xf32, #tpu.memory_space<vmem>>, vector<1x16xf32>,
    %get3A_3522 = vector.shape_cast %get3A_3521 : vector<1x16xf32> to vector<16xf32>
    %get3A_3523 = arith.constant 28 : i32
    %get3A_3524 = arith.index_cast %get3A_3523 : i32 to index
    %get3A_3525 = arith.constant 16 : index
    %get3A_3526 = tpu.vector_load %arg8[%get3A_3524, %get3A_3525] {strides = array<i32>} : memref<32x160xf32, #tpu.memory_space<vmem>>, vector<1x16xf32>,
    %get3A_3527 = vector.shape_cast %get3A_3526 : vector<1x16xf32> to vector<16xf32>
    %mul3A_3528 = arith.mulf %get3A_3522, %get3A_3527 : vector<16xf32>
    %add3A_3529 = arith.addf %mul3A_3517, %mul3A_3528 : vector<16xf32>
    %get3A_3530 = arith.constant 450 : i32
    %get3A_3531 = arith.index_cast %get3A_3530 : i32 to index
    %get3A_3532 = arith.constant 0 : index
    %get3A_3533 = tpu.vector_load %arg7[%get3A_3531, %get3A_3532] {strides = array<i32>} : memref<512x16xf32, #tpu.memory_space<vmem>>, vector<1x16xf32>,
    %get3A_3534 = vector.shape_cast %get3A_3533 : vector<1x16xf32> to vector<16xf32>
    %get3A_3535 = arith.constant 28 : i32
    %get3A_3536 = arith.index_cast %get3A_3535 : i32 to index
    %get3A_3537 = arith.constant 32 : index
    %get3A_3538 = tpu.vector_load %arg8[%get3A_3536, %get3A_3537] {strides = array<i32>} : memref<32x160xf32, #tpu.memory_space<vmem>>, vector<1x16xf32>,
    %get3A_3539 = vector.shape_cast %get3A_3538 : vector<1x16xf32> to vector<16xf32>
    %mul3A_3540 = arith.mulf %get3A_3534, %get3A_3539 : vector<16xf32>
    %add3A_3541 = arith.addf %add3A_3529, %mul3A_3540 : vector<16xf32>
    %get3A_3542 = arith.constant 451 : i32
    %get3A_3543 = arith.index_cast %get3A_3542 : i32 to index
    %get3A_3544 = arith.constant 0 : index
    %get3A_3545 = tpu.vector_load %arg7[%get3A_3543, %get3A_3544] {strides = array<i32>} : memref<512x16xf32, #tpu.memory_space<vmem>>, vector<1x16xf32>,
    %get3A_3546 = vector.shape_cast %get3A_3545 : vector<1x16xf32> to vector<16xf32>
    %get3A_3547 = arith.constant 28 : i32
    %get3A_3548 = arith.index_cast %get3A_3547 : i32 to index
    %get3A_3549 = arith.constant 48 : index
    %get3A_3550 = tpu.vector_load %arg8[%get3A_3548, %get3A_3549] {strides = array<i32>} : memref<32x160xf32, #tpu.memory_space<vmem>>, vector<1x16xf32>,
    %get3A_3551 = vector.shape_cast %get3A_3550 : vector<1x16xf32> to vector<16xf32>
    %mul3A_3552 = arith.mulf %get3A_3546, %get3A_3551 : vector<16xf32>
    %add3A_3553 = arith.addf %add3A_3541, %mul3A_3552 : vector<16xf32>
    %get3A_3554 = arith.constant 452 : i32
    %get3A_3555 = arith.index_cast %get3A_3554 : i32 to index
    %get3A_3556 = arith.constant 0 : index
    %get3A_3557 = tpu.vector_load %arg7[%get3A_3555, %get3A_3556] {strides = array<i32>} : memref<512x16xf32, #tpu.memory_space<vmem>>, vector<1x16xf32>,
    %get3A_3558 = vector.shape_cast %get3A_3557 : vector<1x16xf32> to vector<16xf32>
    %get3A_3559 = arith.constant 28 : i32
    %get3A_3560 = arith.index_cast %get3A_3559 : i32 to index
    %get3A_3561 = arith.constant 64 : index
    %get3A_3562 = tpu.vector_load %arg8[%get3A_3560, %get3A_3561] {strides = array<i32>} : memref<32x160xf32, #tpu.memory_space<vmem>>, vector<1x16xf32>,
    %get3A_3563 = vector.shape_cast %get3A_3562 : vector<1x16xf32> to vector<16xf32>
    %mul3A_3564 = arith.mulf %get3A_3558, %get3A_3563 : vector<16xf32>
    %add3A_3565 = arith.addf %add3A_3553, %mul3A_3564 : vector<16xf32>
    %get3A_3566 = arith.constant 453 : i32
    %get3A_3567 = arith.index_cast %get3A_3566 : i32 to index
    %get3A_3568 = arith.constant 0 : index
    %get3A_3569 = tpu.vector_load %arg7[%get3A_3567, %get3A_3568] {strides = array<i32>} : memref<512x16xf32, #tpu.memory_space<vmem>>, vector<1x16xf32>,
    %get3A_3570 = vector.shape_cast %get3A_3569 : vector<1x16xf32> to vector<16xf32>
    %get3A_3571 = arith.constant 28 : i32
    %get3A_3572 = arith.index_cast %get3A_3571 : i32 to index
    %get3A_3573 = arith.constant 80 : index
    %get3A_3574 = tpu.vector_load %arg8[%get3A_3572, %get3A_3573] {strides = array<i32>} : memref<32x160xf32, #tpu.memory_space<vmem>>, vector<1x16xf32>,
    %get3A_3575 = vector.shape_cast %get3A_3574 : vector<1x16xf32> to vector<16xf32>
    %mul3A_3576 = arith.mulf %get3A_3570, %get3A_3575 : vector<16xf32>
    %add3A_3577 = arith.addf %add3A_3565, %mul3A_3576 : vector<16xf32>
    %get3A_3578 = arith.constant 454 : i32
    %get3A_3579 = arith.index_cast %get3A_3578 : i32 to index
    %get3A_3580 = arith.constant 0 : index
    %get3A_3581 = tpu.vector_load %arg7[%get3A_3579, %get3A_3580] {strides = array<i32>} : memref<512x16xf32, #tpu.memory_space<vmem>>, vector<1x16xf32>,
    %get3A_3582 = vector.shape_cast %get3A_3581 : vector<1x16xf32> to vector<16xf32>
    %get3A_3583 = arith.constant 28 : i32
    %get3A_3584 = arith.index_cast %get3A_3583 : i32 to index
    %get3A_3585 = arith.constant 96 : index
    %get3A_3586 = tpu.vector_load %arg8[%get3A_3584, %get3A_3585] {strides = array<i32>} : memref<32x160xf32, #tpu.memory_space<vmem>>, vector<1x16xf32>,
    %get3A_3587 = vector.shape_cast %get3A_3586 : vector<1x16xf32> to vector<16xf32>
    %mul3A_3588 = arith.mulf %get3A_3582, %get3A_3587 : vector<16xf32>
    %add3A_3589 = arith.addf %add3A_3577, %mul3A_3588 : vector<16xf32>
    %get3A_3590 = arith.constant 455 : i32
    %get3A_3591 = arith.index_cast %get3A_3590 : i32 to index
    %get3A_3592 = arith.constant 0 : index
    %get3A_3593 = tpu.vector_load %arg7[%get3A_3591, %get3A_3592] {strides = array<i32>} : memref<512x16xf32, #tpu.memory_space<vmem>>, vector<1x16xf32>,
    %get3A_3594 = vector.shape_cast %get3A_3593 : vector<1x16xf32> to vector<16xf32>
    %get3A_3595 = arith.constant 28 : i32
    %get3A_3596 = arith.index_cast %get3A_3595 : i32 to index
    %get3A_3597 = arith.constant 112 : index
    %get3A_3598 = tpu.vector_load %arg8[%get3A_3596, %get3A_3597] {strides = array<i32>} : memref<32x160xf32, #tpu.memory_space<vmem>>, vector<1x16xf32>,
    %get3A_3599 = vector.shape_cast %get3A_3598 : vector<1x16xf32> to vector<16xf32>
    %mul3A_3600 = arith.mulf %get3A_3594, %get3A_3599 : vector<16xf32>
    %add3A_3601 = arith.addf %add3A_3589, %mul3A_3600 : vector<16xf32>
    %get3A_3602 = arith.constant 456 : i32
    %get3A_3603 = arith.index_cast %get3A_3602 : i32 to index
    %get3A_3604 = arith.constant 0 : index
    %get3A_3605 = tpu.vector_load %arg7[%get3A_3603, %get3A_3604] {strides = array<i32>} : memref<512x16xf32, #tpu.memory_space<vmem>>, vector<1x16xf32>,
    %get3A_3606 = vector.shape_cast %get3A_3605 : vector<1x16xf32> to vector<16xf32>
    %get3A_3607 = arith.constant 28 : i32
    %get3A_3608 = arith.index_cast %get3A_3607 : i32 to index
    %get3A_3609 = arith.constant 128 : index
    %get3A_3610 = tpu.vector_load %arg8[%get3A_3608, %get3A_3609] {strides = array<i32>} : memref<32x160xf32, #tpu.memory_space<vmem>>, vector<1x16xf32>,
    %get3A_3611 = vector.shape_cast %get3A_3610 : vector<1x16xf32> to vector<16xf32>
    %mul3A_3612 = arith.mulf %get3A_3606, %get3A_3611 : vector<16xf32>
    %add3A_3613 = arith.addf %add3A_3601, %mul3A_3612 : vector<16xf32>
    %get3A_3614 = arith.constant 457 : i32
    %get3A_3615 = arith.index_cast %get3A_3614 : i32 to index
    %get3A_3616 = arith.constant 0 : index
    %get3A_3617 = tpu.vector_load %arg7[%get3A_3615, %get3A_3616] {strides = array<i32>} : memref<512x16xf32, #tpu.memory_space<vmem>>, vector<1x16xf32>,
    %get3A_3618 = vector.shape_cast %get3A_3617 : vector<1x16xf32> to vector<16xf32>
    %get3A_3619 = arith.constant 28 : i32
    %get3A_3620 = arith.index_cast %get3A_3619 : i32 to index
    %get3A_3621 = arith.constant 144 : index
    %get3A_3622 = tpu.vector_load %arg8[%get3A_3620, %get3A_3621] {strides = array<i32>} : memref<32x160xf32, #tpu.memory_space<vmem>>, vector<1x16xf32>,
    %get3A_3623 = vector.shape_cast %get3A_3622 : vector<1x16xf32> to vector<16xf32>
    %mul3A_3624 = arith.mulf %get3A_3618, %get3A_3623 : vector<16xf32>
    %add3A_3625 = arith.addf %add3A_3613, %mul3A_3624 : vector<16xf32>
    %swap3A_3626 = arith.constant 28 : i32
    %swap3A_3627 = arith.index_cast %swap3A_3626 : i32 to index
    %swap3A_3628 = arith.constant 0 : index
    %swap3A_3629 = tpu.vector_load %arg9[%swap3A_3627, %swap3A_3628] {strides = array<i32>} : memref<32x16xf32, #tpu.memory_space<vmem>>, vector<1x16xf32>,
    %swap3A_3630 = vector.shape_cast %swap3A_3629 : vector<1x16xf32> to vector<16xf32>
    %swap3A_3631 = vector.shape_cast %add3A_3625 : vector<16xf32> to vector<1x16xf32>
    tpu.vector_store %arg9[%swap3A_3627, %swap3A_3628], %swap3A_3631 {strides = array<i32>} : memref<32x16xf32, #tpu.memory_space<vmem>>, vector<1x16xf32>,
    %get3A_3632 = arith.constant 464 : i32
    %get3A_3633 = arith.index_cast %get3A_3632 : i32 to index
    %get3A_3634 = arith.constant 0 : index
    %get3A_3635 = tpu.vector_load %arg7[%get3A_3633, %get3A_3634] {strides = array<i32>} : memref<512x16xf32, #tpu.memory_space<vmem>>, vector<1x16xf32>,
    %get3A_3636 = vector.shape_cast %get3A_3635 : vector<1x16xf32> to vector<16xf32>
    %get3A_3637 = arith.constant 29 : i32
    %get3A_3638 = arith.index_cast %get3A_3637 : i32 to index
    %get3A_3639 = arith.constant 0 : index
    %get3A_3640 = tpu.vector_load %arg8[%get3A_3638, %get3A_3639] {strides = array<i32>} : memref<32x160xf32, #tpu.memory_space<vmem>>, vector<1x16xf32>,
    %get3A_3641 = vector.shape_cast %get3A_3640 : vector<1x16xf32> to vector<16xf32>
    %mul3A_3642 = arith.mulf %get3A_3636, %get3A_3641 : vector<16xf32>
    %get3A_3643 = arith.constant 465 : i32
    %get3A_3644 = arith.index_cast %get3A_3643 : i32 to index
    %get3A_3645 = arith.constant 0 : index
    %get3A_3646 = tpu.vector_load %arg7[%get3A_3644, %get3A_3645] {strides = array<i32>} : memref<512x16xf32, #tpu.memory_space<vmem>>, vector<1x16xf32>,
    %get3A_3647 = vector.shape_cast %get3A_3646 : vector<1x16xf32> to vector<16xf32>
    %get3A_3648 = arith.constant 29 : i32
    %get3A_3649 = arith.index_cast %get3A_3648 : i32 to index
    %get3A_3650 = arith.constant 16 : index
    %get3A_3651 = tpu.vector_load %arg8[%get3A_3649, %get3A_3650] {strides = array<i32>} : memref<32x160xf32, #tpu.memory_space<vmem>>, vector<1x16xf32>,
    %get3A_3652 = vector.shape_cast %get3A_3651 : vector<1x16xf32> to vector<16xf32>
    %mul3A_3653 = arith.mulf %get3A_3647, %get3A_3652 : vector<16xf32>
    %add3A_3654 = arith.addf %mul3A_3642, %mul3A_3653 : vector<16xf32>
    %get3A_3655 = arith.constant 466 : i32
    %get3A_3656 = arith.index_cast %get3A_3655 : i32 to index
    %get3A_3657 = arith.constant 0 : index
    %get3A_3658 = tpu.vector_load %arg7[%get3A_3656, %get3A_3657] {strides = array<i32>} : memref<512x16xf32, #tpu.memory_space<vmem>>, vector<1x16xf32>,
    %get3A_3659 = vector.shape_cast %get3A_3658 : vector<1x16xf32> to vector<16xf32>
    %get3A_3660 = arith.constant 29 : i32
    %get3A_3661 = arith.index_cast %get3A_3660 : i32 to index
    %get3A_3662 = arith.constant 32 : index
    %get3A_3663 = tpu.vector_load %arg8[%get3A_3661, %get3A_3662] {strides = array<i32>} : memref<32x160xf32, #tpu.memory_space<vmem>>, vector<1x16xf32>,
    %get3A_3664 = vector.shape_cast %get3A_3663 : vector<1x16xf32> to vector<16xf32>
    %mul3A_3665 = arith.mulf %get3A_3659, %get3A_3664 : vector<16xf32>
    %add3A_3666 = arith.addf %add3A_3654, %mul3A_3665 : vector<16xf32>
    %get3A_3667 = arith.constant 467 : i32
    %get3A_3668 = arith.index_cast %get3A_3667 : i32 to index
    %get3A_3669 = arith.constant 0 : index
    %get3A_3670 = tpu.vector_load %arg7[%get3A_3668, %get3A_3669] {strides = array<i32>} : memref<512x16xf32, #tpu.memory_space<vmem>>, vector<1x16xf32>,
    %get3A_3671 = vector.shape_cast %get3A_3670 : vector<1x16xf32> to vector<16xf32>
    %get3A_3672 = arith.constant 29 : i32
    %get3A_3673 = arith.index_cast %get3A_3672 : i32 to index
    %get3A_3674 = arith.constant 48 : index
    %get3A_3675 = tpu.vector_load %arg8[%get3A_3673, %get3A_3674] {strides = array<i32>} : memref<32x160xf32, #tpu.memory_space<vmem>>, vector<1x16xf32>,
    %get3A_3676 = vector.shape_cast %get3A_3675 : vector<1x16xf32> to vector<16xf32>
    %mul3A_3677 = arith.mulf %get3A_3671, %get3A_3676 : vector<16xf32>
    %add3A_3678 = arith.addf %add3A_3666, %mul3A_3677 : vector<16xf32>
    %get3A_3679 = arith.constant 468 : i32
    %get3A_3680 = arith.index_cast %get3A_3679 : i32 to index
    %get3A_3681 = arith.constant 0 : index
    %get3A_3682 = tpu.vector_load %arg7[%get3A_3680, %get3A_3681] {strides = array<i32>} : memref<512x16xf32, #tpu.memory_space<vmem>>, vector<1x16xf32>,
    %get3A_3683 = vector.shape_cast %get3A_3682 : vector<1x16xf32> to vector<16xf32>
    %get3A_3684 = arith.constant 29 : i32
    %get3A_3685 = arith.index_cast %get3A_3684 : i32 to index
    %get3A_3686 = arith.constant 64 : index
    %get3A_3687 = tpu.vector_load %arg8[%get3A_3685, %get3A_3686] {strides = array<i32>} : memref<32x160xf32, #tpu.memory_space<vmem>>, vector<1x16xf32>,
    %get3A_3688 = vector.shape_cast %get3A_3687 : vector<1x16xf32> to vector<16xf32>
    %mul3A_3689 = arith.mulf %get3A_3683, %get3A_3688 : vector<16xf32>
    %add3A_3690 = arith.addf %add3A_3678, %mul3A_3689 : vector<16xf32>
    %get3A_3691 = arith.constant 469 : i32
    %get3A_3692 = arith.index_cast %get3A_3691 : i32 to index
    %get3A_3693 = arith.constant 0 : index
    %get3A_3694 = tpu.vector_load %arg7[%get3A_3692, %get3A_3693] {strides = array<i32>} : memref<512x16xf32, #tpu.memory_space<vmem>>, vector<1x16xf32>,
    %get3A_3695 = vector.shape_cast %get3A_3694 : vector<1x16xf32> to vector<16xf32>
    %get3A_3696 = arith.constant 29 : i32
    %get3A_3697 = arith.index_cast %get3A_3696 : i32 to index
    %get3A_3698 = arith.constant 80 : index
    %get3A_3699 = tpu.vector_load %arg8[%get3A_3697, %get3A_3698] {strides = array<i32>} : memref<32x160xf32, #tpu.memory_space<vmem>>, vector<1x16xf32>,
    %get3A_3700 = vector.shape_cast %get3A_3699 : vector<1x16xf32> to vector<16xf32>
    %mul3A_3701 = arith.mulf %get3A_3695, %get3A_3700 : vector<16xf32>
    %add3A_3702 = arith.addf %add3A_3690, %mul3A_3701 : vector<16xf32>
    %get3A_3703 = arith.constant 470 : i32
    %get3A_3704 = arith.index_cast %get3A_3703 : i32 to index
    %get3A_3705 = arith.constant 0 : index
    %get3A_3706 = tpu.vector_load %arg7[%get3A_3704, %get3A_3705] {strides = array<i32>} : memref<512x16xf32, #tpu.memory_space<vmem>>, vector<1x16xf32>,
    %get3A_3707 = vector.shape_cast %get3A_3706 : vector<1x16xf32> to vector<16xf32>
    %get3A_3708 = arith.constant 29 : i32
    %get3A_3709 = arith.index_cast %get3A_3708 : i32 to index
    %get3A_3710 = arith.constant 96 : index
    %get3A_3711 = tpu.vector_load %arg8[%get3A_3709, %get3A_3710] {strides = array<i32>} : memref<32x160xf32, #tpu.memory_space<vmem>>, vector<1x16xf32>,
    %get3A_3712 = vector.shape_cast %get3A_3711 : vector<1x16xf32> to vector<16xf32>
    %mul3A_3713 = arith.mulf %get3A_3707, %get3A_3712 : vector<16xf32>
    %add3A_3714 = arith.addf %add3A_3702, %mul3A_3713 : vector<16xf32>
    %get3A_3715 = arith.constant 471 : i32
    %get3A_3716 = arith.index_cast %get3A_3715 : i32 to index
    %get3A_3717 = arith.constant 0 : index
    %get3A_3718 = tpu.vector_load %arg7[%get3A_3716, %get3A_3717] {strides = array<i32>} : memref<512x16xf32, #tpu.memory_space<vmem>>, vector<1x16xf32>,
    %get3A_3719 = vector.shape_cast %get3A_3718 : vector<1x16xf32> to vector<16xf32>
    %get3A_3720 = arith.constant 29 : i32
    %get3A_3721 = arith.index_cast %get3A_3720 : i32 to index
    %get3A_3722 = arith.constant 112 : index
    %get3A_3723 = tpu.vector_load %arg8[%get3A_3721, %get3A_3722] {strides = array<i32>} : memref<32x160xf32, #tpu.memory_space<vmem>>, vector<1x16xf32>,
    %get3A_3724 = vector.shape_cast %get3A_3723 : vector<1x16xf32> to vector<16xf32>
    %mul3A_3725 = arith.mulf %get3A_3719, %get3A_3724 : vector<16xf32>
    %add3A_3726 = arith.addf %add3A_3714, %mul3A_3725 : vector<16xf32>
    %get3A_3727 = arith.constant 472 : i32
    %get3A_3728 = arith.index_cast %get3A_3727 : i32 to index
    %get3A_3729 = arith.constant 0 : index
    %get3A_3730 = tpu.vector_load %arg7[%get3A_3728, %get3A_3729] {strides = array<i32>} : memref<512x16xf32, #tpu.memory_space<vmem>>, vector<1x16xf32>,
    %get3A_3731 = vector.shape_cast %get3A_3730 : vector<1x16xf32> to vector<16xf32>
    %get3A_3732 = arith.constant 29 : i32
    %get3A_3733 = arith.index_cast %get3A_3732 : i32 to index
    %get3A_3734 = arith.constant 128 : index
    %get3A_3735 = tpu.vector_load %arg8[%get3A_3733, %get3A_3734] {strides = array<i32>} : memref<32x160xf32, #tpu.memory_space<vmem>>, vector<1x16xf32>,
    %get3A_3736 = vector.shape_cast %get3A_3735 : vector<1x16xf32> to vector<16xf32>
    %mul3A_3737 = arith.mulf %get3A_3731, %get3A_3736 : vector<16xf32>
    %add3A_3738 = arith.addf %add3A_3726, %mul3A_3737 : vector<16xf32>
    %get3A_3739 = arith.constant 473 : i32
    %get3A_3740 = arith.index_cast %get3A_3739 : i32 to index
    %get3A_3741 = arith.constant 0 : index
    %get3A_3742 = tpu.vector_load %arg7[%get3A_3740, %get3A_3741] {strides = array<i32>} : memref<512x16xf32, #tpu.memory_space<vmem>>, vector<1x16xf32>,
    %get3A_3743 = vector.shape_cast %get3A_3742 : vector<1x16xf32> to vector<16xf32>
    %get3A_3744 = arith.constant 29 : i32
    %get3A_3745 = arith.index_cast %get3A_3744 : i32 to index
    %get3A_3746 = arith.constant 144 : index
    %get3A_3747 = tpu.vector_load %arg8[%get3A_3745, %get3A_3746] {strides = array<i32>} : memref<32x160xf32, #tpu.memory_space<vmem>>, vector<1x16xf32>,
    %get3A_3748 = vector.shape_cast %get3A_3747 : vector<1x16xf32> to vector<16xf32>
    %mul3A_3749 = arith.mulf %get3A_3743, %get3A_3748 : vector<16xf32>
    %add3A_3750 = arith.addf %add3A_3738, %mul3A_3749 : vector<16xf32>
    %swap3A_3751 = arith.constant 29 : i32
    %swap3A_3752 = arith.index_cast %swap3A_3751 : i32 to index
    %swap3A_3753 = arith.constant 0 : index
    %swap3A_3754 = tpu.vector_load %arg9[%swap3A_3752, %swap3A_3753] {strides = array<i32>} : memref<32x16xf32, #tpu.memory_space<vmem>>, vector<1x16xf32>,
    %swap3A_3755 = vector.shape_cast %swap3A_3754 : vector<1x16xf32> to vector<16xf32>
    %swap3A_3756 = vector.shape_cast %add3A_3750 : vector<16xf32> to vector<1x16xf32>
    tpu.vector_store %arg9[%swap3A_3752, %swap3A_3753], %swap3A_3756 {strides = array<i32>} : memref<32x16xf32, #tpu.memory_space<vmem>>, vector<1x16xf32>,
    %get3A_3757 = arith.constant 480 : i32
    %get3A_3758 = arith.index_cast %get3A_3757 : i32 to index
    %get3A_3759 = arith.constant 0 : index
    %get3A_3760 = tpu.vector_load %arg7[%get3A_3758, %get3A_3759] {strides = array<i32>} : memref<512x16xf32, #tpu.memory_space<vmem>>, vector<1x16xf32>,
    %get3A_3761 = vector.shape_cast %get3A_3760 : vector<1x16xf32> to vector<16xf32>
    %get3A_3762 = arith.constant 30 : i32
    %get3A_3763 = arith.index_cast %get3A_3762 : i32 to index
    %get3A_3764 = arith.constant 0 : index
    %get3A_3765 = tpu.vector_load %arg8[%get3A_3763, %get3A_3764] {strides = array<i32>} : memref<32x160xf32, #tpu.memory_space<vmem>>, vector<1x16xf32>,
    %get3A_3766 = vector.shape_cast %get3A_3765 : vector<1x16xf32> to vector<16xf32>
    %mul3A_3767 = arith.mulf %get3A_3761, %get3A_3766 : vector<16xf32>
    %get3A_3768 = arith.constant 481 : i32
    %get3A_3769 = arith.index_cast %get3A_3768 : i32 to index
    %get3A_3770 = arith.constant 0 : index
    %get3A_3771 = tpu.vector_load %arg7[%get3A_3769, %get3A_3770] {strides = array<i32>} : memref<512x16xf32, #tpu.memory_space<vmem>>, vector<1x16xf32>,
    %get3A_3772 = vector.shape_cast %get3A_3771 : vector<1x16xf32> to vector<16xf32>
    %get3A_3773 = arith.constant 30 : i32
    %get3A_3774 = arith.index_cast %get3A_3773 : i32 to index
    %get3A_3775 = arith.constant 16 : index
    %get3A_3776 = tpu.vector_load %arg8[%get3A_3774, %get3A_3775] {strides = array<i32>} : memref<32x160xf32, #tpu.memory_space<vmem>>, vector<1x16xf32>,
    %get3A_3777 = vector.shape_cast %get3A_3776 : vector<1x16xf32> to vector<16xf32>
    %mul3A_3778 = arith.mulf %get3A_3772, %get3A_3777 : vector<16xf32>
    %add3A_3779 = arith.addf %mul3A_3767, %mul3A_3778 : vector<16xf32>
    %get3A_3780 = arith.constant 482 : i32
    %get3A_3781 = arith.index_cast %get3A_3780 : i32 to index
    %get3A_3782 = arith.constant 0 : index
    %get3A_3783 = tpu.vector_load %arg7[%get3A_3781, %get3A_3782] {strides = array<i32>} : memref<512x16xf32, #tpu.memory_space<vmem>>, vector<1x16xf32>,
    %get3A_3784 = vector.shape_cast %get3A_3783 : vector<1x16xf32> to vector<16xf32>
    %get3A_3785 = arith.constant 30 : i32
    %get3A_3786 = arith.index_cast %get3A_3785 : i32 to index
    %get3A_3787 = arith.constant 32 : index
    %get3A_3788 = tpu.vector_load %arg8[%get3A_3786, %get3A_3787] {strides = array<i32>} : memref<32x160xf32, #tpu.memory_space<vmem>>, vector<1x16xf32>,
    %get3A_3789 = vector.shape_cast %get3A_3788 : vector<1x16xf32> to vector<16xf32>
    %mul3A_3790 = arith.mulf %get3A_3784, %get3A_3789 : vector<16xf32>
    %add3A_3791 = arith.addf %add3A_3779, %mul3A_3790 : vector<16xf32>
    %get3A_3792 = arith.constant 483 : i32
    %get3A_3793 = arith.index_cast %get3A_3792 : i32 to index
    %get3A_3794 = arith.constant 0 : index
    %get3A_3795 = tpu.vector_load %arg7[%get3A_3793, %get3A_3794] {strides = array<i32>} : memref<512x16xf32, #tpu.memory_space<vmem>>, vector<1x16xf32>,
    %get3A_3796 = vector.shape_cast %get3A_3795 : vector<1x16xf32> to vector<16xf32>
    %get3A_3797 = arith.constant 30 : i32
    %get3A_3798 = arith.index_cast %get3A_3797 : i32 to index
    %get3A_3799 = arith.constant 48 : index
    %get3A_3800 = tpu.vector_load %arg8[%get3A_3798, %get3A_3799] {strides = array<i32>} : memref<32x160xf32, #tpu.memory_space<vmem>>, vector<1x16xf32>,
    %get3A_3801 = vector.shape_cast %get3A_3800 : vector<1x16xf32> to vector<16xf32>
    %mul3A_3802 = arith.mulf %get3A_3796, %get3A_3801 : vector<16xf32>
    %add3A_3803 = arith.addf %add3A_3791, %mul3A_3802 : vector<16xf32>
    %get3A_3804 = arith.constant 484 : i32
    %get3A_3805 = arith.index_cast %get3A_3804 : i32 to index
    %get3A_3806 = arith.constant 0 : index
    %get3A_3807 = tpu.vector_load %arg7[%get3A_3805, %get3A_3806] {strides = array<i32>} : memref<512x16xf32, #tpu.memory_space<vmem>>, vector<1x16xf32>,
    %get3A_3808 = vector.shape_cast %get3A_3807 : vector<1x16xf32> to vector<16xf32>
    %get3A_3809 = arith.constant 30 : i32
    %get3A_3810 = arith.index_cast %get3A_3809 : i32 to index
    %get3A_3811 = arith.constant 64 : index
    %get3A_3812 = tpu.vector_load %arg8[%get3A_3810, %get3A_3811] {strides = array<i32>} : memref<32x160xf32, #tpu.memory_space<vmem>>, vector<1x16xf32>,
    %get3A_3813 = vector.shape_cast %get3A_3812 : vector<1x16xf32> to vector<16xf32>
    %mul3A_3814 = arith.mulf %get3A_3808, %get3A_3813 : vector<16xf32>
    %add3A_3815 = arith.addf %add3A_3803, %mul3A_3814 : vector<16xf32>
    %get3A_3816 = arith.constant 485 : i32
    %get3A_3817 = arith.index_cast %get3A_3816 : i32 to index
    %get3A_3818 = arith.constant 0 : index
    %get3A_3819 = tpu.vector_load %arg7[%get3A_3817, %get3A_3818] {strides = array<i32>} : memref<512x16xf32, #tpu.memory_space<vmem>>, vector<1x16xf32>,
    %get3A_3820 = vector.shape_cast %get3A_3819 : vector<1x16xf32> to vector<16xf32>
    %get3A_3821 = arith.constant 30 : i32
    %get3A_3822 = arith.index_cast %get3A_3821 : i32 to index
    %get3A_3823 = arith.constant 80 : index
    %get3A_3824 = tpu.vector_load %arg8[%get3A_3822, %get3A_3823] {strides = array<i32>} : memref<32x160xf32, #tpu.memory_space<vmem>>, vector<1x16xf32>,
    %get3A_3825 = vector.shape_cast %get3A_3824 : vector<1x16xf32> to vector<16xf32>
    %mul3A_3826 = arith.mulf %get3A_3820, %get3A_3825 : vector<16xf32>
    %add3A_3827 = arith.addf %add3A_3815, %mul3A_3826 : vector<16xf32>
    %get3A_3828 = arith.constant 486 : i32
    %get3A_3829 = arith.index_cast %get3A_3828 : i32 to index
    %get3A_3830 = arith.constant 0 : index
    %get3A_3831 = tpu.vector_load %arg7[%get3A_3829, %get3A_3830] {strides = array<i32>} : memref<512x16xf32, #tpu.memory_space<vmem>>, vector<1x16xf32>,
    %get3A_3832 = vector.shape_cast %get3A_3831 : vector<1x16xf32> to vector<16xf32>
    %get3A_3833 = arith.constant 30 : i32
    %get3A_3834 = arith.index_cast %get3A_3833 : i32 to index
    %get3A_3835 = arith.constant 96 : index
    %get3A_3836 = tpu.vector_load %arg8[%get3A_3834, %get3A_3835] {strides = array<i32>} : memref<32x160xf32, #tpu.memory_space<vmem>>, vector<1x16xf32>,
    %get3A_3837 = vector.shape_cast %get3A_3836 : vector<1x16xf32> to vector<16xf32>
    %mul3A_3838 = arith.mulf %get3A_3832, %get3A_3837 : vector<16xf32>
    %add3A_3839 = arith.addf %add3A_3827, %mul3A_3838 : vector<16xf32>
    %get3A_3840 = arith.constant 487 : i32
    %get3A_3841 = arith.index_cast %get3A_3840 : i32 to index
    %get3A_3842 = arith.constant 0 : index
    %get3A_3843 = tpu.vector_load %arg7[%get3A_3841, %get3A_3842] {strides = array<i32>} : memref<512x16xf32, #tpu.memory_space<vmem>>, vector<1x16xf32>,
    %get3A_3844 = vector.shape_cast %get3A_3843 : vector<1x16xf32> to vector<16xf32>
    %get3A_3845 = arith.constant 30 : i32
    %get3A_3846 = arith.index_cast %get3A_3845 : i32 to index
    %get3A_3847 = arith.constant 112 : index
    %get3A_3848 = tpu.vector_load %arg8[%get3A_3846, %get3A_3847] {strides = array<i32>} : memref<32x160xf32, #tpu.memory_space<vmem>>, vector<1x16xf32>,
    %get3A_3849 = vector.shape_cast %get3A_3848 : vector<1x16xf32> to vector<16xf32>
    %mul3A_3850 = arith.mulf %get3A_3844, %get3A_3849 : vector<16xf32>
    %add3A_3851 = arith.addf %add3A_3839, %mul3A_3850 : vector<16xf32>
    %get3A_3852 = arith.constant 488 : i32
    %get3A_3853 = arith.index_cast %get3A_3852 : i32 to index
    %get3A_3854 = arith.constant 0 : index
    %get3A_3855 = tpu.vector_load %arg7[%get3A_3853, %get3A_3854] {strides = array<i32>} : memref<512x16xf32, #tpu.memory_space<vmem>>, vector<1x16xf32>,
    %get3A_3856 = vector.shape_cast %get3A_3855 : vector<1x16xf32> to vector<16xf32>
    %get3A_3857 = arith.constant 30 : i32
    %get3A_3858 = arith.index_cast %get3A_3857 : i32 to index
    %get3A_3859 = arith.constant 128 : index
    %get3A_3860 = tpu.vector_load %arg8[%get3A_3858, %get3A_3859] {strides = array<i32>} : memref<32x160xf32, #tpu.memory_space<vmem>>, vector<1x16xf32>,
    %get3A_3861 = vector.shape_cast %get3A_3860 : vector<1x16xf32> to vector<16xf32>
    %mul3A_3862 = arith.mulf %get3A_3856, %get3A_3861 : vector<16xf32>
    %add3A_3863 = arith.addf %add3A_3851, %mul3A_3862 : vector<16xf32>
    %get3A_3864 = arith.constant 489 : i32
    %get3A_3865 = arith.index_cast %get3A_3864 : i32 to index
    %get3A_3866 = arith.constant 0 : index
    %get3A_3867 = tpu.vector_load %arg7[%get3A_3865, %get3A_3866] {strides = array<i32>} : memref<512x16xf32, #tpu.memory_space<vmem>>, vector<1x16xf32>,
    %get3A_3868 = vector.shape_cast %get3A_3867 : vector<1x16xf32> to vector<16xf32>
    %get3A_3869 = arith.constant 30 : i32
    %get3A_3870 = arith.index_cast %get3A_3869 : i32 to index
    %get3A_3871 = arith.constant 144 : index
    %get3A_3872 = tpu.vector_load %arg8[%get3A_3870, %get3A_3871] {strides = array<i32>} : memref<32x160xf32, #tpu.memory_space<vmem>>, vector<1x16xf32>,
    %get3A_3873 = vector.shape_cast %get3A_3872 : vector<1x16xf32> to vector<16xf32>
    %mul3A_3874 = arith.mulf %get3A_3868, %get3A_3873 : vector<16xf32>
    %add3A_3875 = arith.addf %add3A_3863, %mul3A_3874 : vector<16xf32>
    %swap3A_3876 = arith.constant 30 : i32
    %swap3A_3877 = arith.index_cast %swap3A_3876 : i32 to index
    %swap3A_3878 = arith.constant 0 : index
    %swap3A_3879 = tpu.vector_load %arg9[%swap3A_3877, %swap3A_3878] {strides = array<i32>} : memref<32x16xf32, #tpu.memory_space<vmem>>, vector<1x16xf32>,
    %swap3A_3880 = vector.shape_cast %swap3A_3879 : vector<1x16xf32> to vector<16xf32>
    %swap3A_3881 = vector.shape_cast %add3A_3875 : vector<16xf32> to vector<1x16xf32>
    tpu.vector_store %arg9[%swap3A_3877, %swap3A_3878], %swap3A_3881 {strides = array<i32>} : memref<32x16xf32, #tpu.memory_space<vmem>>, vector<1x16xf32>,
    %get3A_3882 = arith.constant 496 : i32
    %get3A_3883 = arith.index_cast %get3A_3882 : i32 to index
    %get3A_3884 = arith.constant 0 : index
    %get3A_3885 = tpu.vector_load %arg7[%get3A_3883, %get3A_3884] {strides = array<i32>} : memref<512x16xf32, #tpu.memory_space<vmem>>, vector<1x16xf32>,
    %get3A_3886 = vector.shape_cast %get3A_3885 : vector<1x16xf32> to vector<16xf32>
    %get3A_3887 = arith.constant 31 : i32
    %get3A_3888 = arith.index_cast %get3A_3887 : i32 to index
    %get3A_3889 = arith.constant 0 : index
    %get3A_3890 = tpu.vector_load %arg8[%get3A_3888, %get3A_3889] {strides = array<i32>} : memref<32x160xf32, #tpu.memory_space<vmem>>, vector<1x16xf32>,
    %get3A_3891 = vector.shape_cast %get3A_3890 : vector<1x16xf32> to vector<16xf32>
    %mul3A_3892 = arith.mulf %get3A_3886, %get3A_3891 : vector<16xf32>
    %get3A_3893 = arith.constant 497 : i32
    %get3A_3894 = arith.index_cast %get3A_3893 : i32 to index
    %get3A_3895 = arith.constant 0 : index
    %get3A_3896 = tpu.vector_load %arg7[%get3A_3894, %get3A_3895] {strides = array<i32>} : memref<512x16xf32, #tpu.memory_space<vmem>>, vector<1x16xf32>,
    %get3A_3897 = vector.shape_cast %get3A_3896 : vector<1x16xf32> to vector<16xf32>
    %get3A_3898 = arith.constant 31 : i32
    %get3A_3899 = arith.index_cast %get3A_3898 : i32 to index
    %get3A_3900 = arith.constant 16 : index
    %get3A_3901 = tpu.vector_load %arg8[%get3A_3899, %get3A_3900] {strides = array<i32>} : memref<32x160xf32, #tpu.memory_space<vmem>>, vector<1x16xf32>,
    %get3A_3902 = vector.shape_cast %get3A_3901 : vector<1x16xf32> to vector<16xf32>
    %mul3A_3903 = arith.mulf %get3A_3897, %get3A_3902 : vector<16xf32>
    %add3A_3904 = arith.addf %mul3A_3892, %mul3A_3903 : vector<16xf32>
    %get3A_3905 = arith.constant 498 : i32
    %get3A_3906 = arith.index_cast %get3A_3905 : i32 to index
    %get3A_3907 = arith.constant 0 : index
    %get3A_3908 = tpu.vector_load %arg7[%get3A_3906, %get3A_3907] {strides = array<i32>} : memref<512x16xf32, #tpu.memory_space<vmem>>, vector<1x16xf32>,
    %get3A_3909 = vector.shape_cast %get3A_3908 : vector<1x16xf32> to vector<16xf32>
    %get3A_3910 = arith.constant 31 : i32
    %get3A_3911 = arith.index_cast %get3A_3910 : i32 to index
    %get3A_3912 = arith.constant 32 : index
    %get3A_3913 = tpu.vector_load %arg8[%get3A_3911, %get3A_3912] {strides = array<i32>} : memref<32x160xf32, #tpu.memory_space<vmem>>, vector<1x16xf32>,
    %get3A_3914 = vector.shape_cast %get3A_3913 : vector<1x16xf32> to vector<16xf32>
    %mul3A_3915 = arith.mulf %get3A_3909, %get3A_3914 : vector<16xf32>
    %add3A_3916 = arith.addf %add3A_3904, %mul3A_3915 : vector<16xf32>
    %get3A_3917 = arith.constant 499 : i32
    %get3A_3918 = arith.index_cast %get3A_3917 : i32 to index
    %get3A_3919 = arith.constant 0 : index
    %get3A_3920 = tpu.vector_load %arg7[%get3A_3918, %get3A_3919] {strides = array<i32>} : memref<512x16xf32, #tpu.memory_space<vmem>>, vector<1x16xf32>,
    %get3A_3921 = vector.shape_cast %get3A_3920 : vector<1x16xf32> to vector<16xf32>
    %get3A_3922 = arith.constant 31 : i32
    %get3A_3923 = arith.index_cast %get3A_3922 : i32 to index
    %get3A_3924 = arith.constant 48 : index
    %get3A_3925 = tpu.vector_load %arg8[%get3A_3923, %get3A_3924] {strides = array<i32>} : memref<32x160xf32, #tpu.memory_space<vmem>>, vector<1x16xf32>,
    %get3A_3926 = vector.shape_cast %get3A_3925 : vector<1x16xf32> to vector<16xf32>
    %mul3A_3927 = arith.mulf %get3A_3921, %get3A_3926 : vector<16xf32>
    %add3A_3928 = arith.addf %add3A_3916, %mul3A_3927 : vector<16xf32>
    %get3A_3929 = arith.constant 500 : i32
    %get3A_3930 = arith.index_cast %get3A_3929 : i32 to index
    %get3A_3931 = arith.constant 0 : index
    %get3A_3932 = tpu.vector_load %arg7[%get3A_3930, %get3A_3931] {strides = array<i32>} : memref<512x16xf32, #tpu.memory_space<vmem>>, vector<1x16xf32>,
    %get3A_3933 = vector.shape_cast %get3A_3932 : vector<1x16xf32> to vector<16xf32>
    %get3A_3934 = arith.constant 31 : i32
    %get3A_3935 = arith.index_cast %get3A_3934 : i32 to index
    %get3A_3936 = arith.constant 64 : index
    %get3A_3937 = tpu.vector_load %arg8[%get3A_3935, %get3A_3936] {strides = array<i32>} : memref<32x160xf32, #tpu.memory_space<vmem>>, vector<1x16xf32>,
    %get3A_3938 = vector.shape_cast %get3A_3937 : vector<1x16xf32> to vector<16xf32>
    %mul3A_3939 = arith.mulf %get3A_3933, %get3A_3938 : vector<16xf32>
    %add3A_3940 = arith.addf %add3A_3928, %mul3A_3939 : vector<16xf32>
    %get3A_3941 = arith.constant 501 : i32
    %get3A_3942 = arith.index_cast %get3A_3941 : i32 to index
    %get3A_3943 = arith.constant 0 : index
    %get3A_3944 = tpu.vector_load %arg7[%get3A_3942, %get3A_3943] {strides = array<i32>} : memref<512x16xf32, #tpu.memory_space<vmem>>, vector<1x16xf32>,
    %get3A_3945 = vector.shape_cast %get3A_3944 : vector<1x16xf32> to vector<16xf32>
    %get3A_3946 = arith.constant 31 : i32
    %get3A_3947 = arith.index_cast %get3A_3946 : i32 to index
    %get3A_3948 = arith.constant 80 : index
    %get3A_3949 = tpu.vector_load %arg8[%get3A_3947, %get3A_3948] {strides = array<i32>} : memref<32x160xf32, #tpu.memory_space<vmem>>, vector<1x16xf32>,
    %get3A_3950 = vector.shape_cast %get3A_3949 : vector<1x16xf32> to vector<16xf32>
    %mul3A_3951 = arith.mulf %get3A_3945, %get3A_3950 : vector<16xf32>
    %add3A_3952 = arith.addf %add3A_3940, %mul3A_3951 : vector<16xf32>
    %get3A_3953 = arith.constant 502 : i32
    %get3A_3954 = arith.index_cast %get3A_3953 : i32 to index
    %get3A_3955 = arith.constant 0 : index
    %get3A_3956 = tpu.vector_load %arg7[%get3A_3954, %get3A_3955] {strides = array<i32>} : memref<512x16xf32, #tpu.memory_space<vmem>>, vector<1x16xf32>,
    %get3A_3957 = vector.shape_cast %get3A_3956 : vector<1x16xf32> to vector<16xf32>
    %get3A_3958 = arith.constant 31 : i32
    %get3A_3959 = arith.index_cast %get3A_3958 : i32 to index
    %get3A_3960 = arith.constant 96 : index
    %get3A_3961 = tpu.vector_load %arg8[%get3A_3959, %get3A_3960] {strides = array<i32>} : memref<32x160xf32, #tpu.memory_space<vmem>>, vector<1x16xf32>,
    %get3A_3962 = vector.shape_cast %get3A_3961 : vector<1x16xf32> to vector<16xf32>
    %mul3A_3963 = arith.mulf %get3A_3957, %get3A_3962 : vector<16xf32>
    %add3A_3964 = arith.addf %add3A_3952, %mul3A_3963 : vector<16xf32>
    %get3A_3965 = arith.constant 503 : i32
    %get3A_3966 = arith.index_cast %get3A_3965 : i32 to index
    %get3A_3967 = arith.constant 0 : index
    %get3A_3968 = tpu.vector_load %arg7[%get3A_3966, %get3A_3967] {strides = array<i32>} : memref<512x16xf32, #tpu.memory_space<vmem>>, vector<1x16xf32>,
    %get3A_3969 = vector.shape_cast %get3A_3968 : vector<1x16xf32> to vector<16xf32>
    %get3A_3970 = arith.constant 31 : i32
    %get3A_3971 = arith.index_cast %get3A_3970 : i32 to index
    %get3A_3972 = arith.constant 112 : index
    %get3A_3973 = tpu.vector_load %arg8[%get3A_3971, %get3A_3972] {strides = array<i32>} : memref<32x160xf32, #tpu.memory_space<vmem>>, vector<1x16xf32>,
    %get3A_3974 = vector.shape_cast %get3A_3973 : vector<1x16xf32> to vector<16xf32>
    %mul3A_3975 = arith.mulf %get3A_3969, %get3A_3974 : vector<16xf32>
    %add3A_3976 = arith.addf %add3A_3964, %mul3A_3975 : vector<16xf32>
    %get3A_3977 = arith.constant 504 : i32
    %get3A_3978 = arith.index_cast %get3A_3977 : i32 to index
    %get3A_3979 = arith.constant 0 : index
    %get3A_3980 = tpu.vector_load %arg7[%get3A_3978, %get3A_3979] {strides = array<i32>} : memref<512x16xf32, #tpu.memory_space<vmem>>, vector<1x16xf32>,
    %get3A_3981 = vector.shape_cast %get3A_3980 : vector<1x16xf32> to vector<16xf32>
    %get3A_3982 = arith.constant 31 : i32
    %get3A_3983 = arith.index_cast %get3A_3982 : i32 to index
    %get3A_3984 = arith.constant 128 : index
    %get3A_3985 = tpu.vector_load %arg8[%get3A_3983, %get3A_3984] {strides = array<i32>} : memref<32x160xf32, #tpu.memory_space<vmem>>, vector<1x16xf32>,
    %get3A_3986 = vector.shape_cast %get3A_3985 : vector<1x16xf32> to vector<16xf32>
    %mul3A_3987 = arith.mulf %get3A_3981, %get3A_3986 : vector<16xf32>
    %add3A_3988 = arith.addf %add3A_3976, %mul3A_3987 : vector<16xf32>
    %get3A_3989 = arith.constant 505 : i32
    %get3A_3990 = arith.index_cast %get3A_3989 : i32 to index
    %get3A_3991 = arith.constant 0 : index
    %get3A_3992 = tpu.vector_load %arg7[%get3A_3990, %get3A_3991] {strides = array<i32>} : memref<512x16xf32, #tpu.memory_space<vmem>>, vector<1x16xf32>,
    %get3A_3993 = vector.shape_cast %get3A_3992 : vector<1x16xf32> to vector<16xf32>
    %get3A_3994 = arith.constant 31 : i32
    %get3A_3995 = arith.index_cast %get3A_3994 : i32 to index
    %get3A_3996 = arith.constant 144 : index
    %get3A_3997 = tpu.vector_load %arg8[%get3A_3995, %get3A_3996] {strides = array<i32>} : memref<32x160xf32, #tpu.memory_space<vmem>>, vector<1x16xf32>,
    %get3A_3998 = vector.shape_cast %get3A_3997 : vector<1x16xf32> to vector<16xf32>
    %mul3A_3999 = arith.mulf %get3A_3993, %get3A_3998 : vector<16xf32>
    %add3A_4000 = arith.addf %add3A_3988, %mul3A_3999 : vector<16xf32>
    %swap3A_4001 = arith.constant 31 : i32
    %swap3A_4002 = arith.index_cast %swap3A_4001 : i32 to index
    %swap3A_4003 = arith.constant 0 : index
    %swap3A_4004 = tpu.vector_load %arg9[%swap3A_4002, %swap3A_4003] {strides = array<i32>} : memref<32x16xf32, #tpu.memory_space<vmem>>, vector<1x16xf32>,
    %swap3A_4005 = vector.shape_cast %swap3A_4004 : vector<1x16xf32> to vector<16xf32>
    %swap3A_4006 = vector.shape_cast %add3A_4000 : vector<16xf32> to vector<1x16xf32>
    tpu.vector_store %arg9[%swap3A_4002, %swap3A_4003], %swap3A_4006 {strides = array<i32>} : memref<32x16xf32, #tpu.memory_space<vmem>>, vector<1x16xf32>,
    "tpu.region"() ({
      %run_scoped3A = tpu.sem_alloc : memref<!tpu.dma_semaphore, #tpu.memory_space<semaphore_mem>>
      %dma_start3A_4007 = arith.constant 0 : i32
      %dma_start3A_4008 = tpu.memref_slice %arg5[%mul3A_2, %dma_start3A_4007] : memref<1024x16xf32, #tpu.memory_space<hbm>> -> memref<32x16xf32, #tpu.memory_space<hbm>>
      %dma_start3A_4009 = arith.constant 0 : i32
      %dma_start3A_4010 = tpu.memref_slice %arg5[%mul3A_2, %dma_start3A_4009] : memref<1024x16xf32, #tpu.memory_space<hbm>> -> memref<32x16xf32, #tpu.memory_space<hbm>>
      tpu.enqueue_dma source(%arg9 : memref<32x16xf32, #tpu.memory_space<vmem>>) target(%dma_start3A_4010 : memref<32x16xf32, #tpu.memory_space<hbm>>) target_semaphore(%run_scoped3A : memref<!tpu.dma_semaphore, #tpu.memory_space<semaphore_mem>>)
      %dma_wait3A_4011 = arith.constant 0 : i32
      %dma_wait3A_4012 = tpu.memref_slice %arg5[%mul3A_2, %dma_wait3A_4011] : memref<1024x16xf32, #tpu.memory_space<hbm>> -> memref<32x16xf32, #tpu.memory_space<hbm>>
      %dma_wait3A_4013 = arith.constant 0 : i32
      %dma_wait3A_4014 = tpu.memref_slice %arg5[%mul3A_2, %dma_wait3A_4013] : memref<1024x16xf32, #tpu.memory_space<hbm>> -> memref<32x16xf32, #tpu.memory_space<hbm>>
      tpu.wait_dma2 semaphore(%run_scoped3A : memref<!tpu.dma_semaphore, #tpu.memory_space<semaphore_mem>>) src(%arg9 : memref<32x16xf32, #tpu.memory_space<vmem>>) dst(%dma_wait3A_4014 : memref<32x16xf32, #tpu.memory_space<hbm>>)
      tpu.yield
    }) : () -> ()
    return
  }
}

module attributes {stable_mosaic.version = 14 : i64} {
  func.func @_topk_body(%arg0: i32, %arg1: memref<1024x16xf32, #tpu.memory_space<vmem>>, %arg2: memref<2000x16xf32, #tpu.memory_space<vmem>>, %arg3: memref<1024x16xi32, #tpu.memory_space<vmem>>, %arg4: memref<1024x160xf32, #tpu.memory_space<vmem>>, %arg5: memref<1024x16xf32, #tpu.memory_space<vmem>>, %arg6: memref<1024x16xf32, #tpu.memory_space<vmem>>, %arg7: memref<1024x2000xf32, #tpu.memory_space<vmem>>) attributes {dimension_semantics = [#tpu.dimension_semantics<arbitrary>], iteration_bounds = array<i64: 50>, scalar_prefetch = 0 : i64, scratch_operands = 3 : i64, tpu.core_type = #tpu.core_type<tc>, window_params = [{pipeline_mode = #tpu.pipeline_mode<synchronous>, transform_indices = @transform_0, window_bounds = array<i64: 1024, 16>}, {transform_indices = @transform_1, window_bounds = array<i64: 2000, 16>}, {pipeline_mode = #tpu.pipeline_mode<synchronous>, transform_indices = @transform_2, window_bounds = array<i64: 1024, 16>}, {pipeline_mode = #tpu.pipeline_mode<synchronous>, transform_indices = @transform_3, window_bounds = array<i64: 1024, 160>}]} {
    %eq3A = arith.constant 0 : i32
    %eq3A_0 = arith.cmpi eq, %arg0, %eq3A : i32
    %convert_element_type3A = arith.extui %eq3A_0 : i1 to i32
    %cond3A = arith.constant 0 : i32
    %cond3A_1 = arith.cmpi ne, %convert_element_type3A, %cond3A : i32
    scf.if %cond3A_1 {
      %broadcast_in_dim3A_194 = arith.constant 0xFF800000 : f32
      %broadcast_in_dim3A_195 = vector.broadcast %broadcast_in_dim3A_194 : f32 to vector<1024x16xf32>
      %swap3A_196 = arith.constant 0 : index
      %swap3A_197 = arith.constant 0 : index
      %swap3A_198 = vector.load %arg5[%swap3A_196, %swap3A_197] : memref<1024x16xf32, #tpu.memory_space<vmem>>, vector<1024x16xf32>
      tpu.vector_store %arg5[%swap3A_196, %swap3A_197], %broadcast_in_dim3A_195 {strides = array<i32>} : memref<1024x16xf32, #tpu.memory_space<vmem>>, vector<1024x16xf32>,
      %broadcast_in_dim3A_199 = arith.constant 0.000000e+00 : f32
      %broadcast_in_dim3A_200 = vector.broadcast %broadcast_in_dim3A_199 : f32 to vector<1024x16xf32>
      %swap3A_201 = arith.constant 0 : index
      %swap3A_202 = arith.constant 0 : index
      %swap3A_203 = vector.load %arg6[%swap3A_201, %swap3A_202] : memref<1024x16xf32, #tpu.memory_space<vmem>>, vector<1024x16xf32>
      tpu.vector_store %arg6[%swap3A_201, %swap3A_202], %broadcast_in_dim3A_200 {strides = array<i32>} : memref<1024x16xf32, #tpu.memory_space<vmem>>, vector<1024x16xf32>,
    } else {
    }
    %get3A = arith.constant 0 : index
    %get3A_2 = arith.constant 0 : index
    %get3A_3 = vector.load %arg1[%get3A, %get3A_2] : memref<1024x16xf32, #tpu.memory_space<vmem>>, vector<1024x16xf32>
    %get3A_4 = arith.constant 0 : index
    %get3A_5 = arith.constant 0 : index
    %get3A_6 = vector.load %arg2[%get3A_4, %get3A_5] : memref<2000x16xf32, #tpu.memory_space<vmem>>, vector<2000x16xf32>
    %add3A = arith.addf %get3A_3, %get3A_3 : vector<1024x16xf32>
    %dot_general3A = arith.constant dense<0.000000e+00> : vector<1024x2000xf32>
    %dot_general3A_7 = tpu.matmul %add3A, %get3A_6, %dot_general3A {dimension_numbers = #tpu.dot_dimension_numbers<[1], [1], [0], [0], [0, 0, 1, 0], [], []>, transpose_lhs_hint = false} : vector<1024x16xf32>, vector<2000x16xf32>, vector<1024x2000xf32> -> vector<1024x2000xf32>
    %broadcast_in_dim3A = arith.constant 1.000000e+00 : f32
    %broadcast_in_dim3A_8 = vector.broadcast %broadcast_in_dim3A : f32 to vector<1x16xf32>
    %mul3A = arith.mulf %get3A_6, %get3A_6 : vector<2000x16xf32>
    %dot_general3A_9 = arith.constant dense<0.000000e+00> : vector<1x2000xf32>
    %dot_general3A_10 = tpu.matmul %broadcast_in_dim3A_8, %mul3A, %dot_general3A_9 {dimension_numbers = #tpu.dot_dimension_numbers<[1], [1], [0], [0], [0, 0, 1, 0], [], []>, precision = #tpu.contract_precision<fp32>, transpose_lhs_hint = false} : vector<1x16xf32>, vector<2000x16xf32>, vector<1x2000xf32> -> vector<1x2000xf32>
    %iota3A = tpu.iota {dimensions = array<i32: 1>} : vector<1x2000xi32>
    %mul3A_11 = arith.constant 2000 : i32
    %mul3A_12 = arith.muli %arg0, %mul3A_11 : i32
    %sub3A = arith.constant 100000 : i32
    %sub3A_13 = arith.subi %sub3A, %mul3A_12 : i32
    %lt3A = vector.broadcast %sub3A_13 : i32 to vector<1x2000xi32>
    %lt3A_14 = arith.cmpi slt, %iota3A, %lt3A : vector<1x2000xi32>
    %jit3A = arith.constant 0.000000e+00 : f32
    %jit3A_15 = arith.constant 3.000000e+38 : f32
    %broadcast_in_dim3A_16 = vector.broadcast %jit3A : f32 to vector<1x2000xf32>
    %broadcast_in_dim3A_17 = vector.broadcast %jit3A_15 : f32 to vector<1x2000xf32>
    %select_n3A = arith.select %lt3A_14, %broadcast_in_dim3A_16, %broadcast_in_dim3A_17 : vector<1x2000xi1>, vector<1x2000xf32>
    %add3A_18 = arith.addf %dot_general3A_10, %select_n3A : vector<1x2000xf32>
    %sub3A_19 = vector.broadcast %add3A_18 : vector<1x2000xf32> to vector<1024x2000xf32>
    %sub3A_20 = arith.subf %dot_general3A_7, %sub3A_19 : vector<1024x2000xf32>
    %iota3A_21 = tpu.iota {dimensions = array<i32: 1>} : vector<512x2000xi32>
    %convert_element_type3A_22 = arith.sitofp %iota3A_21 : vector<512x2000xi32> to vector<512x2000xf32>
    %iota3A_23 = tpu.iota {dimensions = array<i32: 1>} : vector<512x16xi32>
    %convert_element_type3A_24 = arith.sitofp %iota3A_23 : vector<512x16xi32> to vector<512x16xf32>
    %mul3A_25 = arith.constant 2000 : i32
    %mul3A_26 = arith.muli %arg0, %mul3A_25 : i32
    %convert_element_type3A_27 = arith.sitofp %mul3A_26 : i32 to f32
    %swap3A = arith.constant 0 : index
    %swap3A_28 = arith.constant 0 : index
    %swap3A_29 = vector.load %arg7[%swap3A, %swap3A_28] : memref<1024x2000xf32, #tpu.memory_space<vmem>>, vector<1024x2000xf32>
    tpu.vector_store %arg7[%swap3A, %swap3A_28], %sub3A_20 {strides = array<i32>} : memref<1024x2000xf32, #tpu.memory_space<vmem>>, vector<1024x2000xf32>,
    %slice3A = vector.extract_strided_slice %sub3A_20 {offsets = [0, 0], sizes = [512, 2000], strides = [1, 1]} : vector<1024x2000xf32> to vector<512x2000xf32>
    %reduce_max3A = arith.constant dense<0xFF800000> : vector<512xf32>
    %reduce_max3A_30 = vector.multi_reduction <maximumf>, %slice3A, %reduce_max3A [1] : vector<512x2000xf32> to vector<512xf32>
    %broadcast_in_dim3A_31 = vector.shape_cast %reduce_max3A_30 : vector<512xf32> to vector<512x1xf32>
    %slice3A_32 = vector.extract_strided_slice %sub3A_20 {offsets = [512, 0], sizes = [512, 2000], strides = [1, 1]} : vector<1024x2000xf32> to vector<512x2000xf32>
    %reduce_max3A_33 = arith.constant dense<0xFF800000> : vector<512xf32>
    %reduce_max3A_34 = vector.multi_reduction <maximumf>, %slice3A_32, %reduce_max3A_33 [1] : vector<512x2000xf32> to vector<512xf32>
    %broadcast_in_dim3A_35 = vector.shape_cast %reduce_max3A_34 : vector<512xf32> to vector<512x1xf32>
    %get3A_36 = arith.constant 0 : index
    %get3A_37 = arith.constant 0 : index
    %get3A_38 = vector.load %arg5[%get3A_36, %get3A_37] : memref<1024x16xf32, #tpu.memory_space<vmem>>, vector<512x16xf32>
    %get3A_39 = arith.constant 0 : index
    %get3A_40 = arith.constant 0 : index
    %get3A_41 = vector.load %arg6[%get3A_39, %get3A_40] : memref<1024x16xf32, #tpu.memory_space<vmem>>, vector<512x16xf32>
    %get3A_42 = arith.constant 512 : index
    %get3A_43 = arith.constant 0 : index
    %get3A_44 = vector.load %arg5[%get3A_42, %get3A_43] : memref<1024x16xf32, #tpu.memory_space<vmem>>, vector<512x16xf32>
    %get3A_45 = arith.constant 512 : index
    %get3A_46 = arith.constant 0 : index
    %get3A_47 = vector.load %arg6[%get3A_45, %get3A_46] : memref<1024x16xf32, #tpu.memory_space<vmem>>, vector<512x16xf32>
    %get3A_48 = arith.constant 0 : index
    %get3A_49 = arith.constant 0 : index
    %get3A_50 = vector.load %arg7[%get3A_48, %get3A_49] : memref<1024x2000xf32, #tpu.memory_space<vmem>>, vector<512x2000xf32>
    %eq3A_51 = vector.broadcast %broadcast_in_dim3A_31 : vector<512x1xf32> to vector<512x2000xf32>
    %eq3A_52 = arith.cmpf oeq, %get3A_50, %eq3A_51 : vector<512x2000xf32>
    %jit3A_53 = arith.constant 3.000000e+38 : f32
    %broadcast_in_dim3A_54 = vector.broadcast %jit3A_53 : f32 to vector<512x2000xf32>
    %select_n3A_55 = arith.select %eq3A_52, %convert_element_type3A_22, %broadcast_in_dim3A_54 : vector<512x2000xi1>, vector<512x2000xf32>
    %reduce_min3A = arith.constant dense<0x7F800000> : vector<512xf32>
    %reduce_min3A_56 = vector.multi_reduction <minimumf>, %select_n3A_55, %reduce_min3A [1] : vector<512x2000xf32> to vector<512xf32>
    %broadcast_in_dim3A_57 = vector.shape_cast %reduce_min3A_56 : vector<512xf32> to vector<512x1xf32>
    %eq3A_58 = vector.broadcast %broadcast_in_dim3A_57 : vector<512x1xf32> to vector<512x2000xf32>
    %eq3A_59 = arith.cmpf oeq, %convert_element_type3A_22, %eq3A_58 : vector<512x2000xf32>
    %jit3A_60 = arith.constant 0xFF800000 : f32
    %broadcast_in_dim3A_61 = vector.broadcast %jit3A_60 : f32 to vector<512x2000xf32>
    %select_n3A_62 = arith.select %eq3A_59, %broadcast_in_dim3A_61, %get3A_50 : vector<512x2000xi1>, vector<512x2000xf32>
    %swap3A_63 = arith.constant 0 : index
    %swap3A_64 = arith.constant 0 : index
    %swap3A_65 = vector.load %arg7[%swap3A_63, %swap3A_64] : memref<1024x2000xf32, #tpu.memory_space<vmem>>, vector<512x2000xf32>
    tpu.vector_store %arg7[%swap3A_63, %swap3A_64], %select_n3A_62 {strides = array<i32>} : memref<1024x2000xf32, #tpu.memory_space<vmem>>, vector<512x2000xf32>,
    %reduce_max3A_66 = arith.constant dense<0xFF800000> : vector<512xf32>
    %reduce_max3A_67 = vector.multi_reduction <maximumf>, %select_n3A_62, %reduce_max3A_66 [1] : vector<512x2000xf32> to vector<512xf32>
    %broadcast_in_dim3A_68 = vector.shape_cast %reduce_max3A_67 : vector<512xf32> to vector<512x1xf32>
    %slice3A_69 = vector.extract_strided_slice %get3A_38 {offsets = [0, 0], sizes = [512, 10], strides = [1, 1]} : vector<512x16xf32> to vector<512x10xf32>
    %ge3A = vector.broadcast %broadcast_in_dim3A_31 : vector<512x1xf32> to vector<512x10xf32>
    %ge3A_70 = arith.cmpf oge, %slice3A_69, %ge3A : vector<512x10xf32>
    %jit3A_71 = arith.constant 1.000000e+00 : f32
    %jit3A_72 = arith.constant 0.000000e+00 : f32
    %broadcast_in_dim3A_73 = vector.broadcast %jit3A_71 : f32 to vector<512x10xf32>
    %broadcast_in_dim3A_74 = vector.broadcast %jit3A_72 : f32 to vector<512x10xf32>
    %select_n3A_75 = arith.select %ge3A_70, %broadcast_in_dim3A_73, %broadcast_in_dim3A_74 : vector<512x10xi1>, vector<512x10xf32>
    %reduce_sum3A = arith.constant dense<0.000000e+00> : vector<512xf32>
    %reduce_sum3A_76 = vector.multi_reduction <add>, %select_n3A_75, %reduce_sum3A [1] : vector<512x10xf32> to vector<512xf32>
    %broadcast_in_dim3A_77 = vector.shape_cast %reduce_sum3A_76 : vector<512xf32> to vector<512x1xf32>
    %slice3A_78 = vector.extract_strided_slice %get3A_38 {offsets = [0, 0], sizes = [512, 1], strides = [1, 1]} : vector<512x16xf32> to vector<512x1xf32>
    %slice3A_79 = vector.extract_strided_slice %get3A_38 {offsets = [0, 0], sizes = [512, 15], strides = [1, 1]} : vector<512x16xf32> to vector<512x15xf32>
    %concatenate3A = tpu.concatenate %slice3A_78, %slice3A_79 in 1 : vector<512x1xf32>, vector<512x15xf32> -> vector<512x16xf32>
    %slice3A_80 = vector.extract_strided_slice %get3A_41 {offsets = [0, 0], sizes = [512, 1], strides = [1, 1]} : vector<512x16xf32> to vector<512x1xf32>
    %slice3A_81 = vector.extract_strided_slice %get3A_41 {offsets = [0, 0], sizes = [512, 15], strides = [1, 1]} : vector<512x16xf32> to vector<512x15xf32>
    %concatenate3A_82 = tpu.concatenate %slice3A_80, %slice3A_81 in 1 : vector<512x1xf32>, vector<512x15xf32> -> vector<512x16xf32>
    %lt3A_83 = vector.broadcast %broadcast_in_dim3A_77 : vector<512x1xf32> to vector<512x16xf32>
    %lt3A_84 = arith.cmpf olt, %convert_element_type3A_24, %lt3A_83 : vector<512x16xf32>
    %eq3A_85 = vector.broadcast %broadcast_in_dim3A_77 : vector<512x1xf32> to vector<512x16xf32>
    %eq3A_86 = arith.cmpf oeq, %convert_element_type3A_24, %eq3A_85 : vector<512x16xf32>
    %broadcast_in_dim3A_87 = vector.shape_cast %broadcast_in_dim3A_31 : vector<512x1xf32> to vector<512x1xf32>
    %broadcast_in_dim3A_88 = vector.broadcast %broadcast_in_dim3A_87 : vector<512x1xf32> to vector<512x16xf32>
    %select_n3A_89 = arith.select %eq3A_86, %broadcast_in_dim3A_88, %concatenate3A : vector<512x16xi1>, vector<512x16xf32>
    %select_n3A_90 = arith.select %lt3A_84, %get3A_38, %select_n3A_89 : vector<512x16xi1>, vector<512x16xf32>
    %lt3A_91 = vector.broadcast %broadcast_in_dim3A_77 : vector<512x1xf32> to vector<512x16xf32>
    %lt3A_92 = arith.cmpf olt, %convert_element_type3A_24, %lt3A_91 : vector<512x16xf32>
    %eq3A_93 = vector.broadcast %broadcast_in_dim3A_77 : vector<512x1xf32> to vector<512x16xf32>
    %eq3A_94 = arith.cmpf oeq, %convert_element_type3A_24, %eq3A_93 : vector<512x16xf32>
    %add3A_95 = vector.broadcast %convert_element_type3A_27 : f32 to vector<512x1xf32>
    %add3A_96 = arith.addf %broadcast_in_dim3A_57, %add3A_95 : vector<512x1xf32>
    %broadcast_in_dim3A_97 = vector.shape_cast %add3A_96 : vector<512x1xf32> to vector<512x1xf32>
    %broadcast_in_dim3A_98 = vector.broadcast %broadcast_in_dim3A_97 : vector<512x1xf32> to vector<512x16xf32>
    %select_n3A_99 = arith.select %eq3A_94, %broadcast_in_dim3A_98, %concatenate3A_82 : vector<512x16xi1>, vector<512x16xf32>
    %select_n3A_100 = arith.select %lt3A_92, %get3A_41, %select_n3A_99 : vector<512x16xi1>, vector<512x16xf32>
    %get3A_101 = arith.constant 512 : index
    %get3A_102 = arith.constant 0 : index
    %get3A_103 = vector.load %arg7[%get3A_101, %get3A_102] : memref<1024x2000xf32, #tpu.memory_space<vmem>>, vector<512x2000xf32>
    %eq3A_104 = vector.broadcast %broadcast_in_dim3A_35 : vector<512x1xf32> to vector<512x2000xf32>
    %eq3A_105 = arith.cmpf oeq, %get3A_103, %eq3A_104 : vector<512x2000xf32>
    %jit3A_106 = arith.constant 3.000000e+38 : f32
    %broadcast_in_dim3A_107 = vector.broadcast %jit3A_106 : f32 to vector<512x2000xf32>
    %select_n3A_108 = arith.select %eq3A_105, %convert_element_type3A_22, %broadcast_in_dim3A_107 : vector<512x2000xi1>, vector<512x2000xf32>
    %reduce_min3A_109 = arith.constant dense<0x7F800000> : vector<512xf32>
    %reduce_min3A_110 = vector.multi_reduction <minimumf>, %select_n3A_108, %reduce_min3A_109 [1] : vector<512x2000xf32> to vector<512xf32>
    %broadcast_in_dim3A_111 = vector.shape_cast %reduce_min3A_110 : vector<512xf32> to vector<512x1xf32>
    %eq3A_112 = vector.broadcast %broadcast_in_dim3A_111 : vector<512x1xf32> to vector<512x2000xf32>
    %eq3A_113 = arith.cmpf oeq, %convert_element_type3A_22, %eq3A_112 : vector<512x2000xf32>
    %jit3A_114 = arith.constant 0xFF800000 : f32
    %broadcast_in_dim3A_115 = vector.broadcast %jit3A_114 : f32 to vector<512x2000xf32>
    %select_n3A_116 = arith.select %eq3A_113, %broadcast_in_dim3A_115, %get3A_103 : vector<512x2000xi1>, vector<512x2000xf32>
    %swap3A_117 = arith.constant 512 : index
    %swap3A_118 = arith.constant 0 : index
    %swap3A_119 = vector.load %arg7[%swap3A_117, %swap3A_118] : memref<1024x2000xf32, #tpu.memory_space<vmem>>, vector<512x2000xf32>
    tpu.vector_store %arg7[%swap3A_117, %swap3A_118], %select_n3A_116 {strides = array<i32>} : memref<1024x2000xf32, #tpu.memory_space<vmem>>, vector<512x2000xf32>,
    %reduce_max3A_120 = arith.constant dense<0xFF800000> : vector<512xf32>
    %reduce_max3A_121 = vector.multi_reduction <maximumf>, %select_n3A_116, %reduce_max3A_120 [1] : vector<512x2000xf32> to vector<512xf32>
    %broadcast_in_dim3A_122 = vector.shape_cast %reduce_max3A_121 : vector<512xf32> to vector<512x1xf32>
    %slice3A_123 = vector.extract_strided_slice %get3A_44 {offsets = [0, 0], sizes = [512, 10], strides = [1, 1]} : vector<512x16xf32> to vector<512x10xf32>
    %ge3A_124 = vector.broadcast %broadcast_in_dim3A_35 : vector<512x1xf32> to vector<512x10xf32>
    %ge3A_125 = arith.cmpf oge, %slice3A_123, %ge3A_124 : vector<512x10xf32>
    %jit3A_126 = arith.constant 1.000000e+00 : f32
    %jit3A_127 = arith.constant 0.000000e+00 : f32
    %broadcast_in_dim3A_128 = vector.broadcast %jit3A_126 : f32 to vector<512x10xf32>
    %broadcast_in_dim3A_129 = vector.broadcast %jit3A_127 : f32 to vector<512x10xf32>
    %select_n3A_130 = arith.select %ge3A_125, %broadcast_in_dim3A_128, %broadcast_in_dim3A_129 : vector<512x10xi1>, vector<512x10xf32>
    %reduce_sum3A_131 = arith.constant dense<0.000000e+00> : vector<512xf32>
    %reduce_sum3A_132 = vector.multi_reduction <add>, %select_n3A_130, %reduce_sum3A_131 [1] : vector<512x10xf32> to vector<512xf32>
    %broadcast_in_dim3A_133 = vector.shape_cast %reduce_sum3A_132 : vector<512xf32> to vector<512x1xf32>
    %slice3A_134 = vector.extract_strided_slice %get3A_44 {offsets = [0, 0], sizes = [512, 1], strides = [1, 1]} : vector<512x16xf32> to vector<512x1xf32>
    %slice3A_135 = vector.extract_strided_slice %get3A_44 {offsets = [0, 0], sizes = [512, 15], strides = [1, 1]} : vector<512x16xf32> to vector<512x15xf32>
    %concatenate3A_136 = tpu.concatenate %slice3A_134, %slice3A_135 in 1 : vector<512x1xf32>, vector<512x15xf32> -> vector<512x16xf32>
    %slice3A_137 = vector.extract_strided_slice %get3A_47 {offsets = [0, 0], sizes = [512, 1], strides = [1, 1]} : vector<512x16xf32> to vector<512x1xf32>
    %slice3A_138 = vector.extract_strided_slice %get3A_47 {offsets = [0, 0], sizes = [512, 15], strides = [1, 1]} : vector<512x16xf32> to vector<512x15xf32>
    %concatenate3A_139 = tpu.concatenate %slice3A_137, %slice3A_138 in 1 : vector<512x1xf32>, vector<512x15xf32> -> vector<512x16xf32>
    %lt3A_140 = vector.broadcast %broadcast_in_dim3A_133 : vector<512x1xf32> to vector<512x16xf32>
    %lt3A_141 = arith.cmpf olt, %convert_element_type3A_24, %lt3A_140 : vector<512x16xf32>
    %eq3A_142 = vector.broadcast %broadcast_in_dim3A_133 : vector<512x1xf32> to vector<512x16xf32>
    %eq3A_143 = arith.cmpf oeq, %convert_element_type3A_24, %eq3A_142 : vector<512x16xf32>
    %broadcast_in_dim3A_144 = vector.shape_cast %broadcast_in_dim3A_35 : vector<512x1xf32> to vector<512x1xf32>
    %broadcast_in_dim3A_145 = vector.broadcast %broadcast_in_dim3A_144 : vector<512x1xf32> to vector<512x16xf32>
    %select_n3A_146 = arith.select %eq3A_143, %broadcast_in_dim3A_145, %concatenate3A_136 : vector<512x16xi1>, vector<512x16xf32>
    %select_n3A_147 = arith.select %lt3A_141, %get3A_44, %select_n3A_146 : vector<512x16xi1>, vector<512x16xf32>
    %lt3A_148 = vector.broadcast %broadcast_in_dim3A_133 : vector<512x1xf32> to vector<512x16xf32>
    %lt3A_149 = arith.cmpf olt, %convert_element_type3A_24, %lt3A_148 : vector<512x16xf32>
    %eq3A_150 = vector.broadcast %broadcast_in_dim3A_133 : vector<512x1xf32> to vector<512x16xf32>
    %eq3A_151 = arith.cmpf oeq, %convert_element_type3A_24, %eq3A_150 : vector<512x16xf32>
    %add3A_152 = vector.broadcast %convert_element_type3A_27 : f32 to vector<512x1xf32>
    %add3A_153 = arith.addf %broadcast_in_dim3A_111, %add3A_152 : vector<512x1xf32>
    %broadcast_in_dim3A_154 = vector.shape_cast %add3A_153 : vector<512x1xf32> to vector<512x1xf32>
    %broadcast_in_dim3A_155 = vector.broadcast %broadcast_in_dim3A_154 : vector<512x1xf32> to vector<512x16xf32>
    %select_n3A_156 = arith.select %eq3A_151, %broadcast_in_dim3A_155, %concatenate3A_139 : vector<512x16xi1>, vector<512x16xf32>
    %select_n3A_157 = arith.select %lt3A_149, %get3A_47, %select_n3A_156 : vector<512x16xi1>, vector<512x16xf32>
    %slice3A_158 = vector.extract_strided_slice %select_n3A_90 {offsets = [0, 9], sizes = [512, 1], strides = [1, 1]} : vector<512x16xf32> to vector<512x1xf32>
    %gt3A = arith.cmpf ogt, %broadcast_in_dim3A_68, %slice3A_158 : vector<512x1xf32>
    %jit3A_159 = arith.constant 1.000000e+00 : f32
    %jit3A_160 = arith.constant 0.000000e+00 : f32
    %broadcast_in_dim3A_161 = vector.broadcast %jit3A_159 : f32 to vector<512x1xf32>
    %broadcast_in_dim3A_162 = vector.broadcast %jit3A_160 : f32 to vector<512x1xf32>
    %select_n3A_163 = arith.select %gt3A, %broadcast_in_dim3A_161, %broadcast_in_dim3A_162 : vector<512x1xi1>, vector<512x1xf32>
    %reduce_max3A_164 = vector.shape_cast %select_n3A_163 : vector<512x1xf32> to vector<1x512x1xf32>
    %reduce_max3A_165 = arith.constant dense<0xFF800000> : vector<1xf32>
    %reduce_max3A_166 = vector.multi_reduction <maximumf>, %reduce_max3A_164, %reduce_max3A_165 [1, 2] : vector<1x512x1xf32> to vector<1xf32>
    %reduce_max3A_167 = vector.shape_cast %reduce_max3A_166 : vector<1xf32> to vector<1x1x1xf32>
    %reduce_max3A_168 = vector.extract %reduce_max3A_167[0, 0, 0] : f32 from vector<1x1x1xf32>
    %slice3A_169 = vector.extract_strided_slice %select_n3A_147 {offsets = [0, 9], sizes = [512, 1], strides = [1, 1]} : vector<512x16xf32> to vector<512x1xf32>
    %gt3A_170 = arith.cmpf ogt, %broadcast_in_dim3A_122, %slice3A_169 : vector<512x1xf32>
    %jit3A_171 = arith.constant 1.000000e+00 : f32
    %jit3A_172 = arith.constant 0.000000e+00 : f32
    %broadcast_in_dim3A_173 = vector.broadcast %jit3A_171 : f32 to vector<512x1xf32>
    %broadcast_in_dim3A_174 = vector.broadcast %jit3A_172 : f32 to vector<512x1xf32>
    %select_n3A_175 = arith.select %gt3A_170, %broadcast_in_dim3A_173, %broadcast_in_dim3A_174 : vector<512x1xi1>, vector<512x1xf32>
    %reduce_max3A_176 = vector.shape_cast %select_n3A_175 : vector<512x1xf32> to vector<1x512x1xf32>
    %reduce_max3A_177 = arith.constant dense<0xFF800000> : vector<1xf32>
    %reduce_max3A_178 = vector.multi_reduction <maximumf>, %reduce_max3A_176, %reduce_max3A_177 [1, 2] : vector<1x512x1xf32> to vector<1xf32>
    %reduce_max3A_179 = vector.shape_cast %reduce_max3A_178 : vector<1xf32> to vector<1x1x1xf32>
    %reduce_max3A_180 = vector.extract %reduce_max3A_179[0, 0, 0] : f32 from vector<1x1x1xf32>
    %max3A = arith.maximumf %reduce_max3A_168, %reduce_max3A_180 : f32
    %while3A:7 = scf.while (%while3A_194 = %broadcast_in_dim3A_68, %while3A_195 = %select_n3A_90, %while3A_196 = %select_n3A_100, %while3A_197 = %broadcast_in_dim3A_122, %while3A_198 = %select_n3A_147, %while3A_199 = %select_n3A_157, %while3A_200 = %max3A) : (vector<512x1xf32>, vector<512x16xf32>, vector<512x16xf32>, vector<512x1xf32>, vector<512x16xf32>, vector<512x16xf32>, f32) -> (vector<512x1xf32>, vector<512x16xf32>, vector<512x16xf32>, vector<512x1xf32>, vector<512x16xf32>, vector<512x16xf32>, f32) {
      %gt3A_201 = arith.constant 0.000000e+00 : f32
      %gt3A_202 = arith.cmpf ogt, %while3A_200, %gt3A_201 : f32
      scf.condition(%gt3A_202) %while3A_194, %while3A_195, %while3A_196, %while3A_197, %while3A_198, %while3A_199, %while3A_200 : vector<512x1xf32>, vector<512x16xf32>, vector<512x16xf32>, vector<512x1xf32>, vector<512x16xf32>, vector<512x16xf32>, f32
    } do {
    ^bb0(%while3A_194: vector<512x1xf32>, %while3A_195: vector<512x16xf32>, %while3A_196: vector<512x16xf32>, %while3A_197: vector<512x1xf32>, %while3A_198: vector<512x16xf32>, %while3A_199: vector<512x16xf32>, %while3A_200: f32):
      %get3A_201 = arith.constant 0 : index
      %get3A_202 = arith.constant 0 : index
      %get3A_203 = vector.load %arg7[%get3A_201, %get3A_202] : memref<1024x2000xf32, #tpu.memory_space<vmem>>, vector<512x2000xf32>
      %eq3A_204 = vector.broadcast %while3A_194 : vector<512x1xf32> to vector<512x2000xf32>
      %eq3A_205 = arith.cmpf oeq, %get3A_203, %eq3A_204 : vector<512x2000xf32>
      %jit3A_206 = arith.constant 3.000000e+38 : f32
      %broadcast_in_dim3A_207 = vector.broadcast %jit3A_206 : f32 to vector<512x2000xf32>
      %select_n3A_208 = arith.select %eq3A_205, %convert_element_type3A_22, %broadcast_in_dim3A_207 : vector<512x2000xi1>, vector<512x2000xf32>
      %reduce_min3A_209 = arith.constant dense<0x7F800000> : vector<512xf32>
      %reduce_min3A_210 = vector.multi_reduction <minimumf>, %select_n3A_208, %reduce_min3A_209 [1] : vector<512x2000xf32> to vector<512xf32>
      %broadcast_in_dim3A_211 = vector.shape_cast %reduce_min3A_210 : vector<512xf32> to vector<512x1xf32>
      %eq3A_212 = vector.broadcast %broadcast_in_dim3A_211 : vector<512x1xf32> to vector<512x2000xf32>
      %eq3A_213 = arith.cmpf oeq, %convert_element_type3A_22, %eq3A_212 : vector<512x2000xf32>
      %jit3A_214 = arith.constant 0xFF800000 : f32
      %broadcast_in_dim3A_215 = vector.broadcast %jit3A_214 : f32 to vector<512x2000xf32>
      %select_n3A_216 = arith.select %eq3A_213, %broadcast_in_dim3A_215, %get3A_203 : vector<512x2000xi1>, vector<512x2000xf32>
      %swap3A_217 = arith.constant 0 : index
      %swap3A_218 = arith.constant 0 : index
      %swap3A_219 = vector.load %arg7[%swap3A_217, %swap3A_218] : memref<1024x2000xf32, #tpu.memory_space<vmem>>, vector<512x2000xf32>
      tpu.vector_store %arg7[%swap3A_217, %swap3A_218], %select_n3A_216 {strides = array<i32>} : memref<1024x2000xf32, #tpu.memory_space<vmem>>, vector<512x2000xf32>,
      %reduce_max3A_220 = arith.constant dense<0xFF800000> : vector<512xf32>
      %reduce_max3A_221 = vector.multi_reduction <maximumf>, %select_n3A_216, %reduce_max3A_220 [1] : vector<512x2000xf32> to vector<512xf32>
      %broadcast_in_dim3A_222 = vector.shape_cast %reduce_max3A_221 : vector<512xf32> to vector<512x1xf32>
      %slice3A_223 = vector.extract_strided_slice %while3A_195 {offsets = [0, 0], sizes = [512, 10], strides = [1, 1]} : vector<512x16xf32> to vector<512x10xf32>
      %ge3A_224 = vector.broadcast %while3A_194 : vector<512x1xf32> to vector<512x10xf32>
      %ge3A_225 = arith.cmpf oge, %slice3A_223, %ge3A_224 : vector<512x10xf32>
      %jit3A_226 = arith.constant 1.000000e+00 : f32
      %jit3A_227 = arith.constant 0.000000e+00 : f32
      %broadcast_in_dim3A_228 = vector.broadcast %jit3A_226 : f32 to vector<512x10xf32>
      %broadcast_in_dim3A_229 = vector.broadcast %jit3A_227 : f32 to vector<512x10xf32>
      %select_n3A_230 = arith.select %ge3A_225, %broadcast_in_dim3A_228, %broadcast_in_dim3A_229 : vector<512x10xi1>, vector<512x10xf32>
      %reduce_sum3A_231 = arith.constant dense<0.000000e+00> : vector<512xf32>
      %reduce_sum3A_232 = vector.multi_reduction <add>, %select_n3A_230, %reduce_sum3A_231 [1] : vector<512x10xf32> to vector<512xf32>
      %broadcast_in_dim3A_233 = vector.shape_cast %reduce_sum3A_232 : vector<512xf32> to vector<512x1xf32>
      %slice3A_234 = vector.extract_strided_slice %while3A_195 {offsets = [0, 0], sizes = [512, 1], strides = [1, 1]} : vector<512x16xf32> to vector<512x1xf32>
      %slice3A_235 = vector.extract_strided_slice %while3A_195 {offsets = [0, 0], sizes = [512, 15], strides = [1, 1]} : vector<512x16xf32> to vector<512x15xf32>
      %concatenate3A_236 = tpu.concatenate %slice3A_234, %slice3A_235 in 1 : vector<512x1xf32>, vector<512x15xf32> -> vector<512x16xf32>
      %slice3A_237 = vector.extract_strided_slice %while3A_196 {offsets = [0, 0], sizes = [512, 1], strides = [1, 1]} : vector<512x16xf32> to vector<512x1xf32>
      %slice3A_238 = vector.extract_strided_slice %while3A_196 {offsets = [0, 0], sizes = [512, 15], strides = [1, 1]} : vector<512x16xf32> to vector<512x15xf32>
      %concatenate3A_239 = tpu.concatenate %slice3A_237, %slice3A_238 in 1 : vector<512x1xf32>, vector<512x15xf32> -> vector<512x16xf32>
      %lt3A_240 = vector.broadcast %broadcast_in_dim3A_233 : vector<512x1xf32> to vector<512x16xf32>
      %lt3A_241 = arith.cmpf olt, %convert_element_type3A_24, %lt3A_240 : vector<512x16xf32>
      %eq3A_242 = vector.broadcast %broadcast_in_dim3A_233 : vector<512x1xf32> to vector<512x16xf32>
      %eq3A_243 = arith.cmpf oeq, %convert_element_type3A_24, %eq3A_242 : vector<512x16xf32>
      %broadcast_in_dim3A_244 = vector.shape_cast %while3A_194 : vector<512x1xf32> to vector<512x1xf32>
      %broadcast_in_dim3A_245 = vector.broadcast %broadcast_in_dim3A_244 : vector<512x1xf32> to vector<512x16xf32>
      %select_n3A_246 = arith.select %eq3A_243, %broadcast_in_dim3A_245, %concatenate3A_236 : vector<512x16xi1>, vector<512x16xf32>
      %select_n3A_247 = arith.select %lt3A_241, %while3A_195, %select_n3A_246 : vector<512x16xi1>, vector<512x16xf32>
      %lt3A_248 = vector.broadcast %broadcast_in_dim3A_233 : vector<512x1xf32> to vector<512x16xf32>
      %lt3A_249 = arith.cmpf olt, %convert_element_type3A_24, %lt3A_248 : vector<512x16xf32>
      %eq3A_250 = vector.broadcast %broadcast_in_dim3A_233 : vector<512x1xf32> to vector<512x16xf32>
      %eq3A_251 = arith.cmpf oeq, %convert_element_type3A_24, %eq3A_250 : vector<512x16xf32>
      %add3A_252 = vector.broadcast %convert_element_type3A_27 : f32 to vector<512x1xf32>
      %add3A_253 = arith.addf %broadcast_in_dim3A_211, %add3A_252 : vector<512x1xf32>
      %broadcast_in_dim3A_254 = vector.shape_cast %add3A_253 : vector<512x1xf32> to vector<512x1xf32>
      %broadcast_in_dim3A_255 = vector.broadcast %broadcast_in_dim3A_254 : vector<512x1xf32> to vector<512x16xf32>
      %select_n3A_256 = arith.select %eq3A_251, %broadcast_in_dim3A_255, %concatenate3A_239 : vector<512x16xi1>, vector<512x16xf32>
      %select_n3A_257 = arith.select %lt3A_249, %while3A_196, %select_n3A_256 : vector<512x16xi1>, vector<512x16xf32>
      %get3A_258 = arith.constant 512 : index
      %get3A_259 = arith.constant 0 : index
      %get3A_260 = vector.load %arg7[%get3A_258, %get3A_259] : memref<1024x2000xf32, #tpu.memory_space<vmem>>, vector<512x2000xf32>
      %eq3A_261 = vector.broadcast %while3A_197 : vector<512x1xf32> to vector<512x2000xf32>
      %eq3A_262 = arith.cmpf oeq, %get3A_260, %eq3A_261 : vector<512x2000xf32>
      %jit3A_263 = arith.constant 3.000000e+38 : f32
      %broadcast_in_dim3A_264 = vector.broadcast %jit3A_263 : f32 to vector<512x2000xf32>
      %select_n3A_265 = arith.select %eq3A_262, %convert_element_type3A_22, %broadcast_in_dim3A_264 : vector<512x2000xi1>, vector<512x2000xf32>
      %reduce_min3A_266 = arith.constant dense<0x7F800000> : vector<512xf32>
      %reduce_min3A_267 = vector.multi_reduction <minimumf>, %select_n3A_265, %reduce_min3A_266 [1] : vector<512x2000xf32> to vector<512xf32>
      %broadcast_in_dim3A_268 = vector.shape_cast %reduce_min3A_267 : vector<512xf32> to vector<512x1xf32>
      %eq3A_269 = vector.broadcast %broadcast_in_dim3A_268 : vector<512x1xf32> to vector<512x2000xf32>
      %eq3A_270 = arith.cmpf oeq, %convert_element_type3A_22, %eq3A_269 : vector<512x2000xf32>
      %jit3A_271 = arith.constant 0xFF800000 : f32
      %broadcast_in_dim3A_272 = vector.broadcast %jit3A_271 : f32 to vector<512x2000xf32>
      %select_n3A_273 = arith.select %eq3A_270, %broadcast_in_dim3A_272, %get3A_260 : vector<512x2000xi1>, vector<512x2000xf32>
      %swap3A_274 = arith.constant 512 : index
      %swap3A_275 = arith.constant 0 : index
      %swap3A_276 = vector.load %arg7[%swap3A_274, %swap3A_275] : memref<1024x2000xf32, #tpu.memory_space<vmem>>, vector<512x2000xf32>
      tpu.vector_store %arg7[%swap3A_274, %swap3A_275], %select_n3A_273 {strides = array<i32>} : memref<1024x2000xf32, #tpu.memory_space<vmem>>, vector<512x2000xf32>,
      %reduce_max3A_277 = arith.constant dense<0xFF800000> : vector<512xf32>
      %reduce_max3A_278 = vector.multi_reduction <maximumf>, %select_n3A_273, %reduce_max3A_277 [1] : vector<512x2000xf32> to vector<512xf32>
      %broadcast_in_dim3A_279 = vector.shape_cast %reduce_max3A_278 : vector<512xf32> to vector<512x1xf32>
      %slice3A_280 = vector.extract_strided_slice %while3A_198 {offsets = [0, 0], sizes = [512, 10], strides = [1, 1]} : vector<512x16xf32> to vector<512x10xf32>
      %ge3A_281 = vector.broadcast %while3A_197 : vector<512x1xf32> to vector<512x10xf32>
      %ge3A_282 = arith.cmpf oge, %slice3A_280, %ge3A_281 : vector<512x10xf32>
      %jit3A_283 = arith.constant 1.000000e+00 : f32
      %jit3A_284 = arith.constant 0.000000e+00 : f32
      %broadcast_in_dim3A_285 = vector.broadcast %jit3A_283 : f32 to vector<512x10xf32>
      %broadcast_in_dim3A_286 = vector.broadcast %jit3A_284 : f32 to vector<512x10xf32>
      %select_n3A_287 = arith.select %ge3A_282, %broadcast_in_dim3A_285, %broadcast_in_dim3A_286 : vector<512x10xi1>, vector<512x10xf32>
      %reduce_sum3A_288 = arith.constant dense<0.000000e+00> : vector<512xf32>
      %reduce_sum3A_289 = vector.multi_reduction <add>, %select_n3A_287, %reduce_sum3A_288 [1] : vector<512x10xf32> to vector<512xf32>
      %broadcast_in_dim3A_290 = vector.shape_cast %reduce_sum3A_289 : vector<512xf32> to vector<512x1xf32>
      %slice3A_291 = vector.extract_strided_slice %while3A_198 {offsets = [0, 0], sizes = [512, 1], strides = [1, 1]} : vector<512x16xf32> to vector<512x1xf32>
      %slice3A_292 = vector.extract_strided_slice %while3A_198 {offsets = [0, 0], sizes = [512, 15], strides = [1, 1]} : vector<512x16xf32> to vector<512x15xf32>
      %concatenate3A_293 = tpu.concatenate %slice3A_291, %slice3A_292 in 1 : vector<512x1xf32>, vector<512x15xf32> -> vector<512x16xf32>
      %slice3A_294 = vector.extract_strided_slice %while3A_199 {offsets = [0, 0], sizes = [512, 1], strides = [1, 1]} : vector<512x16xf32> to vector<512x1xf32>
      %slice3A_295 = vector.extract_strided_slice %while3A_199 {offsets = [0, 0], sizes = [512, 15], strides = [1, 1]} : vector<512x16xf32> to vector<512x15xf32>
      %concatenate3A_296 = tpu.concatenate %slice3A_294, %slice3A_295 in 1 : vector<512x1xf32>, vector<512x15xf32> -> vector<512x16xf32>
      %lt3A_297 = vector.broadcast %broadcast_in_dim3A_290 : vector<512x1xf32> to vector<512x16xf32>
      %lt3A_298 = arith.cmpf olt, %convert_element_type3A_24, %lt3A_297 : vector<512x16xf32>
      %eq3A_299 = vector.broadcast %broadcast_in_dim3A_290 : vector<512x1xf32> to vector<512x16xf32>
      %eq3A_300 = arith.cmpf oeq, %convert_element_type3A_24, %eq3A_299 : vector<512x16xf32>
      %broadcast_in_dim3A_301 = vector.shape_cast %while3A_197 : vector<512x1xf32> to vector<512x1xf32>
      %broadcast_in_dim3A_302 = vector.broadcast %broadcast_in_dim3A_301 : vector<512x1xf32> to vector<512x16xf32>
      %select_n3A_303 = arith.select %eq3A_300, %broadcast_in_dim3A_302, %concatenate3A_293 : vector<512x16xi1>, vector<512x16xf32>
      %select_n3A_304 = arith.select %lt3A_298, %while3A_198, %select_n3A_303 : vector<512x16xi1>, vector<512x16xf32>
      %lt3A_305 = vector.broadcast %broadcast_in_dim3A_290 : vector<512x1xf32> to vector<512x16xf32>
      %lt3A_306 = arith.cmpf olt, %convert_element_type3A_24, %lt3A_305 : vector<512x16xf32>
      %eq3A_307 = vector.broadcast %broadcast_in_dim3A_290 : vector<512x1xf32> to vector<512x16xf32>
      %eq3A_308 = arith.cmpf oeq, %convert_element_type3A_24, %eq3A_307 : vector<512x16xf32>
      %add3A_309 = vector.broadcast %convert_element_type3A_27 : f32 to vector<512x1xf32>
      %add3A_310 = arith.addf %broadcast_in_dim3A_268, %add3A_309 : vector<512x1xf32>
      %broadcast_in_dim3A_311 = vector.shape_cast %add3A_310 : vector<512x1xf32> to vector<512x1xf32>
      %broadcast_in_dim3A_312 = vector.broadcast %broadcast_in_dim3A_311 : vector<512x1xf32> to vector<512x16xf32>
      %select_n3A_313 = arith.select %eq3A_308, %broadcast_in_dim3A_312, %concatenate3A_296 : vector<512x16xi1>, vector<512x16xf32>
      %select_n3A_314 = arith.select %lt3A_306, %while3A_199, %select_n3A_313 : vector<512x16xi1>, vector<512x16xf32>
      %slice3A_315 = vector.extract_strided_slice %select_n3A_247 {offsets = [0, 9], sizes = [512, 1], strides = [1, 1]} : vector<512x16xf32> to vector<512x1xf32>
      %gt3A_316 = arith.cmpf ogt, %broadcast_in_dim3A_222, %slice3A_315 : vector<512x1xf32>
      %jit3A_317 = arith.constant 1.000000e+00 : f32
      %jit3A_318 = arith.constant 0.000000e+00 : f32
      %broadcast_in_dim3A_319 = vector.broadcast %jit3A_317 : f32 to vector<512x1xf32>
      %broadcast_in_dim3A_320 = vector.broadcast %jit3A_318 : f32 to vector<512x1xf32>
      %select_n3A_321 = arith.select %gt3A_316, %broadcast_in_dim3A_319, %broadcast_in_dim3A_320 : vector<512x1xi1>, vector<512x1xf32>
      %reduce_max3A_322 = vector.shape_cast %select_n3A_321 : vector<512x1xf32> to vector<1x512x1xf32>
      %reduce_max3A_323 = arith.constant dense<0xFF800000> : vector<1xf32>
      %reduce_max3A_324 = vector.multi_reduction <maximumf>, %reduce_max3A_322, %reduce_max3A_323 [1, 2] : vector<1x512x1xf32> to vector<1xf32>
      %reduce_max3A_325 = vector.shape_cast %reduce_max3A_324 : vector<1xf32> to vector<1x1x1xf32>
      %reduce_max3A_326 = vector.extract %reduce_max3A_325[0, 0, 0] : f32 from vector<1x1x1xf32>
      %slice3A_327 = vector.extract_strided_slice %select_n3A_304 {offsets = [0, 9], sizes = [512, 1], strides = [1, 1]} : vector<512x16xf32> to vector<512x1xf32>
      %gt3A_328 = arith.cmpf ogt, %broadcast_in_dim3A_279, %slice3A_327 : vector<512x1xf32>
      %jit3A_329 = arith.constant 1.000000e+00 : f32
      %jit3A_330 = arith.constant 0.000000e+00 : f32
      %broadcast_in_dim3A_331 = vector.broadcast %jit3A_329 : f32 to vector<512x1xf32>
      %broadcast_in_dim3A_332 = vector.broadcast %jit3A_330 : f32 to vector<512x1xf32>
      %select_n3A_333 = arith.select %gt3A_328, %broadcast_in_dim3A_331, %broadcast_in_dim3A_332 : vector<512x1xi1>, vector<512x1xf32>
      %reduce_max3A_334 = vector.shape_cast %select_n3A_333 : vector<512x1xf32> to vector<1x512x1xf32>
      %reduce_max3A_335 = arith.constant dense<0xFF800000> : vector<1xf32>
      %reduce_max3A_336 = vector.multi_reduction <maximumf>, %reduce_max3A_334, %reduce_max3A_335 [1, 2] : vector<1x512x1xf32> to vector<1xf32>
      %reduce_max3A_337 = vector.shape_cast %reduce_max3A_336 : vector<1xf32> to vector<1x1x1xf32>
      %reduce_max3A_338 = vector.extract %reduce_max3A_337[0, 0, 0] : f32 from vector<1x1x1xf32>
      %max3A_339 = arith.maximumf %reduce_max3A_326, %reduce_max3A_338 : f32
      %get3A_340 = arith.constant 0 : index
      %get3A_341 = arith.constant 0 : index
      %get3A_342 = vector.load %arg7[%get3A_340, %get3A_341] : memref<1024x2000xf32, #tpu.memory_space<vmem>>, vector<512x2000xf32>
      %eq3A_343 = vector.broadcast %broadcast_in_dim3A_222 : vector<512x1xf32> to vector<512x2000xf32>
      %eq3A_344 = arith.cmpf oeq, %get3A_342, %eq3A_343 : vector<512x2000xf32>
      %jit3A_345 = arith.constant 3.000000e+38 : f32
      %broadcast_in_dim3A_346 = vector.broadcast %jit3A_345 : f32 to vector<512x2000xf32>
      %select_n3A_347 = arith.select %eq3A_344, %convert_element_type3A_22, %broadcast_in_dim3A_346 : vector<512x2000xi1>, vector<512x2000xf32>
      %reduce_min3A_348 = arith.constant dense<0x7F800000> : vector<512xf32>
      %reduce_min3A_349 = vector.multi_reduction <minimumf>, %select_n3A_347, %reduce_min3A_348 [1] : vector<512x2000xf32> to vector<512xf32>
      %broadcast_in_dim3A_350 = vector.shape_cast %reduce_min3A_349 : vector<512xf32> to vector<512x1xf32>
      %eq3A_351 = vector.broadcast %broadcast_in_dim3A_350 : vector<512x1xf32> to vector<512x2000xf32>
      %eq3A_352 = arith.cmpf oeq, %convert_element_type3A_22, %eq3A_351 : vector<512x2000xf32>
      %jit3A_353 = arith.constant 0xFF800000 : f32
      %broadcast_in_dim3A_354 = vector.broadcast %jit3A_353 : f32 to vector<512x2000xf32>
      %select_n3A_355 = arith.select %eq3A_352, %broadcast_in_dim3A_354, %get3A_342 : vector<512x2000xi1>, vector<512x2000xf32>
      %swap3A_356 = arith.constant 0 : index
      %swap3A_357 = arith.constant 0 : index
      %swap3A_358 = vector.load %arg7[%swap3A_356, %swap3A_357] : memref<1024x2000xf32, #tpu.memory_space<vmem>>, vector<512x2000xf32>
      tpu.vector_store %arg7[%swap3A_356, %swap3A_357], %select_n3A_355 {strides = array<i32>} : memref<1024x2000xf32, #tpu.memory_space<vmem>>, vector<512x2000xf32>,
      %reduce_max3A_359 = arith.constant dense<0xFF800000> : vector<512xf32>
      %reduce_max3A_360 = vector.multi_reduction <maximumf>, %select_n3A_355, %reduce_max3A_359 [1] : vector<512x2000xf32> to vector<512xf32>
      %broadcast_in_dim3A_361 = vector.shape_cast %reduce_max3A_360 : vector<512xf32> to vector<512x1xf32>
      %slice3A_362 = vector.extract_strided_slice %select_n3A_247 {offsets = [0, 0], sizes = [512, 10], strides = [1, 1]} : vector<512x16xf32> to vector<512x10xf32>
      %ge3A_363 = vector.broadcast %broadcast_in_dim3A_222 : vector<512x1xf32> to vector<512x10xf32>
      %ge3A_364 = arith.cmpf oge, %slice3A_362, %ge3A_363 : vector<512x10xf32>
      %jit3A_365 = arith.constant 1.000000e+00 : f32
      %jit3A_366 = arith.constant 0.000000e+00 : f32
      %broadcast_in_dim3A_367 = vector.broadcast %jit3A_365 : f32 to vector<512x10xf32>
      %broadcast_in_dim3A_368 = vector.broadcast %jit3A_366 : f32 to vector<512x10xf32>
      %select_n3A_369 = arith.select %ge3A_364, %broadcast_in_dim3A_367, %broadcast_in_dim3A_368 : vector<512x10xi1>, vector<512x10xf32>
      %reduce_sum3A_370 = arith.constant dense<0.000000e+00> : vector<512xf32>
      %reduce_sum3A_371 = vector.multi_reduction <add>, %select_n3A_369, %reduce_sum3A_370 [1] : vector<512x10xf32> to vector<512xf32>
      %broadcast_in_dim3A_372 = vector.shape_cast %reduce_sum3A_371 : vector<512xf32> to vector<512x1xf32>
      %slice3A_373 = vector.extract_strided_slice %select_n3A_247 {offsets = [0, 0], sizes = [512, 1], strides = [1, 1]} : vector<512x16xf32> to vector<512x1xf32>
      %slice3A_374 = vector.extract_strided_slice %select_n3A_247 {offsets = [0, 0], sizes = [512, 15], strides = [1, 1]} : vector<512x16xf32> to vector<512x15xf32>
      %concatenate3A_375 = tpu.concatenate %slice3A_373, %slice3A_374 in 1 : vector<512x1xf32>, vector<512x15xf32> -> vector<512x16xf32>
      %slice3A_376 = vector.extract_strided_slice %select_n3A_257 {offsets = [0, 0], sizes = [512, 1], strides = [1, 1]} : vector<512x16xf32> to vector<512x1xf32>
      %slice3A_377 = vector.extract_strided_slice %select_n3A_257 {offsets = [0, 0], sizes = [512, 15], strides = [1, 1]} : vector<512x16xf32> to vector<512x15xf32>
      %concatenate3A_378 = tpu.concatenate %slice3A_376, %slice3A_377 in 1 : vector<512x1xf32>, vector<512x15xf32> -> vector<512x16xf32>
      %lt3A_379 = vector.broadcast %broadcast_in_dim3A_372 : vector<512x1xf32> to vector<512x16xf32>
      %lt3A_380 = arith.cmpf olt, %convert_element_type3A_24, %lt3A_379 : vector<512x16xf32>
      %eq3A_381 = vector.broadcast %broadcast_in_dim3A_372 : vector<512x1xf32> to vector<512x16xf32>
      %eq3A_382 = arith.cmpf oeq, %convert_element_type3A_24, %eq3A_381 : vector<512x16xf32>
      %broadcast_in_dim3A_383 = vector.shape_cast %broadcast_in_dim3A_222 : vector<512x1xf32> to vector<512x1xf32>
      %broadcast_in_dim3A_384 = vector.broadcast %broadcast_in_dim3A_383 : vector<512x1xf32> to vector<512x16xf32>
      %select_n3A_385 = arith.select %eq3A_382, %broadcast_in_dim3A_384, %concatenate3A_375 : vector<512x16xi1>, vector<512x16xf32>
      %select_n3A_386 = arith.select %lt3A_380, %select_n3A_247, %select_n3A_385 : vector<512x16xi1>, vector<512x16xf32>
      %lt3A_387 = vector.broadcast %broadcast_in_dim3A_372 : vector<512x1xf32> to vector<512x16xf32>
      %lt3A_388 = arith.cmpf olt, %convert_element_type3A_24, %lt3A_387 : vector<512x16xf32>
      %eq3A_389 = vector.broadcast %broadcast_in_dim3A_372 : vector<512x1xf32> to vector<512x16xf32>
      %eq3A_390 = arith.cmpf oeq, %convert_element_type3A_24, %eq3A_389 : vector<512x16xf32>
      %add3A_391 = vector.broadcast %convert_element_type3A_27 : f32 to vector<512x1xf32>
      %add3A_392 = arith.addf %broadcast_in_dim3A_350, %add3A_391 : vector<512x1xf32>
      %broadcast_in_dim3A_393 = vector.shape_cast %add3A_392 : vector<512x1xf32> to vector<512x1xf32>
      %broadcast_in_dim3A_394 = vector.broadcast %broadcast_in_dim3A_393 : vector<512x1xf32> to vector<512x16xf32>
      %select_n3A_395 = arith.select %eq3A_390, %broadcast_in_dim3A_394, %concatenate3A_378 : vector<512x16xi1>, vector<512x16xf32>
      %select_n3A_396 = arith.select %lt3A_388, %select_n3A_257, %select_n3A_395 : vector<512x16xi1>, vector<512x16xf32>
      %get3A_397 = arith.constant 512 : index
      %get3A_398 = arith.constant 0 : index
      %get3A_399 = vector.load %arg7[%get3A_397, %get3A_398] : memref<1024x2000xf32, #tpu.memory_space<vmem>>, vector<512x2000xf32>
      %eq3A_400 = vector.broadcast %broadcast_in_dim3A_279 : vector<512x1xf32> to vector<512x2000xf32>
      %eq3A_401 = arith.cmpf oeq, %get3A_399, %eq3A_400 : vector<512x2000xf32>
      %jit3A_402 = arith.constant 3.000000e+38 : f32
      %broadcast_in_dim3A_403 = vector.broadcast %jit3A_402 : f32 to vector<512x2000xf32>
      %select_n3A_404 = arith.select %eq3A_401, %convert_element_type3A_22, %broadcast_in_dim3A_403 : vector<512x2000xi1>, vector<512x2000xf32>
      %reduce_min3A_405 = arith.constant dense<0x7F800000> : vector<512xf32>
      %reduce_min3A_406 = vector.multi_reduction <minimumf>, %select_n3A_404, %reduce_min3A_405 [1] : vector<512x2000xf32> to vector<512xf32>
      %broadcast_in_dim3A_407 = vector.shape_cast %reduce_min3A_406 : vector<512xf32> to vector<512x1xf32>
      %eq3A_408 = vector.broadcast %broadcast_in_dim3A_407 : vector<512x1xf32> to vector<512x2000xf32>
      %eq3A_409 = arith.cmpf oeq, %convert_element_type3A_22, %eq3A_408 : vector<512x2000xf32>
      %jit3A_410 = arith.constant 0xFF800000 : f32
      %broadcast_in_dim3A_411 = vector.broadcast %jit3A_410 : f32 to vector<512x2000xf32>
      %select_n3A_412 = arith.select %eq3A_409, %broadcast_in_dim3A_411, %get3A_399 : vector<512x2000xi1>, vector<512x2000xf32>
      %swap3A_413 = arith.constant 512 : index
      %swap3A_414 = arith.constant 0 : index
      %swap3A_415 = vector.load %arg7[%swap3A_413, %swap3A_414] : memref<1024x2000xf32, #tpu.memory_space<vmem>>, vector<512x2000xf32>
      tpu.vector_store %arg7[%swap3A_413, %swap3A_414], %select_n3A_412 {strides = array<i32>} : memref<1024x2000xf32, #tpu.memory_space<vmem>>, vector<512x2000xf32>,
      %reduce_max3A_416 = arith.constant dense<0xFF800000> : vector<512xf32>
      %reduce_max3A_417 = vector.multi_reduction <maximumf>, %select_n3A_412, %reduce_max3A_416 [1] : vector<512x2000xf32> to vector<512xf32>
      %broadcast_in_dim3A_418 = vector.shape_cast %reduce_max3A_417 : vector<512xf32> to vector<512x1xf32>
      %slice3A_419 = vector.extract_strided_slice %select_n3A_304 {offsets = [0, 0], sizes = [512, 10], strides = [1, 1]} : vector<512x16xf32> to vector<512x10xf32>
      %ge3A_420 = vector.broadcast %broadcast_in_dim3A_279 : vector<512x1xf32> to vector<512x10xf32>
      %ge3A_421 = arith.cmpf oge, %slice3A_419, %ge3A_420 : vector<512x10xf32>
      %jit3A_422 = arith.constant 1.000000e+00 : f32
      %jit3A_423 = arith.constant 0.000000e+00 : f32
      %broadcast_in_dim3A_424 = vector.broadcast %jit3A_422 : f32 to vector<512x10xf32>
      %broadcast_in_dim3A_425 = vector.broadcast %jit3A_423 : f32 to vector<512x10xf32>
      %select_n3A_426 = arith.select %ge3A_421, %broadcast_in_dim3A_424, %broadcast_in_dim3A_425 : vector<512x10xi1>, vector<512x10xf32>
      %reduce_sum3A_427 = arith.constant dense<0.000000e+00> : vector<512xf32>
      %reduce_sum3A_428 = vector.multi_reduction <add>, %select_n3A_426, %reduce_sum3A_427 [1] : vector<512x10xf32> to vector<512xf32>
      %broadcast_in_dim3A_429 = vector.shape_cast %reduce_sum3A_428 : vector<512xf32> to vector<512x1xf32>
      %slice3A_430 = vector.extract_strided_slice %select_n3A_304 {offsets = [0, 0], sizes = [512, 1], strides = [1, 1]} : vector<512x16xf32> to vector<512x1xf32>
      %slice3A_431 = vector.extract_strided_slice %select_n3A_304 {offsets = [0, 0], sizes = [512, 15], strides = [1, 1]} : vector<512x16xf32> to vector<512x15xf32>
      %concatenate3A_432 = tpu.concatenate %slice3A_430, %slice3A_431 in 1 : vector<512x1xf32>, vector<512x15xf32> -> vector<512x16xf32>
      %slice3A_433 = vector.extract_strided_slice %select_n3A_314 {offsets = [0, 0], sizes = [512, 1], strides = [1, 1]} : vector<512x16xf32> to vector<512x1xf32>
      %slice3A_434 = vector.extract_strided_slice %select_n3A_314 {offsets = [0, 0], sizes = [512, 15], strides = [1, 1]} : vector<512x16xf32> to vector<512x15xf32>
      %concatenate3A_435 = tpu.concatenate %slice3A_433, %slice3A_434 in 1 : vector<512x1xf32>, vector<512x15xf32> -> vector<512x16xf32>
      %lt3A_436 = vector.broadcast %broadcast_in_dim3A_429 : vector<512x1xf32> to vector<512x16xf32>
      %lt3A_437 = arith.cmpf olt, %convert_element_type3A_24, %lt3A_436 : vector<512x16xf32>
      %eq3A_438 = vector.broadcast %broadcast_in_dim3A_429 : vector<512x1xf32> to vector<512x16xf32>
      %eq3A_439 = arith.cmpf oeq, %convert_element_type3A_24, %eq3A_438 : vector<512x16xf32>
      %broadcast_in_dim3A_440 = vector.shape_cast %broadcast_in_dim3A_279 : vector<512x1xf32> to vector<512x1xf32>
      %broadcast_in_dim3A_441 = vector.broadcast %broadcast_in_dim3A_440 : vector<512x1xf32> to vector<512x16xf32>
      %select_n3A_442 = arith.select %eq3A_439, %broadcast_in_dim3A_441, %concatenate3A_432 : vector<512x16xi1>, vector<512x16xf32>
      %select_n3A_443 = arith.select %lt3A_437, %select_n3A_304, %select_n3A_442 : vector<512x16xi1>, vector<512x16xf32>
      %lt3A_444 = vector.broadcast %broadcast_in_dim3A_429 : vector<512x1xf32> to vector<512x16xf32>
      %lt3A_445 = arith.cmpf olt, %convert_element_type3A_24, %lt3A_444 : vector<512x16xf32>
      %eq3A_446 = vector.broadcast %broadcast_in_dim3A_429 : vector<512x1xf32> to vector<512x16xf32>
      %eq3A_447 = arith.cmpf oeq, %convert_element_type3A_24, %eq3A_446 : vector<512x16xf32>
      %add3A_448 = vector.broadcast %convert_element_type3A_27 : f32 to vector<512x1xf32>
      %add3A_449 = arith.addf %broadcast_in_dim3A_407, %add3A_448 : vector<512x1xf32>
      %broadcast_in_dim3A_450 = vector.shape_cast %add3A_449 : vector<512x1xf32> to vector<512x1xf32>
      %broadcast_in_dim3A_451 = vector.broadcast %broadcast_in_dim3A_450 : vector<512x1xf32> to vector<512x16xf32>
      %select_n3A_452 = arith.select %eq3A_447, %broadcast_in_dim3A_451, %concatenate3A_435 : vector<512x16xi1>, vector<512x16xf32>
      %select_n3A_453 = arith.select %lt3A_445, %select_n3A_314, %select_n3A_452 : vector<512x16xi1>, vector<512x16xf32>
      %slice3A_454 = vector.extract_strided_slice %select_n3A_386 {offsets = [0, 9], sizes = [512, 1], strides = [1, 1]} : vector<512x16xf32> to vector<512x1xf32>
      %gt3A_455 = arith.cmpf ogt, %broadcast_in_dim3A_361, %slice3A_454 : vector<512x1xf32>
      %jit3A_456 = arith.constant 1.000000e+00 : f32
      %jit3A_457 = arith.constant 0.000000e+00 : f32
      %broadcast_in_dim3A_458 = vector.broadcast %jit3A_456 : f32 to vector<512x1xf32>
      %broadcast_in_dim3A_459 = vector.broadcast %jit3A_457 : f32 to vector<512x1xf32>
      %select_n3A_460 = arith.select %gt3A_455, %broadcast_in_dim3A_458, %broadcast_in_dim3A_459 : vector<512x1xi1>, vector<512x1xf32>
      %reduce_max3A_461 = vector.shape_cast %select_n3A_460 : vector<512x1xf32> to vector<1x512x1xf32>
      %reduce_max3A_462 = arith.constant dense<0xFF800000> : vector<1xf32>
      %reduce_max3A_463 = vector.multi_reduction <maximumf>, %reduce_max3A_461, %reduce_max3A_462 [1, 2] : vector<1x512x1xf32> to vector<1xf32>
      %reduce_max3A_464 = vector.shape_cast %reduce_max3A_463 : vector<1xf32> to vector<1x1x1xf32>
      %reduce_max3A_465 = vector.extract %reduce_max3A_464[0, 0, 0] : f32 from vector<1x1x1xf32>
      %slice3A_466 = vector.extract_strided_slice %select_n3A_443 {offsets = [0, 9], sizes = [512, 1], strides = [1, 1]} : vector<512x16xf32> to vector<512x1xf32>
      %gt3A_467 = arith.cmpf ogt, %broadcast_in_dim3A_418, %slice3A_466 : vector<512x1xf32>
      %jit3A_468 = arith.constant 1.000000e+00 : f32
      %jit3A_469 = arith.constant 0.000000e+00 : f32
      %broadcast_in_dim3A_470 = vector.broadcast %jit3A_468 : f32 to vector<512x1xf32>
      %broadcast_in_dim3A_471 = vector.broadcast %jit3A_469 : f32 to vector<512x1xf32>
      %select_n3A_472 = arith.select %gt3A_467, %broadcast_in_dim3A_470, %broadcast_in_dim3A_471 : vector<512x1xi1>, vector<512x1xf32>
      %reduce_max3A_473 = vector.shape_cast %select_n3A_472 : vector<512x1xf32> to vector<1x512x1xf32>
      %reduce_max3A_474 = arith.constant dense<0xFF800000> : vector<1xf32>
      %reduce_max3A_475 = vector.multi_reduction <maximumf>, %reduce_max3A_473, %reduce_max3A_474 [1, 2] : vector<1x512x1xf32> to vector<1xf32>
      %reduce_max3A_476 = vector.shape_cast %reduce_max3A_475 : vector<1xf32> to vector<1x1x1xf32>
      %reduce_max3A_477 = vector.extract %reduce_max3A_476[0, 0, 0] : f32 from vector<1x1x1xf32>
      %max3A_478 = arith.maximumf %reduce_max3A_465, %reduce_max3A_477 : f32
      scf.yield %broadcast_in_dim3A_361, %select_n3A_386, %select_n3A_396, %broadcast_in_dim3A_418, %select_n3A_443, %select_n3A_453, %max3A_478 : vector<512x1xf32>, vector<512x16xf32>, vector<512x16xf32>, vector<512x1xf32>, vector<512x16xf32>, vector<512x16xf32>, f32
    }
    %concatenate3A_181 = tpu.concatenate %while3A#1, %while3A#4 in 0 : vector<512x16xf32>, vector<512x16xf32> -> vector<1024x16xf32>
    %concatenate3A_182 = tpu.concatenate %while3A#2, %while3A#5 in 0 : vector<512x16xf32>, vector<512x16xf32> -> vector<1024x16xf32>
    %swap3A_183 = arith.constant 0 : index
    %swap3A_184 = arith.constant 0 : index
    %swap3A_185 = vector.load %arg5[%swap3A_183, %swap3A_184] : memref<1024x16xf32, #tpu.memory_space<vmem>>, vector<1024x16xf32>
    tpu.vector_store %arg5[%swap3A_183, %swap3A_184], %concatenate3A_181 {strides = array<i32>} : memref<1024x16xf32, #tpu.memory_space<vmem>>, vector<1024x16xf32>,
    %swap3A_186 = arith.constant 0 : index
    %swap3A_187 = arith.constant 0 : index
    %swap3A_188 = vector.load %arg6[%swap3A_186, %swap3A_187] : memref<1024x16xf32, #tpu.memory_space<vmem>>, vector<1024x16xf32>
    tpu.vector_store %arg6[%swap3A_186, %swap3A_187], %concatenate3A_182 {strides = array<i32>} : memref<1024x16xf32, #tpu.memory_space<vmem>>, vector<1024x16xf32>,
    %eq3A_189 = arith.constant 49 : i32
    %eq3A_190 = arith.cmpi eq, %arg0, %eq3A_189 : i32
    %convert_element_type3A_191 = arith.extui %eq3A_190 : i1 to i32
    %cond3A_192 = arith.constant 0 : i32
    %cond3A_193 = arith.cmpi ne, %convert_element_type3A_191, %cond3A_192 : i32
    scf.if %cond3A_193 {
      %slice3A_194 = vector.extract_strided_slice %concatenate3A_181 {offsets = [0, 0], sizes = [1024, 10], strides = [1, 1]} : vector<1024x16xf32> to vector<1024x10xf32>
      %slice3A_195 = vector.extract_strided_slice %concatenate3A_182 {offsets = [0, 0], sizes = [1024, 10], strides = [1, 1]} : vector<1024x16xf32> to vector<1024x10xf32>
      %convert_element_type3A_196 = arith.fptosi %slice3A_195 : vector<1024x10xf32> to vector<1024x10xi32>
      %slice3A_197 = vector.extract_strided_slice %slice3A_194 {offsets = [0, 0], sizes = [1024, 1], strides = [1, 1]} : vector<1024x10xf32> to vector<1024x1xf32>
      %sub3A_198 = vector.broadcast %slice3A_197 : vector<1024x1xf32> to vector<1024x10xf32>
      %sub3A_199 = arith.subf %slice3A_194, %sub3A_198 : vector<1024x10xf32>
      %exp3A = math.exp %sub3A_199 : vector<1024x10xf32>
      %reduce_sum3A_200 = arith.constant dense<0.000000e+00> : vector<1024xf32>
      %reduce_sum3A_201 = vector.multi_reduction <add>, %exp3A, %reduce_sum3A_200 [1] : vector<1024x10xf32> to vector<1024xf32>
      %broadcast_in_dim3A_202 = vector.shape_cast %reduce_sum3A_201 : vector<1024xf32> to vector<1024x1xf32>
      %div3A = vector.broadcast %broadcast_in_dim3A_202 : vector<1024x1xf32> to vector<1024x10xf32>
      %div3A_203 = arith.divf %exp3A, %div3A : vector<1024x10xf32>
      %slice3A_204 = vector.extract_strided_slice %convert_element_type3A_196 {offsets = [0, 0], sizes = [1024, 1], strides = [1, 1]} : vector<1024x10xi32> to vector<1024x1xi32>
      %concatenate3A_205 = tpu.concatenate %convert_element_type3A_196, %slice3A_204, %slice3A_204, %slice3A_204, %slice3A_204, %slice3A_204, %slice3A_204 in 1 : vector<1024x10xi32>, vector<1024x1xi32>, vector<1024x1xi32>, vector<1024x1xi32>, vector<1024x1xi32>, vector<1024x1xi32>, vector<1024x1xi32> -> vector<1024x16xi32>
      %swap3A_206 = arith.constant 0 : index
      %swap3A_207 = arith.constant 0 : index
      %swap3A_208 = vector.load %arg3[%swap3A_206, %swap3A_207] : memref<1024x16xi32, #tpu.memory_space<vmem>>, vector<1024x16xi32>
      tpu.vector_store %arg3[%swap3A_206, %swap3A_207], %concatenate3A_205 {strides = array<i32>} : memref<1024x16xi32, #tpu.memory_space<vmem>>, vector<1024x16xi32>,
      %slice3A_209 = vector.extract_strided_slice %div3A_203 {offsets = [0, 0], sizes = [1024, 1], strides = [1, 1]} : vector<1024x10xf32> to vector<1024x1xf32>
      %broadcast_in_dim3A_210 = vector.shape_cast %slice3A_209 : vector<1024x1xf32> to vector<1024x1xf32>
      %broadcast_in_dim3A_211 = vector.broadcast %broadcast_in_dim3A_210 : vector<1024x1xf32> to vector<1024x16xf32>
      %slice3A_212 = vector.extract_strided_slice %div3A_203 {offsets = [0, 1], sizes = [1024, 1], strides = [1, 1]} : vector<1024x10xf32> to vector<1024x1xf32>
      %broadcast_in_dim3A_213 = vector.shape_cast %slice3A_212 : vector<1024x1xf32> to vector<1024x1xf32>
      %broadcast_in_dim3A_214 = vector.broadcast %broadcast_in_dim3A_213 : vector<1024x1xf32> to vector<1024x16xf32>
      %slice3A_215 = vector.extract_strided_slice %div3A_203 {offsets = [0, 2], sizes = [1024, 1], strides = [1, 1]} : vector<1024x10xf32> to vector<1024x1xf32>
      %broadcast_in_dim3A_216 = vector.shape_cast %slice3A_215 : vector<1024x1xf32> to vector<1024x1xf32>
      %broadcast_in_dim3A_217 = vector.broadcast %broadcast_in_dim3A_216 : vector<1024x1xf32> to vector<1024x16xf32>
      %slice3A_218 = vector.extract_strided_slice %div3A_203 {offsets = [0, 3], sizes = [1024, 1], strides = [1, 1]} : vector<1024x10xf32> to vector<1024x1xf32>
      %broadcast_in_dim3A_219 = vector.shape_cast %slice3A_218 : vector<1024x1xf32> to vector<1024x1xf32>
      %broadcast_in_dim3A_220 = vector.broadcast %broadcast_in_dim3A_219 : vector<1024x1xf32> to vector<1024x16xf32>
      %slice3A_221 = vector.extract_strided_slice %div3A_203 {offsets = [0, 4], sizes = [1024, 1], strides = [1, 1]} : vector<1024x10xf32> to vector<1024x1xf32>
      %broadcast_in_dim3A_222 = vector.shape_cast %slice3A_221 : vector<1024x1xf32> to vector<1024x1xf32>
      %broadcast_in_dim3A_223 = vector.broadcast %broadcast_in_dim3A_222 : vector<1024x1xf32> to vector<1024x16xf32>
      %slice3A_224 = vector.extract_strided_slice %div3A_203 {offsets = [0, 5], sizes = [1024, 1], strides = [1, 1]} : vector<1024x10xf32> to vector<1024x1xf32>
      %broadcast_in_dim3A_225 = vector.shape_cast %slice3A_224 : vector<1024x1xf32> to vector<1024x1xf32>
      %broadcast_in_dim3A_226 = vector.broadcast %broadcast_in_dim3A_225 : vector<1024x1xf32> to vector<1024x16xf32>
      %slice3A_227 = vector.extract_strided_slice %div3A_203 {offsets = [0, 6], sizes = [1024, 1], strides = [1, 1]} : vector<1024x10xf32> to vector<1024x1xf32>
      %broadcast_in_dim3A_228 = vector.shape_cast %slice3A_227 : vector<1024x1xf32> to vector<1024x1xf32>
      %broadcast_in_dim3A_229 = vector.broadcast %broadcast_in_dim3A_228 : vector<1024x1xf32> to vector<1024x16xf32>
      %slice3A_230 = vector.extract_strided_slice %div3A_203 {offsets = [0, 7], sizes = [1024, 1], strides = [1, 1]} : vector<1024x10xf32> to vector<1024x1xf32>
      %broadcast_in_dim3A_231 = vector.shape_cast %slice3A_230 : vector<1024x1xf32> to vector<1024x1xf32>
      %broadcast_in_dim3A_232 = vector.broadcast %broadcast_in_dim3A_231 : vector<1024x1xf32> to vector<1024x16xf32>
      %slice3A_233 = vector.extract_strided_slice %div3A_203 {offsets = [0, 8], sizes = [1024, 1], strides = [1, 1]} : vector<1024x10xf32> to vector<1024x1xf32>
      %broadcast_in_dim3A_234 = vector.shape_cast %slice3A_233 : vector<1024x1xf32> to vector<1024x1xf32>
      %broadcast_in_dim3A_235 = vector.broadcast %broadcast_in_dim3A_234 : vector<1024x1xf32> to vector<1024x16xf32>
      %slice3A_236 = vector.extract_strided_slice %div3A_203 {offsets = [0, 9], sizes = [1024, 1], strides = [1, 1]} : vector<1024x10xf32> to vector<1024x1xf32>
      %broadcast_in_dim3A_237 = vector.shape_cast %slice3A_236 : vector<1024x1xf32> to vector<1024x1xf32>
      %broadcast_in_dim3A_238 = vector.broadcast %broadcast_in_dim3A_237 : vector<1024x1xf32> to vector<1024x16xf32>
      %concatenate3A_239 = tpu.concatenate %broadcast_in_dim3A_211, %broadcast_in_dim3A_214, %broadcast_in_dim3A_217, %broadcast_in_dim3A_220, %broadcast_in_dim3A_223, %broadcast_in_dim3A_226, %broadcast_in_dim3A_229, %broadcast_in_dim3A_232, %broadcast_in_dim3A_235, %broadcast_in_dim3A_238 in 1 : vector<1024x16xf32>, vector<1024x16xf32>, vector<1024x16xf32>, vector<1024x16xf32>, vector<1024x16xf32>, vector<1024x16xf32>, vector<1024x16xf32>, vector<1024x16xf32>, vector<1024x16xf32>, vector<1024x16xf32> -> vector<1024x160xf32>
      %swap3A_240 = arith.constant 0 : index
      %swap3A_241 = arith.constant 0 : index
      %swap3A_242 = vector.load %arg4[%swap3A_240, %swap3A_241] : memref<1024x160xf32, #tpu.memory_space<vmem>>, vector<1024x160xf32>
      tpu.vector_store %arg4[%swap3A_240, %swap3A_241], %concatenate3A_239 {strides = array<i32>} : memref<1024x160xf32, #tpu.memory_space<vmem>>, vector<1024x160xf32>,
    } else {
    }
    return
  }
  func.func @transform_0(%arg0: i32) -> (i32, i32) {
    %c0_i32 = arith.constant 0 : i32
    %c0_i32_0 = arith.constant 0 : i32
    %c0_i32_1 = arith.constant 0 : i32
    return %c0_i32, %c0_i32_0 : i32, i32
  }
  func.func @transform_1(%arg0: i32) -> (i32, i32) {
    %c0_i32 = arith.constant 0 : i32
    %c0_i32_0 = arith.constant 0 : i32
    return %arg0, %c0_i32 : i32, i32
  }
  func.func @transform_2(%arg0: i32) -> (i32, i32) {
    %c0_i32 = arith.constant 0 : i32
    %c0_i32_0 = arith.constant 0 : i32
    %c0_i32_1 = arith.constant 0 : i32
    return %c0_i32, %c0_i32_0 : i32, i32
  }
  func.func @transform_3(%arg0: i32) -> (i32, i32) {
    %c0_i32 = arith.constant 0 : i32
    %c0_i32_0 = arith.constant 0 : i32
    %c0_i32_1 = arith.constant 0 : i32
    return %c0_i32, %c0_i32_0 : i32, i32
  }
}

</mosaic_0001>

<sc_bundles>
// kernel: kernel.4.cloned.1.call-start
scs
__scs_entry_jumppad:
0x0: {  	(pc) =	sbr.rel $0x88, $3  }
0x1: {  	(tag) =	ssettag $0x0;
	lr =	simm.s32 $0x1  }
0x2: {  	[smem:$0x3F9F] =	sst lr;
	_ =	strace $0xD0000000  }
0x3: {  	_ = 	snop  }
0x4: {  	_ = 	snop  }
0x5: {  	_ = 	snop  }
0x6: {  	_ = 	snop  }
0x7: {  	_ = 	snop  }
__scs_overlays_trampoline_lowered:
0x8: {  	[smem:$0x3FAE] =	sst s0  }
0x9: {  	[smem:$0x3FAF] =	sst s1  }
0xa: {  	[smem:$0x3FB0] =	sst s2  }
0xb: {  	[smem:$0x3FB1] =	sst s3  }
0xc: {  	[smem:$0x3FB2] =	sst s4  }
0xd: {  	[smem:$0x3FB3] =	sst s5  }
0xe: {  	[smem:$0x3FB4] =	sst s6  }
0xf: {  	[smem:$0x3FB5] =	sst s7  }
0x10: {  	[smem:$0x3FB6] =	sst s8  }
0x11: {  	[smem:$0x3FB7] =	sst s9;
	s0 =	simm.s32 @!p0 $0x0  }
0x12: {  	s1 =	sld [smem:$0x3F9D];
	s0 =	simm.s32 @p0 $0x1  }
0x13: {  	[smem:$0x3FB8] =	sst s0;
	s0 =	simm.s32 @!p1 $0x0  }
0x14: {  	s2 =	sld [smem:$0x3F9C];
	s0 =	simm.s32 @p1 $0x1  }
0x15: {  	[smem:$0x3FB9] =	sst s0;
	s0 =	simm.s32 @!p2 $0x0  }
0x16: {  	s3 =	sld [smem:$0x3FDB];
	s0 =	simm.s32 @p2 $0x1  }
0x17: {  	s4 =	simm.s32 $0x1BF5;
	[smem:$0x3FBB] =	sst s0  }
0x18: {  	s0 =	sld [smem:$0x3F9E];
	_ =	swait.ge [sflag:s4], $0x0  }
0x19: {  	s7 =	sld [smem:$0x3F9F]  }
0x1a: {  	s8 =	sadd.s32 $0xFFFFE003, lr  }
0x1b: {  	s9 =	sadd.s32 $0xFFFFFEF7, lr;
	s5 =	simm.s32 $0xFFFFFFFF;
	p2 =	slt.u32 s8, $0xFFFFF086  }
0x1c: {  	p1 =	slt.u32 s9, $0xF7A;
	s5 =	simm.s32 @!p2 $0x0  }
0x1d: {  	s5 =	simm.s32 @p1 $0x1;
	p0 =	seq.s32 s7, s2  }
0x1e: {  	s7 =	smul.u32 @!p0 $0xF7A, s2;
	p2 =	seq.s32 @!p0 s5, $0x0  }
0x1f: {  	s9 =	smul.u32 $0xF7A, s1;
	s8 =	simm.s32 @!p0 $0x1BF5;
	p2 =	por !p2, p0  }
0x20: {  	[sflag:s8] =	ssyncset.s32 @!p0 $0xFFFFF086;
	s6 =	sadd.s32 @!p0 s3, s7;
	s7 =	simm.s32 @!p0 $0x108  }
0x21: {  	s3 =	sadd.s32 s3, s9;
	s6 =	sadd.s32 @!p0 $0x88, s6;
	s7 =	simm.s32 @p2 $0x1082  }
0x22: {  	[simem:s7], [sflag:s8] =	dma.local @!p0 [hbm:s6], $0xF7A  }
0x23: {  	s9 =	sor.u32 $0xD0000000, s2;
	s6 =	simm.s32 $0x108;
	_ =	swait.ge @!p0 [sflag:s8], $0x0  }
0x24: {  	s3 =	sadd.s32 $0x88, s3;
	s6 =	simm.s32 @!p1 $0x1082;
	[sflag:s4] =	ssyncset.s32 $0xFFFFF086  }
0x25: {  	[simem:s6], [sflag:s4] =	dma.local [hbm:s3], $0xF7A  }
0x26: {  	[smem:$0x3F9F] =	sst s1;
	(tag) =	ssettag s2;
	_ =	strace s9  }
0x27: {  	s1 =	sld [smem:$0x3FAF]  }
0x28: {  	s2 =	sld [smem:$0x3FB0]  }
0x29: {  	s4 =	sld [smem:$0x3FB2]  }
0x2a: {  	p0 =	seq.s32 s5, $0x0;
	s5 =	sld [smem:$0x3FB3]  }
0x2b: {  	s6 =	sld [smem:$0x3FB4]  }
0x2c: {  	s7 =	sld [smem:$0x3FB5]  }
0x2d: {  	s3 =	simm.s32 $0x108;
	s8 =	sld [smem:$0x3FB6]  }
0x2e: {  	s3 =	simm.s32 @!p0 $0x1082;
	s9 =	sld [smem:$0x3FB7]  }
0x2f: {  	lr =	sadd.s32 s0, s3;
	s0 =	sld [smem:$0x3FAE]  }
0x30: {  	s3 =	sld [smem:$0x3FB1]  }
0x31: {  	[smem:$0x3FBA] =	sst s10  }
0x32: {  	s10 =	sld [smem:$0x3FB8];
	_ =	sdelay $0x3  }
0x33: {  	p0 =	seq.s32 s10, $0x1;
	s10 =	sld [smem:$0x3FBA];
	_ =	sdelay $0x3  }
0x34: {  	[smem:$0x3FBA] =	sst s10  }
0x35: {  	s10 =	sld [smem:$0x3FB9];
	_ =	sdelay $0x3  }
0x36: {  	p1 =	seq.s32 s10, $0x1;
	s10 =	sld [smem:$0x3FBA];
	_ =	sdelay $0x3  }
0x37: {  	[smem:$0x3FBA] =	sst s10  }
0x38: {  	s10 =	sld [smem:$0x3FBB]  }
0x39: {  	_ = 	snop;
	(pc) =	sbr.ind lr, $3  }
0x3a: {  	_ = 	snop  }
0x3b: {  	_ = 	snop  }
0x3c: {  	p2 =	seq.s32 s10, $0x1;
	s10 =	sld [smem:$0x3FBA]  }
0x3d: {  	_ =	shalt  }
0x3e: {  	_ =	shalt  }
0x3f: {  	_ =	shalt  }
0x40: {  	_ =	shalt  }
0x41: {  	_ =	shalt  }
0x42: {  	_ =	shalt  }
0x43: {  	_ =	shalt  }
0x44: {  	_ =	shalt  }
0x45: {  	_ =	shalt  }
0x46: {  	_ =	shalt  }
0x47: {  	_ =	shalt  }
0x48: {  	_ =	shalt  }
0x49: {  	_ =	shalt  }
0x4a: {  	_ =	shalt  }
0x4b: {  	_ =	shalt  }
0x4c: {  	_ =	shalt  }
0x4d: {  	_ =	shalt  }
0x4e: {  	_ =	shalt  }
0x4f: {  	_ =	shalt  }
0x50: {  	_ =	shalt  }
0x51: {  	_ =	shalt  }
0x52: {  	_ =	shalt  }
0x53: {  	_ =	shalt  }
0x54: {  	_ =	shalt  }
0x55: {  	_ =	shalt  }
0x56: {  	_ =	shalt  }
0x57: {  	_ =	shalt  }
0x58: {  	_ =	shalt  }
0x59: {  	_ =	shalt  }
0x5a: {  	_ =	shalt  }
0x5b: {  	_ =	shalt  }
0x5c: {  	_ =	shalt  }
0x5d: {  	_ =	shalt  }
0x5e: {  	_ =	shalt  }
0x5f: {  	_ =	shalt  }
0x60: {  	_ =	shalt  }
0x61: {  	_ =	shalt  }
0x62: {  	_ =	shalt  }
0x63: {  	_ =	shalt  }
0x64: {  	_ =	shalt  }
0x65: {  	_ =	shalt  }
0x66: {  	_ =	shalt  }
0x67: {  	_ =	shalt  }
0x68: {  	_ =	shalt  }
0x69: {  	_ =	shalt  }
0x6a: {  	_ =	shalt  }
0x6b: {  	_ =	shalt  }
0x6c: {  	_ =	shalt  }
0x6d: {  	_ =	shalt  }
0x6e: {  	_ =	shalt  }
0x6f: {  	_ =	shalt  }
0x70: {  	_ =	shalt  }
0x71: {  	_ =	shalt  }
0x72: {  	_ =	shalt  }
0x73: {  	_ =	shalt  }
0x74: {  	_ =	shalt  }
0x75: {  	_ =	shalt  }
0x76: {  	_ =	shalt  }
0x77: {  	_ =	shalt  }
0x78: {  	_ =	shalt  }
0x79: {  	_ =	shalt  }
0x7a: {  	_ =	shalt  }
0x7b: {  	_ =	shalt  }
0x7c: {  	_ =	shalt  }
0x7d: {  	_ =	shalt  }
0x7e: {  	_ =	shalt  }
0x7f: {  	_ =	shalt  }
0x80: {  	_ =	shalt  }
0x81: {  	_ =	shalt  }
0x82: {  	_ =	shalt  }
0x83: {  	_ =	shalt  }
0x84: {  	_ =	shalt  }
0x85: {  	_ =	shalt  }
0x86: {  	_ =	shalt  }
0x87: {  	_ =	shalt  }
.Lfunc_end0:
.L_simem_size_0:
called_computation_lowered:
.L_overlay_start_0:
0x88: {  	s2 =	sld [smem:$0x3FD9]  }
0x89: {  	s3 =	sld [smem:$0x3FFE];
	_ =	sdelay $0x1  }
0x8a: {  	s1 =	srdreg.scid  }
0x8b: {  	s0 =	sand.u32 $0x1, s1  }
0x8c: {  	s17 =	sshll.u32 s0, $0xA;
	s2 =	sadd.s32 s3, s2  }
0x8d: {  	s2 =	sadd.s32 s2, s17  }
0x8e: {  	[smem:$0x3FC6] =	sst s2  }
0x8f: {  	_ = 	snop  }
0x90: {  	s2 =	sld [smem:$0x3FD0];
	(tm) =	ssettm $0x1  }
0x91: {  	s18 =	sld [smem:$0x3FFB];
	_ =	sdelay $0x3  }
0x92: {  	_ =	strace s18  }
0x93: {  	s3 =	sld [smem:$0x3FFC];
	_ =	sdelay $0x3  }
0x94: {  	_ =	strace s3  }
0x95: {  	s3 =	sld [smem:$0x3FFD];
	_ =	sdelay $0x3  }
0x96: {  	_ =	strace s3  }
0x97: {  	_ =	strace $0x8FFFFFFF  }
0x98: {  	s19 =	sld [smem:$0x3FDB];
	_ =	sdelay $0x1  }
0x99: {  	s4 =	simm.s32 $_scs_section_size  }
0x9a: {  	s5 =	simm.s32 $_size__tile_overlayer_lowered;
	s6 =	simm.s32 $_tile_overlayer_lowered  }
0x9b: {  	s22 =	simm.s32 $0x1BFF;
	s21 =	sshll.u32 s6, $0x1;
	s3 =	sadd.s32 s4, s19  }
0x9c: {  	s7 =	simm.s32 $0x0;
	s20 =	sshll.u32 s5, $0x1;
	s5 =	sadd.s32 s21, s3  }
0x9d: {  	[timem:s7], [sflag:s22] =	dma.local [hbm:s5], s20  }
0x9e: {  	_ =	swait.ge [sflag:s22], s20  }
0x9f: {  	s4 =	ssub.s32 $0x0, s20;
	[sflag:s22] =	ssyncset.done $0x0  }
0xa0: {  	[sflag:s22] =	ssyncadd.s32 s4;
	_ =	sdelay $0x1  }
0xa1: {  	s23 =	simm.s32 $0x1B8B  }
0xa2: {  	_ =	swait.ge [sflag:s23], $0x1  }
0xa3: {  	[sflag:s23] =	ssyncset.done $0x0  }
0xa4: {  	s25 =	simm.s32 $0x1B8E;
	s24 =	sld [smem:$0x3FFE];
	[sflag:s23] =	ssyncadd.s32 $0xFFFFFFFF  }
0xa5: {  	s26 =	simm.s32 $execute0_lowered;
	[smem:$0x3FD2] =	sst s25  }
0xa6: {  	s5 =	sshll.u32 s26, $0x1;
	_ =	strace $0x80000046;
	[dreg:$0x1] =	wrdreg $0xFFFFFFFF  }
0xa7: {  	s28 =	simm.s32 $_size_execute0_lowered;
	s3 =	sadd.s32 s3, s5;
	[dreg:$0x0] =	wrdreg $0x0  }
0xa8: {  	s5 =	sshll.u32 s28, $0x1;
	[dreg:$0x2] =	wrdreg s3  }
0xa9: {  	[dreg:$0x3] =	wrdreg s5  }
0xaa: {  	[dreg:$0x4] =	wrdreg $0xC0  }
0xab: {  	_ =	task [dreg:s7], $0x5FFFF  }
0xac: {  	[dreg:$0x1] =	wrdreg $0xFFFFFFFF  }
0xad: {  	[dreg:$0x0] =	wrdreg $0x60  }
0xae: {  	[dreg:$0x2] =	wrdreg s24  }
0xaf: {  	[dreg:$0x3] =	wrdreg s2  }
0xb0: {  	[dreg:$0x4] =	wrdreg $0x9  }
0xb1: {  	_ =	task.clear_ibuf [dreg:s7], $0x5FFFF;
	_ =	strace $0x90000046  }
0xb2: {  	s29 =	simm.s32 $0x9;
	_ =	strace $0x80000048  }
0xb3: {  	_ =	swait.ge [sflag:s29], $0x1  }
0xb4: {  	[sflag:s29] =	ssyncadd.s32 $0xFFFFFFFF  }
0xb5: {  	_ =	strace $0x90000048  }
0xb6: {  	_ =	sfence  }
0xb7: {  	s30 =	sld [smem:$0x0];
	_ =	sdelay $0x2  }
0xb8: {  	s31 =	sshll.u32 s1, $0xD;
	s1 =	sshrl.u32 s1, $0x2  }
0xb9: {  	s3 =	sand.u32 $0x4000, s31;
	s1 =	sadd.s32 s1, s30  }
0xba: {  	s0 =	sor.u32 s3, s0;
	s1 =	sshll.u32 s1, $0x11  }
0xbb: {  	s0 =	sor.u32 s1, s0  }
0xbc: {  	s0 =	sadd.s32 $0x8F2B, s0  }
0xbd: {  	[sflag:s0] =	ssyncadd.remote.s32 $0x1  }
0xbe: {  	_ =	sfence.sel $0xFFFF  }
0xbf: {  	[dreg:$0x0] =	wrdreg $0xFFFFFFFF;
	(pc) =	sbr.abs _section_cstart, $3  }
0xc0: {  	[dreg:$0x1] =	wrdreg $0xFFFFFFFF  }
0xc1: {  	_ =	task.clear_ibuf [dreg:s7], $0x2FFFF;
	_ =	strace $0x9FFFFFFF  }
0xc2: {  	(tm) =	ssettm $0x7FFFFFFF  }
0xc3: {  	_ =	shalt  }
tec
execute0_lowered:
.L_overlay_start_1:
0x0: {  	(tag) =	ssettag $0x1  }
0x1: {  	s4 =	rddreg [dreg:$0x0]  }
0x2: {  	s5 =	rddreg [dreg:$0x1]  }
0x3: {  	s0 =	rddreg [dreg:$0x2];
	s3 =	srdreg.scid  }
0x4: {  	s1 =	stileid.u32;
	s2 =	simm.s32 $0x0;
	s11 =	simm.s32 $0x2200  }
0x5: {  	s3 =	sand.u32 $0x1, s3;
	s6 =	sshll.u32 s1, $0x1;
	[smem:$0x7FF] =	sst s2  }
0x6: {  	s12 =	simm.s32 $0x3600;
	s6 =	sor.u32 s3, s6;
	_ =	strace $0x80000047  }
0x7: {  	s8 =	ssub.s32 $0x2, s3;
	s7 =	smul.u32 $0x280, s6;
	s6 =	sshll.u32 s6, $0x6  }
0x8: {  	s3 =	sadd.s32 $0x187200, s4;
	s9 =	sshrl.u32 s8, $0x1;
	s10 =	sadd.s32 s6, s4  }
0x9: {  	s8 =	ssub.s32 s8, s9;
	s9 =	simm.s32 $0x200;
	s7 =	sadd.s32 s7, s4  }
0xa: {  	s4 =	sadd.s32 s5, s6;
	s6 =	sadd.s32 $0x5800, s10;
	s10 =	simm.s32 $0x1  }
0xb: {  	s5 =	sadd.s32 $0x800, s7;
	s7 =	smax.u32 s8, $0x1;
	s8 =	simm.s32 $0x2  }
.LBB2_1:
0xc: {  	[tilespmem:s2], [sflag:$0x2] =	stream.linear.gather [hbm4b:s4+s2], $0x200, $0x38;
	[tilespmem:$0x3800] =	vst v63  }
0xd: {  	_ =	swait.ge [sflag:s8], $0x200  }
0xe: {  	[sflag:s8] =	ssyncset.done $0x0  }
0xf: {  	[sflag:s8] =	ssyncadd.s32 $0xFFFFFE00  }
0x10: {  	[tilespmem:s9], [sflag:$0x1] =	stream.indirect.gather [hbm4b:s3+s9], $0x10, s2, s9, $0xb8;
	[tilespmem:$0x3800] =	vst v63  }
0x11: {  	_ =	swait.ge [sflag:s10], $0x2000  }
0x12: {  	[sflag:s10] =	ssyncset.done $0x0  }
0x13: {  	[sflag:s10] =	ssyncadd.s32 $0xFFFFE000  }
0x14: {  	[tilespmem:s11], [sflag:$0x2] =	stream.linear.gather [hbm4b:s5+s2], $0x1400, $0x38;
	[tilespmem:$0x3800] =	vst v63  }
0x15: {  	_ =	swait.ge [sflag:s8], $0x1400  }
0x16: {  	[sflag:s8] =	ssyncset.done $0x0  }
0x17: {  	[sflag:s8] =	ssyncadd.s32 $0xFFFFEC00  }
0x18: {  	v31 =	vld [tilespmem:$0x200]  }
0x19: {  	v47 =	vld [tilespmem:$0x2200]  }
0x1a: {  	v51 =	vld [tilespmem:$0x210]  }
0x1b: {  	v12 =	vld [tilespmem:$0x2210]  }
0x1c: {  	v30 =	vld [tilespmem:$0x220]  }
0x1d: {  	v15 =	vld [tilespmem:$0x2220]  }
0x1e: {  	v21 =	vld [tilespmem:$0x230]  }
0x1f: {  	v20 =	vld [tilespmem:$0x2230]  }
0x20: {  	v52 =	vld [tilespmem:$0x240]  }
0x21: {  	v53 =	vld [tilespmem:$0x2240]  }
0x22: {  	v54 =	vld [tilespmem:$0x250]  }
0x23: {  	v55 =	vld [tilespmem:$0x2250]  }
0x24: {  	v56 =	vld [tilespmem:$0x260]  }
0x25: {  	v57 =	vld [tilespmem:$0x2260]  }
0x26: {  	v0 =	vld [tilespmem:$0x270]  }
0x27: {  	v59 =	vld [tilespmem:$0x2270]  }
0x28: {  	v63 =	vld [tilespmem:$0x280]  }
0x29: {  	v4 =	vld [tilespmem:$0x2280]  }
0x2a: {  	v5 =	vld [tilespmem:$0x290]  }
0x2b: {  	v6 =	vld [tilespmem:$0x2290]  }
0x2c: {  	v60 =	vld [tilespmem:$0x300]  }
0x2d: {  	v61 =	vld [tilespmem:$0x22A0]  }
0x2e: {  	v62 =	vld [tilespmem:$0x310]  }
0x2f: {  	v10 =	vld [tilespmem:$0x320]  }
0x30: {  	v11 =	vld [tilespmem:$0x22C0]  }
0x31: {  	v19 =	vld [tilespmem:$0x330]  }
0x32: {  	v18 =	vld [tilespmem:$0x22D0]  }
0x33: {  	v25 =	vld [tilespmem:$0x340]  }
0x34: {  	v24 =	vld [tilespmem:$0x22E0]  }
0x35: {  	v39 =	vld [tilespmem:$0x350]  }
0x36: {  	v28 =	vld [tilespmem:$0x22F0]  }
0x37: {  	v7 =	vld [tilespmem:$0x360]  }
0x38: {  	v8 =	vld [tilespmem:$0x2300]  }
0x39: {  	v9 =	vld [tilespmem:$0x370]  }
0x3a: {  	v13 =	vld [tilespmem:$0x2310]  }
0x3b: {  	v14 =	vld [tilespmem:$0x380]  }
0x3c: {  	v16 =	vld [tilespmem:$0x2320]  }
0x3d: {  	v17 =	vld [tilespmem:$0x390]  }
0x3e: {  	v22 =	vld [tilespmem:$0x2330]  }
0x3f: {  	v27 =	vld [tilespmem:$0x430]  }
0x40: {  	v26 =	vld [tilespmem:$0x2370]  }
0x41: {  	v43 =	vld [tilespmem:$0x440]  }
0x42: {  	v41 =	vld [tilespmem:$0x2380]  }
0x43: {  	v23 =	vld [tilespmem:$0x450]  }
0x44: {  	v29 =	vld [tilespmem:$0x2390]  }
0x45: {  	v32 =	vld [tilespmem:$0x460]  }
0x46: {  	v33 =	vld [tilespmem:$0x23A0]  }
0x47: {  	v34 =	vld [tilespmem:$0x470]  }
0x48: {  	v35 =	vld [tilespmem:$0x23B0]  }
0x49: {  	v36 =	vld [tilespmem:$0x480]  }
0x4a: {  	v37 =	vld [tilespmem:$0x23C0]  }
0x4b: {  	v38 =	vld [tilespmem:$0x490]  }
0x4c: {  	v40 =	vld [tilespmem:$0x23D0]  }
0x4d: {  	v3 =	vld [tilespmem:$0x500]  }
0x4e: {  	v2 =	vld [tilespmem:$0x23E0]  }
0x4f: {  	v1 =	vld [tilespmem:$0x510]  }
0x50: {  	v48 =	vld [tilespmem:$0x560]  }
0x51: {  	v44 =	vld [tilespmem:$0x2440]  }
0x52: {  	v42 =	vld [tilespmem:$0x2450]  }
0x53: {  	v45 =	vld [tilespmem:$0x580]  }
0x54: {  	v46 =	vld [tilespmem:$0x2460]  }
0x55: {  	v49 =	vld [tilespmem:$0x590]  }
0x56: {  	v50 =	vld [tilespmem:$0x2470]  }
0x57: {  	v58 =	vld [tilespmem:$0x24B0]  }
0x58: {  	[tilespmem:$0x1E7D0] =	vst v63;
	v63 =	vld [tilespmem:$0x22B0]  }
0x59: {  	[tilespmem:$0x1E810] =	vst v9;
	v9 =	vld [tilespmem:$0x400]  }
0x5a: {  	[tilespmem:$0x1E7F0] =	vst v7;
	v7 =	vld [tilespmem:$0x2340]  }
0x5b: {  	[tilespmem:$0x1E800] =	vst v8;
	v8 =	vld [tilespmem:$0x410]  }
0x5c: {  	[tilespmem:$0x1E840] =	vst v6;
	v6 =	vld [tilespmem:$0x2350]  }
0x5d: {  	[tilespmem:$0x1E8D0] =	vst v17;
	v17 =	vld [tilespmem:$0x420]  }
0x5e: {  	[tilespmem:$0x1E880] =	vst v16;
	v16 =	vld [tilespmem:$0x2360]  }
0x5f: {  	[tilespmem:$0x1E7C0] =	vst v0;
	v0 =	vld [tilespmem:$0x23F0]  }
0x60: {  	[tilespmem:$0x1E830] =	vst v5;
	v5 =	vld [tilespmem:$0x520]  }
0x61: {  	[tilespmem:$0x1E7E0] =	vst v4;
	v4 =	vld [tilespmem:$0x2400]  }
0x62: {  	[tilespmem:$0x1E870] =	vst v14;
	v14 =	vld [tilespmem:$0x530]  }
0x63: {  	[tilespmem:$0x1E820] =	vst v13;
	v13 =	vld [tilespmem:$0x2410]  }
0x64: {  	[tilespmem:$0x1E850] =	vst v23;
	v23 =	vld [tilespmem:$0x540]  }
0x65: {  	[tilespmem:$0x1E8E0] =	vst v22;
	v22 =	vld [tilespmem:$0x2420]  }
0x66: {  	[tilespmem:$0x1E8F0] =	vst v36;
	v36 =	vld [tilespmem:$0x550]  }
0x67: {  	[tilespmem:$0x1E860] =	vst v29;
	v29 =	vld [tilespmem:$0x2430]  }
0x68: {  	[tilespmem:$0x1E890] =	vst v32;
	v32 =	vld [tilespmem:$0x570]  }
0x69: {  	[tilespmem:$0x1E960] =	vst v40;
	v40 =	vld [tilespmem:$0x600]  }
0x6a: {  	[tilespmem:$0x1E8B0] =	vst v34;
	v34 =	vld [tilespmem:$0x2480]  }
0x6b: {  	[tilespmem:$0x1E8C0] =	vst v35;
	v35 =	vld [tilespmem:$0x610]  }
0x6c: {  	[tilespmem:$0x1E9A0] =	vst v50;
	v50 =	vld [tilespmem:$0x620]  }
0x6d: {  	[tilespmem:$0x1E930] =	vst v45;
	v45 =	vld [tilespmem:$0x24A0]  }
0x6e: {  	[tilespmem:$0x1E8A0] =	vst v33;
	v33 =	vld [tilespmem:$0x630]  }
0x6f: {  	[tilespmem:$0x1E900] =	vst v37;
	v37 =	vld [tilespmem:$0x640]  }
0x70: {  	[tilespmem:$0x1E950] =	vst v38;
	v38 =	vld [tilespmem:$0x24C0]  }
0x71: {  	[tilespmem:$0x1E920] =	vst v42;
	v42 =	vld [tilespmem:$0x650]  }
0x72: {  	[tilespmem:$0x1E940] =	vst v46;
	v46 =	vld [tilespmem:$0x24D0]  }
0x73: {  	[tilespmem:$0x1E990] =	vst v49;
	v49 =	vld [tilespmem:$0x660]  }
0x74: {  	[tilespmem:$0x1E980] =	vst v58;
	v58 =	vld [tilespmem:$0x24E0]  }
0x75: {  	v31 =	vmul.f32 v47, v31;
	v47 =	vld [tilespmem:$0x740]  }
0x76: {  	v12 =	vmul.f32 v12, v51;
	v51 =	vld [tilespmem:$0x2560]  }
0x77: {  	v15 =	vmul.f32 v15, v30;
	v30 =	vld [tilespmem:$0x750]  }
0x78: {  	v21 =	vmul.f32 v20, v21;
	v20 =	vld [tilespmem:$0x760]  }
0x79: {  	v53 =	vmul.f32 v53, v52;
	v52 =	vld [tilespmem:$0x770]  }
0x7a: {  	v55 =	vmul.f32 v55, v54;
	v54 =	vld [tilespmem:$0x25A0]  }
0x7b: {  	v10 =	vmul.f32 v11, v10;
	v11 =	vld [tilespmem:$0x790]  }
0x7c: {  	v24 =	vmul.f32 v24, v25;
	v25 =	vld [tilespmem:$0x25C0]  }
0x7d: {  	v18 =	vmul.f32 v18, v19;
	v19 =	vld [tilespmem:$0x850]  }
0x7e: {  	v27 =	vmul.f32 v26, v27;
	v26 =	vld [tilespmem:$0x1E870];
	v12 =	vadd.f32 v12, v31  }
0x7f: {  	v31 =	vld [tilespmem:$0x2570]  }
0x80: {  	v15 =	vadd.f32 v15, v12;
	v12 =	vld [tilespmem:$0x2580]  }
0x81: {  	[tilespmem:$0x1E910] =	vst v32;
	v32 =	vld [tilespmem:$0x2490]  }
0x82: {  	[tilespmem:$0x1E9B0] =	vst v37;
	v37 =	vld [tilespmem:$0x670]  }
0x83: {  	[tilespmem:$0x1E9C0] =	vst v38;
	v38 =	vld [tilespmem:$0x24F0]  }
0x84: {  	[tilespmem:$0x1E9D0] =	vst v42;
	v42 =	vld [tilespmem:$0x680]  }
0x85: {  	[tilespmem:$0x1E9E0] =	vst v46;
	v46 =	vld [tilespmem:$0x2500]  }
0x86: {  	[tilespmem:$0x1E9F0] =	vst v49;
	v49 =	vld [tilespmem:$0x690]  }
0x87: {  	[tilespmem:$0x1EA00] =	vst v58;
	v58 =	vld [tilespmem:$0x2510]  }
0x88: {  	[tilespmem:$0x1E970] =	vst v33;
	v33 =	vld [tilespmem:$0x2530]  }
0x89: {  	v60 =	vmul.f32 v61, v60;
	v6 =	vmul.f32 v6, v8;
	v8 =	vld [tilespmem:$0x810]  }
0x8a: {  	v61 =	vmul.f32 v63, v62;
	v63 =	vmul.f32 v57, v56;
	v57 =	vld [tilespmem:$0x1E7D0]  }
0x8b: {  	v0 =	vmul.f32 v0, v1;
	v1 =	vld [tilespmem:$0x25E0]  }
0x8c: {  	v43 =	vmul.f32 v41, v43;
	v41 =	vmul.f32 v29, v36;
	v29 =	vld [tilespmem:$0x880]  }
0x8d: {  	v7 =	vmul.f32 v7, v9;
	v21 =	vadd.f32 v21, v15;
	v15 =	vld [tilespmem:$0x2590]  }
0x8e: {  	v36 =	vld [tilespmem:$0x1E910]  }
0x8f: {  	v60 =	vadd.f32 v61, v60;
	v6 =	vadd.f32 v6, v7;
	v7 =	vld [tilespmem:$0x840]  }
0x90: {  	v21 =	vadd.f32 v53, v21;
	v53 =	vld [tilespmem:$0x780]  }
0x91: {  	v61 =	vadd.f32 v10, v60;
	v10 =	vld [tilespmem:$0x25B0]  }
0x92: {  	v60 =	vmul.f32 v16, v17;
	v16 =	vld [tilespmem:$0x820]  }
0x93: {  	v12 =	vmul.f32 v12, v20;
	v20 =	vld [tilespmem:$0xA80]  }
0x94: {  	[tilespmem:$0x1EA40] =	vst v42;
	v42 =	vld [tilespmem:$0x700]  }
0x95: {  	[tilespmem:$0x1EA20] =	vst v37;
	v37 =	vld [tilespmem:$0x2520]  }
0x96: {  	[tilespmem:$0x1EA30] =	vst v38;
	v38 =	vld [tilespmem:$0x710]  }
0x97: {  	[tilespmem:$0x1EA60] =	vst v49;
	v49 =	vld [tilespmem:$0x720]  }
0x98: {  	[tilespmem:$0x1EA50] =	vst v46;
	v46 =	vld [tilespmem:$0x2540]  }
0x99: {  	[tilespmem:$0x1EA70] =	vst v58;
	v58 =	vld [tilespmem:$0x730]  }
0x9a: {  	v21 =	vadd.f32 v55, v21;
	v6 =	vadd.f32 v60, v6;
	v60 =	vld [tilespmem:$0x1E840]  }
0x9b: {  	v15 =	vmul.f32 v15, v52;
	v52 =	vld [tilespmem:$0x990]  }
0x9c: {  	v18 =	vadd.f32 v18, v61;
	v62 =	vadd.f32 v63, v21;
	v21 =	vld [tilespmem:$0x800]  }
0x9d: {  	v63 =	vld [tilespmem:$0x1E7C0]  }
0x9e: {  	v18 =	vadd.f32 v24, v18;
	v24 =	vld [tilespmem:$0x25D0]  }
0x9f: {  	v56 =	vmul.f32 v28, v39;
	v39 =	vadd.f32 v27, v6;
	v27 =	vld [tilespmem:$0x1E880]  }
0xa0: {  	v54 =	vmul.f32 v54, v53;
	v53 =	vld [tilespmem:$0xC90]  }
0xa1: {  	[tilespmem:$0x1EAB0] =	vst v20;
	v20 =	vld [tilespmem:$0xD00]  }
0xa2: {  	[tilespmem:$0x1EA10] =	vst v58;
	v58 =	vld [tilespmem:$0x2550]  }
0xa3: {  	v61 =	vadd.f32 v56, v18;
	v18 =	vld [tilespmem:$0x830]  }
0xa4: {  	v56 =	vld [tilespmem:$0x1E820]  }
0xa5: {  	v55 =	vmul.f32 v59, v63;
	v59 =	vld [tilespmem:$0x1E7E0]  }
0xa6: {  	v63 =	vld [tilespmem:$0x1E800]  }
0xa7: {  	v8 =	vmul.f32 v24, v8;
	v24 =	vld [tilespmem:$0x2730]  }
0xa8: {  	v21 =	vmul.f32 v25, v21;
	[tilespmem:$0x1EC60] =	vst v53;
	v53 =	vld [tilespmem:$0x29C0]  }
0xa9: {  	v55 =	vadd.f32 v55, v62;
	v62 =	vld [tilespmem:$0x1E7F0]  }
0xaa: {  	v8 =	vadd.f32 v8, v21;
	v21 =	vld [tilespmem:$0x2780]  }
0xab: {  	v28 =	vmul.f32 v59, v57;
	v57 =	vmul.f32 v13, v14;
	v13 =	vld [tilespmem:$0x2600]  }
0xac: {  	v59 =	vld [tilespmem:$0x1E830]  }
0xad: {  	[tilespmem:$0x1EC50] =	vst v53;
	v53 =	vld [tilespmem:$0xE80]  }
0xae: {  	v9 =	vadd.f32 v28, v55;
	v28 =	vmul.f32 v4, v5;
	v4 =	vld [tilespmem:$0x25F0]  }
0xaf: {  	v55 =	vld [tilespmem:$0x1E810]  }
0xb0: {  	v2 =	vmul.f32 v2, v3;
	v3 =	vmul.f32 v63, v62;
	v62 =	vld [tilespmem:$0x1E860]  }
0xb1: {  	v5 =	vadd.f32 v43, v39;
	v39 =	vld [tilespmem:$0x1E8A0]  }
0xb2: {  	v63 =	vmul.f32 v22, v23;
	v23 =	vld [tilespmem:$0x860]  }
0xb3: {  	v43 =	vld [tilespmem:$0x1E8B0]  }
0xb4: {  	v22 =	vmul.f32 v27, v26;
	v27 =	vld [tilespmem:$0x2630]  }
0xb5: {  	v0 =	vadd.f32 v0, v2;
	[tilespmem:$0x1EAC0] =	vst v21;
	v21 =	vld [tilespmem:$0xD70]  }
0xb6: {  	v3 =	vadd.f32 v3, v61;
	v61 =	vld [tilespmem:$0x1E850]  }
0xb7: {  	v0 =	vadd.f32 v28, v0;
	v28 =	vld [tilespmem:$0x1E890]  }
0xb8: {  	v14 =	vmul.f32 v60, v59;
	v60 =	vmul.f32 v34, v40;
	v34 =	vld [tilespmem:$0x2640]  }
0xb9: {  	v59 =	vmul.f32 v44, v48;
	v44 =	vld [tilespmem:$0x1E950]  }
0xba: {  	v40 =	vmul.f32 v45, v50;
	v45 =	vld [tilespmem:$0x1E960]  }
0xbb: {  	v48 =	vld [tilespmem:$0x1E970]  }
0xbc: {  	v50 =	vld [tilespmem:$0x1E980]  }
0xbd: {  	v0 =	vadd.f32 v57, v0;
	v57 =	vld [tilespmem:$0x1E8E0]  }
0xbe: {  	[tilespmem:$0x1ED90] =	vst v53;
	v53 =	vld [tilespmem:$0x2A40]  }
0xbf: {  	v9 =	vadd.f32 v14, v9;
	v14 =	vld [tilespmem:$0x2620]  }
0xc0: {  	v17 =	vmul.f32 v56, v55;
	v55 =	vld [tilespmem:$0x1E8C0]  }
0xc1: {  	v56 =	vld [tilespmem:$0x1E8D0]  }
0xc2: {  	v0 =	vadd.f32 v63, v0;
	v63 =	vld [tilespmem:$0x1E900]  }
0xc3: {  	v1 =	vmul.f32 v1, v16;
	[tilespmem:$0x1EC20] =	vst v21;
	v21 =	vld [tilespmem:$0xE00]  }
0xc4: {  	v3 =	vadd.f32 v17, v3;
	v17 =	vld [tilespmem:$0x2610]  }
0xc5: {  	v1 =	vadd.f32 v1, v8;
	v4 =	vmul.f32 v4, v18;
	v6 =	vmul.f32 v62, v61;
	v62 =	vld [tilespmem:$0x1E8F0]  }
0xc6: {  	[tilespmem:$0x3600] =	vst v9;
	v9 =	vld [tilespmem:$0xC00]  }
0xc7: {  	v1 =	vadd.f32 v4, v1;
	v4 =	vld [tilespmem:$0x2850]  }
0xc8: {  	v0 =	vadd.f32 v41, v0;
	v41 =	vld [tilespmem:$0x1E930]  }
0xc9: {  	v61 =	vmul.f32 v32, v35;
	v35 =	vmul.f32 v45, v44;
	v44 =	vld [tilespmem:$0x1E9E0]  }
0xca: {  	v45 =	vld [tilespmem:$0x1E9F0]  }
0xcb: {  	v3 =	vadd.f32 v22, v3;
	v22 =	vld [tilespmem:$0x870]  }
0xcc: {  	v5 =	vadd.f32 v6, v5;
	v6 =	vmul.f32 v39, v28;
	v39 =	vld [tilespmem:$0x1E920]  }
0xcd: {  	v28 =	vld [tilespmem:$0x890]  }
0xce: {  	v26 =	vmul.f32 v57, v56;
	v56 =	vld [tilespmem:$0x1E990]  }
0xcf: {  	v57 =	vld [tilespmem:$0x1E9A0]  }
0xd0: {  	v0 =	vadd.f32 v59, v0;
	v59 =	vld [tilespmem:$0x1E9B0]  }
0xd1: {  	v5 =	vadd.f32 v6, v5;
	v6 =	vmul.f32 v55, v43;
	v43 =	vld [tilespmem:$0x1E940]  }
0xd2: {  	v55 =	vmul.f32 v37, v42;
	v37 =	vld [tilespmem:$0x2660]  }
0xd3: {  	v32 =	vmul.f32 v63, v62;
	v63 =	vld [tilespmem:$0x2670]  }
0xd4: {  	v62 =	vmul.f32 v46, v49;
	v46 =	vld [tilespmem:$0x1EA00]  }
0xd5: {  	v3 =	vadd.f32 v26, v3;
	v26 =	vmul.f32 v50, v48;
	v48 =	vld [tilespmem:$0x1EA10]  }
0xd6: {  	v49 =	vld [tilespmem:$0x2680]  }
0xd7: {  	v50 =	vld [tilespmem:$0x1EA20]  }
0xd8: {  	v42 =	vmul.f32 v13, v7;
	v5 =	vadd.f32 v6, v5;
	v6 =	vadd.f32 v61, v60;
	v60 =	vld [tilespmem:$0x1E9C0]  }
0xd9: {  	v61 =	vld [tilespmem:$0x910]  }
0xda: {  	v1 =	vadd.f32 v42, v1;
	v42 =	vld [tilespmem:$0xB50]  }
0xdb: {  	v2 =	vmul.f32 v39, v36;
	v36 =	vld [tilespmem:$0x900]  }
0xdc: {  	[tilespmem:$0x3610] =	vst v3;
	v3 =	vld [tilespmem:$0xB00]  }
0xdd: {  	v5 =	vadd.f32 v32, v5;
	v32 =	vld [tilespmem:$0x2650]  }
0xde: {  	v33 =	vmul.f32 v33, v38;
	v38 =	vmul.f32 v57, v56;
	v57 =	vld [tilespmem:$0x930]  }
0xdf: {  	v56 =	vmul.f32 v51, v47;
	v51 =	vld [tilespmem:$0x26E0]  }
0xe0: {  	v47 =	vmul.f32 v17, v19;
	v19 =	vld [tilespmem:$0xA70]  }
0xe1: {  	v0 =	vadd.f32 v2, v0;
	v2 =	vmul.f32 v43, v41;
	v43 =	vld [tilespmem:$0x1E9D0]  }
0xe2: {  	v41 =	vld [tilespmem:$0x960]  }
0xe3: {  	v6 =	vadd.f32 v40, v6;
	v40 =	vmul.f32 v46, v45;
	v45 =	vld [tilespmem:$0x1EA50]  }
0xe4: {  	v46 =	vld [tilespmem:$0x970]  }
0xe5: {  	v5 =	vadd.f32 v35, v5;
	v35 =	vld [tilespmem:$0xB90]  }
0xe6: {  	v1 =	vadd.f32 v47, v1;
	v47 =	vld [tilespmem:$0x28B0]  }
0xe7: {  	v0 =	vadd.f32 v2, v0;
	v2 =	vadd.f32 v33, v55;
	v55 =	vld [tilespmem:$0x1EA30]  }
0xe8: {  	v33 =	vmul.f32 v58, v48;
	v58 =	vld [tilespmem:$0x2690]  }
0xe9: {  	v6 =	vadd.f32 v26, v6;
	v26 =	vmul.f32 v60, v59;
	v60 =	vmul.f32 v63, v61;
	v61 =	vld [tilespmem:$0x940]  }
0xea: {  	v48 =	vld [tilespmem:$0x26D0]  }
0xeb: {  	v63 =	vmul.f32 v31, v30;
	v30 =	vld [tilespmem:$0xB40]  }
0xec: {  	v31 =	vld [tilespmem:$0x2810]  }
0xed: {  	v59 =	vmul.f32 v37, v36;
	v37 =	vld [tilespmem:$0x950]  }
0xee: {  	[tilespmem:$0x3620] =	vst v5;
	v5 =	vld [tilespmem:$0xC10]  }
0xef: {  	v0 =	vadd.f32 v38, v0;
	v38 =	vld [tilespmem:$0x920]  }
0xf0: {  	v2 =	vadd.f32 v62, v2;
	v62 =	vld [tilespmem:$0x26A0]  }
0xf1: {  	[tilespmem:$0x1EAA0] =	vst v19;
	v19 =	vld [tilespmem:$0x2940]  }
0xf2: {  	v6 =	vadd.f32 v26, v6;
	v26 =	vmul.f32 v44, v43;
	v43 =	vld [tilespmem:$0x26C0]  }
0xf3: {  	v44 =	vld [tilespmem:$0x1EA40]  }
0xf4: {  	v25 =	vadd.f32 v60, v59;
	v60 =	vmul.f32 v34, v29;
	v29 =	vld [tilespmem:$0xA30]  }
0xf5: {  	v34 =	vld [tilespmem:$0x2820]  }
0xf6: {  	v2 =	vadd.f32 v33, v2;
	v33 =	vld [tilespmem:$0xA10]  }
0xf7: {  	[tilespmem:$0x3630] =	vst v0;
	v0 =	vld [tilespmem:$0x27B0]  }
0xf8: {  	[tilespmem:$0x1EB80] =	vst v35;
	v35 =	vld [tilespmem:$0xD80]  }
0xf9: {  	[tilespmem:$0x1EB70] =	vst v47;
	v47 =	vld [tilespmem:$0x29B0]  }
0xfa: {  	v59 =	vmul.f32 v48, v46;
	v48 =	vld [tilespmem:$0x2700]  }
0xfb: {  	v6 =	vadd.f32 v26, v6;
	v26 =	vmul.f32 v55, v50;
	v55 =	vmul.f32 v27, v22;
	v22 =	vld [tilespmem:$0x2710]  }
0xfc: {  	v50 =	vmul.f32 v14, v23;
	v23 =	vld [tilespmem:$0x2720]  }
0xfd: {  	v27 =	vld [tilespmem:$0xB70]  }
0xfe: {  	v46 =	vld [tilespmem:$0xC70]  }
0xff: {  	v14 =	vld [tilespmem:$0x28F0]  }
0x100: {  	[tilespmem:$0x1EAE0] =	vst v31;
	v31 =	vld [tilespmem:$0x2900]  }
0x101: {  	v2 =	vadd.f32 v56, v2;
	v56 =	vld [tilespmem:$0x26F0]  }
0x102: {  	v36 =	vmul.f32 v49, v38;
	v38 =	vld [tilespmem:$0x26B0]  }
0x103: {  	v49 =	vld [tilespmem:$0x980]  }
0x104: {  	v6 =	vadd.f32 v40, v6;
	v40 =	vmul.f32 v58, v57;
	v57 =	vld [tilespmem:$0x1EA60]  }
0x105: {  	v58 =	vld [tilespmem:$0x1EA70]  }
0x106: {  	v16 =	vmul.f32 v62, v61;
	v61 =	vmul.f32 v10, v11;
	v10 =	vld [tilespmem:$0x27D0]  }
0x107: {  	v1 =	vadd.f32 v50, v1;
	v50 =	vld [tilespmem:$0xC80]  }
0x108: {  	[tilespmem:$0x1EC10] =	vst v19;
	v19 =	vld [tilespmem:$0xE10]  }
0x109: {  	v2 =	vadd.f32 v63, v2;
	v63 =	vld [tilespmem:$0xA00]  }
0x10a: {  	v7 =	vmul.f32 v43, v41;
	v41 =	vld [tilespmem:$0x27F0]  }
0x10b: {  	v13 =	vmul.f32 v45, v44;
	v45 =	vld [tilespmem:$0xC40]  }
0x10c: {  	v43 =	vld [tilespmem:$0x2880]  }
0x10d: {  	v44 =	vld [tilespmem:$0x28A0]  }
0x10e: {  	[tilespmem:$0x1EB20] =	vst v34;
	v34 =	vld [tilespmem:$0xD20]  }
0x10f: {  	v39 =	vadd.f32 v36, v25;
	v36 =	vld [tilespmem:$0x2740]  }
0x110: {  	v25 =	vld [tilespmem:$0xA90]  }
0x111: {  	v6 =	vadd.f32 v26, v6;
	v26 =	vld [tilespmem:$0x2790]  }
0x112: {  	v1 =	vadd.f32 v55, v1;
	v55 =	vld [tilespmem:$0x2800]  }
0x113: {  	[tilespmem:$0x1ECA0] =	vst v35;
	v35 =	vld [tilespmem:$0xE20]  }
0x114: {  	v2 =	vadd.f32 v12, v2;
	v12 =	vmul.f32 v32, v28;
	v28 =	vld [tilespmem:$0xA20]  }
0x115: {  	v32 =	vld [tilespmem:$0xB80]  }
0x116: {  	[tilespmem:$0x1EAD0] =	vst v27;
	v27 =	vld [tilespmem:$0xC30]  }
0x117: {  	[tilespmem:$0x1EB60] =	vst v46;
	v46 =	vld [tilespmem:$0x2910]  }
0x118: {  	v18 =	vadd.f32 v40, v39;
	v40 =	vld [tilespmem:$0xA40]  }
0x119: {  	v1 =	vadd.f32 v60, v1;
	v60 =	vld [tilespmem:$0x2760]  }
0x11a: {  	v39 =	vld [tilespmem:$0xC60];
	v8 =	vmul.f32 v38, v37;
	v16 =	vadd.f32 v16, v18  }
0x11b: {  	v62 =	vmul.f32 v51, v49;
	v51 =	vld [tilespmem:$0xA50]  }
0x11c: {  	v49 =	vld [tilespmem:$0x2750];
	v8 =	vadd.f32 v8, v16  }
0x11d: {  	v37 =	vld [tilespmem:$0x2830]  }
0x11e: {  	v38 =	vld [tilespmem:$0xC50];
	v7 =	vadd.f32 v7, v8  }
0x11f: {  	[tilespmem:$0x1EBC0] =	vst v50;
	v50 =	vld [tilespmem:$0xE30]  }
0x120: {  	v1 =	vadd.f32 v12, v1;
	v12 =	vld [tilespmem:$0xB30];
	v7 =	vadd.f32 v59, v7  }
0x121: {  	v18 =	vmul.f32 v58, v57;
	v57 =	vld [tilespmem:$0x2890]  }
0x122: {  	v2 =	vadd.f32 v15, v2;
	v15 =	vadd.f32 v62, v7;
	v62 =	vld [tilespmem:$0xD50]  }
0x123: {  	v58 =	vld [tilespmem:$0xD40]  }
0x124: {  	[tilespmem:$0x1EA80] =	vst v63;
	v63 =	vld [tilespmem:$0x2930]  }
0x125: {  	[tilespmem:$0x1EB50] =	vst v44;
	v44 =	vld [tilespmem:$0xE40]  }
0x126: {  	[tilespmem:$0x1EAF0] =	vst v25;
	v25 =	vld [tilespmem:$0x27E0]  }
0x127: {  	[tilespmem:$0x1EBE0] =	vst v62;
	v62 =	vld [tilespmem:$0x29E0]  }
0x128: {  	v6 =	vadd.f32 v13, v6;
	[tilespmem:$0x1EB00] =	vst v26;
	v26 =	vld [tilespmem:$0x2870]  }
0x129: {  	v2 =	vadd.f32 v54, v2;
	v54 =	vld [tilespmem:$0x28D0]  }
0x12a: {  	v11 =	vadd.f32 v18, v6;
	v18 =	vld [tilespmem:$0xA60]  }
0x12b: {  	[tilespmem:$0x1EBF0] =	vst v63;
	v63 =	vld [tilespmem:$0xE70]  }
0x12c: {  	[tilespmem:$0x1ECD0] =	vst v62;
	v62 =	vld [tilespmem:$0xF30]  }
0x12d: {  	[tilespmem:$0x3660] =	vst v1;
	v1 =	vld [tilespmem:$0xB10]  }
0x12e: {  	v6 =	vld [tilespmem:$0x27C0]  }
0x12f: {  	v16 =	vmul.f32 v56, v52;
	v56 =	vld [tilespmem:$0xB60]  }
0x130: {  	[tilespmem:$0x1ED00] =	vst v63;
	v63 =	vld [tilespmem:$0x2A50]  }
0x131: {  	[tilespmem:$0x1ECE0] =	vst v62;
	v62 =	vld [tilespmem:$0xF40]  }
0x132: {  	v52 =	vld [tilespmem:$0x28C0]  }
0x133: {  	[tilespmem:$0x1EB10] =	vst v32;
	v32 =	vld [tilespmem:$0x2950]  }
0x134: {  	v13 =	vadd.f32 v61, v2;
	v61 =	vld [tilespmem:$0x2770]  }
0x135: {  	[tilespmem:$0x1ECF0] =	vst v63;
	v63 =	vld [tilespmem:$0x2A60]  }
0x136: {  	[tilespmem:$0x1ED40] =	vst v62;
	v62 =	vld [tilespmem:$0xF50]  }
0x137: {  	v2 =	vld [tilespmem:$0x27A0]  }
0x138: {  	[tilespmem:$0x1EB40] =	vst v39;
	v39 =	vld [tilespmem:$0x2970]  }
0x139: {  	v8 =	vld [tilespmem:$0xB20]  }
0x13a: {  	[tilespmem:$0x1ED50] =	vst v63;
	v63 =	vld [tilespmem:$0x2A70]  }
0x13b: {  	[tilespmem:$0x1EDB0] =	vst v62;
	v62 =	vld [tilespmem:$0xF60]  }
0x13c: {  	[tilespmem:$0x3640] =	vst v11;
	v11 =	vld [tilespmem:$0x2860]  }
0x13d: {  	[tilespmem:$0x1EB90] =	vst v37;
	v37 =	vld [tilespmem:$0x2960]  }
0x13e: {  	[tilespmem:$0x1EB30] =	vst v38;
	v38 =	vld [tilespmem:$0xD90]  }
0x13f: {  	[tilespmem:$0x1EDC0] =	vst v63;
	v63 =	vld [tilespmem:$0x2A80]  }
0x140: {  	[tilespmem:$0x1EDF0] =	vst v62;
	v62 =	vld [tilespmem:$0xF70]  }
0x141: {  	[tilespmem:$0x3650] =	vst v13;
	v13 =	vld [tilespmem:$0xC20]  }
0x142: {  	[tilespmem:$0x1EBA0] =	vst v58;
	v58 =	vld [tilespmem:$0x29D0]  }
0x143: {  	[tilespmem:$0x1EC40] =	vst v44;
	v44 =	vld [tilespmem:$0x29F0]  }
0x144: {  	[tilespmem:$0x1EE00] =	vst v63;
	v63 =	vld [tilespmem:$0x2A90]  }
0x145: {  	[tilespmem:$0x1EE10] =	vst v62;
	v62 =	vld [tilespmem:$0xF80]  }
0x146: {  	v59 =	vld [tilespmem:$0x2920]  }
0x147: {  	[tilespmem:$0x1EC70] =	vst v54;
	v54 =	vld [tilespmem:$0xE50]  }
0x148: {  	[tilespmem:$0x1EBD0] =	vst v52;
	v52 =	vld [tilespmem:$0xD30]  }
0x149: {  	[tilespmem:$0x1EE20] =	vst v63;
	v63 =	vld [tilespmem:$0x2AA0]  }
0x14a: {  	[tilespmem:$0x1EED0] =	vst v62;
	v62 =	vld [tilespmem:$0xF90]  }
0x14b: {  	[tilespmem:$0x1EA90] =	vst v18;
	v18 =	vld [tilespmem:$0xD60]  }
0x14c: {  	[tilespmem:$0x1EC30] =	vst v32;
	v32 =	vld [tilespmem:$0x29A0]  }
0x14d: {  	v7 =	vld [tilespmem:$0x2840];
	[tilespmem:$0x1ED30] =	vst v39  }
0x14e: {  	[tilespmem:$0x1EEE0] =	vst v63;
	v63 =	vld [tilespmem:$0x2AB0]  }
0x14f: {  	[tilespmem:$0x1EFD0] =	vst v62;
	v62 =	vld [tilespmem:$0x1000]  }
0x150: {  	v39 =	vld [tilespmem:$0xF10];
	[tilespmem:$0x1ECB0] =	vst v37  }
0x151: {  	[tilespmem:$0x1ED20] =	vst v38;
	v38 =	vld [tilespmem:$0x2A20]  }
0x152: {  	v37 =	vld [tilespmem:$0x2A30];
	[tilespmem:$0x1EC90] =	vst v58  }
0x153: {  	[tilespmem:$0x1EFE0] =	vst v63;
	v63 =	vld [tilespmem:$0x2AC0]  }
0x154: {  	[tilespmem:$0x1ED60] =	vst v62;
	v62 =	vld [tilespmem:$0x1010]  }
0x155: {  	v17 =	vadd.f32 v16, v15;
	v16 =	vld [tilespmem:$0x28E0];
	[tilespmem:$0x1ED10] =	vst v44  }
0x156: {  	v15 =	vld [tilespmem:$0x2990];
	[tilespmem:$0x1EBB0] =	vst v59  }
0x157: {  	[tilespmem:$0x1EC80] =	vst v54;
	v59 =	vld [tilespmem:$0xE60]  }
0x158: {  	[tilespmem:$0x1ED70] =	vst v63;
	v63 =	vld [tilespmem:$0x1020]  }
0x159: {  	[tilespmem:$0x1ED80] =	vst v62;
	v62 =	vld [tilespmem:$0x2AE0]  }
0x15a: {  	v58 =	vld [tilespmem:$0xE90];
	[tilespmem:$0x3670] =	vst v17  }
0x15b: {  	v54 =	vld [tilespmem:$0x2A00];
	[tilespmem:$0x1EC00] =	vst v18  }
0x15c: {  	[tilespmem:$0x1ECC0] =	vst v59;
	v59 =	vld [tilespmem:$0x2A10]  }
0x15d: {  	[tilespmem:$0x1EDD0] =	vst v63;
	v63 =	vld [tilespmem:$0x1030]  }
0x15e: {  	[tilespmem:$0x1EDE0] =	vst v62;
	v62 =	vld [tilespmem:$0x2AF0]  }
0x15f: {  	v44 =	vld [tilespmem:$0xF00];
	[tilespmem:$0x1EE70] =	vst v58  }
0x160: {  	v17 =	vld [tilespmem:$0xD10];
	[tilespmem:$0x1EDA0] =	vst v54  }
0x161: {  	v18 =	vld [tilespmem:$0x2980];
	[tilespmem:$0x1EE80] =	vst v59  }
0x162: {  	v58 =	vld [tilespmem:$0x2AD0];
	[tilespmem:$0x1EE30] =	vst v63  }
0x163: {  	v54 =	vld [tilespmem:$0xF20];
	[tilespmem:$0x1EE40] =	vst v62  }
0x164: {  	v59 =	vld [tilespmem:$0x1040]  }
0x165: {  	v62 =	vld [tilespmem:$0x1050];
	_ =	sdelay $0x4  }
0x166: {  	[tilespmem:$0x1EEF0] =	vst v62;
	v62 =	vld [tilespmem:$0x1060];
	_ =	sdelay $0x4  }
0x167: {  	[tilespmem:$0x1EF30] =	vst v62;
	v62 =	vld [tilespmem:$0x1070];
	_ =	sdelay $0x4  }
0x168: {  	[tilespmem:$0x1EF50] =	vst v62;
	v62 =	vld [tilespmem:$0x1080];
	_ =	sdelay $0x4  }
0x169: {  	[tilespmem:$0x1F030] =	vst v62;
	v62 =	vld [tilespmem:$0x1090];
	_ =	sdelay $0x4  }
0x16a: {  	[tilespmem:$0x1F0B0] =	vst v62;
	v62 =	vld [tilespmem:$0x1100];
	_ =	sdelay $0x4  }
0x16b: {  	[tilespmem:$0x1EE50] =	vst v62;
	v62 =	vld [tilespmem:$0x1120];
	_ =	sdelay $0x4  }
0x16c: {  	[tilespmem:$0x1EEB0] =	vst v62;
	v62 =	vld [tilespmem:$0x2B80];
	_ =	sdelay $0x4  }
0x16d: {  	[tilespmem:$0x1EEC0] =	vst v62;
	v62 =	vld [tilespmem:$0x1130];
	_ =	sdelay $0x4  }
0x16e: {  	[tilespmem:$0x1EF10] =	vst v62;
	v62 =	vld [tilespmem:$0x2B90];
	_ =	sdelay $0x4  }
0x16f: {  	[tilespmem:$0x1EF20] =	vst v62;
	v62 =	vld [tilespmem:$0x1140];
	_ =	sdelay $0x4  }
0x170: {  	[tilespmem:$0x1EF70] =	vst v62;
	v62 =	vld [tilespmem:$0x2BA0];
	_ =	sdelay $0x4  }
0x171: {  	[tilespmem:$0x1EF80] =	vst v62;
	v62 =	vld [tilespmem:$0x1150];
	_ =	sdelay $0x4  }
0x172: {  	[tilespmem:$0x1EFF0] =	vst v62;
	v62 =	vld [tilespmem:$0x2BB0];
	_ =	sdelay $0x4  }
0x173: {  	[tilespmem:$0x1F000] =	vst v62;
	v62 =	vld [tilespmem:$0x1160];
	_ =	sdelay $0x4  }
0x174: {  	[tilespmem:$0x1F050] =	vst v62;
	v62 =	vld [tilespmem:$0x2BC0];
	_ =	sdelay $0x4  }
0x175: {  	[tilespmem:$0x1F060] =	vst v62;
	v62 =	vld [tilespmem:$0x1170];
	_ =	sdelay $0x4  }
0x176: {  	[tilespmem:$0x1F090] =	vst v62;
	v62 =	vld [tilespmem:$0x2BD0];
	_ =	sdelay $0x4  }
0x177: {  	[tilespmem:$0x1F0A0] =	vst v62;
	v62 =	vld [tilespmem:$0x1180];
	_ =	sdelay $0x4  }
0x178: {  	[tilespmem:$0x1F130] =	vst v62;
	v62 =	vld [tilespmem:$0x2BE0];
	_ =	sdelay $0x4  }
0x179: {  	[tilespmem:$0x1F140] =	vst v62;
	v62 =	vld [tilespmem:$0x1190];
	_ =	sdelay $0x4  }
0x17a: {  	[tilespmem:$0x1F230] =	vst v62;
	v62 =	vld [tilespmem:$0x2BF0];
	_ =	sdelay $0x4  }
0x17b: {  	[tilespmem:$0x1F240] =	vst v62;
	v62 =	vld [tilespmem:$0x1200];
	_ =	sdelay $0x4  }
0x17c: {  	[tilespmem:$0x1EF90] =	vst v62;
	v62 =	vld [tilespmem:$0x2C00];
	_ =	sdelay $0x4  }
0x17d: {  	[tilespmem:$0x1EFA0] =	vst v62;
	v62 =	vld [tilespmem:$0x1210];
	_ =	sdelay $0x4  }
0x17e: {  	[tilespmem:$0x1EFB0] =	vst v62;
	v62 =	vld [tilespmem:$0x2C10];
	_ =	sdelay $0x4  }
0x17f: {  	[tilespmem:$0x1EFC0] =	vst v62;
	v62 =	vld [tilespmem:$0x1220];
	_ =	sdelay $0x4  }
0x180: {  	[tilespmem:$0x1F010] =	vst v62;
	v62 =	vld [tilespmem:$0x2C20];
	_ =	sdelay $0x4  }
0x181: {  	[tilespmem:$0x1F020] =	vst v62;
	v62 =	vld [tilespmem:$0x1230];
	_ =	sdelay $0x4  }
0x182: {  	[tilespmem:$0x1F070] =	vst v62;
	v62 =	vld [tilespmem:$0x2C30];
	_ =	sdelay $0x4  }
0x183: {  	[tilespmem:$0x1F080] =	vst v62;
	v62 =	vld [tilespmem:$0x1240];
	_ =	sdelay $0x4  }
0x184: {  	[tilespmem:$0x1F0D0] =	vst v62;
	v62 =	vld [tilespmem:$0x2C40];
	_ =	sdelay $0x4  }
0x185: {  	[tilespmem:$0x1F0E0] =	vst v62;
	v62 =	vld [tilespmem:$0x1250];
	_ =	sdelay $0x4  }
0x186: {  	[tilespmem:$0x1F150] =	vst v62;
	v62 =	vld [tilespmem:$0x2C50];
	_ =	sdelay $0x4  }
0x187: {  	[tilespmem:$0x1F160] =	vst v62;
	v62 =	vld [tilespmem:$0x1260];
	_ =	sdelay $0x4  }
0x188: {  	[tilespmem:$0x1F190] =	vst v62;
	v62 =	vld [tilespmem:$0x2C60];
	_ =	sdelay $0x4  }
0x189: {  	[tilespmem:$0x1F1A0] =	vst v62;
	v62 =	vld [tilespmem:$0x1270];
	_ =	sdelay $0x4  }
0x18a: {  	[tilespmem:$0x1F1B0] =	vst v62;
	v62 =	vld [tilespmem:$0x2C70];
	_ =	sdelay $0x4  }
0x18b: {  	[tilespmem:$0x1F1C0] =	vst v62;
	v62 =	vld [tilespmem:$0x1280];
	_ =	sdelay $0x4  }
0x18c: {  	[tilespmem:$0x1F290] =	vst v62;
	v62 =	vld [tilespmem:$0x2C80];
	_ =	sdelay $0x4  }
0x18d: {  	[tilespmem:$0x1F2A0] =	vst v62;
	v62 =	vld [tilespmem:$0x1290];
	_ =	sdelay $0x4  }
0x18e: {  	[tilespmem:$0x1F390] =	vst v62;
	v62 =	vld [tilespmem:$0x2C90];
	_ =	sdelay $0x4  }
0x18f: {  	[tilespmem:$0x1F3A0] =	vst v62;
	v62 =	vld [tilespmem:$0x1300];
	_ =	sdelay $0x4  }
0x190: {  	[tilespmem:$0x1F0F0] =	vst v62;
	v62 =	vld [tilespmem:$0x2CA0];
	_ =	sdelay $0x4  }
0x191: {  	[tilespmem:$0x1F100] =	vst v62;
	v62 =	vld [tilespmem:$0x1310];
	_ =	sdelay $0x4  }
0x192: {  	[tilespmem:$0x1F110] =	vst v62;
	v62 =	vld [tilespmem:$0x2CB0];
	_ =	sdelay $0x4  }
0x193: {  	[tilespmem:$0x1F120] =	vst v62;
	v62 =	vld [tilespmem:$0x1320];
	_ =	sdelay $0x4  }
0x194: {  	[tilespmem:$0x1F170] =	vst v62;
	v62 =	vld [tilespmem:$0x2CC0];
	_ =	sdelay $0x4  }
0x195: {  	[tilespmem:$0x1F180] =	vst v62;
	v62 =	vld [tilespmem:$0x1330];
	_ =	sdelay $0x4  }
0x196: {  	[tilespmem:$0x1F1D0] =	vst v62;
	v62 =	vld [tilespmem:$0x2CD0];
	_ =	sdelay $0x4  }
0x197: {  	[tilespmem:$0x1F1E0] =	vst v62;
	v62 =	vld [tilespmem:$0x1340];
	_ =	sdelay $0x4  }
0x198: {  	[tilespmem:$0x1F250] =	vst v62;
	v62 =	vld [tilespmem:$0x2CE0];
	_ =	sdelay $0x4  }
0x199: {  	[tilespmem:$0x1F260] =	vst v62;
	v62 =	vld [tilespmem:$0x1350];
	_ =	sdelay $0x4  }
0x19a: {  	[tilespmem:$0x1F2B0] =	vst v62;
	v62 =	vld [tilespmem:$0x2CF0];
	_ =	sdelay $0x4  }
0x19b: {  	[tilespmem:$0x1F2C0] =	vst v62;
	v62 =	vld [tilespmem:$0x1360];
	_ =	sdelay $0x4  }
0x19c: {  	[tilespmem:$0x1F2F0] =	vst v62;
	v62 =	vld [tilespmem:$0x2D00];
	_ =	sdelay $0x4  }
0x19d: {  	[tilespmem:$0x1F300] =	vst v62;
	v62 =	vld [tilespmem:$0x1370];
	_ =	sdelay $0x4  }
0x19e: {  	[tilespmem:$0x1F310] =	vst v62;
	v62 =	vld [tilespmem:$0x2D10];
	_ =	sdelay $0x4  }
0x19f: {  	[tilespmem:$0x1F320] =	vst v62;
	v62 =	vld [tilespmem:$0x1380];
	_ =	sdelay $0x4  }
0x1a0: {  	[tilespmem:$0x1F3F0] =	vst v62;
	v62 =	vld [tilespmem:$0x2D20];
	_ =	sdelay $0x4  }
0x1a1: {  	[tilespmem:$0x1F400] =	vst v62;
	v62 =	vld [tilespmem:$0x1390];
	_ =	sdelay $0x4  }
0x1a2: {  	[tilespmem:$0x1F470] =	vst v62;
	v62 =	vld [tilespmem:$0x2D30];
	_ =	sdelay $0x4  }
0x1a3: {  	[tilespmem:$0x1F480] =	vst v62;
	v62 =	vld [tilespmem:$0x1400];
	_ =	sdelay $0x4  }
0x1a4: {  	[tilespmem:$0x1F1F0] =	vst v62;
	v62 =	vld [tilespmem:$0x2D40];
	_ =	sdelay $0x4  }
0x1a5: {  	[tilespmem:$0x1F200] =	vst v62;
	v62 =	vld [tilespmem:$0x1410];
	_ =	sdelay $0x4  }
0x1a6: {  	[tilespmem:$0x1F210] =	vst v62;
	v62 =	vld [tilespmem:$0x2D50];
	_ =	sdelay $0x4  }
0x1a7: {  	[tilespmem:$0x1F220] =	vst v62;
	v62 =	vld [tilespmem:$0x1420];
	_ =	sdelay $0x4  }
0x1a8: {  	[tilespmem:$0x1F270] =	vst v62;
	v62 =	vld [tilespmem:$0x2D60];
	_ =	sdelay $0x4  }
0x1a9: {  	[tilespmem:$0x1F280] =	vst v62;
	v62 =	vld [tilespmem:$0x1430];
	_ =	sdelay $0x4  }
0x1aa: {  	[tilespmem:$0x1F2D0] =	vst v62;
	v62 =	vld [tilespmem:$0x2D70];
	_ =	sdelay $0x4  }
0x1ab: {  	[tilespmem:$0x1F2E0] =	vst v62;
	v62 =	vld [tilespmem:$0x1440];
	_ =	sdelay $0x4  }
0x1ac: {  	[tilespmem:$0x1F330] =	vst v62;
	v62 =	vld [tilespmem:$0x2D80];
	_ =	sdelay $0x4  }
0x1ad: {  	[tilespmem:$0x1F340] =	vst v62;
	v62 =	vld [tilespmem:$0x1450];
	_ =	sdelay $0x4  }
0x1ae: {  	[tilespmem:$0x1F3B0] =	vst v62;
	v62 =	vld [tilespmem:$0x2D90];
	_ =	sdelay $0x4  }
0x1af: {  	[tilespmem:$0x1F3C0] =	vst v62;
	v62 =	vld [tilespmem:$0x1460];
	_ =	sdelay $0x4  }
0x1b0: {  	[tilespmem:$0x1F410] =	vst v62;
	v62 =	vld [tilespmem:$0x2DA0];
	_ =	sdelay $0x4  }
0x1b1: {  	[tilespmem:$0x1F420] =	vst v62;
	v62 =	vld [tilespmem:$0x1470];
	_ =	sdelay $0x4  }
0x1b2: {  	[tilespmem:$0x1F450] =	vst v62;
	v62 =	vld [tilespmem:$0x2DB0];
	_ =	sdelay $0x4  }
0x1b3: {  	[tilespmem:$0x1F460] =	vst v62;
	v62 =	vld [tilespmem:$0x1480];
	_ =	sdelay $0x4  }
0x1b4: {  	[tilespmem:$0x1F4F0] =	vst v62;
	v62 =	vld [tilespmem:$0x2DC0];
	_ =	sdelay $0x4  }
0x1b5: {  	[tilespmem:$0x1F500] =	vst v62;
	v62 =	vld [tilespmem:$0x1490];
	_ =	sdelay $0x4  }
0x1b6: {  	[tilespmem:$0x1F5F0] =	vst v62;
	v62 =	vld [tilespmem:$0x2DD0];
	_ =	sdelay $0x4  }
0x1b7: {  	[tilespmem:$0x1F600] =	vst v62;
	v62 =	vld [tilespmem:$0x1500];
	_ =	sdelay $0x4  }
0x1b8: {  	[tilespmem:$0x1F350] =	vst v62;
	v62 =	vld [tilespmem:$0x2DE0];
	_ =	sdelay $0x4  }
0x1b9: {  	[tilespmem:$0x1F360] =	vst v62;
	v62 =	vld [tilespmem:$0x1510];
	_ =	sdelay $0x4  }
0x1ba: {  	[tilespmem:$0x1F370] =	vst v62;
	v62 =	vld [tilespmem:$0x2DF0];
	_ =	sdelay $0x4  }
0x1bb: {  	[tilespmem:$0x1F380] =	vst v62;
	v62 =	vld [tilespmem:$0x1520];
	_ =	sdelay $0x4  }
0x1bc: {  	[tilespmem:$0x1F3D0] =	vst v62;
	v62 =	vld [tilespmem:$0x2E00];
	_ =	sdelay $0x4  }
0x1bd: {  	[tilespmem:$0x1F3E0] =	vst v62;
	v62 =	vld [tilespmem:$0x1530];
	_ =	sdelay $0x4  }
0x1be: {  	[tilespmem:$0x1F430] =	vst v62;
	v62 =	vld [tilespmem:$0x2E10];
	_ =	sdelay $0x4  }
0x1bf: {  	[tilespmem:$0x1F440] =	vst v62;
	v62 =	vld [tilespmem:$0x1540];
	_ =	sdelay $0x4  }
0x1c0: {  	[tilespmem:$0x1F490] =	vst v62;
	v62 =	vld [tilespmem:$0x2E20];
	_ =	sdelay $0x4  }
0x1c1: {  	[tilespmem:$0x1F4A0] =	vst v62;
	v62 =	vld [tilespmem:$0x1550];
	_ =	sdelay $0x4  }
0x1c2: {  	[tilespmem:$0x1F510] =	vst v62;
	v62 =	vld [tilespmem:$0x2E30];
	_ =	sdelay $0x4  }
0x1c3: {  	[tilespmem:$0x1F520] =	vst v62;
	v62 =	vld [tilespmem:$0x1560];
	_ =	sdelay $0x4  }
0x1c4: {  	[tilespmem:$0x1F550] =	vst v62;
	v62 =	vld [tilespmem:$0x2E40];
	_ =	sdelay $0x4  }
0x1c5: {  	[tilespmem:$0x1F560] =	vst v62;
	v62 =	vld [tilespmem:$0x1570];
	_ =	sdelay $0x4  }
0x1c6: {  	[tilespmem:$0x1F570] =	vst v62;
	v62 =	vld [tilespmem:$0x2E50];
	_ =	sdelay $0x4  }
0x1c7: {  	[tilespmem:$0x1F580] =	vst v62;
	v62 =	vld [tilespmem:$0x1580];
	_ =	sdelay $0x4  }
0x1c8: {  	[tilespmem:$0x1F650] =	vst v62;
	v62 =	vld [tilespmem:$0x2E60];
	_ =	sdelay $0x4  }
0x1c9: {  	[tilespmem:$0x1F660] =	vst v62;
	v62 =	vld [tilespmem:$0x1590];
	_ =	sdelay $0x4  }
0x1ca: {  	[tilespmem:$0x1F750] =	vst v62;
	v62 =	vld [tilespmem:$0x2E70];
	_ =	sdelay $0x4  }
0x1cb: {  	[tilespmem:$0x1F760] =	vst v62;
	v62 =	vld [tilespmem:$0x1600];
	_ =	sdelay $0x4  }
0x1cc: {  	[tilespmem:$0x1F4B0] =	vst v62;
	v62 =	vld [tilespmem:$0x2E80];
	_ =	sdelay $0x4  }
0x1cd: {  	[tilespmem:$0x1F4C0] =	vst v62;
	v62 =	vld [tilespmem:$0x1610];
	_ =	sdelay $0x4  }
0x1ce: {  	[tilespmem:$0x1F4D0] =	vst v62;
	v62 =	vld [tilespmem:$0x2E90];
	_ =	sdelay $0x4  }
0x1cf: {  	[tilespmem:$0x1F4E0] =	vst v62;
	v62 =	vld [tilespmem:$0x1620];
	_ =	sdelay $0x4  }
0x1d0: {  	[tilespmem:$0x1F530] =	vst v62;
	v62 =	vld [tilespmem:$0x2EA0];
	_ =	sdelay $0x4  }
0x1d1: {  	[tilespmem:$0x1F540] =	vst v62;
	v62 =	vld [tilespmem:$0x1630];
	_ =	sdelay $0x4  }
0x1d2: {  	[tilespmem:$0x1F590] =	vst v62;
	v62 =	vld [tilespmem:$0x2EB0];
	_ =	sdelay $0x4  }
0x1d3: {  	[tilespmem:$0x1F5A0] =	vst v62;
	v62 =	vld [tilespmem:$0x1640];
	_ =	sdelay $0x4  }
0x1d4: {  	[tilespmem:$0x1F610] =	vst v62;
	v62 =	vld [tilespmem:$0x2EC0];
	_ =	sdelay $0x4  }
0x1d5: {  	[tilespmem:$0x1F620] =	vst v62;
	v62 =	vld [tilespmem:$0x1650];
	_ =	sdelay $0x4  }
0x1d6: {  	[tilespmem:$0x1F670] =	vst v62;
	v62 =	vld [tilespmem:$0x2ED0];
	_ =	sdelay $0x4  }
0x1d7: {  	[tilespmem:$0x1F680] =	vst v62;
	v62 =	vld [tilespmem:$0x1660];
	_ =	sdelay $0x4  }
0x1d8: {  	[tilespmem:$0x1F6B0] =	vst v62;
	v62 =	vld [tilespmem:$0x2EE0];
	_ =	sdelay $0x4  }
0x1d9: {  	[tilespmem:$0x1F6C0] =	vst v62;
	v62 =	vld [tilespmem:$0x1670];
	_ =	sdelay $0x4  }
0x1da: {  	[tilespmem:$0x1F6D0] =	vst v62;
	v62 =	vld [tilespmem:$0x2EF0];
	_ =	sdelay $0x4  }
0x1db: {  	[tilespmem:$0x1F6E0] =	vst v62;
	v62 =	vld [tilespmem:$0x1680];
	_ =	sdelay $0x4  }
0x1dc: {  	[tilespmem:$0x1F7B0] =	vst v62;
	v62 =	vld [tilespmem:$0x2F00];
	_ =	sdelay $0x4  }
0x1dd: {  	[tilespmem:$0x1F7C0] =	vst v62;
	v62 =	vld [tilespmem:$0x1690];
	_ =	sdelay $0x4  }
0x1de: {  	[tilespmem:$0x1F830] =	vst v62;
	v62 =	vld [tilespmem:$0x2F10];
	_ =	sdelay $0x4  }
0x1df: {  	[tilespmem:$0x1F840] =	vst v62;
	v62 =	vld [tilespmem:$0x1700];
	_ =	sdelay $0x4  }
0x1e0: {  	[tilespmem:$0x1F5B0] =	vst v62;
	v62 =	vld [tilespmem:$0x2F20];
	_ =	sdelay $0x4  }
0x1e1: {  	[tilespmem:$0x1F5C0] =	vst v62;
	v62 =	vld [tilespmem:$0x1710];
	_ =	sdelay $0x4  }
0x1e2: {  	[tilespmem:$0x1F5D0] =	vst v62;
	v62 =	vld [tilespmem:$0x2F30];
	_ =	sdelay $0x4  }
0x1e3: {  	[tilespmem:$0x1F5E0] =	vst v62;
	v62 =	vld [tilespmem:$0x1720];
	_ =	sdelay $0x4  }
0x1e4: {  	[tilespmem:$0x1F630] =	vst v62;
	v62 =	vld [tilespmem:$0x2F40];
	_ =	sdelay $0x4  }
0x1e5: {  	[tilespmem:$0x1F640] =	vst v62;
	v62 =	vld [tilespmem:$0x1730];
	_ =	sdelay $0x4  }
0x1e6: {  	[tilespmem:$0x1F690] =	vst v62;
	v62 =	vld [tilespmem:$0x2F50];
	_ =	sdelay $0x4  }
0x1e7: {  	[tilespmem:$0x1F6A0] =	vst v62;
	v62 =	vld [tilespmem:$0x1740];
	_ =	sdelay $0x4  }
0x1e8: {  	[tilespmem:$0x1F6F0] =	vst v62;
	v62 =	vld [tilespmem:$0x1830];
	_ =	sdelay $0x4  }
0x1e9: {  	[tilespmem:$0x1F7F0] =	vst v62;
	v62 =	vld [tilespmem:$0x2F60];
	_ =	sdelay $0x4  }
0x1ea: {  	[tilespmem:$0x1F700] =	vst v62;
	v62 =	vld [tilespmem:$0x1750];
	_ =	sdelay $0x4  }
0x1eb: {  	[tilespmem:$0x1F770] =	vst v62;
	v62 =	vld [tilespmem:$0x2F70];
	_ =	sdelay $0x4  }
0x1ec: {  	[tilespmem:$0x1F780] =	vst v62;
	v62 =	vld [tilespmem:$0x1760];
	_ =	sdelay $0x4  }
0x1ed: {  	[tilespmem:$0x1F7D0] =	vst v62;
	v62 =	vld [tilespmem:$0x2F80];
	_ =	sdelay $0x4  }
0x1ee: {  	[tilespmem:$0x1F7E0] =	vst v62;
	v62 =	vld [tilespmem:$0x1770];
	_ =	sdelay $0x4  }
0x1ef: {  	[tilespmem:$0x1F810] =	vst v62;
	v62 =	vld [tilespmem:$0x3000];
	_ =	sdelay $0x4  }
0x1f0: {  	[tilespmem:$0x1F850] =	vst v62;
	v62 =	vld [tilespmem:$0x2F90];
	_ =	sdelay $0x4  }
0x1f1: {  	[tilespmem:$0x1F820] =	vst v62;
	v62 =	vld [tilespmem:$0x1780];
	_ =	sdelay $0x4  }
0x1f2: {  	[tilespmem:$0x1F8B0] =	vst v62;
	v62 =	vld [tilespmem:$0x2FA0];
	_ =	sdelay $0x4  }
0x1f3: {  	[tilespmem:$0x1F8C0] =	vst v62;
	v62 =	vld [tilespmem:$0x1A10];
	_ =	sdelay $0x4  }
0x1f4: {  	[tilespmem:$0x1F990] =	vst v62;
	v62 =	vld [tilespmem:$0x1790];
	_ =	sdelay $0x4  }
0x1f5: {  	[tilespmem:$0x1F9B0] =	vst v62;
	v62 =	vld [tilespmem:$0x2FB0];
	_ =	sdelay $0x4  }
0x1f6: {  	[tilespmem:$0x1F9C0] =	vst v62;
	v62 =	vld [tilespmem:$0x1800];
	_ =	sdelay $0x4  }
0x1f7: {  	[tilespmem:$0x1F710] =	vst v62;
	v62 =	vld [tilespmem:$0x2FC0];
	_ =	sdelay $0x4  }
0x1f8: {  	[tilespmem:$0x1F720] =	vst v62;
	v62 =	vld [tilespmem:$0x1810];
	_ =	sdelay $0x4  }
0x1f9: {  	[tilespmem:$0x1F730] =	vst v62;
	v62 =	vld [tilespmem:$0x1A80];
	_ =	sdelay $0x4  }
0x1fa: {  	[tilespmem:$0x1FC20] =	vst v62;
	v62 =	vld [tilespmem:$0x2FD0];
	_ =	sdelay $0x4  }
0x1fb: {  	[tilespmem:$0x1F740] =	vst v62;
	v62 =	vld [tilespmem:$0x1820];
	_ =	sdelay $0x4  }
0x1fc: {  	[tilespmem:$0x1F790] =	vst v62;
	v62 =	vld [tilespmem:$0x2FE0];
	_ =	sdelay $0x4  }
0x1fd: {  	[tilespmem:$0x1F7A0] =	vst v62;
	v62 =	vld [tilespmem:$0x1B40];
	_ =	sdelay $0x4  }
0x1fe: {  	[tilespmem:$0x1FBA0] =	vst v62;
	v62 =	vld [tilespmem:$0x2FF0];
	_ =	sdelay $0x4  }
0x1ff: {  	[tilespmem:$0x1F800] =	vst v62;
	v62 =	vld [tilespmem:$0x30F0];
	_ =	sdelay $0x4  }
0x200: {  	[tilespmem:$0x1FB70] =	vst v62;
	v62 =	vld [tilespmem:$0x1840];
	_ =	sdelay $0x4  }
0x201: {  	[tilespmem:$0x1F860] =	vst v62;
	v62 =	vld [tilespmem:$0x1990];
	_ =	sdelay $0x4  }
0x202: {  	[tilespmem:$0x1FB80] =	vst v62;
	v62 =	vld [tilespmem:$0x1850];
	_ =	sdelay $0x4  }
0x203: {  	[tilespmem:$0x1F8D0] =	vst v62;
	v62 =	vld [tilespmem:$0x3160];
	_ =	sdelay $0x4  }
0x204: {  	[tilespmem:$0x1FB40] =	vst v62;
	v62 =	vld [tilespmem:$0x3010];
	_ =	sdelay $0x4  }
0x205: {  	[tilespmem:$0x1F8E0] =	vst v62;
	v62 =	vld [tilespmem:$0x31E0];
	_ =	sdelay $0x4  }
0x206: {  	[tilespmem:$0x1FBB0] =	vst v62;
	v62 =	vld [tilespmem:$0x1860];
	_ =	sdelay $0x4  }
0x207: {  	[tilespmem:$0x1F910] =	vst v62;
	v62 =	vld [tilespmem:$0x31C0];
	_ =	sdelay $0x4  }
0x208: {  	[tilespmem:$0x1FB10] =	vst v62;
	v62 =	vld [tilespmem:$0x3020];
	_ =	sdelay $0x4  }
0x209: {  	[tilespmem:$0x1F920] =	vst v62;
	v62 =	vld [tilespmem:$0x1B10];
	_ =	sdelay $0x4  }
0x20a: {  	[tilespmem:$0x1FAC0] =	vst v62;
	v62 =	vld [tilespmem:$0x1870];
	_ =	sdelay $0x4  }
0x20b: {  	[tilespmem:$0x1F930] =	vst v62;
	v62 =	vld [tilespmem:$0x3140];
	_ =	sdelay $0x4  }
0x20c: {  	[tilespmem:$0x1FA90] =	vst v62;
	v62 =	vld [tilespmem:$0x3030];
	_ =	sdelay $0x4  }
0x20d: {  	[tilespmem:$0x1F940] =	vst v62;
	v62 =	vld [tilespmem:$0x1970];
	_ =	sdelay $0x4  }
0x20e: {  	[tilespmem:$0x1FA70] =	vst v62;
	v62 =	vld [tilespmem:$0x1880];
	_ =	sdelay $0x4  }
0x20f: {  	[tilespmem:$0x1FA00] =	vst v62;
	v62 =	vld [tilespmem:$0x3040];
	_ =	sdelay $0x4  }
0x210: {  	[tilespmem:$0x1FA10] =	vst v62;
	v62 =	vld [tilespmem:$0x1890];
	_ =	sdelay $0x4  }
0x211: {  	[tilespmem:$0x1FAE0] =	vst v62;
	v62 =	vld [tilespmem:$0x1A30];
	_ =	sdelay $0x4  }
0x212: {  	[tilespmem:$0x1FA40] =	vst v62;
	v62 =	vld [tilespmem:$0x3050];
	_ =	sdelay $0x4  }
0x213: {  	[tilespmem:$0x1FAF0] =	vst v62;
	v62 =	vld [tilespmem:$0x1900];
	_ =	sdelay $0x4  }
0x214: {  	[tilespmem:$0x1F870] =	vst v62;
	v62 =	vld [tilespmem:$0x3060];
	_ =	sdelay $0x4  }
0x215: {  	[tilespmem:$0x1F880] =	vst v62;
	v62 =	vld [tilespmem:$0x1910];
	_ =	sdelay $0x4  }
0x216: {  	[tilespmem:$0x1F890] =	vst v62;
	v62 =	vld [tilespmem:$0x3070];
	_ =	sdelay $0x4  }
0x217: {  	[tilespmem:$0x1F8A0] =	vst v62;
	v62 =	vld [tilespmem:$0x1920];
	_ =	sdelay $0x4  }
0x218: {  	[tilespmem:$0x1F8F0] =	vst v62;
	v62 =	vld [tilespmem:$0x3080];
	_ =	sdelay $0x4  }
0x219: {  	[tilespmem:$0x1F900] =	vst v62;
	v62 =	vld [tilespmem:$0x1930];
	_ =	sdelay $0x4  }
0x21a: {  	[tilespmem:$0x1F950] =	vst v62;
	v62 =	vld [tilespmem:$0x3090];
	_ =	sdelay $0x4  }
0x21b: {  	[tilespmem:$0x1F960] =	vst v62;
	v62 =	vld [tilespmem:$0x1940];
	_ =	sdelay $0x4  }
0x21c: {  	[tilespmem:$0x1F9D0] =	vst v62;
	v62 =	vld [tilespmem:$0x1A20];
	_ =	sdelay $0x3  }
0x21d: {  	v63 =	vld [tilespmem:$0x2B00]  }
0x21e: {  	[tilespmem:$0x1F9F0] =	vst v62;
	v62 =	vld [tilespmem:$0x30A0];
	_ =	sdelay $0x3  }
0x21f: {  	[tilespmem:$0x1EEA0] =	vst v63;
	v63 =	vld [tilespmem:$0x2B10]  }
0x220: {  	[tilespmem:$0x1F9E0] =	vst v62;
	v62 =	vld [tilespmem:$0x1950];
	_ =	sdelay $0x3  }
0x221: {  	[tilespmem:$0x1EF00] =	vst v63;
	v63 =	vld [tilespmem:$0x2B20]  }
0x222: {  	[tilespmem:$0x1FA20] =	vst v62;
	v62 =	vld [tilespmem:$0x30B0];
	_ =	sdelay $0x3  }
0x223: {  	[tilespmem:$0x1EF40] =	vst v63;
	v63 =	vld [tilespmem:$0x2B30]  }
0x224: {  	[tilespmem:$0x1FA30] =	vst v62;
	v62 =	vld [tilespmem:$0x1960];
	_ =	sdelay $0x3  }
0x225: {  	[tilespmem:$0x1EF60] =	vst v63;
	v63 =	vld [tilespmem:$0x2B40]  }
0x226: {  	[tilespmem:$0x1FA50] =	vst v62;
	v62 =	vld [tilespmem:$0x30C0];
	_ =	sdelay $0x1  }
0x227: {  	v29 =	vmul.f32 v24, v29;
	v24 =	vld [tilespmem:$0x1A40]  }
0x228: {  	v23 =	vmul.f32 v23, v28;
	v28 =	vmul.f32 v49, v51;
	v51 =	vld [tilespmem:$0x1A60]  }
0x229: {  	[tilespmem:$0x1F040] =	vst v63;
	v63 =	vld [tilespmem:$0x2B50]  }
0x22a: {  	[tilespmem:$0x1FA60] =	vst v62;
	v62 =	vld [tilespmem:$0x30D0]  }
0x22b: {  	v49 =	vld [tilespmem:$0x1EA90]  }
0x22c: {  	[tilespmem:$0x1EE90] =	vst v59;
	v59 =	vld [tilespmem:$0x2B70]  }
0x22d: {  	[tilespmem:$0x1FB50] =	vst v51;
	v51 =	vld [tilespmem:$0x31A0]  }
0x22e: {  	[tilespmem:$0x1F0C0] =	vst v63;
	v63 =	vld [tilespmem:$0x2B60]  }
0x22f: {  	[tilespmem:$0x1FA80] =	vst v62;
	v62 =	vld [tilespmem:$0x1EA80]  }
0x230: {  	v2 =	vmul.f32 v2, v3;
	v3 =	vmul.f32 v60, v49;
	v60 =	vld [tilespmem:$0x1EAA0]  }
0x231: {  	[tilespmem:$0x1FAA0] =	vst v24;
	v24 =	vld [tilespmem:$0x1EAB0]  }
0x232: {  	v49 =	vld [tilespmem:$0x1EAE0]  }
0x233: {  	[tilespmem:$0x1FAB0] =	vst v51;
	v51 =	vld [tilespmem:$0x3200]  }
0x234: {  	v22 =	vmul.f32 v22, v33;
	[tilespmem:$0x1EE60] =	vst v63;
	v63 =	vld [tilespmem:$0x1110];
	v33 =	vmul.f32 v48, v62  }
0x235: {  	v62 =	vld [tilespmem:$0x1980]  }
0x236: {  	v48 =	vld [tilespmem:$0x1A00];
	v22 =	vadd.f32 v22, v33  }
0x237: {  	v33 =	vld [tilespmem:$0x3120]  }
0x238: {  	v22 =	vadd.f32 v23, v22;
	v23 =	vmul.f32 v6, v8;
	v8 =	vld [tilespmem:$0x3170]  }
0x239: {  	v6 =	vmul.f32 v61, v60;
	v61 =	vmul.f32 v25, v30;
	v25 =	vld [tilespmem:$0x1EAC0]  }
0x23a: {  	v60 =	vmul.f32 v43, v45;
	v43 =	vld [tilespmem:$0x1B20]  }
0x23b: {  	v30 =	vmul.f32 v26, v27;
	v26 =	vld [tilespmem:$0x1EB60]  }
0x23c: {  	v0 =	vmul.f32 v0, v1;
	v27 =	vld [tilespmem:$0x1EB70]  }
0x23d: {  	[tilespmem:$0x1FB20] =	vst v62;
	v62 =	vld [tilespmem:$0x30E0]  }
0x23e: {  	v0 =	vadd.f32 v0, v2;
	v45 =	vld [tilespmem:$0x1EB80]  }
0x23f: {  	[tilespmem:$0x1F970] =	vst v48;
	v48 =	vld [tilespmem:$0x3110]  }
0x240: {  	v0 =	vadd.f32 v23, v0;
	v23 =	vld [tilespmem:$0x1A90]  }
0x241: {  	v4 =	vmul.f32 v4, v5;
	v5 =	vmul.f32 v25, v24;
	v25 =	vld [tilespmem:$0x1B50]  }
0x242: {  	[tilespmem:$0x1FB30] =	vst v62;
	v62 =	vld [tilespmem:$0x3100]  }
0x243: {  	v24 =	vld [tilespmem:$0x1EB50]  }
0x244: {  	[tilespmem:$0x1F9A0] =	vst v48;
	v48 =	vld [tilespmem:$0x3150]  }
0x245: {  	[tilespmem:$0x1FD50] =	vst v23;
	v23 =	vld [tilespmem:$0x1EB40]  }
0x246: {  	[tilespmem:$0x1FC00] =	vst v25;
	v25 =	vld [tilespmem:$0x3230]  }
0x247: {  	[tilespmem:$0x1F980] =	vst v62;
	v62 =	vadd.f32 v29, v22;
	v22 =	vmul.f32 v36, v40;
	v36 =	vld [tilespmem:$0x3130]  }
0x248: {  	v40 =	vld [tilespmem:$0x1A50]  }
0x249: {  	v29 =	vmul.f32 v10, v12;
	v10 =	vld [tilespmem:$0x1A70]  }
0x24a: {  	v12 =	vld [tilespmem:$0x3180]  }
0x24b: {  	[tilespmem:$0x1FB00] =	vst v48;
	v48 =	vld [tilespmem:$0x1EAD0]  }
0x24c: {  	v0 =	vadd.f32 v29, v0;
	v29 =	vld [tilespmem:$0x3190]  }
0x24d: {  	v1 =	vadd.f32 v22, v62;
	v62 =	vmul.f32 v7, v9;
	v9 =	vmul.f32 v41, v42;
	v41 =	vld [tilespmem:$0x1B00]  }
0x24e: {  	v22 =	vmul.f32 v11, v13;
	v13 =	vld [tilespmem:$0x1EB10]  }
0x24f: {  	v42 =	vld [tilespmem:$0x1B30]  }
0x250: {  	v1 =	vadd.f32 v28, v1;
	v28 =	vmul.f32 v55, v56;
	v55 =	vld [tilespmem:$0x1EAF0]  }
0x251: {  	v56 =	vld [tilespmem:$0x1EB00]  }
0x252: {  	v0 =	vadd.f32 v61, v0;
	v61 =	vld [tilespmem:$0x31B0]  }
0x253: {  	[tilespmem:$0x1FC30] =	vst v12;
	v12 =	vmul.f32 v14, v17;
	v14 =	vld [tilespmem:$0x1EB20]  }
0x254: {  	v2 =	vmul.f32 v49, v48;
	v48 =	vld [tilespmem:$0x1EBA0]  }
0x255: {  	v49 =	vld [tilespmem:$0x1EBB0]  }
0x256: {  	v1 =	vadd.f32 v3, v1;
	v3 =	vadd.f32 v4, v62;
	v62 =	vmul.f32 v16, v20;
	v16 =	vld [tilespmem:$0x1EB30]  }
0x257: {  	v20 =	vmul.f32 v31, v34;
	v34 =	vld [tilespmem:$0x1B60]  }
0x258: {  	v31 =	vmul.f32 v15, v19;
	v15 =	vld [tilespmem:$0x1EC00]  }
0x259: {  	v19 =	vld [tilespmem:$0x1EC30]  }
0x25a: {  	v0 =	vadd.f32 v9, v0;
	[tilespmem:$0x1FD60] =	vst v29;
	v29 =	vld [tilespmem:$0x31F0]  }
0x25b: {  	v3 =	vadd.f32 v22, v3;
	v22 =	vld [tilespmem:$0x31D0]  }
0x25c: {  	v0 =	vadd.f32 v28, v0;
	v28 =	vmul.f32 v46, v52;
	v46 =	vld [tilespmem:$0x1EB90]  }
0x25d: {  	v17 =	vadd.f32 v12, v62;
	v62 =	vld [tilespmem:$0x3210]  }
0x25e: {  	v52 =	vmul.f32 v32, v35;
	v32 =	vld [tilespmem:$0x3240]  }
0x25f: {  	v1 =	vadd.f32 v6, v1;
	v35 =	vld [tilespmem:$0x1ECB0]  }
0x260: {  	[tilespmem:$0x1FAD0] =	vst v61;
	v61 =	vld [tilespmem:$0x1EBF0]  }
0x261: {  	v1 =	vadd.f32 v5, v1;
	v5 =	vmul.f32 v56, v55;
	v55 =	vld [tilespmem:$0x1B70]  }
0x262: {  	v56 =	vld [tilespmem:$0x1EBC0]  }
0x263: {  	v7 =	vmul.f32 v14, v13;
	v14 =	vld [tilespmem:$0x1B80]  }
0x264: {  	v3 =	vadd.f32 v30, v3;
	v30 =	vmul.f32 v18, v21;
	v18 =	vld [tilespmem:$0x1EC20]  }
0x265: {  	[tilespmem:$0x1FCA0] =	vst v51;
	v21 =	vld [tilespmem:$0x1EC50]  }
0x266: {  	[tilespmem:$0x1FB90] =	vst v8;
	v4 =	vmul.f32 v57, v16;
	v57 =	vld [tilespmem:$0x1EBD0]  }
0x267: {  	[tilespmem:$0x1FE40] =	vst v25;
	v16 =	vld [tilespmem:$0x1EC10]  }
0x268: {  	[tilespmem:$0x1FC90] =	vst v34;
	v34 =	vld [tilespmem:$0x1ECA0]  }
0x269: {  	v0 =	vadd.f32 v2, v0;
	v3 =	vadd.f32 v60, v3;
	[tilespmem:$0x1FC10] =	vst v29;
	v60 =	vld [tilespmem:$0x1EBE0]  }
0x26a: {  	v1 =	vadd.f32 v5, v1;
	v5 =	vmul.f32 v27, v26;
	v26 =	vld [tilespmem:$0x1EC60];
	[tilespmem:$0x1FB60] =	vst v22  }
0x26b: {  	v0 =	vadd.f32 v7, v0;
	v27 =	vld [tilespmem:$0x1EC70];
	v7 =	vmul.f32 v46, v45;
	[tilespmem:$0x1FD20] =	vst v62  }
0x26c: {  	v22 =	vld [tilespmem:$0x1B90];
	[tilespmem:$0x1FBD0] =	vst v32;
	v3 =	vadd.f32 v4, v3;
	v4 =	vmul.f32 v24, v23  }
0x26d: {  	[tilespmem:$0x1FF10] =	vst v1;
	v1 =	vadd.f32 v20, v17;
	v17 =	vld [tilespmem:$0x3220];
	v0 =	vadd.f32 v7, v0  }
0x26e: {  	[tilespmem:$0x1FD10] =	vst v55;
	v3 =	vadd.f32 v4, v3;
	v4 =	vadd.f32 v31, v30;
	v30 =	vld [tilespmem:$0x1C00]  }
0x26f: {  	v24 =	vmul.f32 v37, v39;
	v39 =	vld [tilespmem:$0x1C10];
	[tilespmem:$0x1FDB0] =	vst v14  }
0x270: {  	v29 =	vld [tilespmem:$0x1EC90];
	[tilespmem:$0x1FF20] =	vst v0  }
0x271: {  	v20 =	vld [tilespmem:$0x1EC40];
	[tilespmem:$0x1FE30] =	vst v22  }
0x272: {  	v37 =	vld [tilespmem:$0x1ECC0];
	[tilespmem:$0x1FDC0] =	vst v17  }
0x273: {  	v23 =	vmul.f32 v38, v44;
	v38 =	vld [tilespmem:$0x1ECD0];
	[tilespmem:$0x1FBC0] =	vst v30  }
0x274: {  	v1 =	vadd.f32 v28, v1;
	v28 =	vld [tilespmem:$0x1EC80];
	[tilespmem:$0x1FBE0] =	vst v39  }
0x275: {  	v44 =	vld [tilespmem:$0x1ECE0]  }
0x276: {  	v45 =	vld [tilespmem:$0x1ECF0]  }
0x277: {  	v46 =	vld [tilespmem:$0x3250]  }
0x278: {  	v13 =	vmul.f32 v47, v50;
	v47 =	vld [tilespmem:$0x1ED00]  }
0x279: {  	v2 =	vmul.f32 v49, v48;
	v48 =	vld [tilespmem:$0x1ED10]  }
0x27a: {  	v49 =	vld [tilespmem:$0x1C20]  }
0x27b: {  	v50 =	vld [tilespmem:$0x1ED20]  }
0x27c: {  	v51 =	vld [tilespmem:$0x1ED30]  }
0x27d: {  	v12 =	vadd.f32 v52, v4;
	v52 =	vld [tilespmem:$0x1ED40]  }
0x27e: {  	v31 =	vmul.f32 v53, v54;
	v53 =	vld [tilespmem:$0x1ED50]  }
0x27f: {  	v54 =	vld [tilespmem:$0x3260]  }
0x280: {  	v55 =	vld [tilespmem:$0x1ED60]  }
0x281: {  	v6 =	vmul.f32 v57, v56;
	v56 =	vld [tilespmem:$0x1ED70]  }
0x282: {  	v57 =	vld [tilespmem:$0x1ED80]  }
0x283: {  	v1 =	vadd.f32 v2, v1;
	v2 =	vmul.f32 v61, v60;
	v60 =	vld [tilespmem:$0x1C30]  }
0x284: {  	v61 =	vld [tilespmem:$0x1ED90]  }
0x285: {  	v8 =	vld [tilespmem:$0x1EDA0]  }
0x286: {  	v62 =	vld [tilespmem:$0x1EDB0]  }
0x287: {  	v0 =	vadd.f32 v13, v12;
	v12 =	vld [tilespmem:$0x1EDC0]  }
0x288: {  	v13 =	vld [tilespmem:$0x3270]  }
0x289: {  	v1 =	vadd.f32 v2, v1;
	v2 =	vmul.f32 v16, v15;
	v15 =	vld [tilespmem:$0x1EDD0]  }
0x28a: {  	v16 =	vld [tilespmem:$0x1EDE0]  }
0x28b: {  	v17 =	vld [tilespmem:$0x1C40]  }
0x28c: {  	v3 =	vadd.f32 v5, v3;
	v5 =	vmul.f32 v19, v18;
	v18 =	vld [tilespmem:$0x1EDF0]  }
0x28d: {  	v19 =	vld [tilespmem:$0x1EE00]  }
0x28e: {  	v4 =	vmul.f32 v21, v20;
	v20 =	vld [tilespmem:$0x3280]  }
0x28f: {  	v21 =	vld [tilespmem:$0x1EE10]  }
0x290: {  	v22 =	vld [tilespmem:$0x1EE20]  }
0x291: {  	v1 =	vadd.f32 v2, v1;
	v2 =	vadd.f32 v24, v23;
	v23 =	vld [tilespmem:$0x1EE30]  }
0x292: {  	v24 =	vld [tilespmem:$0x1EE40]  }
0x293: {  	v25 =	vld [tilespmem:$0x1C50]  }
0x294: {  	v7 =	vmul.f32 v27, v26;
	v26 =	vld [tilespmem:$0x1EE50]  }
0x295: {  	v27 =	vld [tilespmem:$0x1EE60]  }
0x296: {  	v0 =	vadd.f32 v4, v0;
	v4 =	vmul.f32 v29, v28;
	v29 =	vld [tilespmem:$0x3290]  }
0x297: {  	v30 =	vld [tilespmem:$0x1EE70]  }
0x298: {  	v32 =	vld [tilespmem:$0x1EE90]  }
0x299: {  	v3 =	vadd.f32 v6, v3;
	v6 =	vmul.f32 v35, v34;
	v34 =	vld [tilespmem:$0x1EEA0]  }
0x29a: {  	v35 =	vld [tilespmem:$0x1C60]  }
0x29b: {  	v39 =	vld [tilespmem:$0x32A0]  }
0x29c: {  	v28 =	vmul.f32 v59, v63;
	v59 =	vld [tilespmem:$0x1EF80]  }
0x29d: {  	v63 =	vld [tilespmem:$0x1EFB0]  }
0x29e: {  	v9 =	vld [tilespmem:$0x1EFC0]  }
0x29f: {  	v11 =	vld [tilespmem:$0x1C90]  }
0x2a0: {  	v2 =	vadd.f32 v31, v2;
	v31 =	vld [tilespmem:$0x1EE80]  }
0x2a1: {  	v3 =	vadd.f32 v7, v3;
	v0 =	vadd.f32 v4, v0;
	v4 =	vmul.f32 v38, v37;
	v37 =	vld [tilespmem:$0x1EEB0]  }
0x2a2: {  	v38 =	vld [tilespmem:$0x1EEC0]  }
0x2a3: {  	[tilespmem:$0x1FF30] =	vst v3;
	v3 =	vmul.f32 v45, v44;
	v44 =	vld [tilespmem:$0x1EED0]  }
0x2a4: {  	v45 =	vld [tilespmem:$0x1EEE0]  }
0x2a5: {  	[tilespmem:$0x1FBF0] =	vst v46;
	v46 =	vld [tilespmem:$0x1EEF0]  }
0x2a6: {  	v0 =	vadd.f32 v4, v0;
	v4 =	vmul.f32 v48, v47;
	v47 =	vld [tilespmem:$0x1EF00]  }
0x2a7: {  	v48 =	vld [tilespmem:$0x1C70]  }
0x2a8: {  	v1 =	vadd.f32 v5, v1;
	v5 =	vmul.f32 v51, v50;
	v50 =	vld [tilespmem:$0x1EF10]  }
0x2a9: {  	v51 =	vld [tilespmem:$0x1EF20]  }
0x2aa: {  	[tilespmem:$0x1FC50] =	vst v54;
	v54 =	vld [tilespmem:$0x1EF40]  }
0x2ab: {  	v1 =	vadd.f32 v6, v1;
	v6 =	vmul.f32 v58, v57;
	v57 =	vld [tilespmem:$0x1EF60]  }
0x2ac: {  	v58 =	vld [tilespmem:$0x1EF70]  }
0x2ad: {  	[tilespmem:$0x1FCB0] =	vst v60;
	v60 =	vld [tilespmem:$0x32C0]  }
0x2ae: {  	v7 =	vmul.f32 v8, v61;
	v61 =	vld [tilespmem:$0x1EF90]  }
0x2af: {  	[tilespmem:$0x1FCC0] =	vst v13;
	v13 =	vld [tilespmem:$0x1EFE0]  }
0x2b0: {  	[tilespmem:$0x1FCF0] =	vst v17;
	v17 =	vld [tilespmem:$0x1F010]  }
0x2b1: {  	[tilespmem:$0x1FD00] =	vst v20;
	v20 =	vld [tilespmem:$0x1F030]  }
0x2b2: {  	[tilespmem:$0x1FD80] =	vst v29;
	v29 =	vld [tilespmem:$0x1F090]  }
0x2b3: {  	[tilespmem:$0x1FDD0] =	vst v35;
	v35 =	vld [tilespmem:$0x1F0E0]  }
0x2b4: {  	[tilespmem:$0x1FDE0] =	vst v39;
	v39 =	vld [tilespmem:$0x1F100]  }
0x2b5: {  	[tilespmem:$0x1FED0] =	vst v11;
	v11 =	vld [tilespmem:$0x1F1F0]  }
0x2b6: {  	v8 =	vld [tilespmem:$0x1F9F0]  }
0x2b7: {  	v2 =	vadd.f32 v3, v2;
	v3 =	vmul.f32 v53, v52;
	v52 =	vld [tilespmem:$0x32B0]  }
0x2b8: {  	v53 =	vld [tilespmem:$0x1EF30]  }
0x2b9: {  	v0 =	vadd.f32 v4, v0;
	v4 =	vmul.f32 v56, v55;
	v55 =	vld [tilespmem:$0x1C80]  }
0x2ba: {  	v56 =	vld [tilespmem:$0x1EF50]  }
0x2bb: {  	v1 =	vadd.f32 v5, v1;
	v5 =	vmul.f32 v22, v21;
	v21 =	vld [tilespmem:$0x1F040]  }
0x2bc: {  	v22 =	vld [tilespmem:$0x1F050]  }
0x2bd: {  	v2 =	vadd.f32 v3, v2;
	v3 =	vmul.f32 v12, v62;
	v62 =	vld [tilespmem:$0x1EFA0]  }
0x2be: {  	v12 =	vld [tilespmem:$0x1EFD0]  }
0x2bf: {  	v14 =	vadd.f32 v6, v4;
	v4 =	vmul.f32 v16, v15;
	v15 =	vld [tilespmem:$0x1F000]  }
0x2c0: {  	v16 =	vld [tilespmem:$0x32D0]  }
0x2c1: {  	v0 =	vadd.f32 v7, v0;
	v7 =	vmul.f32 v31, v30;
	v30 =	vld [tilespmem:$0x1F0A0]  }
0x2c2: {  	v31 =	vld [tilespmem:$0x1F0B0]  }
0x2c3: {  	v6 =	vmul.f32 v45, v44;
	v44 =	vld [tilespmem:$0x1F110]  }
0x2c4: {  	v45 =	vld [tilespmem:$0x1F120]  }
0x2c5: {  	[tilespmem:$0x1FE10] =	vst v48;
	v48 =	vld [tilespmem:$0x1F140]  }
0x2c6: {  	[tilespmem:$0x1FE80] =	vst v60;
	v60 =	vld [tilespmem:$0x1F1B0]  }
0x2c7: {  	[tilespmem:$0x1FF40] =	vst v1;
	v1 =	vadd.f32 v4, v14;
	v14 =	vld [tilespmem:$0x1EFF0]  }
0x2c8: {  	v2 =	vadd.f32 v3, v2;
	v3 =	vmul.f32 v19, v18;
	v18 =	vld [tilespmem:$0x1F020]  }
0x2c9: {  	v19 =	vld [tilespmem:$0x1D00]  }
0x2ca: {  	v4 =	vmul.f32 v24, v23;
	v23 =	vld [tilespmem:$0x1F060]  }
0x2cb: {  	v24 =	vld [tilespmem:$0x32E0]  }
0x2cc: {  	[tilespmem:$0x1FE20] =	vst v52;
	v52 =	vld [tilespmem:$0x1D30]  }
0x2cd: {  	[tilespmem:$0x1FE70] =	vst v55;
	v55 =	vld [tilespmem:$0x1F180]  }
0x2ce: {  	v2 =	vadd.f32 v3, v2;
	v3 =	vmul.f32 v27, v26;
	v26 =	vld [tilespmem:$0x1F070]  }
0x2cf: {  	v27 =	vld [tilespmem:$0x1F080]  }
0x2d0: {  	v1 =	vadd.f32 v4, v1;
	v4 =	vmul.f32 v34, v32;
	v32 =	vld [tilespmem:$0x1F0C0]  }
0x2d1: {  	v34 =	vld [tilespmem:$0x1F0D0]  }
0x2d2: {  	v0 =	vadd.f32 v7, v0;
	v7 =	vmul.f32 v13, v12;
	v12 =	vld [tilespmem:$0x1F200]  }
0x2d3: {  	v13 =	vld [tilespmem:$0x1F210]  }
0x2d4: {  	[tilespmem:$0x1FEE0] =	vst v16;
	v16 =	vld [tilespmem:$0x1F230]  }
0x2d5: {  	v3 =	vadd.f32 v28, v3;
	v28 =	vld [tilespmem:$0x1D10]  }
0x2d6: {  	v2 =	vadd.f32 v5, v2;
	v5 =	vmul.f32 v38, v37;
	v37 =	vld [tilespmem:$0x1D20]  }
0x2d7: {  	v38 =	vld [tilespmem:$0x1F0F0]  }
0x2d8: {  	v1 =	vadd.f32 v4, v1;
	v4 =	vmul.f32 v47, v46;
	v46 =	vld [tilespmem:$0x3300]  }
0x2d9: {  	v47 =	vld [tilespmem:$0x1F130]  }
0x2da: {  	[tilespmem:$0x1FC60] =	vst v19;
	v19 =	vld [tilespmem:$0x1F260]  }
0x2db: {  	[tilespmem:$0x1FC70] =	vst v24;
	v24 =	vld [tilespmem:$0x1F290]  }
0x2dc: {  	[tilespmem:$0x1FC40] =	vst v49;
	v49 =	vadd.f32 v5, v3;
	v3 =	vmul.f32 v51, v50;
	v50 =	vld [tilespmem:$0x1F150]  }
0x2dd: {  	v51 =	vld [tilespmem:$0x1F160]  }
0x2de: {  	v1 =	vadd.f32 v4, v1;
	v4 =	vmul.f32 v54, v53;
	v54 =	vld [tilespmem:$0x1F170]  }
0x2df: {  	v5 =	vmul.f32 v57, v56;
	v56 =	vld [tilespmem:$0x3310]  }
0x2e0: {  	v57 =	vld [tilespmem:$0x1F190]  }
0x2e1: {  	v2 =	vadd.f32 v6, v2;
	v6 =	vmul.f32 v9, v63;
	v63 =	vld [tilespmem:$0x1F1E0]  }
0x2e2: {  	v9 =	vld [tilespmem:$0x3320]  }
0x2e3: {  	[tilespmem:$0x1FD30] =	vst v52;
	v52 =	vld [tilespmem:$0x3360]  }
0x2e4: {  	[tilespmem:$0x1FF50] =	vst v0;
	v0 =	vadd.f32 v3, v49;
	v49 =	vld [tilespmem:$0x32F0]  }
0x2e5: {  	v3 =	vmul.f32 v59, v58;
	v58 =	vld [tilespmem:$0x1F1A0]  }
0x2e6: {  	v59 =	vld [tilespmem:$0x1D40]  }
0x2e7: {  	v1 =	vadd.f32 v4, v1;
	v4 =	vmul.f32 v62, v61;
	v61 =	vld [tilespmem:$0x1F1C0]  }
0x2e8: {  	v62 =	vld [tilespmem:$0x1F1D0]  }
0x2e9: {  	[tilespmem:$0x1FC80] =	vst v28;
	v28 =	vld [tilespmem:$0x3340]  }
0x2ea: {  	[tilespmem:$0x1FCD0] =	vst v37;
	v37 =	vld [tilespmem:$0x3350]  }
0x2eb: {  	[tilespmem:$0x1FCE0] =	vst v46;
	v46 =	vld [tilespmem:$0x1D80]  }
0x2ec: {  	v2 =	vadd.f32 v7, v2;
	v7 =	vmul.f32 v48, v47;
	v47 =	vld [tilespmem:$0x1F350]  }
0x2ed: {  	v48 =	vld [tilespmem:$0x1F360]  }
0x2ee: {  	v0 =	vadd.f32 v3, v0;
	v3 =	vmul.f32 v15, v14;
	v14 =	vld [tilespmem:$0x1F220]  }
0x2ef: {  	v15 =	vld [tilespmem:$0x1D50]  }
0x2f0: {  	v1 =	vadd.f32 v5, v1;
	v5 =	vmul.f32 v18, v17;
	v17 =	vld [tilespmem:$0x1F240]  }
0x2f1: {  	v18 =	vld [tilespmem:$0x1F250]  }
0x2f2: {  	v4 =	vadd.f32 v6, v4;
	v6 =	vmul.f32 v21, v20;
	v20 =	vld [tilespmem:$0x3330]  }
0x2f3: {  	v21 =	vld [tilespmem:$0x1F270]  }
0x2f4: {  	[tilespmem:$0x1FD40] =	vst v56;
	v56 =	vld [tilespmem:$0x1F3C0]  }
0x2f5: {  	[tilespmem:$0x1FEC0] =	vst v52;
	v52 =	vld [tilespmem:$0x33A0]  }
0x2f6: {  	v0 =	vadd.f32 v3, v0;
	v3 =	vmul.f32 v23, v22;
	v22 =	vld [tilespmem:$0x1F280]  }
0x2f7: {  	v23 =	vld [tilespmem:$0x1D60]  }
0x2f8: {  	[tilespmem:$0x1FD70] =	vst v25;
	v25 =	vadd.f32 v5, v4;
	v4 =	vmul.f32 v27, v26;
	v26 =	vld [tilespmem:$0x1F2B0]  }
0x2f9: {  	v27 =	vld [tilespmem:$0x1F2C0]  }
0x2fa: {  	v5 =	vmul.f32 v32, v31;
	v31 =	vld [tilespmem:$0x1F2E0]  }
0x2fb: {  	v32 =	vld [tilespmem:$0x1D70]  }
0x2fc: {  	v1 =	vadd.f32 v6, v1;
	v6 =	vmul.f32 v45, v44;
	v44 =	vld [tilespmem:$0x1F330]  }
0x2fd: {  	v45 =	vld [tilespmem:$0x1F340]  }
0x2fe: {  	[tilespmem:$0x1FD90] =	vst v59;
	v59 =	vld [tilespmem:$0x1F3E0]  }
0x2ff: {  	[tilespmem:$0x1FF60] =	vst v2;
	v2 =	vadd.f32 v4, v25;
	v25 =	vld [tilespmem:$0x1F2A0]  }
0x300: {  	v0 =	vadd.f32 v3, v0;
	v3 =	vmul.f32 v30, v29;
	v30 =	vld [tilespmem:$0x1F2D0]  }
0x301: {  	v4 =	vmul.f32 v35, v34;
	v34 =	vld [tilespmem:$0x1F2F0]  }
0x302: {  	v35 =	vld [tilespmem:$0x1F300]  }
0x303: {  	v1 =	vadd.f32 v5, v1;
	v5 =	vmul.f32 v61, v60;
	v60 =	vld [tilespmem:$0x3370]  }
0x304: {  	v61 =	vld [tilespmem:$0x1F3F0]  }
0x305: {  	[tilespmem:$0x1FE60] =	vst v28;
	v28 =	vld [tilespmem:$0x1F510]  }
0x306: {  	[tilespmem:$0x1FEA0] =	vst v37;
	v37 =	vld [tilespmem:$0x1F570]  }
0x307: {  	[tilespmem:$0x1FEB0] =	vst v46;
	v46 =	vld [tilespmem:$0x1F5C0]  }
0x308: {  	[tilespmem:$0x1FDF0] =	vst v15;
	v15 =	vld [tilespmem:$0x1F440]  }
0x309: {  	[tilespmem:$0x1FE00] =	vst v20;
	v20 =	vld [tilespmem:$0x1F490]  }
0x30a: {  	v0 =	vadd.f32 v3, v0;
	v3 =	vmul.f32 v39, v38;
	v38 =	vld [tilespmem:$0x1F310]  }
0x30b: {  	v39 =	vld [tilespmem:$0x1F320]  }
0x30c: {  	v2 =	vadd.f32 v4, v2;
	v4 =	vmul.f32 v51, v50;
	v50 =	vld [tilespmem:$0x1F370]  }
0x30d: {  	v51 =	vld [tilespmem:$0x1F380]  }
0x30e: {  	[tilespmem:$0x1FE50] =	vst v23;
	v23 =	vld [tilespmem:$0x1F4C0]  }
0x30f: {  	[tilespmem:$0x1FE90] =	vst v32;
	v32 =	vld [tilespmem:$0x1F540]  }
0x310: {  	v53 =	vadd.f32 v6, v3;
	v3 =	vmul.f32 v55, v54;
	v54 =	vld [tilespmem:$0x1F3A0]  }
0x311: {  	v55 =	vld [tilespmem:$0x1F3B0]  }
0x312: {  	v2 =	vadd.f32 v4, v2;
	v4 =	vmul.f32 v58, v57;
	v57 =	vld [tilespmem:$0x1D90]  }
0x313: {  	v58 =	vld [tilespmem:$0x1F3D0]  }
0x314: {  	v6 =	vmul.f32 v14, v13;
	v14 =	vld [tilespmem:$0x1F430]  }
0x315: {  	v0 =	vadd.f32 v7, v0;
	v7 =	vmul.f32 v17, v16;
	v16 =	vld [tilespmem:$0x1F450]  }
0x316: {  	v17 =	vld [tilespmem:$0x1F460]  }
0x317: {  	[tilespmem:$0x1FF00] =	vst v60;
	v60 =	vld [tilespmem:$0x1E00]  }
0x318: {  	[tilespmem:$0x1FF70] =	vst v1;
	v1 =	vadd.f32 v3, v53;
	v53 =	vld [tilespmem:$0x1F390]  }
0x319: {  	v3 =	vmul.f32 v63, v62;
	v62 =	vld [tilespmem:$0x1F400]  }
0x31a: {  	v63 =	vld [tilespmem:$0x1F410]  }
0x31b: {  	v2 =	vadd.f32 v4, v2;
	v4 =	vmul.f32 v12, v11;
	v12 =	vld [tilespmem:$0x1F420]  }
0x31c: {  	v1 =	vadd.f32 v3, v1;
	v3 =	vmul.f32 v19, v18;
	v18 =	vld [tilespmem:$0x1F470]  }
0x31d: {  	v19 =	vld [tilespmem:$0x1F480]  }
0x31e: {  	v2 =	vadd.f32 v5, v2;
	v5 =	vmul.f32 v22, v21;
	v21 =	vld [tilespmem:$0x1F4A0]  }
0x31f: {  	v22 =	vld [tilespmem:$0x1F4B0]  }
0x320: {  	v4 =	vadd.f32 v6, v4;
	v6 =	vmul.f32 v25, v24;
	v24 =	vld [tilespmem:$0x1F4D0]  }
0x321: {  	v25 =	vld [tilespmem:$0x1F4E0]  }
0x322: {  	[tilespmem:$0x1FEF0] =	vst v57;
	v57 =	vld [tilespmem:$0x1E20]  }
0x323: {  	v2 =	vadd.f32 v6, v2;
	v6 =	vmul.f32 v51, v50;
	v51 =	vld [tilespmem:$0x3390]  }
0x324: {  	v1 =	vadd.f32 v3, v1;
	v3 =	vmul.f32 v27, v26;
	v26 =	vld [tilespmem:$0x1F4F0]  }
0x325: {  	v27 =	vld [tilespmem:$0x1F500]  }
0x326: {  	v29 =	vadd.f32 v5, v4;
	v4 =	vmul.f32 v31, v30;
	v31 =	vld [tilespmem:$0x1F530]  }
0x327: {  	v5 =	vmul.f32 v39, v38;
	v38 =	vld [tilespmem:$0x1F580]  }
0x328: {  	v39 =	vld [tilespmem:$0x1F590]  }
0x329: {  	v50 =	vld [tilespmem:$0x1F5F0]  }
0x32a: {  	v0 =	vadd.f32 v7, v0;
	v7 =	vmul.f32 v54, v53;
	v53 =	vld [tilespmem:$0x33B0]  }
0x32b: {  	v54 =	vld [tilespmem:$0x33C0]  }
0x32c: {  	[tilespmem:$0x1FF80] =	vst v0;
	v0 =	vadd.f32 v4, v29;
	v29 =	vld [tilespmem:$0x1F520]  }
0x32d: {  	v1 =	vadd.f32 v3, v1;
	v3 =	vmul.f32 v35, v34;
	v34 =	vld [tilespmem:$0x1F550]  }
0x32e: {  	v35 =	vld [tilespmem:$0x1F560]  }
0x32f: {  	v4 =	vmul.f32 v45, v44;
	v44 =	vld [tilespmem:$0x1F5A0]  }
0x330: {  	v45 =	vld [tilespmem:$0x1F5B0]  }
0x331: {  	v0 =	vadd.f32 v4, v0;
	v4 =	vmul.f32 v56, v55;
	v55 =	vld [tilespmem:$0x1E40]  }
0x332: {  	v1 =	vadd.f32 v3, v1;
	v3 =	vmul.f32 v48, v47;
	v47 =	vld [tilespmem:$0x1F5D0]  }
0x333: {  	v48 =	vld [tilespmem:$0x1F5E0]  }
0x334: {  	v56 =	vld [tilespmem:$0x1F600]  }
0x335: {  	v2 =	vadd.f32 v7, v2;
	v7 =	vmul.f32 v27, v26;
	v26 =	vld [tilespmem:$0x1F700]  }
0x336: {  	v27 =	vld [tilespmem:$0x1F710]  }
0x337: {  	v3 =	vadd.f32 v6, v3;
	v6 =	vmul.f32 v62, v61;
	v62 =	vld [tilespmem:$0x3380]  }
0x338: {  	v0 =	vadd.f32 v4, v0;
	v4 =	vmul.f32 v12, v63;
	v63 =	vld [tilespmem:$0x1E10]  }
0x339: {  	v1 =	vadd.f32 v5, v1;
	v5 =	vmul.f32 v59, v58;
	v58 =	vld [tilespmem:$0x1E30]  }
0x33a: {  	v59 =	vld [tilespmem:$0x1F610]  }
0x33b: {  	v61 =	vld [tilespmem:$0x1F620]  }
0x33c: {  	v12 =	vld [tilespmem:$0x1F630]  }
0x33d: {  	v13 =	vadd.f32 v5, v3;
	v3 =	vmul.f32 v15, v14;
	v14 =	vld [tilespmem:$0x1F650]  }
0x33e: {  	v15 =	vld [tilespmem:$0x1F660]  }
0x33f: {  	v0 =	vadd.f32 v4, v0;
	v4 =	vmul.f32 v17, v16;
	v16 =	vld [tilespmem:$0x1F670]  }
0x340: {  	v17 =	vld [tilespmem:$0x1F680]  }
0x341: {  	v5 =	vmul.f32 v19, v18;
	v19 =	vld [tilespmem:$0x1F690]  }
0x342: {  	v1 =	vadd.f32 v6, v1;
	v6 =	vmul.f32 v25, v24;
	v24 =	vld [tilespmem:$0x1F6E0]  }
0x343: {  	v25 =	vld [tilespmem:$0x1F6F0]  }
0x344: {  	v55 =	vmul.f32 v54, v55;
	v54 =	vld [tilespmem:$0x3580]  }
0x345: {  	[tilespmem:$0x1FF90] =	vst v2;
	v2 =	vadd.f32 v3, v13;
	v13 =	vld [tilespmem:$0x1F640]  }
0x346: {  	v3 =	vmul.f32 v21, v20;
	v20 =	vld [tilespmem:$0x1F6A0]  }
0x347: {  	v21 =	vld [tilespmem:$0x1F6B0]  }
0x348: {  	v0 =	vadd.f32 v4, v0;
	v4 =	vmul.f32 v23, v22;
	v22 =	vld [tilespmem:$0x1F6C0]  }
0x349: {  	v23 =	vld [tilespmem:$0x1F6D0]  }
0x34a: {  	v1 =	vadd.f32 v5, v1;
	v5 =	vmul.f32 v38, v37;
	v37 =	vld [tilespmem:$0x1F780]  }
0x34b: {  	v38 =	vld [tilespmem:$0x1F790]  }
0x34c: {  	v51 =	vmul.f32 v51, v63;
	v63 =	vld [tilespmem:$0x1FE80]  }
0x34d: {  	v0 =	vadd.f32 v7, v0;
	v7 =	vmul.f32 v56, v50;
	v56 =	vld [tilespmem:$0x1E50]  }
0x34e: {  	v50 =	vld [tilespmem:$0x33D0]  }
0x34f: {  	v30 =	vadd.f32 v6, v4;
	v6 =	vmul.f32 v48, v47;
	v48 =	vld [tilespmem:$0x1E60]  }
0x350: {  	v47 =	vld [tilespmem:$0x1E70]  }
0x351: {  	v2 =	vadd.f32 v3, v2;
	v3 =	vmul.f32 v29, v28;
	v28 =	vld [tilespmem:$0x1F720]  }
0x352: {  	v29 =	vld [tilespmem:$0x1F730]  }
0x353: {  	v4 =	vmul.f32 v32, v31;
	v31 =	vld [tilespmem:$0x1E80]  }
0x354: {  	v32 =	vld [tilespmem:$0x1F750]  }
0x355: {  	[tilespmem:$0x1FFA0] =	vst v1;
	v1 =	vadd.f32 v4, v30;
	v30 =	vld [tilespmem:$0x1F740]  }
0x356: {  	v2 =	vadd.f32 v3, v2;
	v3 =	vmul.f32 v35, v34;
	v34 =	vld [tilespmem:$0x1F760]  }
0x357: {  	v35 =	vld [tilespmem:$0x1F770]  }
0x358: {  	v4 =	vmul.f32 v44, v39;
	v39 =	vld [tilespmem:$0x1F7A0]  }
0x359: {  	v44 =	vld [tilespmem:$0x1E90]  }
0x35a: {  	v2 =	vadd.f32 v3, v2;
	v3 =	vmul.f32 v46, v45;
	v46 =	vld [tilespmem:$0x33E0]  }
0x35b: {  	v45 =	vld [tilespmem:$0x33F0]  }
0x35c: {  	v1 =	vadd.f32 v4, v1;
	v4 =	vmul.f32 v61, v59;
	v59 =	vld [tilespmem:$0x3400]  }
0x35d: {  	v61 =	vld [tilespmem:$0x1F7B0]  }
0x35e: {  	[tilespmem:$0x1FFB0] =	vst v31;
	v31 =	vld [tilespmem:$0x1F880]  }
0x35f: {  	v2 =	vadd.f32 v5, v2;
	v5 =	vmul.f32 v13, v12;
	v12 =	vld [tilespmem:$0x1F7C0]  }
0x360: {  	v13 =	vld [tilespmem:$0x1F7D0]  }
0x361: {  	v3 =	vadd.f32 v6, v3;
	v6 =	vmul.f32 v15, v14;
	v14 =	vld [tilespmem:$0x1F7E0]  }
0x362: {  	v15 =	vld [tilespmem:$0x3410]  }
0x363: {  	v1 =	vadd.f32 v4, v1;
	v4 =	vmul.f32 v17, v16;
	v17 =	vld [tilespmem:$0x1F7F0]  }
0x364: {  	v0 =	vadd.f32 v7, v0;
	v7 =	vmul.f32 v34, v32;
	v32 =	vld [tilespmem:$0x1F00]  }
0x365: {  	v34 =	vld [tilespmem:$0x1F890]  }
0x366: {  	v18 =	vadd.f32 v5, v3;
	v3 =	vmul.f32 v20, v19;
	v19 =	vld [tilespmem:$0x1F810]  }
0x367: {  	v20 =	vld [tilespmem:$0x1F820]  }
0x368: {  	v2 =	vadd.f32 v6, v2;
	v6 =	vmul.f32 v30, v29;
	v30 =	vld [tilespmem:$0x3420]  }
0x369: {  	v1 =	vadd.f32 v4, v1;
	v4 =	vmul.f32 v22, v21;
	v21 =	vld [tilespmem:$0x1F830]  }
0x36a: {  	v22 =	vld [tilespmem:$0x1F840]  }
0x36b: {  	v29 =	vld [tilespmem:$0x1F870]  }
0x36c: {  	v5 =	vmul.f32 v24, v23;
	v24 =	vld [tilespmem:$0x3430]  }
0x36d: {  	v48 =	vmul.f32 v46, v48;
	v46 =	vld [tilespmem:$0x1FF60]  }
0x36e: {  	[tilespmem:$0x1FFC0] =	vst v0;
	v0 =	vadd.f32 v3, v18;
	v18 =	vld [tilespmem:$0x1F800]  }
0x36f: {  	v1 =	vadd.f32 v4, v1;
	v4 =	vmul.f32 v28, v27;
	v27 =	vld [tilespmem:$0x1F850]  }
0x370: {  	v28 =	vld [tilespmem:$0x1F860]  }
0x371: {  	v3 =	vmul.f32 v26, v25;
	v25 =	vld [tilespmem:$0x3450]  }
0x372: {  	v26 =	vld [tilespmem:$0x1F40]  }
0x373: {  	[tilespmem:$0x1FFF0] =	vst v15;
	v15 =	vld [tilespmem:$0x1F8E0]  }
0x374: {  	v0 =	vadd.f32 v3, v0;
	v3 =	vmul.f32 v37, v35;
	v35 =	vld [tilespmem:$0x1F8A0]  }
0x375: {  	v1 =	vadd.f32 v5, v1;
	v5 =	vmul.f32 v39, v38;
	v38 =	vld [tilespmem:$0x1F8B0]  }
0x376: {  	v4 =	vadd.f32 v6, v4;
	v6 =	vmul.f32 v12, v61;
	v39 =	vld [tilespmem:$0x1F8C0]  }
0x377: {  	v0 =	vadd.f32 v3, v0;
	v3 =	vmul.f32 v14, v13;
	v14 =	vld [tilespmem:$0x1F8D0]  }
0x378: {  	v1 =	vadd.f32 v6, v1;
	v6 =	vld [tilespmem:$0x1F980]  }
0x379: {  	v16 =	vadd.f32 v5, v4;
	v5 =	vmul.f32 v27, v28;
	v27 =	vld [tilespmem:$0x1F10]  }
0x37a: {  	v28 =	vld [tilespmem:$0x1F20]  }
0x37b: {  	v23 =	vmul.f32 v22, v21;
	v4 =	vmul.f32 v18, v17;
	v17 =	vld [tilespmem:$0x1F8F0]  }
0x37c: {  	v18 =	vld [tilespmem:$0x1F900]  }
0x37d: {  	v61 =	vadd.f32 v23, v1;
	v23 =	vld [tilespmem:$0x3440]  }
0x37e: {  	v0 =	vadd.f32 v3, v0;
	v3 =	vmul.f32 v20, v19;
	v20 =	vld [tilespmem:$0x1FA10]  }
0x37f: {  	v37 =	vmul.f32 v35, v34;
	v35 =	vld [tilespmem:$0x1F930]  }
0x380: {  	[tilespmem:$0x1FFE0] =	vst v44;
	v44 =	vmul.f32 v39, v38;
	v38 =	vld [tilespmem:$0x1F950]  }
0x381: {  	v39 =	vld [tilespmem:$0x1F960]  }
0x382: {  	v4 =	vadd.f32 v4, v16;
	v0 =	vadd.f32 v3, v0;
	v3 =	vmul.f32 v31, v29;
	v29 =	vld [tilespmem:$0x1F910]  }
0x383: {  	v31 =	vld [tilespmem:$0x1F920]  }
0x384: {  	v4 =	vadd.f32 v5, v4;
	v5 =	vld [tilespmem:$0x1F970]  }
0x385: {  	v3 =	vadd.f32 v37, v3;
	v37 =	vld [tilespmem:$0x1F940]  }
0x386: {  	v16 =	vmul.f32 v15, v14;
	v19 =	vmul.f32 v18, v17;
	v17 =	vld [tilespmem:$0x1FB30]  }
0x387: {  	v24 =	vmul.f32 v24, v27;
	v27 =	vld [tilespmem:$0x3560]  }
0x388: {  	v22 =	vadd.f32 v16, v4;
	v4 =	vld [tilespmem:$0x1F9E0]  }
0x389: {  	v23 =	vmul.f32 v23, v28;
	v28 =	vld [tilespmem:$0x2120]  }
0x38a: {  	v13 =	vadd.f32 v44, v0;
	v44 =	vmul.f32 v39, v38;
	v38 =	vld [tilespmem:$0x1F9C0]  }
0x38b: {  	[tilespmem:$0x1FDA0] =	vst v9;
	v9 =	vadd.f32 v19, v3;
	v19 =	vld [tilespmem:$0x1FA00]  }
0x38c: {  	v34 =	vmul.f32 v31, v29;
	v29 =	vld [tilespmem:$0x1F30]  }
0x38d: {  	v31 =	vld [tilespmem:$0x1F990]  }
0x38e: {  	v9 =	vadd.f32 v44, v9;
	v44 =	vld [tilespmem:$0x1F9D0]  }
0x38f: {  	v14 =	vadd.f32 v34, v22;
	v34 =	vld [tilespmem:$0x1F9A0]  }
0x390: {  	v11 =	vmul.f32 v37, v35;
	v37 =	vld [tilespmem:$0x1F9B0]  }
0x391: {  	v2 =	vadd.f32 v7, v2;
	v22 =	vld [tilespmem:$0x3460]  }
0x392: {  	v7 =	vmul.f32 v6, v5;
	v6 =	vadd.f32 v11, v14;
	v11 =	vmul.f32 v33, v8;
	v33 =	vld [tilespmem:$0x1F50]  }
0x393: {  	v21 =	vmul.f32 v20, v19;
	v14 =	vld [tilespmem:$0x1FAA0]  }
0x394: {  	v19 =	vld [tilespmem:$0x1FAB0]  }
0x395: {  	v16 =	vadd.f32 v21, v6;
	v6 =	vld [tilespmem:$0x1FA50]  }
0x396: {  	v21 =	vld [tilespmem:$0x1FB60]  }
0x397: {  	v35 =	vmul.f32 v34, v31;
	v31 =	vld [tilespmem:$0x1FA20]  }
0x398: {  	v34 =	vld [tilespmem:$0x1FA30]  }
0x399: {  	v5 =	vmul.f32 v4, v44;
	v39 =	vmul.f32 v38, v37;
	v37 =	vld [tilespmem:$0x3490]  }
0x39a: {  	v22 =	vmul.f32 v22, v26;
	v26 =	vld [tilespmem:$0x2130]  }
0x39b: {  	v12 =	vadd.f32 v5, v9;
	v9 =	vld [tilespmem:$0x1FA70];
	v7 =	vadd.f32 v35, v7  }
0x39c: {  	v44 =	vadd.f32 v39, v13;
	v39 =	vld [tilespmem:$0x1FA40]  }
0x39d: {  	v13 =	vadd.f32 v11, v7;
	v7 =	vld [tilespmem:$0x1FA60]  }
0x39e: {  	v11 =	vld [tilespmem:$0x1FA80]  }
0x39f: {  	v35 =	vmul.f32 v34, v31;
	v31 =	vld [tilespmem:$0x3470]  }
0x3a0: {  	v34 =	vld [tilespmem:$0x3480]  }
0x3a1: {  	v4 =	vmul.f32 v36, v39;
	v36 =	vld [tilespmem:$0x1F60]  }
0x3a2: {  	v5 =	vadd.f32 v35, v12;
	v12 =	vld [tilespmem:$0x1FA90]  }
0x3a3: {  	v39 =	vld [tilespmem:$0x1F70]  }
0x3a4: {  	v35 =	vmul.f32 v19, v41;
	v41 =	vld [tilespmem:$0x1F80]  }
0x3a5: {  	v19 =	vld [tilespmem:$0x1FB50]  }
0x3a6: {  	v8 =	vmul.f32 v7, v6;
	v6 =	vld [tilespmem:$0x1FAD0]  }
0x3a7: {  	v7 =	vld [tilespmem:$0x1FAE0]  }
0x3a8: {  	v20 =	vmul.f32 v11, v9;
	v11 =	vld [tilespmem:$0x1FB00]  }
0x3a9: {  	v18 =	vadd.f32 v8, v5;
	v5 =	vld [tilespmem:$0x1FAC0]  }
0x3aa: {  	v8 =	vld [tilespmem:$0x1FAF0]  }
0x3ab: {  	v15 =	vmul.f32 v12, v14;
	v14 =	vld [tilespmem:$0x1FB10]  }
0x3ac: {  	v13 =	vadd.f32 v4, v13;
	v37 =	vmul.f32 v37, v39;
	v39 =	vld [tilespmem:$0x2180]  }
0x3ad: {  	v20 =	vadd.f32 v20, v18;
	v18 =	vld [tilespmem:$0x1FB40]  }
0x3ae: {  	v13 =	vadd.f32 v15, v13;
	v15 =	vld [tilespmem:$0x1FB20]  }
0x3af: {  	v12 =	vmul.f32 v11, v40;
	v40 =	vld [tilespmem:$0x34A0];
	v9 =	vmul.f32 v8, v7  }
0x3b0: {  	v8 =	vld [tilespmem:$0x1FB70]  }
0x3b1: {  	v38 =	vadd.f32 v9, v16;
	v9 =	vld [tilespmem:$0x1FB80]  }
0x3b2: {  	v7 =	vld [tilespmem:$0x1FBA0]  }
0x3b3: {  	[tilespmem:$0x1FFD0] =	vst v2;
	v13 =	vadd.f32 v12, v13;
	v3 =	vmul.f32 v18, v19;
	v2 =	vmul.f32 v17, v15;
	v15 =	vld [tilespmem:$0x1FB90]  }
0x3b4: {  	v0 =	vmul.f32 v6, v5;
	v12 =	vld [tilespmem:$0x1FBF0]  }
0x3b5: {  	v3 =	vadd.f32 v3, v13;
	v13 =	vld [tilespmem:$0x1FC00]  }
0x3b6: {  	v1 =	vmul.f32 v14, v43;
	v0 =	vadd.f32 v0, v35;
	v11 =	vmul.f32 v8, v9;
	v8 =	vld [tilespmem:$0x1FBB0]  }
0x3b7: {  	v35 =	vmul.f32 v21, v42;
	v9 =	vld [tilespmem:$0x1FBC0]  }
0x3b8: {  	v1 =	vadd.f32 v1, v0;
	v2 =	vadd.f32 v2, v20;
	v16 =	vmul.f32 v15, v10;
	v10 =	vld [tilespmem:$0x1FBD0]  }
0x3b9: {  	v15 =	vld [tilespmem:$0x1FC10]  }
0x3ba: {  	v4 =	vadd.f32 v35, v1;
	v35 =	vadd.f32 v11, v2;
	v11 =	vld [tilespmem:$0x1FBE0]  }
0x3bb: {  	v18 =	vld [tilespmem:$0x1FC20]  }
0x3bc: {  	v19 =	vld [tilespmem:$0x1FC30]  }
0x3bd: {  	v21 =	vld [tilespmem:$0x1FC50]  }
0x3be: {  	v1 =	vmul.f32 v8, v7;
	v20 =	vmul.f32 v10, v9;
	v9 =	vld [tilespmem:$0x1FC60]  }
0x3bf: {  	v5 =	vadd.f32 v16, v3;
	v16 =	vmul.f32 v15, v13;
	v15 =	vld [tilespmem:$0x1FC80];
	v0 =	vmul.f32 v12, v11  }
0x3c0: {  	v12 =	vld [tilespmem:$0x1FC70]  }
0x3c1: {  	v1 =	vadd.f32 v1, v4;
	v0 =	vadd.f32 v0, v20;
	v20 =	vld [tilespmem:$0x1FC40]  }
0x3c2: {  	v2 =	vmul.f32 v19, v18;
	v18 =	vld [tilespmem:$0x1FCA0]  }
0x3c3: {  	v3 =	vadd.f32 v16, v1;
	v16 =	vld [tilespmem:$0x1FC90]  }
0x3c4: {  	v6 =	vld [tilespmem:$0x1FCF0]  }
0x3c5: {  	v49 =	vmul.f32 v49, v15;
	v4 =	vmul.f32 v12, v9;
	v12 =	vld [tilespmem:$0x1FD10]  }
0x3c6: {  	v20 =	vmul.f32 v21, v20;
	v21 =	vld [tilespmem:$0x1FCD0]  }
0x3c7: {  	v4 =	vadd.f32 v49, v4;
	v49 =	vld [tilespmem:$0x1FCE0]  }
0x3c8: {  	v1 =	vmul.f32 v18, v16;
	v16 =	vld [tilespmem:$0x1FD20]  }
0x3c9: {  	v19 =	vld [tilespmem:$0x1FCB0]  }
0x3ca: {  	v0 =	vadd.f32 v20, v0;
	v20 =	vld [tilespmem:$0x1FCC0]  }
0x3cb: {  	v7 =	vld [tilespmem:$0x1FD00]  }
0x3cc: {  	v8 =	vadd.f32 v2, v5;
	v5 =	vmul.f32 v49, v21;
	v21 =	vld [tilespmem:$0x1FD50]  }
0x3cd: {  	v2 =	vadd.f32 v1, v3;
	v1 =	vmul.f32 v16, v12;
	v16 =	vld [tilespmem:$0x1FD60]  }
0x3ce: {  	v18 =	vld [tilespmem:$0x1FD30]  }
0x3cf: {  	v20 =	vmul.f32 v20, v19;
	v19 =	vld [tilespmem:$0x1FD40]  }
0x3d0: {  	v43 =	vld [tilespmem:$0x1F90]  }
0x3d1: {  	v14 =	vld [tilespmem:$0x34C0]  }
0x3d2: {  	v3 =	vmul.f32 v7, v6;
	v6 =	vmul.f32 v16, v21;
	v21 =	vld [tilespmem:$0x1FD90]  }
0x3d3: {  	v16 =	vld [tilespmem:$0x1FDA0]  }
0x3d4: {  	v4 =	vadd.f32 v5, v4;
	v5 =	vmul.f32 v19, v18;
	v18 =	vld [tilespmem:$0x1FD70]  }
0x3d5: {  	v19 =	vld [tilespmem:$0x1FD80]  }
0x3d6: {  	v42 =	vld [tilespmem:$0x34B0]  }
0x3d7: {  	v10 =	vld [tilespmem:$0x2010]  }
0x3d8: {  	v13 =	vld [tilespmem:$0x34D0];
	v0 =	vadd.f32 v20, v0  }
0x3d9: {  	v7 =	vadd.f32 v1, v2;
	v2 =	vadd.f32 v5, v4;
	v4 =	vmul.f32 v16, v21;
	v21 =	vld [tilespmem:$0x1FDC0]  }
0x3da: {  	v0 =	vadd.f32 v3, v0;
	v3 =	vmul.f32 v19, v18;
	v19 =	vld [tilespmem:$0x1FDB0]  }
0x3db: {  	v17 =	vld [tilespmem:$0x2000]  }
0x3dc: {  	v11 =	vld [tilespmem:$0x2020]  }
0x3dd: {  	v10 =	vmul.f32 v13, v10;
	v13 =	vld [tilespmem:$0x3590]  }
0x3de: {  	v15 =	vld [tilespmem:$0x2030]  }
0x3df: {  	v1 =	vmul.f32 v21, v19;
	v19 =	vld [tilespmem:$0x1FDD0]  }
0x3e0: {  	v21 =	vld [tilespmem:$0x1FDE0]  }
0x3e1: {  	v9 =	vld [tilespmem:$0x34E0]  }
0x3e2: {  	v13 =	vmul.f32 v13, v26;
	v26 =	vmul.f32 v34, v36;
	v34 =	vld [tilespmem:$0x35D0]  }
0x3e3: {  	v36 =	vld [tilespmem:$0x1FFD0]  }
0x3e4: {  	v5 =	vadd.f32 v1, v7;
	v7 =	vld [tilespmem:$0x1FE20]  }
0x3e5: {  	v0 =	vadd.f32 v3, v0;
	v3 =	vmul.f32 v21, v19;
	v21 =	vadd.f32 v6, v8;
	v6 =	vld [tilespmem:$0x1FE10]  }
0x3e6: {  	v2 =	vadd.f32 v4, v2;
	v4 =	vld [tilespmem:$0x1FDF0]  }
0x3e7: {  	v8 =	vld [tilespmem:$0x1FE00]  }
0x3e8: {  	v49 =	vld [tilespmem:$0x34F0]  }
0x3e9: {  	v1 =	vld [tilespmem:$0x1FE30]  }
0x3ea: {  	v0 =	vadd.f32 v3, v0;
	v3 =	vmul.f32 v7, v6;
	v6 =	vld [tilespmem:$0x1FE40]  }
0x3eb: {  	v12 =	vld [tilespmem:$0x3500]  }
0x3ec: {  	v20 =	vld [tilespmem:$0x2040];
	v4 =	vmul.f32 v8, v4  }
0x3ed: {  	v16 =	vld [tilespmem:$0x3510]  }
0x3ee: {  	v2 =	vadd.f32 v4, v2;
	v4 =	vld [tilespmem:$0x1FE50]  }
0x3ef: {  	v1 =	vmul.f32 v6, v1;
	v6 =	vld [tilespmem:$0x1FE60]  }
0x3f0: {  	v0 =	vadd.f32 v3, v0;
	v3 =	vmul.f32 v62, v60;
	v62 =	vld [tilespmem:$0x1FE70]  }
0x3f1: {  	v18 =	vld [tilespmem:$0x2050]  }
0x3f2: {  	v19 =	vld [tilespmem:$0x2060]  }
0x3f3: {  	v8 =	vld [tilespmem:$0x3520]  }
0x3f4: {  	v7 =	vld [tilespmem:$0x2070];
	v4 =	vmul.f32 v6, v4  }
0x3f5: {  	v62 =	vmul.f32 v63, v62;
	v63 =	vld [tilespmem:$0x1FEA0]  }
0x3f6: {  	v2 =	vadd.f32 v4, v2;
	v4 =	vld [tilespmem:$0x1FE90]  }
0x3f7: {  	v1 =	vadd.f32 v1, v5;
	v5 =	vmul.f32 v52, v57;
	v57 =	vld [tilespmem:$0x1FEC0]  }
0x3f8: {  	v0 =	vadd.f32 v62, v0;
	v62 =	vld [tilespmem:$0x1FEB0]  }
0x3f9: {  	v60 =	vld [tilespmem:$0x2080];
	v3 =	vadd.f32 v51, v3  }
0x3fa: {  	v51 =	vld [tilespmem:$0x2090]  }
0x3fb: {  	v52 =	vld [tilespmem:$0x3550];
	v3 =	vadd.f32 v5, v3;
	v5 =	vmul.f32 v53, v58;
	v4 =	vmul.f32 v63, v4  }
0x3fc: {  	v53 =	vld [tilespmem:$0x2100]  }
0x3fd: {  	v3 =	vadd.f32 v5, v3;
	v2 =	vadd.f32 v4, v2;
	v4 =	vmul.f32 v57, v62;
	v57 =	vld [tilespmem:$0x1FED0]  }
0x3fe: {  	v62 =	vld [tilespmem:$0x1FEE0]  }
0x3ff: {  	v3 =	vadd.f32 v55, v3;
	v55 =	vld [tilespmem:$0x1FF20]  }
0x400: {  	v58 =	vld [tilespmem:$0x1FEF0]  }
0x401: {  	v6 =	vld [tilespmem:$0x3530]  }
0x402: {  	v63 =	vld [tilespmem:$0x3540]  }
0x403: {  	v57 =	vmul.f32 v62, v57;
	v62 =	vld [tilespmem:$0x1FF00]  }
0x404: {  	[tilespmem:$0x3690] =	vst v55;
	v55 =	vmul.f32 v49, v15;
	v49 =	vld [tilespmem:$0x35F0];
	v2 =	vadd.f32 v4, v2;
	v4 =	vmul.f32 v30, v32  }
0x405: {  	v32 =	vld [tilespmem:$0x2110]  }
0x406: {  	v4 =	vadd.f32 v24, v4;
	v24 =	vld [tilespmem:$0x3570]  }
0x407: {  	v0 =	vadd.f32 v57, v0;
	v57 =	vld [tilespmem:$0x1FF30]  }
0x408: {  	v30 =	vmul.f32 v62, v58;
	v62 =	vld [tilespmem:$0x1FF10]  }
0x409: {  	v58 =	vmul.f32 v50, v56;
	v56 =	vmul.f32 v45, v47;
	v45 =	vld [tilespmem:$0x35A0]  }
0x40a: {  	v50 =	vmul.f32 v25, v29;
	v25 =	vld [tilespmem:$0x1FF90]  }
0x40b: {  	v29 =	vld [tilespmem:$0x1FFA0]  }
0x40c: {  	v47 =	vmul.f32 v31, v33;
	v31 =	vld [tilespmem:$0x2170]  }
0x40d: {  	v3 =	vadd.f32 v58, v3;
	v58 =	vld [tilespmem:$0x1FF40]  }
0x40e: {  	[tilespmem:$0x36D0] =	vst v46;
	v4 =	vadd.f32 v23, v4;
	v2 =	vadd.f32 v30, v2;
	v30 =	vmul.f32 v24, v32;
	v24 =	vld [tilespmem:$0x2140]  }
0x40f: {  	[tilespmem:$0x3740] =	vst v61;
	v14 =	vmul.f32 v14, v17;
	v32 =	vld [tilespmem:$0x1FF50]  }
0x410: {  	v4 =	vadd.f32 v50, v4;
	v50 =	vld [tilespmem:$0x2150];
	[tilespmem:$0x3680] =	vst v62;
	v62 =	vmul.f32 v27, v53  }
0x411: {  	v10 =	vadd.f32 v10, v14;
	v9 =	vmul.f32 v9, v11;
	[tilespmem:$0x36A0] =	vst v57;
	v57 =	vld [tilespmem:$0x1FF80];
	v3 =	vadd.f32 v48, v3  }
0x412: {  	[tilespmem:$0x3750] =	vst v44;
	v48 =	vmul.f32 v54, v28;
	v53 =	vld [tilespmem:$0x1FF70];
	v17 =	vadd.f32 v30, v62  }
0x413: {  	[tilespmem:$0x3760] =	vst v38;
	v54 =	vadd.f32 v9, v10;
	v3 =	vadd.f32 v56, v3;
	v56 =	vld [tilespmem:$0x35B0]  }
0x414: {  	v28 =	vld [tilespmem:$0x35C0];
	[tilespmem:$0x36B0] =	vst v58;
	v58 =	vadd.f32 v48, v17  }
0x415: {  	[tilespmem:$0x3770] =	vst v35;
	v4 =	vadd.f32 v22, v4;
	v27 =	vmul.f32 v12, v20;
	v5 =	vadd.f32 v55, v54;
	v62 =	vld [tilespmem:$0x2160]  }
0x416: {  	[tilespmem:$0x3730] =	vst v36;
	v8 =	vmul.f32 v8, v19;
	v30 =	vld [tilespmem:$0x1FFB0];
	v11 =	vmul.f32 v45, v24;
	v13 =	vadd.f32 v13, v58  }
0x417: {  	[tilespmem:$0x3780] =	vst v21;
	v33 =	vmul.f32 v16, v18;
	v4 =	vadd.f32 v47, v4;
	v45 =	vld [tilespmem:$0x35E0];
	v5 =	vadd.f32 v27, v5  }
0x418: {  	v6 =	vmul.f32 v6, v7;
	[tilespmem:$0x36E0] =	vst v53;
	v53 =	vld [tilespmem:$0x1FFF0];
	v10 =	vmul.f32 v56, v50;
	v11 =	vadd.f32 v11, v13  }
0x419: {  	[tilespmem:$0x3790] =	vst v1;
	v54 =	vmul.f32 v34, v31;
	v4 =	vadd.f32 v26, v4;
	v5 =	vadd.f32 v33, v5;
	v50 =	vld [tilespmem:$0x1FFE0]  }
0x41a: {  	[tilespmem:$0x37A0] =	vst v0;
	v47 =	vld [tilespmem:$0x2190];
	v55 =	vmul.f32 v63, v60;
	v46 =	vmul.f32 v28, v62;
	v10 =	vadd.f32 v10, v11  }
0x41b: {  	[tilespmem:$0x36C0] =	vst v32;
	v32 =	vld [tilespmem:$0x1FFC0];
	v48 =	vmul.f32 v40, v41;
	v4 =	vadd.f32 v37, v4;
	v5 =	vadd.f32 v8, v5  }
0x41c: {  	[tilespmem:$0x37B0] =	vst v2;
	v56 =	vmul.f32 v42, v43;
	v20 =	vmul.f32 v59, v30;
	v10 =	vadd.f32 v46, v10  }
0x41d: {  	[tilespmem:$0x3700] =	vst v25;
	v4 =	vadd.f32 v48, v4;
	v9 =	vmul.f32 v45, v39;
	v5 =	vadd.f32 v6, v5  }
0x41e: {  	[tilespmem:$0x3710] =	vst v29;
	v3 =	vadd.f32 v20, v3;
	v8 =	vmul.f32 v53, v50;
	v10 =	vadd.f32 v54, v10  }
0x41f: {  	[tilespmem:$0x36F0] =	vst v57;
	v59 =	vmul.f32 v52, v51;
	v1 =	vadd.f32 v56, v4;
	v58 =	vadd.f32 v55, v5  }
0x420: {  	v61 =	vmul.f32 v49, v47;
	[tilespmem:$0x3720] =	vst v32;
	v57 =	vadd.f32 v8, v3;
	v60 =	vadd.f32 v9, v10  }
0x421: {  	[tilespmem:$0x37D0] =	vst v1;
	v62 =	vadd.f32 v59, v58  }
0x422: {  	[tilespmem:$0x37C0] =	vst v57;
	v63 =	vadd.f32 v61, v60  }
0x423: {  	p0 =	sne.s32 s7, $0x1;
	[tilespmem:$0x37E0] =	vst v62  }
.Ltmp0:
0x424: {  	[tilespmem:$0x37F0] =	vst v63;
	(pc) =	sbr.rel @p0 .LBB2_1-.Ltmp0, $4  }
0x425: {  	[hbm4b:s6+s2] =	stream.linear.scatter [tilespmem:s12], [sflag:$0x2], $0x200, $0x38;
	[tilespmem:$0x3800] =	vst v63  }
0x426: {  	_ =	swait.ge [sflag:s8], $0x200  }
0x427: {  	[sflag:s8] =	ssyncset.done $0x0  }
0x428: {  	s7 =	sadd.s32 $0xFFFFFFFF, s7;
	[sflag:s8] =	ssyncadd.s32 $0xFFFFFE00  }
0x429: {  	_ =	sfence.sel $0x180000  }
0x42a: {  	[bflag:$0x0] =	sbarrier.arrive $0xFFFF  }
0x42b: {  	p0 =	sne.s32 s1, $0x0;
	_ =	strace $0x90000047  }
0x42c: {  	s0 =	sadd.s32 @!p0 $0x100000, s0;
	[bflag:$0x2] =	sbarrier.arrive $0xFFFF  }
0x42d: {  	[sflag:s0] =	ssyncadd.tile.s32 @!p0 $0x1;
	_ =	shalt  }
.Lfunc_end2:
_tile_overlayer_lowered:
.L_overlay_start_2:
0x42e: {  	(tag) =	ssettag $0x2  }
0x42f: {  	s0 =	rddreg [dreg:$0x0];
	s2 =	stileid.u32  }
0x430: {  	s1 =	rddreg [dreg:$0x1];
	p0 =	sne.s32 s2, $0x0  }
0x431: {  	s3 =	rddreg [dreg:$0x2];
	[bflag:$0x3] =	sbarrier.arrive $0xFFFF;
	s2 =	simm.s32 @!p0 $0x1C02  }
0x432: {  	[timem:s3], [sflag:s2] =	dma.local @!p0 [hbm:s0], s1  }
0x433: {  	s0 =	simm.s32 @!p0 $0x2  }
0x434: {  	_ =	swait.ge @!p0 [sflag:s0], s1  }
0x435: {  	s1 =	ssub.s32 @!p0 $0x0, s1;
	[sflag:s0] =	ssyncset.done @!p0 $0x0  }
0x436: {  	[sflag:s0] =	ssyncadd.s32 @!p0 s1  }
0x437: {  	[bflag:$0x3] =	sbarrier.arrive $0xFFFF  }
0x438: {  	_ =	shalt  }

</sc_bundles>
